<compile_context>
chip_gen: v7x
topology: tpu7x:2x2x1
jax: 0.10.2.dev20260603
libtpu: 0.0.44.dev20260713+nightly
codegen_flags: <defaults>
</compile_context>

<pallas_src>
import functools

import jax
import jax.numpy as jnp
from jax import lax
from jax.experimental import pallas as pl
from jax.experimental.pallas import tpu as pltpu
from jax.experimental.pallas import tpu_sc as plsc

_B = 16384
_L = 200
_EMB = 32
_SYM = 64
_NCLS = 100

_NW = 32
_RPW = _B // _NW
_CB = 8
_NCHUNK = _RPW // _CB
_IDXROWS = 2 * _CB


@functools.partial(
    pl.kernel,
    out_type=jax.ShapeDtypeStruct((_B, _EMB), jnp.float32),
    mesh=plsc.VectorSubcoreMesh(core_axis_name="c", subcore_axis_name="s"),
    scratch_types=[
        pltpu.VMEM((_IDXROWS, 128), jnp.int32),
        pltpu.VMEM((_IDXROWS, 128), jnp.int32),
        pltpu.VMEM((_CB * _L, _EMB), jnp.float32),
        pltpu.VMEM((_CB * _L, _EMB), jnp.float32),
        pltpu.VMEM((_RPW, _EMB), jnp.float32),
        pltpu.SemaphoreType.DMA,
        pltpu.SemaphoreType.DMA,
        pltpu.SemaphoreType.DMA,
        pltpu.SemaphoreType.DMA,
    ],
    compiler_params=pltpu.CompilerParams(use_tc_tiling_on_sc=False),
)
def _sc_rowsums(ids2_hbm, table_hbm, sums_hbm,
                idx_a, idx_b, rows_a, rows_b, sums_v,
                gsem_a, gsem_b, isem_a, isem_b, ):
    wid = lax.axis_index("s") * 2 + lax.axis_index("c")
    base = wid * _RPW
    idx_bufs = (idx_a, idx_b)
    row_bufs = (rows_a, rows_b)
    gsems = (gsem_a, gsem_b)
    isems = (isem_a, isem_b)

    def gather_parts(slot):
        for r in range(_CB):
            yield (table_hbm.at[idx_bufs[slot].at[2 * r]],
                   row_bufs[slot].at[pl.ds(r * _L, 128)])
            yield (table_hbm.at[idx_bufs[slot].at[2 * r + 1, pl.ds(0, 72)]],
                   row_bufs[slot].at[pl.ds(r * _L + 128, 72)])

    def fire_gathers(slot):
        for src, dst in gather_parts(slot):
            pltpu.async_copy(src, dst, gsems[slot])

    def drain_gathers(slot):
        for src, dst in gather_parts(slot):
            pltpu.make_async_copy(src, dst, gsems[slot]).wait()

    pltpu.sync_copy(ids2_hbm.at[pl.ds(2 * base, _IDXROWS)], idx_bufs[0])
    fire_gathers(0)
    pltpu.async_copy(ids2_hbm.at[pl.ds(2 * (base + _CB), _IDXROWS)],
                     idx_bufs[1], isems[1])

    def outer(io, carry):
        for b in range(2):
            i = io * 2 + b
            slot, nslot = b, 1 - b
            drain_gathers(slot)

            @pl.when(i + 1 < _NCHUNK)
            def _(slot=nslot):
                pltpu.make_async_copy(
                    ids2_hbm.at[pl.ds(0, _IDXROWS)], idx_bufs[slot],
                    isems[slot]).wait()
                fire_gathers(slot)

            @pl.when(i + 2 < _NCHUNK)
            def _(slot=slot, i=i):
                r0 = base + (i + 2) * _CB
                pltpu.async_copy(ids2_hbm.at[pl.ds(2 * r0, _IDXROWS)],
                                 idx_bufs[slot], isems[slot])

            rows_v = row_bufs[slot]
            zero = jnp.zeros((16,), jnp.float32)
            for r in range(_CB):
                rbase = r * _L

                def red_body(j, acc):
                    accs = list(acc)
                    for t in range(4):
                        idx = rbase + j * 4 + t
                        accs[2 * t] = accs[2 * t] + rows_v[idx, pl.ds(0, 16)]
                        accs[2 * t + 1] = (accs[2 * t + 1]
                                           + rows_v[idx, pl.ds(16, 16)])
                    return tuple(accs)

                acc = lax.fori_loop(0, _L // 4, red_body, (zero,) * 8,
                                    unroll=2)
                lo = (acc[0] + acc[2]) + (acc[4] + acc[6])
                hi = (acc[1] + acc[3]) + (acc[5] + acc[7])
                row = i * _CB + r
                sums_v[row, pl.ds(0, 16)] = lo
                sums_v[row, pl.ds(16, 16)] = hi
        return carry

    lax.fori_loop(0, _NCHUNK // 2, outer, 0)
    pltpu.sync_copy(sums_v, sums_hbm.at[pl.ds(base, _RPW)])


_BT = 512


def _tc_head(ids_ref, sums_ref, sym_ref, w1_ref, b1_ref, w2_ref, b2_ref,
             wf_ref, bf_ref, out_ref):
    cnt = jnp.sum((ids_ref[...] != 0).astype(jnp.float32), axis=1,
                  keepdims=True)
    mean = sums_ref[...] / jnp.maximum(cnt, 1.0)
    h = jnp.maximum(
        jnp.dot(sym_ref[...], w1_ref[...],
                preferred_element_type=jnp.float32) + b1_ref[...], 0.0)
    h = jnp.maximum(
        jnp.dot(h, w2_ref[...],
                preferred_element_type=jnp.float32) + b2_ref[...], 0.0)
    out_ref[...] = (
        jnp.dot(mean, wf_ref[0:_EMB], preferred_element_type=jnp.float32)
        + jnp.dot(h, wf_ref[_EMB:_EMB + 32],
                  preferred_element_type=jnp.float32)
        + bf_ref[...])


def _tc_call(ids, sums, sym_feats, W1, b1, W2, b2, Wf, bf):
    grid = (_B // _BT,)
    full = lambda shape: pl.BlockSpec(shape, lambda i: (0, 0))
    return pl.pallas_call(
        _tc_head,
        grid=grid,
        in_specs=[
            pl.BlockSpec((_BT, _L), lambda i: (i, 0)),
            pl.BlockSpec((_BT, _EMB), lambda i: (i, 0)),
            pl.BlockSpec((_BT, _SYM), lambda i: (i, 0)),
            full((_SYM, 32)),
            full((1, 32)),
            full((32, 32)),
            full((1, 32)),
            full((_EMB + 32, _NCLS)),
            full((1, _NCLS)),
        ],
        out_specs=pl.BlockSpec((_BT, _NCLS), lambda i: (i, 0)),
        out_shape=jax.ShapeDtypeStruct((_B, _NCLS), jnp.float32),
    )(ids, sums, sym_feats, W1, b1, W2, b2, Wf, bf)


def kernel(ids, sym_feats, table, W1, b1, W2, b2, Wf, bf):
    ids = ids.astype(jnp.int32)
    ids2 = jnp.pad(ids, ((0, 0), (0, 56))).reshape(2 * _B, 128)
    sums = _sc_rowsums(ids2, table)

    return _tc_call(ids, sums, sym_feats, W1, b1.reshape(1, 32), W2,
                    b2.reshape(1, 32), Wf, bf.reshape(1, _NCLS))

# --- scband reference (transcript-rebuilt; emitter-appended) ---
"""Pipeline reference for scband-neural-symbolic-classifier-88648124990501 (READ-ONLY COPY).

The authoritative reference and input builder live on the scoring server;
editing this copy changes nothing except your own understanding.
"""

import jax, jax.numpy as jnp
import numpy as np

VOCAB = 1000000
EMB = 32
SYM = 64
NC = 100
B = 16384
L = 200


def setup_inputs(seed: int = 0) -> dict:
    key = jax.random.key(seed)
    ks = jax.random.split(key, 9)
    ids = jax.random.randint(ks[0], (B, L), 0, VOCAB)
    sym_feats = jax.random.normal(ks[1], (B, SYM), dtype=jnp.float32)
    table = jax.random.normal(ks[2], (VOCAB, EMB), dtype=jnp.float32) * 0.02
    table = table.at[0].set(0.0)  # padding_idx=0
    W1 = jax.random.normal(ks[3], (SYM, 32), dtype=jnp.float32) * 0.05
    b1 = jnp.zeros((32,), dtype=jnp.float32)
    W2 = jax.random.normal(ks[4], (32, 32), dtype=jnp.float32) * 0.05
    b2 = jnp.zeros((32,), dtype=jnp.float32)
    Wf = jax.random.normal(ks[5], (EMB + 32, NC), dtype=jnp.float32) * 0.05
    bf = jnp.zeros((NC,), dtype=jnp.float32)
    return {"ids": ids, "sym_feats": sym_feats, "table": table,
            "W1": W1, "b1": b1, "W2": W2, "b2": b2, "Wf": Wf, "bf": bf}


def reference(ids, sym_feats, table, W1, b1, W2, b2, Wf, bf):
    mask = (ids != 0)[..., None].astype(jnp.float32)  # [B, L, 1]
    emb = jnp.take(table, ids, axis=0) * mask          # [B, L, EMB]
    denom = jnp.clip(mask.sum(axis=1), 1.0, None)      # [B, 1]
    mean = emb.sum(axis=1) / denom                     # [B, EMB]
    h = jax.nn.relu(sym_feats @ W1 + b1)
    h = jax.nn.relu(h @ W2 + b2)                       # [B, 32]
    concat = jnp.concatenate([mean, h], axis=-1)       # [B, EMB+32]
    return concat @ Wf + bf                            # [B, NC]

if __name__ == "__main__":
    import jax
    _d = setup_inputs()
    print(jax.jit(kernel)(*tuple(_d.values())))

</pallas_src>

<mosaic_0001>
#map = affine_map<(d0, d1) -> (0, 0)>
module attributes {stable_mosaic.version = 14 : i64} {
  func.func @_sc_rowsums(%arg0: i32, %arg1: i32, %arg2: memref<32768x128xi32, #tpu.memory_space<hbm>>, %arg3: memref<1000000x32xf32, #tpu.memory_space<hbm>>, %arg4: memref<16384x32xf32, #tpu.memory_space<hbm>>, %arg5: memref<16x128xi32, #tpu.memory_space<vmem>>, %arg6: memref<16x128xi32, #tpu.memory_space<vmem>>, %arg7: memref<1600x32xf32, #tpu.memory_space<vmem>>, %arg8: memref<1600x32xf32, #tpu.memory_space<vmem>>, %arg9: memref<512x32xf32, #tpu.memory_space<vmem>>, %arg10: memref<!tpu.dma_semaphore, #tpu.memory_space<semaphore_mem>>, %arg11: memref<!tpu.dma_semaphore, #tpu.memory_space<semaphore_mem>>, %arg12: memref<!tpu.dma_semaphore, #tpu.memory_space<semaphore_mem>>, %arg13: memref<!tpu.dma_semaphore, #tpu.memory_space<semaphore_mem>>) attributes {dimension_semantics = [#tpu.dimension_semantics<core_parallel>, #tpu.dimension_semantics<subcore_parallel>], iteration_bounds = array<i64: 2, 16>, scalar_prefetch = 0 : i64, scratch_operands = 9 : i64, tpu.core_type = #tpu.core_type<sc_vector_subcore>, window_params = [{transform_indices = #map}, {transform_indices = #map}, {transform_indices = #map}]} {
    %mul3A = arith.constant 2 : i32
    %mul3A_0 = arith.muli %arg1, %mul3A : i32
    %add3A = arith.addi %mul3A_0, %arg0 : i32
    %mul3A_1 = arith.constant 512 : i32
    %mul3A_2 = arith.muli %add3A, %mul3A_1 : i32
    %mul3A_3 = arith.constant 2 : i32
    %mul3A_4 = arith.muli %mul3A_3, %mul3A_2 : i32
    "tpu.region"() ({
      %run_scoped3A = tpu.sem_alloc : memref<!tpu.dma_semaphore, #tpu.memory_space<semaphore_mem>>
      %dma_start3A_177 = arith.constant 0 : i32
      %dma_start3A_178 = tpu.memref_slice %arg2[%mul3A_4, %dma_start3A_177] : memref<32768x128xi32, #tpu.memory_space<hbm>> -> memref<16x128xi32, #tpu.memory_space<hbm>>
      %dma_start3A_179 = arith.constant 0 : i32
      %dma_start3A_180 = tpu.memref_slice %arg2[%mul3A_4, %dma_start3A_179] : memref<32768x128xi32, #tpu.memory_space<hbm>> -> memref<16x128xi32, #tpu.memory_space<hbm>>
      tpu.enqueue_dma source(%dma_start3A_180 : memref<16x128xi32, #tpu.memory_space<hbm>>) target(%arg5 : memref<16x128xi32, #tpu.memory_space<vmem>>) target_semaphore(%run_scoped3A : memref<!tpu.dma_semaphore, #tpu.memory_space<semaphore_mem>>)
      %dma_wait3A = arith.constant 0 : i32
      %dma_wait3A_181 = tpu.memref_slice %arg2[%mul3A_4, %dma_wait3A] : memref<32768x128xi32, #tpu.memory_space<hbm>> -> memref<16x128xi32, #tpu.memory_space<hbm>>
      %dma_wait3A_182 = arith.constant 0 : i32
      %dma_wait3A_183 = tpu.memref_slice %arg2[%mul3A_4, %dma_wait3A_182] : memref<32768x128xi32, #tpu.memory_space<hbm>> -> memref<16x128xi32, #tpu.memory_space<hbm>>
      tpu.wait_dma2 semaphore(%run_scoped3A : memref<!tpu.dma_semaphore, #tpu.memory_space<semaphore_mem>>) src(%dma_wait3A_183 : memref<16x128xi32, #tpu.memory_space<hbm>>) dst(%arg5 : memref<16x128xi32, #tpu.memory_space<vmem>>)
      tpu.yield
    }) : () -> ()
    %dma_start3A = arith.constant 0 : i32
    %dma_start3A_5 = arith.constant 0 : i32
    %dma_start3A_6 = arith.constant 0 : i32
    %dma_start3A_7 = tpu.memref_slice %arg7[%dma_start3A_5, %dma_start3A_6] : memref<1600x32xf32, #tpu.memory_space<vmem>> -> memref<128x32xf32, #tpu.memory_space<vmem>>
    %dma_start3A_8 = arith.constant 0 : i32
    %dma_start3A_9 = tpu.memref_slice %arg5[%dma_start3A, %dma_start3A_8] : memref<16x128xi32, #tpu.memory_space<vmem>> -> memref<1x128xi32, #tpu.memory_space<vmem>>
    %dma_start3A_10 = tpu.memref_squeeze %dma_start3A_9 : memref<1x128xi32, #tpu.memory_space<vmem>> -> memref<128xi32, #tpu.memory_space<vmem>>
    %dma_start3A_11 = arith.constant 0 : i32
    %dma_start3A_12 = arith.constant 0 : i32
    %dma_start3A_13 = tpu.memref_slice %arg3[%dma_start3A_11, %dma_start3A_12] : memref<1000000x32xf32, #tpu.memory_space<hbm>> -> memref<1000000x32xf32, #tpu.memory_space<hbm>>
    tpu.enqueue_indirect_dma source(%dma_start3A_13 : memref<1000000x32xf32, #tpu.memory_space<hbm>>) target(%dma_start3A_7 : memref<128x32xf32, #tpu.memory_space<vmem>>) offsets(%dma_start3A_10 : memref<128xi32, #tpu.memory_space<vmem>>) semaphore(%arg10 : memref<!tpu.dma_semaphore, #tpu.memory_space<semaphore_mem>>)
    %dma_start3A_14 = arith.constant 1 : i32
    %dma_start3A_15 = arith.constant 128 : i32
    %dma_start3A_16 = arith.constant 0 : i32
    %dma_start3A_17 = tpu.memref_slice %arg7[%dma_start3A_15, %dma_start3A_16] : memref<1600x32xf32, #tpu.memory_space<vmem>> -> memref<72x32xf32, #tpu.memory_space<vmem>>
    %dma_start3A_18 = arith.constant 0 : i32
    %dma_start3A_19 = tpu.memref_slice %arg5[%dma_start3A_14, %dma_start3A_18] : memref<16x128xi32, #tpu.memory_space<vmem>> -> memref<1x72xi32, #tpu.memory_space<vmem>>
    %dma_start3A_20 = tpu.memref_squeeze %dma_start3A_19 : memref<1x72xi32, #tpu.memory_space<vmem>> -> memref<72xi32, #tpu.memory_space<vmem>>
    %dma_start3A_21 = arith.constant 0 : i32
    %dma_start3A_22 = arith.constant 0 : i32
    %dma_start3A_23 = tpu.memref_slice %arg3[%dma_start3A_21, %dma_start3A_22] : memref<1000000x32xf32, #tpu.memory_space<hbm>> -> memref<1000000x32xf32, #tpu.memory_space<hbm>>
    tpu.enqueue_indirect_dma source(%dma_start3A_23 : memref<1000000x32xf32, #tpu.memory_space<hbm>>) target(%dma_start3A_17 : memref<72x32xf32, #tpu.memory_space<vmem>>) offsets(%dma_start3A_20 : memref<72xi32, #tpu.memory_space<vmem>>) semaphore(%arg10 : memref<!tpu.dma_semaphore, #tpu.memory_space<semaphore_mem>>)
    %dma_start3A_24 = arith.constant 2 : i32
    %dma_start3A_25 = arith.constant 200 : i32
    %dma_start3A_26 = arith.constant 0 : i32
    %dma_start3A_27 = tpu.memref_slice %arg7[%dma_start3A_25, %dma_start3A_26] : memref<1600x32xf32, #tpu.memory_space<vmem>> -> memref<128x32xf32, #tpu.memory_space<vmem>>
    %dma_start3A_28 = arith.constant 0 : i32
    %dma_start3A_29 = tpu.memref_slice %arg5[%dma_start3A_24, %dma_start3A_28] : memref<16x128xi32, #tpu.memory_space<vmem>> -> memref<1x128xi32, #tpu.memory_space<vmem>>
    %dma_start3A_30 = tpu.memref_squeeze %dma_start3A_29 : memref<1x128xi32, #tpu.memory_space<vmem>> -> memref<128xi32, #tpu.memory_space<vmem>>
    %dma_start3A_31 = arith.constant 0 : i32
    %dma_start3A_32 = arith.constant 0 : i32
    %dma_start3A_33 = tpu.memref_slice %arg3[%dma_start3A_31, %dma_start3A_32] : memref<1000000x32xf32, #tpu.memory_space<hbm>> -> memref<1000000x32xf32, #tpu.memory_space<hbm>>
    tpu.enqueue_indirect_dma source(%dma_start3A_33 : memref<1000000x32xf32, #tpu.memory_space<hbm>>) target(%dma_start3A_27 : memref<128x32xf32, #tpu.memory_space<vmem>>) offsets(%dma_start3A_30 : memref<128xi32, #tpu.memory_space<vmem>>) semaphore(%arg10 : memref<!tpu.dma_semaphore, #tpu.memory_space<semaphore_mem>>)
    %dma_start3A_34 = arith.constant 3 : i32
    %dma_start3A_35 = arith.constant 328 : i32
    %dma_start3A_36 = arith.constant 0 : i32
    %dma_start3A_37 = tpu.memref_slice %arg7[%dma_start3A_35, %dma_start3A_36] : memref<1600x32xf32, #tpu.memory_space<vmem>> -> memref<72x32xf32, #tpu.memory_space<vmem>>
    %dma_start3A_38 = arith.constant 0 : i32
    %dma_start3A_39 = tpu.memref_slice %arg5[%dma_start3A_34, %dma_start3A_38] : memref<16x128xi32, #tpu.memory_space<vmem>> -> memref<1x72xi32, #tpu.memory_space<vmem>>
    %dma_start3A_40 = tpu.memref_squeeze %dma_start3A_39 : memref<1x72xi32, #tpu.memory_space<vmem>> -> memref<72xi32, #tpu.memory_space<vmem>>
    %dma_start3A_41 = arith.constant 0 : i32
    %dma_start3A_42 = arith.constant 0 : i32
    %dma_start3A_43 = tpu.memref_slice %arg3[%dma_start3A_41, %dma_start3A_42] : memref<1000000x32xf32, #tpu.memory_space<hbm>> -> memref<1000000x32xf32, #tpu.memory_space<hbm>>
    tpu.enqueue_indirect_dma source(%dma_start3A_43 : memref<1000000x32xf32, #tpu.memory_space<hbm>>) target(%dma_start3A_37 : memref<72x32xf32, #tpu.memory_space<vmem>>) offsets(%dma_start3A_40 : memref<72xi32, #tpu.memory_space<vmem>>) semaphore(%arg10 : memref<!tpu.dma_semaphore, #tpu.memory_space<semaphore_mem>>)
    %dma_start3A_44 = arith.constant 4 : i32
    %dma_start3A_45 = arith.constant 400 : i32
    %dma_start3A_46 = arith.constant 0 : i32
    %dma_start3A_47 = tpu.memref_slice %arg7[%dma_start3A_45, %dma_start3A_46] : memref<1600x32xf32, #tpu.memory_space<vmem>> -> memref<128x32xf32, #tpu.memory_space<vmem>>
    %dma_start3A_48 = arith.constant 0 : i32
    %dma_start3A_49 = tpu.memref_slice %arg5[%dma_start3A_44, %dma_start3A_48] : memref<16x128xi32, #tpu.memory_space<vmem>> -> memref<1x128xi32, #tpu.memory_space<vmem>>
    %dma_start3A_50 = tpu.memref_squeeze %dma_start3A_49 : memref<1x128xi32, #tpu.memory_space<vmem>> -> memref<128xi32, #tpu.memory_space<vmem>>
    %dma_start3A_51 = arith.constant 0 : i32
    %dma_start3A_52 = arith.constant 0 : i32
    %dma_start3A_53 = tpu.memref_slice %arg3[%dma_start3A_51, %dma_start3A_52] : memref<1000000x32xf32, #tpu.memory_space<hbm>> -> memref<1000000x32xf32, #tpu.memory_space<hbm>>
    tpu.enqueue_indirect_dma source(%dma_start3A_53 : memref<1000000x32xf32, #tpu.memory_space<hbm>>) target(%dma_start3A_47 : memref<128x32xf32, #tpu.memory_space<vmem>>) offsets(%dma_start3A_50 : memref<128xi32, #tpu.memory_space<vmem>>) semaphore(%arg10 : memref<!tpu.dma_semaphore, #tpu.memory_space<semaphore_mem>>)
    %dma_start3A_54 = arith.constant 5 : i32
    %dma_start3A_55 = arith.constant 528 : i32
    %dma_start3A_56 = arith.constant 0 : i32
    %dma_start3A_57 = tpu.memref_slice %arg7[%dma_start3A_55, %dma_start3A_56] : memref<1600x32xf32, #tpu.memory_space<vmem>> -> memref<72x32xf32, #tpu.memory_space<vmem>>
    %dma_start3A_58 = arith.constant 0 : i32
    %dma_start3A_59 = tpu.memref_slice %arg5[%dma_start3A_54, %dma_start3A_58] : memref<16x128xi32, #tpu.memory_space<vmem>> -> memref<1x72xi32, #tpu.memory_space<vmem>>
    %dma_start3A_60 = tpu.memref_squeeze %dma_start3A_59 : memref<1x72xi32, #tpu.memory_space<vmem>> -> memref<72xi32, #tpu.memory_space<vmem>>
    %dma_start3A_61 = arith.constant 0 : i32
    %dma_start3A_62 = arith.constant 0 : i32
    %dma_start3A_63 = tpu.memref_slice %arg3[%dma_start3A_61, %dma_start3A_62] : memref<1000000x32xf32, #tpu.memory_space<hbm>> -> memref<1000000x32xf32, #tpu.memory_space<hbm>>
    tpu.enqueue_indirect_dma source(%dma_start3A_63 : memref<1000000x32xf32, #tpu.memory_space<hbm>>) target(%dma_start3A_57 : memref<72x32xf32, #tpu.memory_space<vmem>>) offsets(%dma_start3A_60 : memref<72xi32, #tpu.memory_space<vmem>>) semaphore(%arg10 : memref<!tpu.dma_semaphore, #tpu.memory_space<semaphore_mem>>)
    %dma_start3A_64 = arith.constant 6 : i32
    %dma_start3A_65 = arith.constant 600 : i32
    %dma_start3A_66 = arith.constant 0 : i32
    %dma_start3A_67 = tpu.memref_slice %arg7[%dma_start3A_65, %dma_start3A_66] : memref<1600x32xf32, #tpu.memory_space<vmem>> -> memref<128x32xf32, #tpu.memory_space<vmem>>
    %dma_start3A_68 = arith.constant 0 : i32
    %dma_start3A_69 = tpu.memref_slice %arg5[%dma_start3A_64, %dma_start3A_68] : memref<16x128xi32, #tpu.memory_space<vmem>> -> memref<1x128xi32, #tpu.memory_space<vmem>>
    %dma_start3A_70 = tpu.memref_squeeze %dma_start3A_69 : memref<1x128xi32, #tpu.memory_space<vmem>> -> memref<128xi32, #tpu.memory_space<vmem>>
    %dma_start3A_71 = arith.constant 0 : i32
    %dma_start3A_72 = arith.constant 0 : i32
    %dma_start3A_73 = tpu.memref_slice %arg3[%dma_start3A_71, %dma_start3A_72] : memref<1000000x32xf32, #tpu.memory_space<hbm>> -> memref<1000000x32xf32, #tpu.memory_space<hbm>>
    tpu.enqueue_indirect_dma source(%dma_start3A_73 : memref<1000000x32xf32, #tpu.memory_space<hbm>>) target(%dma_start3A_67 : memref<128x32xf32, #tpu.memory_space<vmem>>) offsets(%dma_start3A_70 : memref<128xi32, #tpu.memory_space<vmem>>) semaphore(%arg10 : memref<!tpu.dma_semaphore, #tpu.memory_space<semaphore_mem>>)
    %dma_start3A_74 = arith.constant 7 : i32
    %dma_start3A_75 = arith.constant 728 : i32
    %dma_start3A_76 = arith.constant 0 : i32
    %dma_start3A_77 = tpu.memref_slice %arg7[%dma_start3A_75, %dma_start3A_76] : memref<1600x32xf32, #tpu.memory_space<vmem>> -> memref<72x32xf32, #tpu.memory_space<vmem>>
    %dma_start3A_78 = arith.constant 0 : i32
    %dma_start3A_79 = tpu.memref_slice %arg5[%dma_start3A_74, %dma_start3A_78] : memref<16x128xi32, #tpu.memory_space<vmem>> -> memref<1x72xi32, #tpu.memory_space<vmem>>
    %dma_start3A_80 = tpu.memref_squeeze %dma_start3A_79 : memref<1x72xi32, #tpu.memory_space<vmem>> -> memref<72xi32, #tpu.memory_space<vmem>>
    %dma_start3A_81 = arith.constant 0 : i32
    %dma_start3A_82 = arith.constant 0 : i32
    %dma_start3A_83 = tpu.memref_slice %arg3[%dma_start3A_81, %dma_start3A_82] : memref<1000000x32xf32, #tpu.memory_space<hbm>> -> memref<1000000x32xf32, #tpu.memory_space<hbm>>
    tpu.enqueue_indirect_dma source(%dma_start3A_83 : memref<1000000x32xf32, #tpu.memory_space<hbm>>) target(%dma_start3A_77 : memref<72x32xf32, #tpu.memory_space<vmem>>) offsets(%dma_start3A_80 : memref<72xi32, #tpu.memory_space<vmem>>) semaphore(%arg10 : memref<!tpu.dma_semaphore, #tpu.memory_space<semaphore_mem>>)
    %dma_start3A_84 = arith.constant 8 : i32
    %dma_start3A_85 = arith.constant 800 : i32
    %dma_start3A_86 = arith.constant 0 : i32
    %dma_start3A_87 = tpu.memref_slice %arg7[%dma_start3A_85, %dma_start3A_86] : memref<1600x32xf32, #tpu.memory_space<vmem>> -> memref<128x32xf32, #tpu.memory_space<vmem>>
    %dma_start3A_88 = arith.constant 0 : i32
    %dma_start3A_89 = tpu.memref_slice %arg5[%dma_start3A_84, %dma_start3A_88] : memref<16x128xi32, #tpu.memory_space<vmem>> -> memref<1x128xi32, #tpu.memory_space<vmem>>
    %dma_start3A_90 = tpu.memref_squeeze %dma_start3A_89 : memref<1x128xi32, #tpu.memory_space<vmem>> -> memref<128xi32, #tpu.memory_space<vmem>>
    %dma_start3A_91 = arith.constant 0 : i32
    %dma_start3A_92 = arith.constant 0 : i32
    %dma_start3A_93 = tpu.memref_slice %arg3[%dma_start3A_91, %dma_start3A_92] : memref<1000000x32xf32, #tpu.memory_space<hbm>> -> memref<1000000x32xf32, #tpu.memory_space<hbm>>
    tpu.enqueue_indirect_dma source(%dma_start3A_93 : memref<1000000x32xf32, #tpu.memory_space<hbm>>) target(%dma_start3A_87 : memref<128x32xf32, #tpu.memory_space<vmem>>) offsets(%dma_start3A_90 : memref<128xi32, #tpu.memory_space<vmem>>) semaphore(%arg10 : memref<!tpu.dma_semaphore, #tpu.memory_space<semaphore_mem>>)
    %dma_start3A_94 = arith.constant 9 : i32
    %dma_start3A_95 = arith.constant 928 : i32
    %dma_start3A_96 = arith.constant 0 : i32
    %dma_start3A_97 = tpu.memref_slice %arg7[%dma_start3A_95, %dma_start3A_96] : memref<1600x32xf32, #tpu.memory_space<vmem>> -> memref<72x32xf32, #tpu.memory_space<vmem>>
    %dma_start3A_98 = arith.constant 0 : i32
    %dma_start3A_99 = tpu.memref_slice %arg5[%dma_start3A_94, %dma_start3A_98] : memref<16x128xi32, #tpu.memory_space<vmem>> -> memref<1x72xi32, #tpu.memory_space<vmem>>
    %dma_start3A_100 = tpu.memref_squeeze %dma_start3A_99 : memref<1x72xi32, #tpu.memory_space<vmem>> -> memref<72xi32, #tpu.memory_space<vmem>>
    %dma_start3A_101 = arith.constant 0 : i32
    %dma_start3A_102 = arith.constant 0 : i32
    %dma_start3A_103 = tpu.memref_slice %arg3[%dma_start3A_101, %dma_start3A_102] : memref<1000000x32xf32, #tpu.memory_space<hbm>> -> memref<1000000x32xf32, #tpu.memory_space<hbm>>
    tpu.enqueue_indirect_dma source(%dma_start3A_103 : memref<1000000x32xf32, #tpu.memory_space<hbm>>) target(%dma_start3A_97 : memref<72x32xf32, #tpu.memory_space<vmem>>) offsets(%dma_start3A_100 : memref<72xi32, #tpu.memory_space<vmem>>) semaphore(%arg10 : memref<!tpu.dma_semaphore, #tpu.memory_space<semaphore_mem>>)
    %dma_start3A_104 = arith.constant 10 : i32
    %dma_start3A_105 = arith.constant 1000 : i32
    %dma_start3A_106 = arith.constant 0 : i32
    %dma_start3A_107 = tpu.memref_slice %arg7[%dma_start3A_105, %dma_start3A_106] : memref<1600x32xf32, #tpu.memory_space<vmem>> -> memref<128x32xf32, #tpu.memory_space<vmem>>
    %dma_start3A_108 = arith.constant 0 : i32
    %dma_start3A_109 = tpu.memref_slice %arg5[%dma_start3A_104, %dma_start3A_108] : memref<16x128xi32, #tpu.memory_space<vmem>> -> memref<1x128xi32, #tpu.memory_space<vmem>>
    %dma_start3A_110 = tpu.memref_squeeze %dma_start3A_109 : memref<1x128xi32, #tpu.memory_space<vmem>> -> memref<128xi32, #tpu.memory_space<vmem>>
    %dma_start3A_111 = arith.constant 0 : i32
    %dma_start3A_112 = arith.constant 0 : i32
    %dma_start3A_113 = tpu.memref_slice %arg3[%dma_start3A_111, %dma_start3A_112] : memref<1000000x32xf32, #tpu.memory_space<hbm>> -> memref<1000000x32xf32, #tpu.memory_space<hbm>>
    tpu.enqueue_indirect_dma source(%dma_start3A_113 : memref<1000000x32xf32, #tpu.memory_space<hbm>>) target(%dma_start3A_107 : memref<128x32xf32, #tpu.memory_space<vmem>>) offsets(%dma_start3A_110 : memref<128xi32, #tpu.memory_space<vmem>>) semaphore(%arg10 : memref<!tpu.dma_semaphore, #tpu.memory_space<semaphore_mem>>)
    %dma_start3A_114 = arith.constant 11 : i32
    %dma_start3A_115 = arith.constant 1128 : i32
    %dma_start3A_116 = arith.constant 0 : i32
    %dma_start3A_117 = tpu.memref_slice %arg7[%dma_start3A_115, %dma_start3A_116] : memref<1600x32xf32, #tpu.memory_space<vmem>> -> memref<72x32xf32, #tpu.memory_space<vmem>>
    %dma_start3A_118 = arith.constant 0 : i32
    %dma_start3A_119 = tpu.memref_slice %arg5[%dma_start3A_114, %dma_start3A_118] : memref<16x128xi32, #tpu.memory_space<vmem>> -> memref<1x72xi32, #tpu.memory_space<vmem>>
    %dma_start3A_120 = tpu.memref_squeeze %dma_start3A_119 : memref<1x72xi32, #tpu.memory_space<vmem>> -> memref<72xi32, #tpu.memory_space<vmem>>
    %dma_start3A_121 = arith.constant 0 : i32
    %dma_start3A_122 = arith.constant 0 : i32
    %dma_start3A_123 = tpu.memref_slice %arg3[%dma_start3A_121, %dma_start3A_122] : memref<1000000x32xf32, #tpu.memory_space<hbm>> -> memref<1000000x32xf32, #tpu.memory_space<hbm>>
    tpu.enqueue_indirect_dma source(%dma_start3A_123 : memref<1000000x32xf32, #tpu.memory_space<hbm>>) target(%dma_start3A_117 : memref<72x32xf32, #tpu.memory_space<vmem>>) offsets(%dma_start3A_120 : memref<72xi32, #tpu.memory_space<vmem>>) semaphore(%arg10 : memref<!tpu.dma_semaphore, #tpu.memory_space<semaphore_mem>>)
    %dma_start3A_124 = arith.constant 12 : i32
    %dma_start3A_125 = arith.constant 1200 : i32
    %dma_start3A_126 = arith.constant 0 : i32
    %dma_start3A_127 = tpu.memref_slice %arg7[%dma_start3A_125, %dma_start3A_126] : memref<1600x32xf32, #tpu.memory_space<vmem>> -> memref<128x32xf32, #tpu.memory_space<vmem>>
    %dma_start3A_128 = arith.constant 0 : i32
    %dma_start3A_129 = tpu.memref_slice %arg5[%dma_start3A_124, %dma_start3A_128] : memref<16x128xi32, #tpu.memory_space<vmem>> -> memref<1x128xi32, #tpu.memory_space<vmem>>
    %dma_start3A_130 = tpu.memref_squeeze %dma_start3A_129 : memref<1x128xi32, #tpu.memory_space<vmem>> -> memref<128xi32, #tpu.memory_space<vmem>>
    %dma_start3A_131 = arith.constant 0 : i32
    %dma_start3A_132 = arith.constant 0 : i32
    %dma_start3A_133 = tpu.memref_slice %arg3[%dma_start3A_131, %dma_start3A_132] : memref<1000000x32xf32, #tpu.memory_space<hbm>> -> memref<1000000x32xf32, #tpu.memory_space<hbm>>
    tpu.enqueue_indirect_dma source(%dma_start3A_133 : memref<1000000x32xf32, #tpu.memory_space<hbm>>) target(%dma_start3A_127 : memref<128x32xf32, #tpu.memory_space<vmem>>) offsets(%dma_start3A_130 : memref<128xi32, #tpu.memory_space<vmem>>) semaphore(%arg10 : memref<!tpu.dma_semaphore, #tpu.memory_space<semaphore_mem>>)
    %dma_start3A_134 = arith.constant 13 : i32
    %dma_start3A_135 = arith.constant 1328 : i32
    %dma_start3A_136 = arith.constant 0 : i32
    %dma_start3A_137 = tpu.memref_slice %arg7[%dma_start3A_135, %dma_start3A_136] : memref<1600x32xf32, #tpu.memory_space<vmem>> -> memref<72x32xf32, #tpu.memory_space<vmem>>
    %dma_start3A_138 = arith.constant 0 : i32
    %dma_start3A_139 = tpu.memref_slice %arg5[%dma_start3A_134, %dma_start3A_138] : memref<16x128xi32, #tpu.memory_space<vmem>> -> memref<1x72xi32, #tpu.memory_space<vmem>>
    %dma_start3A_140 = tpu.memref_squeeze %dma_start3A_139 : memref<1x72xi32, #tpu.memory_space<vmem>> -> memref<72xi32, #tpu.memory_space<vmem>>
    %dma_start3A_141 = arith.constant 0 : i32
    %dma_start3A_142 = arith.constant 0 : i32
    %dma_start3A_143 = tpu.memref_slice %arg3[%dma_start3A_141, %dma_start3A_142] : memref<1000000x32xf32, #tpu.memory_space<hbm>> -> memref<1000000x32xf32, #tpu.memory_space<hbm>>
    tpu.enqueue_indirect_dma source(%dma_start3A_143 : memref<1000000x32xf32, #tpu.memory_space<hbm>>) target(%dma_start3A_137 : memref<72x32xf32, #tpu.memory_space<vmem>>) offsets(%dma_start3A_140 : memref<72xi32, #tpu.memory_space<vmem>>) semaphore(%arg10 : memref<!tpu.dma_semaphore, #tpu.memory_space<semaphore_mem>>)
    %dma_start3A_144 = arith.constant 14 : i32
    %dma_start3A_145 = arith.constant 1400 : i32
    %dma_start3A_146 = arith.constant 0 : i32
    %dma_start3A_147 = tpu.memref_slice %arg7[%dma_start3A_145, %dma_start3A_146] : memref<1600x32xf32, #tpu.memory_space<vmem>> -> memref<128x32xf32, #tpu.memory_space<vmem>>
    %dma_start3A_148 = arith.constant 0 : i32
    %dma_start3A_149 = tpu.memref_slice %arg5[%dma_start3A_144, %dma_start3A_148] : memref<16x128xi32, #tpu.memory_space<vmem>> -> memref<1x128xi32, #tpu.memory_space<vmem>>
    %dma_start3A_150 = tpu.memref_squeeze %dma_start3A_149 : memref<1x128xi32, #tpu.memory_space<vmem>> -> memref<128xi32, #tpu.memory_space<vmem>>
    %dma_start3A_151 = arith.constant 0 : i32
    %dma_start3A_152 = arith.constant 0 : i32
    %dma_start3A_153 = tpu.memref_slice %arg3[%dma_start3A_151, %dma_start3A_152] : memref<1000000x32xf32, #tpu.memory_space<hbm>> -> memref<1000000x32xf32, #tpu.memory_space<hbm>>
    tpu.enqueue_indirect_dma source(%dma_start3A_153 : memref<1000000x32xf32, #tpu.memory_space<hbm>>) target(%dma_start3A_147 : memref<128x32xf32, #tpu.memory_space<vmem>>) offsets(%dma_start3A_150 : memref<128xi32, #tpu.memory_space<vmem>>) semaphore(%arg10 : memref<!tpu.dma_semaphore, #tpu.memory_space<semaphore_mem>>)
    %dma_start3A_154 = arith.constant 15 : i32
    %dma_start3A_155 = arith.constant 1528 : i32
    %dma_start3A_156 = arith.constant 0 : i32
    %dma_start3A_157 = tpu.memref_slice %arg7[%dma_start3A_155, %dma_start3A_156] : memref<1600x32xf32, #tpu.memory_space<vmem>> -> memref<72x32xf32, #tpu.memory_space<vmem>>
    %dma_start3A_158 = arith.constant 0 : i32
    %dma_start3A_159 = tpu.memref_slice %arg5[%dma_start3A_154, %dma_start3A_158] : memref<16x128xi32, #tpu.memory_space<vmem>> -> memref<1x72xi32, #tpu.memory_space<vmem>>
    %dma_start3A_160 = tpu.memref_squeeze %dma_start3A_159 : memref<1x72xi32, #tpu.memory_space<vmem>> -> memref<72xi32, #tpu.memory_space<vmem>>
    %dma_start3A_161 = arith.constant 0 : i32
    %dma_start3A_162 = arith.constant 0 : i32
    %dma_start3A_163 = tpu.memref_slice %arg3[%dma_start3A_161, %dma_start3A_162] : memref<1000000x32xf32, #tpu.memory_space<hbm>> -> memref<1000000x32xf32, #tpu.memory_space<hbm>>
    tpu.enqueue_indirect_dma source(%dma_start3A_163 : memref<1000000x32xf32, #tpu.memory_space<hbm>>) target(%dma_start3A_157 : memref<72x32xf32, #tpu.memory_space<vmem>>) offsets(%dma_start3A_160 : memref<72xi32, #tpu.memory_space<vmem>>) semaphore(%arg10 : memref<!tpu.dma_semaphore, #tpu.memory_space<semaphore_mem>>)
    %add3A_164 = arith.constant 8 : i32
    %add3A_165 = arith.addi %mul3A_2, %add3A_164 : i32
    %mul3A_166 = arith.constant 2 : i32
    %mul3A_167 = arith.muli %mul3A_166, %add3A_165 : i32
    %dma_start3A_168 = arith.constant 0 : i32
    %dma_start3A_169 = tpu.memref_slice %arg2[%mul3A_167, %dma_start3A_168] : memref<32768x128xi32, #tpu.memory_space<hbm>> -> memref<16x128xi32, #tpu.memory_space<hbm>>
    %dma_start3A_170 = arith.constant 0 : i32
    %dma_start3A_171 = tpu.memref_slice %arg2[%mul3A_167, %dma_start3A_170] : memref<32768x128xi32, #tpu.memory_space<hbm>> -> memref<16x128xi32, #tpu.memory_space<hbm>>
    tpu.enqueue_dma source(%dma_start3A_171 : memref<16x128xi32, #tpu.memory_space<hbm>>) target(%arg6 : memref<16x128xi32, #tpu.memory_space<vmem>>) target_semaphore(%arg13 : memref<!tpu.dma_semaphore, #tpu.memory_space<semaphore_mem>>)
    %scan3A = arith.constant 0 : i32
    %scan3A_172 = arith.constant 0 : i32
    %scan3A_173 = arith.constant 32 : i32
    %scan3A_174 = arith.addi %scan3A_172, %scan3A_173 : i32
    %scan3A_175 = arith.constant 1 : i32
    scf.for %scan3A_177 = %scan3A_172 to %scan3A_174 step %scan3A_175  : i32 {
      %mul3A_178 = arith.constant 2 : i32
      %mul3A_179 = arith.muli %scan3A_177, %mul3A_178 : i32
      %add3A_180 = arith.constant 0 : i32
      %add3A_181 = arith.addi %mul3A_179, %add3A_180 : i32
      %dma_wait3A = arith.constant 0 : i32
      %dma_wait3A_182 = arith.constant 0 : i32
      %dma_wait3A_183 = arith.constant 0 : i32
      %dma_wait3A_184 = tpu.memref_slice %arg7[%dma_wait3A_182, %dma_wait3A_183] : memref<1600x32xf32, #tpu.memory_space<vmem>> -> memref<128x32xf32, #tpu.memory_space<vmem>>
      %dma_wait3A_185 = arith.constant 0 : i32
      %dma_wait3A_186 = tpu.memref_slice %arg5[%dma_wait3A, %dma_wait3A_185] : memref<16x128xi32, #tpu.memory_space<vmem>> -> memref<1x128xi32, #tpu.memory_space<vmem>>
      %dma_wait3A_187 = tpu.memref_squeeze %dma_wait3A_186 : memref<1x128xi32, #tpu.memory_space<vmem>> -> memref<128xi32, #tpu.memory_space<vmem>>
      %dma_wait3A_188 = arith.constant 0 : i32
      %dma_wait3A_189 = arith.constant 0 : i32
      %dma_wait3A_190 = tpu.memref_slice %arg3[%dma_wait3A_188, %dma_wait3A_189] : memref<1000000x32xf32, #tpu.memory_space<hbm>> -> memref<1000000x32xf32, #tpu.memory_space<hbm>>
      tpu.wait_indirect_dma semaphore(%arg10 : memref<!tpu.dma_semaphore, #tpu.memory_space<semaphore_mem>>) src(%dma_wait3A_190 : memref<1000000x32xf32, #tpu.memory_space<hbm>>) dst(%dma_wait3A_184 : memref<128x32xf32, #tpu.memory_space<vmem>>)
      %dma_wait3A_191 = arith.constant 1 : i32
      %dma_wait3A_192 = arith.constant 128 : i32
      %dma_wait3A_193 = arith.constant 0 : i32
      %dma_wait3A_194 = tpu.memref_slice %arg7[%dma_wait3A_192, %dma_wait3A_193] : memref<1600x32xf32, #tpu.memory_space<vmem>> -> memref<72x32xf32, #tpu.memory_space<vmem>>
      %dma_wait3A_195 = arith.constant 0 : i32
      %dma_wait3A_196 = tpu.memref_slice %arg5[%dma_wait3A_191, %dma_wait3A_195] : memref<16x128xi32, #tpu.memory_space<vmem>> -> memref<1x72xi32, #tpu.memory_space<vmem>>
      %dma_wait3A_197 = tpu.memref_squeeze %dma_wait3A_196 : memref<1x72xi32, #tpu.memory_space<vmem>> -> memref<72xi32, #tpu.memory_space<vmem>>
      %dma_wait3A_198 = arith.constant 0 : i32
      %dma_wait3A_199 = arith.constant 0 : i32
      %dma_wait3A_200 = tpu.memref_slice %arg3[%dma_wait3A_198, %dma_wait3A_199] : memref<1000000x32xf32, #tpu.memory_space<hbm>> -> memref<1000000x32xf32, #tpu.memory_space<hbm>>
      tpu.wait_indirect_dma semaphore(%arg10 : memref<!tpu.dma_semaphore, #tpu.memory_space<semaphore_mem>>) src(%dma_wait3A_200 : memref<1000000x32xf32, #tpu.memory_space<hbm>>) dst(%dma_wait3A_194 : memref<72x32xf32, #tpu.memory_space<vmem>>)
      %dma_wait3A_201 = arith.constant 2 : i32
      %dma_wait3A_202 = arith.constant 200 : i32
      %dma_wait3A_203 = arith.constant 0 : i32
      %dma_wait3A_204 = tpu.memref_slice %arg7[%dma_wait3A_202, %dma_wait3A_203] : memref<1600x32xf32, #tpu.memory_space<vmem>> -> memref<128x32xf32, #tpu.memory_space<vmem>>
      %dma_wait3A_205 = arith.constant 0 : i32
      %dma_wait3A_206 = tpu.memref_slice %arg5[%dma_wait3A_201, %dma_wait3A_205] : memref<16x128xi32, #tpu.memory_space<vmem>> -> memref<1x128xi32, #tpu.memory_space<vmem>>
      %dma_wait3A_207 = tpu.memref_squeeze %dma_wait3A_206 : memref<1x128xi32, #tpu.memory_space<vmem>> -> memref<128xi32, #tpu.memory_space<vmem>>
      %dma_wait3A_208 = arith.constant 0 : i32
      %dma_wait3A_209 = arith.constant 0 : i32
      %dma_wait3A_210 = tpu.memref_slice %arg3[%dma_wait3A_208, %dma_wait3A_209] : memref<1000000x32xf32, #tpu.memory_space<hbm>> -> memref<1000000x32xf32, #tpu.memory_space<hbm>>
      tpu.wait_indirect_dma semaphore(%arg10 : memref<!tpu.dma_semaphore, #tpu.memory_space<semaphore_mem>>) src(%dma_wait3A_210 : memref<1000000x32xf32, #tpu.memory_space<hbm>>) dst(%dma_wait3A_204 : memref<128x32xf32, #tpu.memory_space<vmem>>)
      %dma_wait3A_211 = arith.constant 3 : i32
      %dma_wait3A_212 = arith.constant 328 : i32
      %dma_wait3A_213 = arith.constant 0 : i32
      %dma_wait3A_214 = tpu.memref_slice %arg7[%dma_wait3A_212, %dma_wait3A_213] : memref<1600x32xf32, #tpu.memory_space<vmem>> -> memref<72x32xf32, #tpu.memory_space<vmem>>
      %dma_wait3A_215 = arith.constant 0 : i32
      %dma_wait3A_216 = tpu.memref_slice %arg5[%dma_wait3A_211, %dma_wait3A_215] : memref<16x128xi32, #tpu.memory_space<vmem>> -> memref<1x72xi32, #tpu.memory_space<vmem>>
      %dma_wait3A_217 = tpu.memref_squeeze %dma_wait3A_216 : memref<1x72xi32, #tpu.memory_space<vmem>> -> memref<72xi32, #tpu.memory_space<vmem>>
      %dma_wait3A_218 = arith.constant 0 : i32
      %dma_wait3A_219 = arith.constant 0 : i32
      %dma_wait3A_220 = tpu.memref_slice %arg3[%dma_wait3A_218, %dma_wait3A_219] : memref<1000000x32xf32, #tpu.memory_space<hbm>> -> memref<1000000x32xf32, #tpu.memory_space<hbm>>
      tpu.wait_indirect_dma semaphore(%arg10 : memref<!tpu.dma_semaphore, #tpu.memory_space<semaphore_mem>>) src(%dma_wait3A_220 : memref<1000000x32xf32, #tpu.memory_space<hbm>>) dst(%dma_wait3A_214 : memref<72x32xf32, #tpu.memory_space<vmem>>)
      %dma_wait3A_221 = arith.constant 4 : i32
      %dma_wait3A_222 = arith.constant 400 : i32
      %dma_wait3A_223 = arith.constant 0 : i32
      %dma_wait3A_224 = tpu.memref_slice %arg7[%dma_wait3A_222, %dma_wait3A_223] : memref<1600x32xf32, #tpu.memory_space<vmem>> -> memref<128x32xf32, #tpu.memory_space<vmem>>
      %dma_wait3A_225 = arith.constant 0 : i32
      %dma_wait3A_226 = tpu.memref_slice %arg5[%dma_wait3A_221, %dma_wait3A_225] : memref<16x128xi32, #tpu.memory_space<vmem>> -> memref<1x128xi32, #tpu.memory_space<vmem>>
      %dma_wait3A_227 = tpu.memref_squeeze %dma_wait3A_226 : memref<1x128xi32, #tpu.memory_space<vmem>> -> memref<128xi32, #tpu.memory_space<vmem>>
      %dma_wait3A_228 = arith.constant 0 : i32
      %dma_wait3A_229 = arith.constant 0 : i32
      %dma_wait3A_230 = tpu.memref_slice %arg3[%dma_wait3A_228, %dma_wait3A_229] : memref<1000000x32xf32, #tpu.memory_space<hbm>> -> memref<1000000x32xf32, #tpu.memory_space<hbm>>
      tpu.wait_indirect_dma semaphore(%arg10 : memref<!tpu.dma_semaphore, #tpu.memory_space<semaphore_mem>>) src(%dma_wait3A_230 : memref<1000000x32xf32, #tpu.memory_space<hbm>>) dst(%dma_wait3A_224 : memref<128x32xf32, #tpu.memory_space<vmem>>)
      %dma_wait3A_231 = arith.constant 5 : i32
      %dma_wait3A_232 = arith.constant 528 : i32
      %dma_wait3A_233 = arith.constant 0 : i32
      %dma_wait3A_234 = tpu.memref_slice %arg7[%dma_wait3A_232, %dma_wait3A_233] : memref<1600x32xf32, #tpu.memory_space<vmem>> -> memref<72x32xf32, #tpu.memory_space<vmem>>
      %dma_wait3A_235 = arith.constant 0 : i32
      %dma_wait3A_236 = tpu.memref_slice %arg5[%dma_wait3A_231, %dma_wait3A_235] : memref<16x128xi32, #tpu.memory_space<vmem>> -> memref<1x72xi32, #tpu.memory_space<vmem>>
      %dma_wait3A_237 = tpu.memref_squeeze %dma_wait3A_236 : memref<1x72xi32, #tpu.memory_space<vmem>> -> memref<72xi32, #tpu.memory_space<vmem>>
      %dma_wait3A_238 = arith.constant 0 : i32
      %dma_wait3A_239 = arith.constant 0 : i32
      %dma_wait3A_240 = tpu.memref_slice %arg3[%dma_wait3A_238, %dma_wait3A_239] : memref<1000000x32xf32, #tpu.memory_space<hbm>> -> memref<1000000x32xf32, #tpu.memory_space<hbm>>
      tpu.wait_indirect_dma semaphore(%arg10 : memref<!tpu.dma_semaphore, #tpu.memory_space<semaphore_mem>>) src(%dma_wait3A_240 : memref<1000000x32xf32, #tpu.memory_space<hbm>>) dst(%dma_wait3A_234 : memref<72x32xf32, #tpu.memory_space<vmem>>)
      %dma_wait3A_241 = arith.constant 6 : i32
      %dma_wait3A_242 = arith.constant 600 : i32
      %dma_wait3A_243 = arith.constant 0 : i32
      %dma_wait3A_244 = tpu.memref_slice %arg7[%dma_wait3A_242, %dma_wait3A_243] : memref<1600x32xf32, #tpu.memory_space<vmem>> -> memref<128x32xf32, #tpu.memory_space<vmem>>
      %dma_wait3A_245 = arith.constant 0 : i32
      %dma_wait3A_246 = tpu.memref_slice %arg5[%dma_wait3A_241, %dma_wait3A_245] : memref<16x128xi32, #tpu.memory_space<vmem>> -> memref<1x128xi32, #tpu.memory_space<vmem>>
      %dma_wait3A_247 = tpu.memref_squeeze %dma_wait3A_246 : memref<1x128xi32, #tpu.memory_space<vmem>> -> memref<128xi32, #tpu.memory_space<vmem>>
      %dma_wait3A_248 = arith.constant 0 : i32
      %dma_wait3A_249 = arith.constant 0 : i32
      %dma_wait3A_250 = tpu.memref_slice %arg3[%dma_wait3A_248, %dma_wait3A_249] : memref<1000000x32xf32, #tpu.memory_space<hbm>> -> memref<1000000x32xf32, #tpu.memory_space<hbm>>
      tpu.wait_indirect_dma semaphore(%arg10 : memref<!tpu.dma_semaphore, #tpu.memory_space<semaphore_mem>>) src(%dma_wait3A_250 : memref<1000000x32xf32, #tpu.memory_space<hbm>>) dst(%dma_wait3A_244 : memref<128x32xf32, #tpu.memory_space<vmem>>)
      %dma_wait3A_251 = arith.constant 7 : i32
      %dma_wait3A_252 = arith.constant 728 : i32
      %dma_wait3A_253 = arith.constant 0 : i32
      %dma_wait3A_254 = tpu.memref_slice %arg7[%dma_wait3A_252, %dma_wait3A_253] : memref<1600x32xf32, #tpu.memory_space<vmem>> -> memref<72x32xf32, #tpu.memory_space<vmem>>
      %dma_wait3A_255 = arith.constant 0 : i32
      %dma_wait3A_256 = tpu.memref_slice %arg5[%dma_wait3A_251, %dma_wait3A_255] : memref<16x128xi32, #tpu.memory_space<vmem>> -> memref<1x72xi32, #tpu.memory_space<vmem>>
      %dma_wait3A_257 = tpu.memref_squeeze %dma_wait3A_256 : memref<1x72xi32, #tpu.memory_space<vmem>> -> memref<72xi32, #tpu.memory_space<vmem>>
      %dma_wait3A_258 = arith.constant 0 : i32
      %dma_wait3A_259 = arith.constant 0 : i32
      %dma_wait3A_260 = tpu.memref_slice %arg3[%dma_wait3A_258, %dma_wait3A_259] : memref<1000000x32xf32, #tpu.memory_space<hbm>> -> memref<1000000x32xf32, #tpu.memory_space<hbm>>
      tpu.wait_indirect_dma semaphore(%arg10 : memref<!tpu.dma_semaphore, #tpu.memory_space<semaphore_mem>>) src(%dma_wait3A_260 : memref<1000000x32xf32, #tpu.memory_space<hbm>>) dst(%dma_wait3A_254 : memref<72x32xf32, #tpu.memory_space<vmem>>)
      %dma_wait3A_261 = arith.constant 8 : i32
      %dma_wait3A_262 = arith.constant 800 : i32
      %dma_wait3A_263 = arith.constant 0 : i32
      %dma_wait3A_264 = tpu.memref_slice %arg7[%dma_wait3A_262, %dma_wait3A_263] : memref<1600x32xf32, #tpu.memory_space<vmem>> -> memref<128x32xf32, #tpu.memory_space<vmem>>
      %dma_wait3A_265 = arith.constant 0 : i32
      %dma_wait3A_266 = tpu.memref_slice %arg5[%dma_wait3A_261, %dma_wait3A_265] : memref<16x128xi32, #tpu.memory_space<vmem>> -> memref<1x128xi32, #tpu.memory_space<vmem>>
      %dma_wait3A_267 = tpu.memref_squeeze %dma_wait3A_266 : memref<1x128xi32, #tpu.memory_space<vmem>> -> memref<128xi32, #tpu.memory_space<vmem>>
      %dma_wait3A_268 = arith.constant 0 : i32
      %dma_wait3A_269 = arith.constant 0 : i32
      %dma_wait3A_270 = tpu.memref_slice %arg3[%dma_wait3A_268, %dma_wait3A_269] : memref<1000000x32xf32, #tpu.memory_space<hbm>> -> memref<1000000x32xf32, #tpu.memory_space<hbm>>
      tpu.wait_indirect_dma semaphore(%arg10 : memref<!tpu.dma_semaphore, #tpu.memory_space<semaphore_mem>>) src(%dma_wait3A_270 : memref<1000000x32xf32, #tpu.memory_space<hbm>>) dst(%dma_wait3A_264 : memref<128x32xf32, #tpu.memory_space<vmem>>)
      %dma_wait3A_271 = arith.constant 9 : i32
      %dma_wait3A_272 = arith.constant 928 : i32
      %dma_wait3A_273 = arith.constant 0 : i32
      %dma_wait3A_274 = tpu.memref_slice %arg7[%dma_wait3A_272, %dma_wait3A_273] : memref<1600x32xf32, #tpu.memory_space<vmem>> -> memref<72x32xf32, #tpu.memory_space<vmem>>
      %dma_wait3A_275 = arith.constant 0 : i32
      %dma_wait3A_276 = tpu.memref_slice %arg5[%dma_wait3A_271, %dma_wait3A_275] : memref<16x128xi32, #tpu.memory_space<vmem>> -> memref<1x72xi32, #tpu.memory_space<vmem>>
      %dma_wait3A_277 = tpu.memref_squeeze %dma_wait3A_276 : memref<1x72xi32, #tpu.memory_space<vmem>> -> memref<72xi32, #tpu.memory_space<vmem>>
      %dma_wait3A_278 = arith.constant 0 : i32
      %dma_wait3A_279 = arith.constant 0 : i32
      %dma_wait3A_280 = tpu.memref_slice %arg3[%dma_wait3A_278, %dma_wait3A_279] : memref<1000000x32xf32, #tpu.memory_space<hbm>> -> memref<1000000x32xf32, #tpu.memory_space<hbm>>
      tpu.wait_indirect_dma semaphore(%arg10 : memref<!tpu.dma_semaphore, #tpu.memory_space<semaphore_mem>>) src(%dma_wait3A_280 : memref<1000000x32xf32, #tpu.memory_space<hbm>>) dst(%dma_wait3A_274 : memref<72x32xf32, #tpu.memory_space<vmem>>)
      %dma_wait3A_281 = arith.constant 10 : i32
      %dma_wait3A_282 = arith.constant 1000 : i32
      %dma_wait3A_283 = arith.constant 0 : i32
      %dma_wait3A_284 = tpu.memref_slice %arg7[%dma_wait3A_282, %dma_wait3A_283] : memref<1600x32xf32, #tpu.memory_space<vmem>> -> memref<128x32xf32, #tpu.memory_space<vmem>>
      %dma_wait3A_285 = arith.constant 0 : i32
      %dma_wait3A_286 = tpu.memref_slice %arg5[%dma_wait3A_281, %dma_wait3A_285] : memref<16x128xi32, #tpu.memory_space<vmem>> -> memref<1x128xi32, #tpu.memory_space<vmem>>
      %dma_wait3A_287 = tpu.memref_squeeze %dma_wait3A_286 : memref<1x128xi32, #tpu.memory_space<vmem>> -> memref<128xi32, #tpu.memory_space<vmem>>
      %dma_wait3A_288 = arith.constant 0 : i32
      %dma_wait3A_289 = arith.constant 0 : i32
      %dma_wait3A_290 = tpu.memref_slice %arg3[%dma_wait3A_288, %dma_wait3A_289] : memref<1000000x32xf32, #tpu.memory_space<hbm>> -> memref<1000000x32xf32, #tpu.memory_space<hbm>>
      tpu.wait_indirect_dma semaphore(%arg10 : memref<!tpu.dma_semaphore, #tpu.memory_space<semaphore_mem>>) src(%dma_wait3A_290 : memref<1000000x32xf32, #tpu.memory_space<hbm>>) dst(%dma_wait3A_284 : memref<128x32xf32, #tpu.memory_space<vmem>>)
      %dma_wait3A_291 = arith.constant 11 : i32
      %dma_wait3A_292 = arith.constant 1128 : i32
      %dma_wait3A_293 = arith.constant 0 : i32
      %dma_wait3A_294 = tpu.memref_slice %arg7[%dma_wait3A_292, %dma_wait3A_293] : memref<1600x32xf32, #tpu.memory_space<vmem>> -> memref<72x32xf32, #tpu.memory_space<vmem>>
      %dma_wait3A_295 = arith.constant 0 : i32
      %dma_wait3A_296 = tpu.memref_slice %arg5[%dma_wait3A_291, %dma_wait3A_295] : memref<16x128xi32, #tpu.memory_space<vmem>> -> memref<1x72xi32, #tpu.memory_space<vmem>>
      %dma_wait3A_297 = tpu.memref_squeeze %dma_wait3A_296 : memref<1x72xi32, #tpu.memory_space<vmem>> -> memref<72xi32, #tpu.memory_space<vmem>>
      %dma_wait3A_298 = arith.constant 0 : i32
      %dma_wait3A_299 = arith.constant 0 : i32
      %dma_wait3A_300 = tpu.memref_slice %arg3[%dma_wait3A_298, %dma_wait3A_299] : memref<1000000x32xf32, #tpu.memory_space<hbm>> -> memref<1000000x32xf32, #tpu.memory_space<hbm>>
      tpu.wait_indirect_dma semaphore(%arg10 : memref<!tpu.dma_semaphore, #tpu.memory_space<semaphore_mem>>) src(%dma_wait3A_300 : memref<1000000x32xf32, #tpu.memory_space<hbm>>) dst(%dma_wait3A_294 : memref<72x32xf32, #tpu.memory_space<vmem>>)
      %dma_wait3A_301 = arith.constant 12 : i32
      %dma_wait3A_302 = arith.constant 1200 : i32
      %dma_wait3A_303 = arith.constant 0 : i32
      %dma_wait3A_304 = tpu.memref_slice %arg7[%dma_wait3A_302, %dma_wait3A_303] : memref<1600x32xf32, #tpu.memory_space<vmem>> -> memref<128x32xf32, #tpu.memory_space<vmem>>
      %dma_wait3A_305 = arith.constant 0 : i32
      %dma_wait3A_306 = tpu.memref_slice %arg5[%dma_wait3A_301, %dma_wait3A_305] : memref<16x128xi32, #tpu.memory_space<vmem>> -> memref<1x128xi32, #tpu.memory_space<vmem>>
      %dma_wait3A_307 = tpu.memref_squeeze %dma_wait3A_306 : memref<1x128xi32, #tpu.memory_space<vmem>> -> memref<128xi32, #tpu.memory_space<vmem>>
      %dma_wait3A_308 = arith.constant 0 : i32
      %dma_wait3A_309 = arith.constant 0 : i32
      %dma_wait3A_310 = tpu.memref_slice %arg3[%dma_wait3A_308, %dma_wait3A_309] : memref<1000000x32xf32, #tpu.memory_space<hbm>> -> memref<1000000x32xf32, #tpu.memory_space<hbm>>
      tpu.wait_indirect_dma semaphore(%arg10 : memref<!tpu.dma_semaphore, #tpu.memory_space<semaphore_mem>>) src(%dma_wait3A_310 : memref<1000000x32xf32, #tpu.memory_space<hbm>>) dst(%dma_wait3A_304 : memref<128x32xf32, #tpu.memory_space<vmem>>)
      %dma_wait3A_311 = arith.constant 13 : i32
      %dma_wait3A_312 = arith.constant 1328 : i32
      %dma_wait3A_313 = arith.constant 0 : i32
      %dma_wait3A_314 = tpu.memref_slice %arg7[%dma_wait3A_312, %dma_wait3A_313] : memref<1600x32xf32, #tpu.memory_space<vmem>> -> memref<72x32xf32, #tpu.memory_space<vmem>>
      %dma_wait3A_315 = arith.constant 0 : i32
      %dma_wait3A_316 = tpu.memref_slice %arg5[%dma_wait3A_311, %dma_wait3A_315] : memref<16x128xi32, #tpu.memory_space<vmem>> -> memref<1x72xi32, #tpu.memory_space<vmem>>
      %dma_wait3A_317 = tpu.memref_squeeze %dma_wait3A_316 : memref<1x72xi32, #tpu.memory_space<vmem>> -> memref<72xi32, #tpu.memory_space<vmem>>
      %dma_wait3A_318 = arith.constant 0 : i32
      %dma_wait3A_319 = arith.constant 0 : i32
      %dma_wait3A_320 = tpu.memref_slice %arg3[%dma_wait3A_318, %dma_wait3A_319] : memref<1000000x32xf32, #tpu.memory_space<hbm>> -> memref<1000000x32xf32, #tpu.memory_space<hbm>>
      tpu.wait_indirect_dma semaphore(%arg10 : memref<!tpu.dma_semaphore, #tpu.memory_space<semaphore_mem>>) src(%dma_wait3A_320 : memref<1000000x32xf32, #tpu.memory_space<hbm>>) dst(%dma_wait3A_314 : memref<72x32xf32, #tpu.memory_space<vmem>>)
      %dma_wait3A_321 = arith.constant 14 : i32
      %dma_wait3A_322 = arith.constant 1400 : i32
      %dma_wait3A_323 = arith.constant 0 : i32
      %dma_wait3A_324 = tpu.memref_slice %arg7[%dma_wait3A_322, %dma_wait3A_323] : memref<1600x32xf32, #tpu.memory_space<vmem>> -> memref<128x32xf32, #tpu.memory_space<vmem>>
      %dma_wait3A_325 = arith.constant 0 : i32
      %dma_wait3A_326 = tpu.memref_slice %arg5[%dma_wait3A_321, %dma_wait3A_325] : memref<16x128xi32, #tpu.memory_space<vmem>> -> memref<1x128xi32, #tpu.memory_space<vmem>>
      %dma_wait3A_327 = tpu.memref_squeeze %dma_wait3A_326 : memref<1x128xi32, #tpu.memory_space<vmem>> -> memref<128xi32, #tpu.memory_space<vmem>>
      %dma_wait3A_328 = arith.constant 0 : i32
      %dma_wait3A_329 = arith.constant 0 : i32
      %dma_wait3A_330 = tpu.memref_slice %arg3[%dma_wait3A_328, %dma_wait3A_329] : memref<1000000x32xf32, #tpu.memory_space<hbm>> -> memref<1000000x32xf32, #tpu.memory_space<hbm>>
      tpu.wait_indirect_dma semaphore(%arg10 : memref<!tpu.dma_semaphore, #tpu.memory_space<semaphore_mem>>) src(%dma_wait3A_330 : memref<1000000x32xf32, #tpu.memory_space<hbm>>) dst(%dma_wait3A_324 : memref<128x32xf32, #tpu.memory_space<vmem>>)
      %dma_wait3A_331 = arith.constant 15 : i32
      %dma_wait3A_332 = arith.constant 1528 : i32
      %dma_wait3A_333 = arith.constant 0 : i32
      %dma_wait3A_334 = tpu.memref_slice %arg7[%dma_wait3A_332, %dma_wait3A_333] : memref<1600x32xf32, #tpu.memory_space<vmem>> -> memref<72x32xf32, #tpu.memory_space<vmem>>
      %dma_wait3A_335 = arith.constant 0 : i32
      %dma_wait3A_336 = tpu.memref_slice %arg5[%dma_wait3A_331, %dma_wait3A_335] : memref<16x128xi32, #tpu.memory_space<vmem>> -> memref<1x72xi32, #tpu.memory_space<vmem>>
      %dma_wait3A_337 = tpu.memref_squeeze %dma_wait3A_336 : memref<1x72xi32, #tpu.memory_space<vmem>> -> memref<72xi32, #tpu.memory_space<vmem>>
      %dma_wait3A_338 = arith.constant 0 : i32
      %dma_wait3A_339 = arith.constant 0 : i32
      %dma_wait3A_340 = tpu.memref_slice %arg3[%dma_wait3A_338, %dma_wait3A_339] : memref<1000000x32xf32, #tpu.memory_space<hbm>> -> memref<1000000x32xf32, #tpu.memory_space<hbm>>
      tpu.wait_indirect_dma semaphore(%arg10 : memref<!tpu.dma_semaphore, #tpu.memory_space<semaphore_mem>>) src(%dma_wait3A_340 : memref<1000000x32xf32, #tpu.memory_space<hbm>>) dst(%dma_wait3A_334 : memref<72x32xf32, #tpu.memory_space<vmem>>)
      %add3A_341 = arith.constant 1 : i32
      %add3A_342 = arith.addi %add3A_181, %add3A_341 : i32
      %lt3A = arith.constant 64 : i32
      %lt3A_343 = arith.cmpi slt, %add3A_342, %lt3A : i32
      %convert_element_type3A = arith.extui %lt3A_343 : i1 to i32
      %cond3A = arith.constant 0 : i32
      %cond3A_344 = arith.cmpi ne, %convert_element_type3A, %cond3A : i32
      scf.if %cond3A_344 {
        %dma_wait3A_948 = arith.constant 0 : i32
        %dma_wait3A_949 = arith.constant 0 : i32
        %dma_wait3A_950 = tpu.memref_slice %arg2[%dma_wait3A_948, %dma_wait3A_949] : memref<32768x128xi32, #tpu.memory_space<hbm>> -> memref<16x128xi32, #tpu.memory_space<hbm>>
        %dma_wait3A_951 = arith.constant 0 : i32
        %dma_wait3A_952 = arith.constant 0 : i32
        %dma_wait3A_953 = tpu.memref_slice %arg2[%dma_wait3A_951, %dma_wait3A_952] : memref<32768x128xi32, #tpu.memory_space<hbm>> -> memref<16x128xi32, #tpu.memory_space<hbm>>
        tpu.wait_dma2 semaphore(%arg13 : memref<!tpu.dma_semaphore, #tpu.memory_space<semaphore_mem>>) src(%dma_wait3A_953 : memref<16x128xi32, #tpu.memory_space<hbm>>) dst(%arg6 : memref<16x128xi32, #tpu.memory_space<vmem>>)
        %dma_start3A_954 = arith.constant 0 : i32
        %dma_start3A_955 = arith.constant 0 : i32
        %dma_start3A_956 = arith.constant 0 : i32
        %dma_start3A_957 = tpu.memref_slice %arg8[%dma_start3A_955, %dma_start3A_956] : memref<1600x32xf32, #tpu.memory_space<vmem>> -> memref<128x32xf32, #tpu.memory_space<vmem>>
        %dma_start3A_958 = arith.constant 0 : i32
        %dma_start3A_959 = tpu.memref_slice %arg6[%dma_start3A_954, %dma_start3A_958] : memref<16x128xi32, #tpu.memory_space<vmem>> -> memref<1x128xi32, #tpu.memory_space<vmem>>
        %dma_start3A_960 = tpu.memref_squeeze %dma_start3A_959 : memref<1x128xi32, #tpu.memory_space<vmem>> -> memref<128xi32, #tpu.memory_space<vmem>>
        %dma_start3A_961 = arith.constant 0 : i32
        %dma_start3A_962 = arith.constant 0 : i32
        %dma_start3A_963 = tpu.memref_slice %arg3[%dma_start3A_961, %dma_start3A_962] : memref<1000000x32xf32, #tpu.memory_space<hbm>> -> memref<1000000x32xf32, #tpu.memory_space<hbm>>
        tpu.enqueue_indirect_dma source(%dma_start3A_963 : memref<1000000x32xf32, #tpu.memory_space<hbm>>) target(%dma_start3A_957 : memref<128x32xf32, #tpu.memory_space<vmem>>) offsets(%dma_start3A_960 : memref<128xi32, #tpu.memory_space<vmem>>) semaphore(%arg11 : memref<!tpu.dma_semaphore, #tpu.memory_space<semaphore_mem>>)
        %dma_start3A_964 = arith.constant 1 : i32
        %dma_start3A_965 = arith.constant 128 : i32
        %dma_start3A_966 = arith.constant 0 : i32
        %dma_start3A_967 = tpu.memref_slice %arg8[%dma_start3A_965, %dma_start3A_966] : memref<1600x32xf32, #tpu.memory_space<vmem>> -> memref<72x32xf32, #tpu.memory_space<vmem>>
        %dma_start3A_968 = arith.constant 0 : i32
        %dma_start3A_969 = tpu.memref_slice %arg6[%dma_start3A_964, %dma_start3A_968] : memref<16x128xi32, #tpu.memory_space<vmem>> -> memref<1x72xi32, #tpu.memory_space<vmem>>
        %dma_start3A_970 = tpu.memref_squeeze %dma_start3A_969 : memref<1x72xi32, #tpu.memory_space<vmem>> -> memref<72xi32, #tpu.memory_space<vmem>>
        %dma_start3A_971 = arith.constant 0 : i32
        %dma_start3A_972 = arith.constant 0 : i32
        %dma_start3A_973 = tpu.memref_slice %arg3[%dma_start3A_971, %dma_start3A_972] : memref<1000000x32xf32, #tpu.memory_space<hbm>> -> memref<1000000x32xf32, #tpu.memory_space<hbm>>
        tpu.enqueue_indirect_dma source(%dma_start3A_973 : memref<1000000x32xf32, #tpu.memory_space<hbm>>) target(%dma_start3A_967 : memref<72x32xf32, #tpu.memory_space<vmem>>) offsets(%dma_start3A_970 : memref<72xi32, #tpu.memory_space<vmem>>) semaphore(%arg11 : memref<!tpu.dma_semaphore, #tpu.memory_space<semaphore_mem>>)
        %dma_start3A_974 = arith.constant 2 : i32
        %dma_start3A_975 = arith.constant 200 : i32
        %dma_start3A_976 = arith.constant 0 : i32
        %dma_start3A_977 = tpu.memref_slice %arg8[%dma_start3A_975, %dma_start3A_976] : memref<1600x32xf32, #tpu.memory_space<vmem>> -> memref<128x32xf32, #tpu.memory_space<vmem>>
        %dma_start3A_978 = arith.constant 0 : i32
        %dma_start3A_979 = tpu.memref_slice %arg6[%dma_start3A_974, %dma_start3A_978] : memref<16x128xi32, #tpu.memory_space<vmem>> -> memref<1x128xi32, #tpu.memory_space<vmem>>
        %dma_start3A_980 = tpu.memref_squeeze %dma_start3A_979 : memref<1x128xi32, #tpu.memory_space<vmem>> -> memref<128xi32, #tpu.memory_space<vmem>>
        %dma_start3A_981 = arith.constant 0 : i32
        %dma_start3A_982 = arith.constant 0 : i32
        %dma_start3A_983 = tpu.memref_slice %arg3[%dma_start3A_981, %dma_start3A_982] : memref<1000000x32xf32, #tpu.memory_space<hbm>> -> memref<1000000x32xf32, #tpu.memory_space<hbm>>
        tpu.enqueue_indirect_dma source(%dma_start3A_983 : memref<1000000x32xf32, #tpu.memory_space<hbm>>) target(%dma_start3A_977 : memref<128x32xf32, #tpu.memory_space<vmem>>) offsets(%dma_start3A_980 : memref<128xi32, #tpu.memory_space<vmem>>) semaphore(%arg11 : memref<!tpu.dma_semaphore, #tpu.memory_space<semaphore_mem>>)
        %dma_start3A_984 = arith.constant 3 : i32
        %dma_start3A_985 = arith.constant 328 : i32
        %dma_start3A_986 = arith.constant 0 : i32
        %dma_start3A_987 = tpu.memref_slice %arg8[%dma_start3A_985, %dma_start3A_986] : memref<1600x32xf32, #tpu.memory_space<vmem>> -> memref<72x32xf32, #tpu.memory_space<vmem>>
        %dma_start3A_988 = arith.constant 0 : i32
        %dma_start3A_989 = tpu.memref_slice %arg6[%dma_start3A_984, %dma_start3A_988] : memref<16x128xi32, #tpu.memory_space<vmem>> -> memref<1x72xi32, #tpu.memory_space<vmem>>
        %dma_start3A_990 = tpu.memref_squeeze %dma_start3A_989 : memref<1x72xi32, #tpu.memory_space<vmem>> -> memref<72xi32, #tpu.memory_space<vmem>>
        %dma_start3A_991 = arith.constant 0 : i32
        %dma_start3A_992 = arith.constant 0 : i32
        %dma_start3A_993 = tpu.memref_slice %arg3[%dma_start3A_991, %dma_start3A_992] : memref<1000000x32xf32, #tpu.memory_space<hbm>> -> memref<1000000x32xf32, #tpu.memory_space<hbm>>
        tpu.enqueue_indirect_dma source(%dma_start3A_993 : memref<1000000x32xf32, #tpu.memory_space<hbm>>) target(%dma_start3A_987 : memref<72x32xf32, #tpu.memory_space<vmem>>) offsets(%dma_start3A_990 : memref<72xi32, #tpu.memory_space<vmem>>) semaphore(%arg11 : memref<!tpu.dma_semaphore, #tpu.memory_space<semaphore_mem>>)
        %dma_start3A_994 = arith.constant 4 : i32
        %dma_start3A_995 = arith.constant 400 : i32
        %dma_start3A_996 = arith.constant 0 : i32
        %dma_start3A_997 = tpu.memref_slice %arg8[%dma_start3A_995, %dma_start3A_996] : memref<1600x32xf32, #tpu.memory_space<vmem>> -> memref<128x32xf32, #tpu.memory_space<vmem>>
        %dma_start3A_998 = arith.constant 0 : i32
        %dma_start3A_999 = tpu.memref_slice %arg6[%dma_start3A_994, %dma_start3A_998] : memref<16x128xi32, #tpu.memory_space<vmem>> -> memref<1x128xi32, #tpu.memory_space<vmem>>
        %dma_start3A_1000 = tpu.memref_squeeze %dma_start3A_999 : memref<1x128xi32, #tpu.memory_space<vmem>> -> memref<128xi32, #tpu.memory_space<vmem>>
        %dma_start3A_1001 = arith.constant 0 : i32
        %dma_start3A_1002 = arith.constant 0 : i32
        %dma_start3A_1003 = tpu.memref_slice %arg3[%dma_start3A_1001, %dma_start3A_1002] : memref<1000000x32xf32, #tpu.memory_space<hbm>> -> memref<1000000x32xf32, #tpu.memory_space<hbm>>
        tpu.enqueue_indirect_dma source(%dma_start3A_1003 : memref<1000000x32xf32, #tpu.memory_space<hbm>>) target(%dma_start3A_997 : memref<128x32xf32, #tpu.memory_space<vmem>>) offsets(%dma_start3A_1000 : memref<128xi32, #tpu.memory_space<vmem>>) semaphore(%arg11 : memref<!tpu.dma_semaphore, #tpu.memory_space<semaphore_mem>>)
        %dma_start3A_1004 = arith.constant 5 : i32
        %dma_start3A_1005 = arith.constant 528 : i32
        %dma_start3A_1006 = arith.constant 0 : i32
        %dma_start3A_1007 = tpu.memref_slice %arg8[%dma_start3A_1005, %dma_start3A_1006] : memref<1600x32xf32, #tpu.memory_space<vmem>> -> memref<72x32xf32, #tpu.memory_space<vmem>>
        %dma_start3A_1008 = arith.constant 0 : i32
        %dma_start3A_1009 = tpu.memref_slice %arg6[%dma_start3A_1004, %dma_start3A_1008] : memref<16x128xi32, #tpu.memory_space<vmem>> -> memref<1x72xi32, #tpu.memory_space<vmem>>
        %dma_start3A_1010 = tpu.memref_squeeze %dma_start3A_1009 : memref<1x72xi32, #tpu.memory_space<vmem>> -> memref<72xi32, #tpu.memory_space<vmem>>
        %dma_start3A_1011 = arith.constant 0 : i32
        %dma_start3A_1012 = arith.constant 0 : i32
        %dma_start3A_1013 = tpu.memref_slice %arg3[%dma_start3A_1011, %dma_start3A_1012] : memref<1000000x32xf32, #tpu.memory_space<hbm>> -> memref<1000000x32xf32, #tpu.memory_space<hbm>>
        tpu.enqueue_indirect_dma source(%dma_start3A_1013 : memref<1000000x32xf32, #tpu.memory_space<hbm>>) target(%dma_start3A_1007 : memref<72x32xf32, #tpu.memory_space<vmem>>) offsets(%dma_start3A_1010 : memref<72xi32, #tpu.memory_space<vmem>>) semaphore(%arg11 : memref<!tpu.dma_semaphore, #tpu.memory_space<semaphore_mem>>)
        %dma_start3A_1014 = arith.constant 6 : i32
        %dma_start3A_1015 = arith.constant 600 : i32
        %dma_start3A_1016 = arith.constant 0 : i32
        %dma_start3A_1017 = tpu.memref_slice %arg8[%dma_start3A_1015, %dma_start3A_1016] : memref<1600x32xf32, #tpu.memory_space<vmem>> -> memref<128x32xf32, #tpu.memory_space<vmem>>
        %dma_start3A_1018 = arith.constant 0 : i32
        %dma_start3A_1019 = tpu.memref_slice %arg6[%dma_start3A_1014, %dma_start3A_1018] : memref<16x128xi32, #tpu.memory_space<vmem>> -> memref<1x128xi32, #tpu.memory_space<vmem>>
        %dma_start3A_1020 = tpu.memref_squeeze %dma_start3A_1019 : memref<1x128xi32, #tpu.memory_space<vmem>> -> memref<128xi32, #tpu.memory_space<vmem>>
        %dma_start3A_1021 = arith.constant 0 : i32
        %dma_start3A_1022 = arith.constant 0 : i32
        %dma_start3A_1023 = tpu.memref_slice %arg3[%dma_start3A_1021, %dma_start3A_1022] : memref<1000000x32xf32, #tpu.memory_space<hbm>> -> memref<1000000x32xf32, #tpu.memory_space<hbm>>
        tpu.enqueue_indirect_dma source(%dma_start3A_1023 : memref<1000000x32xf32, #tpu.memory_space<hbm>>) target(%dma_start3A_1017 : memref<128x32xf32, #tpu.memory_space<vmem>>) offsets(%dma_start3A_1020 : memref<128xi32, #tpu.memory_space<vmem>>) semaphore(%arg11 : memref<!tpu.dma_semaphore, #tpu.memory_space<semaphore_mem>>)
        %dma_start3A_1024 = arith.constant 7 : i32
        %dma_start3A_1025 = arith.constant 728 : i32
        %dma_start3A_1026 = arith.constant 0 : i32
        %dma_start3A_1027 = tpu.memref_slice %arg8[%dma_start3A_1025, %dma_start3A_1026] : memref<1600x32xf32, #tpu.memory_space<vmem>> -> memref<72x32xf32, #tpu.memory_space<vmem>>
        %dma_start3A_1028 = arith.constant 0 : i32
        %dma_start3A_1029 = tpu.memref_slice %arg6[%dma_start3A_1024, %dma_start3A_1028] : memref<16x128xi32, #tpu.memory_space<vmem>> -> memref<1x72xi32, #tpu.memory_space<vmem>>
        %dma_start3A_1030 = tpu.memref_squeeze %dma_start3A_1029 : memref<1x72xi32, #tpu.memory_space<vmem>> -> memref<72xi32, #tpu.memory_space<vmem>>
        %dma_start3A_1031 = arith.constant 0 : i32
        %dma_start3A_1032 = arith.constant 0 : i32
        %dma_start3A_1033 = tpu.memref_slice %arg3[%dma_start3A_1031, %dma_start3A_1032] : memref<1000000x32xf32, #tpu.memory_space<hbm>> -> memref<1000000x32xf32, #tpu.memory_space<hbm>>
        tpu.enqueue_indirect_dma source(%dma_start3A_1033 : memref<1000000x32xf32, #tpu.memory_space<hbm>>) target(%dma_start3A_1027 : memref<72x32xf32, #tpu.memory_space<vmem>>) offsets(%dma_start3A_1030 : memref<72xi32, #tpu.memory_space<vmem>>) semaphore(%arg11 : memref<!tpu.dma_semaphore, #tpu.memory_space<semaphore_mem>>)
        %dma_start3A_1034 = arith.constant 8 : i32
        %dma_start3A_1035 = arith.constant 800 : i32
        %dma_start3A_1036 = arith.constant 0 : i32
        %dma_start3A_1037 = tpu.memref_slice %arg8[%dma_start3A_1035, %dma_start3A_1036] : memref<1600x32xf32, #tpu.memory_space<vmem>> -> memref<128x32xf32, #tpu.memory_space<vmem>>
        %dma_start3A_1038 = arith.constant 0 : i32
        %dma_start3A_1039 = tpu.memref_slice %arg6[%dma_start3A_1034, %dma_start3A_1038] : memref<16x128xi32, #tpu.memory_space<vmem>> -> memref<1x128xi32, #tpu.memory_space<vmem>>
        %dma_start3A_1040 = tpu.memref_squeeze %dma_start3A_1039 : memref<1x128xi32, #tpu.memory_space<vmem>> -> memref<128xi32, #tpu.memory_space<vmem>>
        %dma_start3A_1041 = arith.constant 0 : i32
        %dma_start3A_1042 = arith.constant 0 : i32
        %dma_start3A_1043 = tpu.memref_slice %arg3[%dma_start3A_1041, %dma_start3A_1042] : memref<1000000x32xf32, #tpu.memory_space<hbm>> -> memref<1000000x32xf32, #tpu.memory_space<hbm>>
        tpu.enqueue_indirect_dma source(%dma_start3A_1043 : memref<1000000x32xf32, #tpu.memory_space<hbm>>) target(%dma_start3A_1037 : memref<128x32xf32, #tpu.memory_space<vmem>>) offsets(%dma_start3A_1040 : memref<128xi32, #tpu.memory_space<vmem>>) semaphore(%arg11 : memref<!tpu.dma_semaphore, #tpu.memory_space<semaphore_mem>>)
        %dma_start3A_1044 = arith.constant 9 : i32
        %dma_start3A_1045 = arith.constant 928 : i32
        %dma_start3A_1046 = arith.constant 0 : i32
        %dma_start3A_1047 = tpu.memref_slice %arg8[%dma_start3A_1045, %dma_start3A_1046] : memref<1600x32xf32, #tpu.memory_space<vmem>> -> memref<72x32xf32, #tpu.memory_space<vmem>>
        %dma_start3A_1048 = arith.constant 0 : i32
        %dma_start3A_1049 = tpu.memref_slice %arg6[%dma_start3A_1044, %dma_start3A_1048] : memref<16x128xi32, #tpu.memory_space<vmem>> -> memref<1x72xi32, #tpu.memory_space<vmem>>
        %dma_start3A_1050 = tpu.memref_squeeze %dma_start3A_1049 : memref<1x72xi32, #tpu.memory_space<vmem>> -> memref<72xi32, #tpu.memory_space<vmem>>
        %dma_start3A_1051 = arith.constant 0 : i32
        %dma_start3A_1052 = arith.constant 0 : i32
        %dma_start3A_1053 = tpu.memref_slice %arg3[%dma_start3A_1051, %dma_start3A_1052] : memref<1000000x32xf32, #tpu.memory_space<hbm>> -> memref<1000000x32xf32, #tpu.memory_space<hbm>>
        tpu.enqueue_indirect_dma source(%dma_start3A_1053 : memref<1000000x32xf32, #tpu.memory_space<hbm>>) target(%dma_start3A_1047 : memref<72x32xf32, #tpu.memory_space<vmem>>) offsets(%dma_start3A_1050 : memref<72xi32, #tpu.memory_space<vmem>>) semaphore(%arg11 : memref<!tpu.dma_semaphore, #tpu.memory_space<semaphore_mem>>)
        %dma_start3A_1054 = arith.constant 10 : i32
        %dma_start3A_1055 = arith.constant 1000 : i32
        %dma_start3A_1056 = arith.constant 0 : i32
        %dma_start3A_1057 = tpu.memref_slice %arg8[%dma_start3A_1055, %dma_start3A_1056] : memref<1600x32xf32, #tpu.memory_space<vmem>> -> memref<128x32xf32, #tpu.memory_space<vmem>>
        %dma_start3A_1058 = arith.constant 0 : i32
        %dma_start3A_1059 = tpu.memref_slice %arg6[%dma_start3A_1054, %dma_start3A_1058] : memref<16x128xi32, #tpu.memory_space<vmem>> -> memref<1x128xi32, #tpu.memory_space<vmem>>
        %dma_start3A_1060 = tpu.memref_squeeze %dma_start3A_1059 : memref<1x128xi32, #tpu.memory_space<vmem>> -> memref<128xi32, #tpu.memory_space<vmem>>
        %dma_start3A_1061 = arith.constant 0 : i32
        %dma_start3A_1062 = arith.constant 0 : i32
        %dma_start3A_1063 = tpu.memref_slice %arg3[%dma_start3A_1061, %dma_start3A_1062] : memref<1000000x32xf32, #tpu.memory_space<hbm>> -> memref<1000000x32xf32, #tpu.memory_space<hbm>>
        tpu.enqueue_indirect_dma source(%dma_start3A_1063 : memref<1000000x32xf32, #tpu.memory_space<hbm>>) target(%dma_start3A_1057 : memref<128x32xf32, #tpu.memory_space<vmem>>) offsets(%dma_start3A_1060 : memref<128xi32, #tpu.memory_space<vmem>>) semaphore(%arg11 : memref<!tpu.dma_semaphore, #tpu.memory_space<semaphore_mem>>)
        %dma_start3A_1064 = arith.constant 11 : i32
        %dma_start3A_1065 = arith.constant 1128 : i32
        %dma_start3A_1066 = arith.constant 0 : i32
        %dma_start3A_1067 = tpu.memref_slice %arg8[%dma_start3A_1065, %dma_start3A_1066] : memref<1600x32xf32, #tpu.memory_space<vmem>> -> memref<72x32xf32, #tpu.memory_space<vmem>>
        %dma_start3A_1068 = arith.constant 0 : i32
        %dma_start3A_1069 = tpu.memref_slice %arg6[%dma_start3A_1064, %dma_start3A_1068] : memref<16x128xi32, #tpu.memory_space<vmem>> -> memref<1x72xi32, #tpu.memory_space<vmem>>
        %dma_start3A_1070 = tpu.memref_squeeze %dma_start3A_1069 : memref<1x72xi32, #tpu.memory_space<vmem>> -> memref<72xi32, #tpu.memory_space<vmem>>
        %dma_start3A_1071 = arith.constant 0 : i32
        %dma_start3A_1072 = arith.constant 0 : i32
        %dma_start3A_1073 = tpu.memref_slice %arg3[%dma_start3A_1071, %dma_start3A_1072] : memref<1000000x32xf32, #tpu.memory_space<hbm>> -> memref<1000000x32xf32, #tpu.memory_space<hbm>>
        tpu.enqueue_indirect_dma source(%dma_start3A_1073 : memref<1000000x32xf32, #tpu.memory_space<hbm>>) target(%dma_start3A_1067 : memref<72x32xf32, #tpu.memory_space<vmem>>) offsets(%dma_start3A_1070 : memref<72xi32, #tpu.memory_space<vmem>>) semaphore(%arg11 : memref<!tpu.dma_semaphore, #tpu.memory_space<semaphore_mem>>)
        %dma_start3A_1074 = arith.constant 12 : i32
        %dma_start3A_1075 = arith.constant 1200 : i32
        %dma_start3A_1076 = arith.constant 0 : i32
        %dma_start3A_1077 = tpu.memref_slice %arg8[%dma_start3A_1075, %dma_start3A_1076] : memref<1600x32xf32, #tpu.memory_space<vmem>> -> memref<128x32xf32, #tpu.memory_space<vmem>>
        %dma_start3A_1078 = arith.constant 0 : i32
        %dma_start3A_1079 = tpu.memref_slice %arg6[%dma_start3A_1074, %dma_start3A_1078] : memref<16x128xi32, #tpu.memory_space<vmem>> -> memref<1x128xi32, #tpu.memory_space<vmem>>
        %dma_start3A_1080 = tpu.memref_squeeze %dma_start3A_1079 : memref<1x128xi32, #tpu.memory_space<vmem>> -> memref<128xi32, #tpu.memory_space<vmem>>
        %dma_start3A_1081 = arith.constant 0 : i32
        %dma_start3A_1082 = arith.constant 0 : i32
        %dma_start3A_1083 = tpu.memref_slice %arg3[%dma_start3A_1081, %dma_start3A_1082] : memref<1000000x32xf32, #tpu.memory_space<hbm>> -> memref<1000000x32xf32, #tpu.memory_space<hbm>>
        tpu.enqueue_indirect_dma source(%dma_start3A_1083 : memref<1000000x32xf32, #tpu.memory_space<hbm>>) target(%dma_start3A_1077 : memref<128x32xf32, #tpu.memory_space<vmem>>) offsets(%dma_start3A_1080 : memref<128xi32, #tpu.memory_space<vmem>>) semaphore(%arg11 : memref<!tpu.dma_semaphore, #tpu.memory_space<semaphore_mem>>)
        %dma_start3A_1084 = arith.constant 13 : i32
        %dma_start3A_1085 = arith.constant 1328 : i32
        %dma_start3A_1086 = arith.constant 0 : i32
        %dma_start3A_1087 = tpu.memref_slice %arg8[%dma_start3A_1085, %dma_start3A_1086] : memref<1600x32xf32, #tpu.memory_space<vmem>> -> memref<72x32xf32, #tpu.memory_space<vmem>>
        %dma_start3A_1088 = arith.constant 0 : i32
        %dma_start3A_1089 = tpu.memref_slice %arg6[%dma_start3A_1084, %dma_start3A_1088] : memref<16x128xi32, #tpu.memory_space<vmem>> -> memref<1x72xi32, #tpu.memory_space<vmem>>
        %dma_start3A_1090 = tpu.memref_squeeze %dma_start3A_1089 : memref<1x72xi32, #tpu.memory_space<vmem>> -> memref<72xi32, #tpu.memory_space<vmem>>
        %dma_start3A_1091 = arith.constant 0 : i32
        %dma_start3A_1092 = arith.constant 0 : i32
        %dma_start3A_1093 = tpu.memref_slice %arg3[%dma_start3A_1091, %dma_start3A_1092] : memref<1000000x32xf32, #tpu.memory_space<hbm>> -> memref<1000000x32xf32, #tpu.memory_space<hbm>>
        tpu.enqueue_indirect_dma source(%dma_start3A_1093 : memref<1000000x32xf32, #tpu.memory_space<hbm>>) target(%dma_start3A_1087 : memref<72x32xf32, #tpu.memory_space<vmem>>) offsets(%dma_start3A_1090 : memref<72xi32, #tpu.memory_space<vmem>>) semaphore(%arg11 : memref<!tpu.dma_semaphore, #tpu.memory_space<semaphore_mem>>)
        %dma_start3A_1094 = arith.constant 14 : i32
        %dma_start3A_1095 = arith.constant 1400 : i32
        %dma_start3A_1096 = arith.constant 0 : i32
        %dma_start3A_1097 = tpu.memref_slice %arg8[%dma_start3A_1095, %dma_start3A_1096] : memref<1600x32xf32, #tpu.memory_space<vmem>> -> memref<128x32xf32, #tpu.memory_space<vmem>>
        %dma_start3A_1098 = arith.constant 0 : i32
        %dma_start3A_1099 = tpu.memref_slice %arg6[%dma_start3A_1094, %dma_start3A_1098] : memref<16x128xi32, #tpu.memory_space<vmem>> -> memref<1x128xi32, #tpu.memory_space<vmem>>
        %dma_start3A_1100 = tpu.memref_squeeze %dma_start3A_1099 : memref<1x128xi32, #tpu.memory_space<vmem>> -> memref<128xi32, #tpu.memory_space<vmem>>
        %dma_start3A_1101 = arith.constant 0 : i32
        %dma_start3A_1102 = arith.constant 0 : i32
        %dma_start3A_1103 = tpu.memref_slice %arg3[%dma_start3A_1101, %dma_start3A_1102] : memref<1000000x32xf32, #tpu.memory_space<hbm>> -> memref<1000000x32xf32, #tpu.memory_space<hbm>>
        tpu.enqueue_indirect_dma source(%dma_start3A_1103 : memref<1000000x32xf32, #tpu.memory_space<hbm>>) target(%dma_start3A_1097 : memref<128x32xf32, #tpu.memory_space<vmem>>) offsets(%dma_start3A_1100 : memref<128xi32, #tpu.memory_space<vmem>>) semaphore(%arg11 : memref<!tpu.dma_semaphore, #tpu.memory_space<semaphore_mem>>)
        %dma_start3A_1104 = arith.constant 15 : i32
        %dma_start3A_1105 = arith.constant 1528 : i32
        %dma_start3A_1106 = arith.constant 0 : i32
        %dma_start3A_1107 = tpu.memref_slice %arg8[%dma_start3A_1105, %dma_start3A_1106] : memref<1600x32xf32, #tpu.memory_space<vmem>> -> memref<72x32xf32, #tpu.memory_space<vmem>>
        %dma_start3A_1108 = arith.constant 0 : i32
        %dma_start3A_1109 = tpu.memref_slice %arg6[%dma_start3A_1104, %dma_start3A_1108] : memref<16x128xi32, #tpu.memory_space<vmem>> -> memref<1x72xi32, #tpu.memory_space<vmem>>
        %dma_start3A_1110 = tpu.memref_squeeze %dma_start3A_1109 : memref<1x72xi32, #tpu.memory_space<vmem>> -> memref<72xi32, #tpu.memory_space<vmem>>
        %dma_start3A_1111 = arith.constant 0 : i32
        %dma_start3A_1112 = arith.constant 0 : i32
        %dma_start3A_1113 = tpu.memref_slice %arg3[%dma_start3A_1111, %dma_start3A_1112] : memref<1000000x32xf32, #tpu.memory_space<hbm>> -> memref<1000000x32xf32, #tpu.memory_space<hbm>>
        tpu.enqueue_indirect_dma source(%dma_start3A_1113 : memref<1000000x32xf32, #tpu.memory_space<hbm>>) target(%dma_start3A_1107 : memref<72x32xf32, #tpu.memory_space<vmem>>) offsets(%dma_start3A_1110 : memref<72xi32, #tpu.memory_space<vmem>>) semaphore(%arg11 : memref<!tpu.dma_semaphore, #tpu.memory_space<semaphore_mem>>)
      } else {
      }
      %add3A_345 = arith.constant 2 : i32
      %add3A_346 = arith.addi %add3A_181, %add3A_345 : i32
      %lt3A_347 = arith.constant 64 : i32
      %lt3A_348 = arith.cmpi slt, %add3A_346, %lt3A_347 : i32
      %convert_element_type3A_349 = arith.extui %lt3A_348 : i1 to i32
      %cond3A_350 = arith.constant 0 : i32
      %cond3A_351 = arith.cmpi ne, %convert_element_type3A_349, %cond3A_350 : i32
      scf.if %cond3A_351 {
        %add3A_948 = arith.constant 2 : i32
        %add3A_949 = arith.addi %add3A_181, %add3A_948 : i32
        %mul3A_950 = arith.constant 8 : i32
        %mul3A_951 = arith.muli %add3A_949, %mul3A_950 : i32
        %add3A_952 = arith.addi %mul3A_2, %mul3A_951 : i32
        %mul3A_953 = arith.constant 2 : i32
        %mul3A_954 = arith.muli %mul3A_953, %add3A_952 : i32
        %dma_start3A_955 = arith.constant 0 : i32
        %dma_start3A_956 = tpu.memref_slice %arg2[%mul3A_954, %dma_start3A_955] : memref<32768x128xi32, #tpu.memory_space<hbm>> -> memref<16x128xi32, #tpu.memory_space<hbm>>
        %dma_start3A_957 = arith.constant 0 : i32
        %dma_start3A_958 = tpu.memref_slice %arg2[%mul3A_954, %dma_start3A_957] : memref<32768x128xi32, #tpu.memory_space<hbm>> -> memref<16x128xi32, #tpu.memory_space<hbm>>
        tpu.enqueue_dma source(%dma_start3A_958 : memref<16x128xi32, #tpu.memory_space<hbm>>) target(%arg5 : memref<16x128xi32, #tpu.memory_space<vmem>>) target_semaphore(%arg12 : memref<!tpu.dma_semaphore, #tpu.memory_space<semaphore_mem>>)
      } else {
      }
      %broadcast_in_dim3A = arith.constant 0.000000e+00 : f32
      %broadcast_in_dim3A_352 = vector.broadcast %broadcast_in_dim3A : f32 to vector<16xf32>
      %scan3A_353 = arith.constant 0 : i32
      %scan3A_354 = arith.constant 50 : i32
      %scan3A_355 = arith.addi %scan3A_353, %scan3A_354 : i32
      %scan3A_356 = arith.constant 2 : i32
      %scan3A_357:8 = scf.for %scan3A_948 = %scan3A_353 to %scan3A_355 step %scan3A_356 iter_args(%scan3A_949 = %broadcast_in_dim3A_352, %scan3A_950 = %broadcast_in_dim3A_352, %scan3A_951 = %broadcast_in_dim3A_352, %scan3A_952 = %broadcast_in_dim3A_352, %scan3A_953 = %broadcast_in_dim3A_352, %scan3A_954 = %broadcast_in_dim3A_352, %scan3A_955 = %broadcast_in_dim3A_352, %scan3A_956 = %broadcast_in_dim3A_352) -> (vector<16xf32>, vector<16xf32>, vector<16xf32>, vector<16xf32>, vector<16xf32>, vector<16xf32>, vector<16xf32>, vector<16xf32>)  : i32 {
        %mul3A_957 = arith.constant 4 : i32
        %mul3A_958 = arith.muli %scan3A_948, %mul3A_957 : i32
        %add3A_959 = arith.constant 0 : i32
        %add3A_960 = arith.addi %add3A_959, %mul3A_958 : i32
        %add3A_961 = arith.constant 0 : i32
        %add3A_962 = arith.addi %add3A_960, %add3A_961 : i32
        %get3A = arith.index_cast %add3A_962 : i32 to index
        %get3A_963 = arith.constant 0 : index
        %get3A_964 = tpu.vector_load %arg7[%get3A, %get3A_963] {strides = array<i32>} : memref<1600x32xf32, #tpu.memory_space<vmem>>, vector<1x16xf32>,
        %get3A_965 = vector.shape_cast %get3A_964 : vector<1x16xf32> to vector<16xf32>
        %add3A_966 = arith.addf %scan3A_949, %get3A_965 : vector<16xf32>
        %get3A_967 = arith.index_cast %add3A_962 : i32 to index
        %get3A_968 = arith.constant 16 : index
        %get3A_969 = tpu.vector_load %arg7[%get3A_967, %get3A_968] {strides = array<i32>} : memref<1600x32xf32, #tpu.memory_space<vmem>>, vector<1x16xf32>,
        %get3A_970 = vector.shape_cast %get3A_969 : vector<1x16xf32> to vector<16xf32>
        %add3A_971 = arith.addf %scan3A_950, %get3A_970 : vector<16xf32>
        %mul3A_972 = arith.constant 4 : i32
        %mul3A_973 = arith.muli %scan3A_948, %mul3A_972 : i32
        %add3A_974 = arith.constant 0 : i32
        %add3A_975 = arith.addi %add3A_974, %mul3A_973 : i32
        %add3A_976 = arith.constant 1 : i32
        %add3A_977 = arith.addi %add3A_975, %add3A_976 : i32
        %get3A_978 = arith.index_cast %add3A_977 : i32 to index
        %get3A_979 = arith.constant 0 : index
        %get3A_980 = tpu.vector_load %arg7[%get3A_978, %get3A_979] {strides = array<i32>} : memref<1600x32xf32, #tpu.memory_space<vmem>>, vector<1x16xf32>,
        %get3A_981 = vector.shape_cast %get3A_980 : vector<1x16xf32> to vector<16xf32>
        %add3A_982 = arith.addf %scan3A_951, %get3A_981 : vector<16xf32>
        %get3A_983 = arith.index_cast %add3A_977 : i32 to index
        %get3A_984 = arith.constant 16 : index
        %get3A_985 = tpu.vector_load %arg7[%get3A_983, %get3A_984] {strides = array<i32>} : memref<1600x32xf32, #tpu.memory_space<vmem>>, vector<1x16xf32>,
        %get3A_986 = vector.shape_cast %get3A_985 : vector<1x16xf32> to vector<16xf32>
        %add3A_987 = arith.addf %scan3A_952, %get3A_986 : vector<16xf32>
        %mul3A_988 = arith.constant 4 : i32
        %mul3A_989 = arith.muli %scan3A_948, %mul3A_988 : i32
        %add3A_990 = arith.constant 0 : i32
        %add3A_991 = arith.addi %add3A_990, %mul3A_989 : i32
        %add3A_992 = arith.constant 2 : i32
        %add3A_993 = arith.addi %add3A_991, %add3A_992 : i32
        %get3A_994 = arith.index_cast %add3A_993 : i32 to index
        %get3A_995 = arith.constant 0 : index
        %get3A_996 = tpu.vector_load %arg7[%get3A_994, %get3A_995] {strides = array<i32>} : memref<1600x32xf32, #tpu.memory_space<vmem>>, vector<1x16xf32>,
        %get3A_997 = vector.shape_cast %get3A_996 : vector<1x16xf32> to vector<16xf32>
        %add3A_998 = arith.addf %scan3A_953, %get3A_997 : vector<16xf32>
        %get3A_999 = arith.index_cast %add3A_993 : i32 to index
        %get3A_1000 = arith.constant 16 : index
        %get3A_1001 = tpu.vector_load %arg7[%get3A_999, %get3A_1000] {strides = array<i32>} : memref<1600x32xf32, #tpu.memory_space<vmem>>, vector<1x16xf32>,
        %get3A_1002 = vector.shape_cast %get3A_1001 : vector<1x16xf32> to vector<16xf32>
        %add3A_1003 = arith.addf %scan3A_954, %get3A_1002 : vector<16xf32>
        %mul3A_1004 = arith.constant 4 : i32
        %mul3A_1005 = arith.muli %scan3A_948, %mul3A_1004 : i32
        %add3A_1006 = arith.constant 0 : i32
        %add3A_1007 = arith.addi %add3A_1006, %mul3A_1005 : i32
        %add3A_1008 = arith.constant 3 : i32
        %add3A_1009 = arith.addi %add3A_1007, %add3A_1008 : i32
        %get3A_1010 = arith.index_cast %add3A_1009 : i32 to index
        %get3A_1011 = arith.constant 0 : index
        %get3A_1012 = tpu.vector_load %arg7[%get3A_1010, %get3A_1011] {strides = array<i32>} : memref<1600x32xf32, #tpu.memory_space<vmem>>, vector<1x16xf32>,
        %get3A_1013 = vector.shape_cast %get3A_1012 : vector<1x16xf32> to vector<16xf32>
        %add3A_1014 = arith.addf %scan3A_955, %get3A_1013 : vector<16xf32>
        %get3A_1015 = arith.index_cast %add3A_1009 : i32 to index
        %get3A_1016 = arith.constant 16 : index
        %get3A_1017 = tpu.vector_load %arg7[%get3A_1015, %get3A_1016] {strides = array<i32>} : memref<1600x32xf32, #tpu.memory_space<vmem>>, vector<1x16xf32>,
        %get3A_1018 = vector.shape_cast %get3A_1017 : vector<1x16xf32> to vector<16xf32>
        %add3A_1019 = arith.addf %scan3A_956, %get3A_1018 : vector<16xf32>
        %scan3A_1020 = arith.constant 1 : i32
        %scan3A_1021 = arith.addi %scan3A_948, %scan3A_1020 : i32
        %mul3A_1022 = arith.constant 4 : i32
        %mul3A_1023 = arith.muli %scan3A_1021, %mul3A_1022 : i32
        %add3A_1024 = arith.constant 0 : i32
        %add3A_1025 = arith.addi %add3A_1024, %mul3A_1023 : i32
        %add3A_1026 = arith.constant 0 : i32
        %add3A_1027 = arith.addi %add3A_1025, %add3A_1026 : i32
        %get3A_1028 = arith.index_cast %add3A_1027 : i32 to index
        %get3A_1029 = arith.constant 0 : index
        %get3A_1030 = tpu.vector_load %arg7[%get3A_1028, %get3A_1029] {strides = array<i32>} : memref<1600x32xf32, #tpu.memory_space<vmem>>, vector<1x16xf32>,
        %get3A_1031 = vector.shape_cast %get3A_1030 : vector<1x16xf32> to vector<16xf32>
        %add3A_1032 = arith.addf %add3A_966, %get3A_1031 : vector<16xf32>
        %get3A_1033 = arith.index_cast %add3A_1027 : i32 to index
        %get3A_1034 = arith.constant 16 : index
        %get3A_1035 = tpu.vector_load %arg7[%get3A_1033, %get3A_1034] {strides = array<i32>} : memref<1600x32xf32, #tpu.memory_space<vmem>>, vector<1x16xf32>,
        %get3A_1036 = vector.shape_cast %get3A_1035 : vector<1x16xf32> to vector<16xf32>
        %add3A_1037 = arith.addf %add3A_971, %get3A_1036 : vector<16xf32>
        %mul3A_1038 = arith.constant 4 : i32
        %mul3A_1039 = arith.muli %scan3A_1021, %mul3A_1038 : i32
        %add3A_1040 = arith.constant 0 : i32
        %add3A_1041 = arith.addi %add3A_1040, %mul3A_1039 : i32
        %add3A_1042 = arith.constant 1 : i32
        %add3A_1043 = arith.addi %add3A_1041, %add3A_1042 : i32
        %get3A_1044 = arith.index_cast %add3A_1043 : i32 to index
        %get3A_1045 = arith.constant 0 : index
        %get3A_1046 = tpu.vector_load %arg7[%get3A_1044, %get3A_1045] {strides = array<i32>} : memref<1600x32xf32, #tpu.memory_space<vmem>>, vector<1x16xf32>,
        %get3A_1047 = vector.shape_cast %get3A_1046 : vector<1x16xf32> to vector<16xf32>
        %add3A_1048 = arith.addf %add3A_982, %get3A_1047 : vector<16xf32>
        %get3A_1049 = arith.index_cast %add3A_1043 : i32 to index
        %get3A_1050 = arith.constant 16 : index
        %get3A_1051 = tpu.vector_load %arg7[%get3A_1049, %get3A_1050] {strides = array<i32>} : memref<1600x32xf32, #tpu.memory_space<vmem>>, vector<1x16xf32>,
        %get3A_1052 = vector.shape_cast %get3A_1051 : vector<1x16xf32> to vector<16xf32>
        %add3A_1053 = arith.addf %add3A_987, %get3A_1052 : vector<16xf32>
        %mul3A_1054 = arith.constant 4 : i32
        %mul3A_1055 = arith.muli %scan3A_1021, %mul3A_1054 : i32
        %add3A_1056 = arith.constant 0 : i32
        %add3A_1057 = arith.addi %add3A_1056, %mul3A_1055 : i32
        %add3A_1058 = arith.constant 2 : i32
        %add3A_1059 = arith.addi %add3A_1057, %add3A_1058 : i32
        %get3A_1060 = arith.index_cast %add3A_1059 : i32 to index
        %get3A_1061 = arith.constant 0 : index
        %get3A_1062 = tpu.vector_load %arg7[%get3A_1060, %get3A_1061] {strides = array<i32>} : memref<1600x32xf32, #tpu.memory_space<vmem>>, vector<1x16xf32>,
        %get3A_1063 = vector.shape_cast %get3A_1062 : vector<1x16xf32> to vector<16xf32>
        %add3A_1064 = arith.addf %add3A_998, %get3A_1063 : vector<16xf32>
        %get3A_1065 = arith.index_cast %add3A_1059 : i32 to index
        %get3A_1066 = arith.constant 16 : index
        %get3A_1067 = tpu.vector_load %arg7[%get3A_1065, %get3A_1066] {strides = array<i32>} : memref<1600x32xf32, #tpu.memory_space<vmem>>, vector<1x16xf32>,
        %get3A_1068 = vector.shape_cast %get3A_1067 : vector<1x16xf32> to vector<16xf32>
        %add3A_1069 = arith.addf %add3A_1003, %get3A_1068 : vector<16xf32>
        %mul3A_1070 = arith.constant 4 : i32
        %mul3A_1071 = arith.muli %scan3A_1021, %mul3A_1070 : i32
        %add3A_1072 = arith.constant 0 : i32
        %add3A_1073 = arith.addi %add3A_1072, %mul3A_1071 : i32
        %add3A_1074 = arith.constant 3 : i32
        %add3A_1075 = arith.addi %add3A_1073, %add3A_1074 : i32
        %get3A_1076 = arith.index_cast %add3A_1075 : i32 to index
        %get3A_1077 = arith.constant 0 : index
        %get3A_1078 = tpu.vector_load %arg7[%get3A_1076, %get3A_1077] {strides = array<i32>} : memref<1600x32xf32, #tpu.memory_space<vmem>>, vector<1x16xf32>,
        %get3A_1079 = vector.shape_cast %get3A_1078 : vector<1x16xf32> to vector<16xf32>
        %add3A_1080 = arith.addf %add3A_1014, %get3A_1079 : vector<16xf32>
        %get3A_1081 = arith.index_cast %add3A_1075 : i32 to index
        %get3A_1082 = arith.constant 16 : index
        %get3A_1083 = tpu.vector_load %arg7[%get3A_1081, %get3A_1082] {strides = array<i32>} : memref<1600x32xf32, #tpu.memory_space<vmem>>, vector<1x16xf32>,
        %get3A_1084 = vector.shape_cast %get3A_1083 : vector<1x16xf32> to vector<16xf32>
        %add3A_1085 = arith.addf %add3A_1019, %get3A_1084 : vector<16xf32>
        scf.yield %add3A_1032, %add3A_1037, %add3A_1048, %add3A_1053, %add3A_1064, %add3A_1069, %add3A_1080, %add3A_1085 : vector<16xf32>, vector<16xf32>, vector<16xf32>, vector<16xf32>, vector<16xf32>, vector<16xf32>, vector<16xf32>, vector<16xf32>
      }
      %scan3A_358 = arith.constant 50 : i32
      %add3A_359 = arith.addf %scan3A_357#0, %scan3A_357#2 : vector<16xf32>
      %add3A_360 = arith.addf %scan3A_357#4, %scan3A_357#6 : vector<16xf32>
      %add3A_361 = arith.addf %add3A_359, %add3A_360 : vector<16xf32>
      %add3A_362 = arith.addf %scan3A_357#1, %scan3A_357#3 : vector<16xf32>
      %add3A_363 = arith.addf %scan3A_357#5, %scan3A_357#7 : vector<16xf32>
      %add3A_364 = arith.addf %add3A_362, %add3A_363 : vector<16xf32>
      %mul3A_365 = arith.constant 8 : i32
      %mul3A_366 = arith.muli %add3A_181, %mul3A_365 : i32
      %add3A_367 = arith.constant 0 : i32
      %add3A_368 = arith.addi %mul3A_366, %add3A_367 : i32
      %swap3A = arith.index_cast %add3A_368 : i32 to index
      %swap3A_369 = arith.constant 0 : index
      %swap3A_370 = tpu.vector_load %arg9[%swap3A, %swap3A_369] {strides = array<i32>} : memref<512x32xf32, #tpu.memory_space<vmem>>, vector<1x16xf32>,
      %swap3A_371 = vector.shape_cast %swap3A_370 : vector<1x16xf32> to vector<16xf32>
      %swap3A_372 = vector.shape_cast %add3A_361 : vector<16xf32> to vector<1x16xf32>
      tpu.vector_store %arg9[%swap3A, %swap3A_369], %swap3A_372 {strides = array<i32>} : memref<512x32xf32, #tpu.memory_space<vmem>>, vector<1x16xf32>,
      %swap3A_373 = arith.index_cast %add3A_368 : i32 to index
      %swap3A_374 = arith.constant 16 : index
      %swap3A_375 = tpu.vector_load %arg9[%swap3A_373, %swap3A_374] {strides = array<i32>} : memref<512x32xf32, #tpu.memory_space<vmem>>, vector<1x16xf32>,
      %swap3A_376 = vector.shape_cast %swap3A_375 : vector<1x16xf32> to vector<16xf32>
      %swap3A_377 = vector.shape_cast %add3A_364 : vector<16xf32> to vector<1x16xf32>
      tpu.vector_store %arg9[%swap3A_373, %swap3A_374], %swap3A_377 {strides = array<i32>} : memref<512x32xf32, #tpu.memory_space<vmem>>, vector<1x16xf32>,
      %scan3A_378 = arith.constant 0 : i32
      %scan3A_379 = arith.constant 50 : i32
      %scan3A_380 = arith.addi %scan3A_378, %scan3A_379 : i32
      %scan3A_381 = arith.constant 2 : i32
      %scan3A_382:8 = scf.for %scan3A_948 = %scan3A_378 to %scan3A_380 step %scan3A_381 iter_args(%scan3A_949 = %broadcast_in_dim3A_352, %scan3A_950 = %broadcast_in_dim3A_352, %scan3A_951 = %broadcast_in_dim3A_352, %scan3A_952 = %broadcast_in_dim3A_352, %scan3A_953 = %broadcast_in_dim3A_352, %scan3A_954 = %broadcast_in_dim3A_352, %scan3A_955 = %broadcast_in_dim3A_352, %scan3A_956 = %broadcast_in_dim3A_352) -> (vector<16xf32>, vector<16xf32>, vector<16xf32>, vector<16xf32>, vector<16xf32>, vector<16xf32>, vector<16xf32>, vector<16xf32>)  : i32 {
        %mul3A_957 = arith.constant 4 : i32
        %mul3A_958 = arith.muli %scan3A_948, %mul3A_957 : i32
        %add3A_959 = arith.constant 200 : i32
        %add3A_960 = arith.addi %add3A_959, %mul3A_958 : i32
        %add3A_961 = arith.constant 0 : i32
        %add3A_962 = arith.addi %add3A_960, %add3A_961 : i32
        %get3A = arith.index_cast %add3A_962 : i32 to index
        %get3A_963 = arith.constant 0 : index
        %get3A_964 = tpu.vector_load %arg7[%get3A, %get3A_963] {strides = array<i32>} : memref<1600x32xf32, #tpu.memory_space<vmem>>, vector<1x16xf32>,
        %get3A_965 = vector.shape_cast %get3A_964 : vector<1x16xf32> to vector<16xf32>
        %add3A_966 = arith.addf %scan3A_949, %get3A_965 : vector<16xf32>
        %get3A_967 = arith.index_cast %add3A_962 : i32 to index
        %get3A_968 = arith.constant 16 : index
        %get3A_969 = tpu.vector_load %arg7[%get3A_967, %get3A_968] {strides = array<i32>} : memref<1600x32xf32, #tpu.memory_space<vmem>>, vector<1x16xf32>,
        %get3A_970 = vector.shape_cast %get3A_969 : vector<1x16xf32> to vector<16xf32>
        %add3A_971 = arith.addf %scan3A_950, %get3A_970 : vector<16xf32>
        %mul3A_972 = arith.constant 4 : i32
        %mul3A_973 = arith.muli %scan3A_948, %mul3A_972 : i32
        %add3A_974 = arith.constant 200 : i32
        %add3A_975 = arith.addi %add3A_974, %mul3A_973 : i32
        %add3A_976 = arith.constant 1 : i32
        %add3A_977 = arith.addi %add3A_975, %add3A_976 : i32
        %get3A_978 = arith.index_cast %add3A_977 : i32 to index
        %get3A_979 = arith.constant 0 : index
        %get3A_980 = tpu.vector_load %arg7[%get3A_978, %get3A_979] {strides = array<i32>} : memref<1600x32xf32, #tpu.memory_space<vmem>>, vector<1x16xf32>,
        %get3A_981 = vector.shape_cast %get3A_980 : vector<1x16xf32> to vector<16xf32>
        %add3A_982 = arith.addf %scan3A_951, %get3A_981 : vector<16xf32>
        %get3A_983 = arith.index_cast %add3A_977 : i32 to index
        %get3A_984 = arith.constant 16 : index
        %get3A_985 = tpu.vector_load %arg7[%get3A_983, %get3A_984] {strides = array<i32>} : memref<1600x32xf32, #tpu.memory_space<vmem>>, vector<1x16xf32>,
        %get3A_986 = vector.shape_cast %get3A_985 : vector<1x16xf32> to vector<16xf32>
        %add3A_987 = arith.addf %scan3A_952, %get3A_986 : vector<16xf32>
        %mul3A_988 = arith.constant 4 : i32
        %mul3A_989 = arith.muli %scan3A_948, %mul3A_988 : i32
        %add3A_990 = arith.constant 200 : i32
        %add3A_991 = arith.addi %add3A_990, %mul3A_989 : i32
        %add3A_992 = arith.constant 2 : i32
        %add3A_993 = arith.addi %add3A_991, %add3A_992 : i32
        %get3A_994 = arith.index_cast %add3A_993 : i32 to index
        %get3A_995 = arith.constant 0 : index
        %get3A_996 = tpu.vector_load %arg7[%get3A_994, %get3A_995] {strides = array<i32>} : memref<1600x32xf32, #tpu.memory_space<vmem>>, vector<1x16xf32>,
        %get3A_997 = vector.shape_cast %get3A_996 : vector<1x16xf32> to vector<16xf32>
        %add3A_998 = arith.addf %scan3A_953, %get3A_997 : vector<16xf32>
        %get3A_999 = arith.index_cast %add3A_993 : i32 to index
        %get3A_1000 = arith.constant 16 : index
        %get3A_1001 = tpu.vector_load %arg7[%get3A_999, %get3A_1000] {strides = array<i32>} : memref<1600x32xf32, #tpu.memory_space<vmem>>, vector<1x16xf32>,
        %get3A_1002 = vector.shape_cast %get3A_1001 : vector<1x16xf32> to vector<16xf32>
        %add3A_1003 = arith.addf %scan3A_954, %get3A_1002 : vector<16xf32>
        %mul3A_1004 = arith.constant 4 : i32
        %mul3A_1005 = arith.muli %scan3A_948, %mul3A_1004 : i32
        %add3A_1006 = arith.constant 200 : i32
        %add3A_1007 = arith.addi %add3A_1006, %mul3A_1005 : i32
        %add3A_1008 = arith.constant 3 : i32
        %add3A_1009 = arith.addi %add3A_1007, %add3A_1008 : i32
        %get3A_1010 = arith.index_cast %add3A_1009 : i32 to index
        %get3A_1011 = arith.constant 0 : index
        %get3A_1012 = tpu.vector_load %arg7[%get3A_1010, %get3A_1011] {strides = array<i32>} : memref<1600x32xf32, #tpu.memory_space<vmem>>, vector<1x16xf32>,
        %get3A_1013 = vector.shape_cast %get3A_1012 : vector<1x16xf32> to vector<16xf32>
        %add3A_1014 = arith.addf %scan3A_955, %get3A_1013 : vector<16xf32>
        %get3A_1015 = arith.index_cast %add3A_1009 : i32 to index
        %get3A_1016 = arith.constant 16 : index
        %get3A_1017 = tpu.vector_load %arg7[%get3A_1015, %get3A_1016] {strides = array<i32>} : memref<1600x32xf32, #tpu.memory_space<vmem>>, vector<1x16xf32>,
        %get3A_1018 = vector.shape_cast %get3A_1017 : vector<1x16xf32> to vector<16xf32>
        %add3A_1019 = arith.addf %scan3A_956, %get3A_1018 : vector<16xf32>
        %scan3A_1020 = arith.constant 1 : i32
        %scan3A_1021 = arith.addi %scan3A_948, %scan3A_1020 : i32
        %mul3A_1022 = arith.constant 4 : i32
        %mul3A_1023 = arith.muli %scan3A_1021, %mul3A_1022 : i32
        %add3A_1024 = arith.constant 200 : i32
        %add3A_1025 = arith.addi %add3A_1024, %mul3A_1023 : i32
        %add3A_1026 = arith.constant 0 : i32
        %add3A_1027 = arith.addi %add3A_1025, %add3A_1026 : i32
        %get3A_1028 = arith.index_cast %add3A_1027 : i32 to index
        %get3A_1029 = arith.constant 0 : index
        %get3A_1030 = tpu.vector_load %arg7[%get3A_1028, %get3A_1029] {strides = array<i32>} : memref<1600x32xf32, #tpu.memory_space<vmem>>, vector<1x16xf32>,
        %get3A_1031 = vector.shape_cast %get3A_1030 : vector<1x16xf32> to vector<16xf32>
        %add3A_1032 = arith.addf %add3A_966, %get3A_1031 : vector<16xf32>
        %get3A_1033 = arith.index_cast %add3A_1027 : i32 to index
        %get3A_1034 = arith.constant 16 : index
        %get3A_1035 = tpu.vector_load %arg7[%get3A_1033, %get3A_1034] {strides = array<i32>} : memref<1600x32xf32, #tpu.memory_space<vmem>>, vector<1x16xf32>,
        %get3A_1036 = vector.shape_cast %get3A_1035 : vector<1x16xf32> to vector<16xf32>
        %add3A_1037 = arith.addf %add3A_971, %get3A_1036 : vector<16xf32>
        %mul3A_1038 = arith.constant 4 : i32
        %mul3A_1039 = arith.muli %scan3A_1021, %mul3A_1038 : i32
        %add3A_1040 = arith.constant 200 : i32
        %add3A_1041 = arith.addi %add3A_1040, %mul3A_1039 : i32
        %add3A_1042 = arith.constant 1 : i32
        %add3A_1043 = arith.addi %add3A_1041, %add3A_1042 : i32
        %get3A_1044 = arith.index_cast %add3A_1043 : i32 to index
        %get3A_1045 = arith.constant 0 : index
        %get3A_1046 = tpu.vector_load %arg7[%get3A_1044, %get3A_1045] {strides = array<i32>} : memref<1600x32xf32, #tpu.memory_space<vmem>>, vector<1x16xf32>,
        %get3A_1047 = vector.shape_cast %get3A_1046 : vector<1x16xf32> to vector<16xf32>
        %add3A_1048 = arith.addf %add3A_982, %get3A_1047 : vector<16xf32>
        %get3A_1049 = arith.index_cast %add3A_1043 : i32 to index
        %get3A_1050 = arith.constant 16 : index
        %get3A_1051 = tpu.vector_load %arg7[%get3A_1049, %get3A_1050] {strides = array<i32>} : memref<1600x32xf32, #tpu.memory_space<vmem>>, vector<1x16xf32>,
        %get3A_1052 = vector.shape_cast %get3A_1051 : vector<1x16xf32> to vector<16xf32>
        %add3A_1053 = arith.addf %add3A_987, %get3A_1052 : vector<16xf32>
        %mul3A_1054 = arith.constant 4 : i32
        %mul3A_1055 = arith.muli %scan3A_1021, %mul3A_1054 : i32
        %add3A_1056 = arith.constant 200 : i32
        %add3A_1057 = arith.addi %add3A_1056, %mul3A_1055 : i32
        %add3A_1058 = arith.constant 2 : i32
        %add3A_1059 = arith.addi %add3A_1057, %add3A_1058 : i32
        %get3A_1060 = arith.index_cast %add3A_1059 : i32 to index
        %get3A_1061 = arith.constant 0 : index
        %get3A_1062 = tpu.vector_load %arg7[%get3A_1060, %get3A_1061] {strides = array<i32>} : memref<1600x32xf32, #tpu.memory_space<vmem>>, vector<1x16xf32>,
        %get3A_1063 = vector.shape_cast %get3A_1062 : vector<1x16xf32> to vector<16xf32>
        %add3A_1064 = arith.addf %add3A_998, %get3A_1063 : vector<16xf32>
        %get3A_1065 = arith.index_cast %add3A_1059 : i32 to index
        %get3A_1066 = arith.constant 16 : index
        %get3A_1067 = tpu.vector_load %arg7[%get3A_1065, %get3A_1066] {strides = array<i32>} : memref<1600x32xf32, #tpu.memory_space<vmem>>, vector<1x16xf32>,
        %get3A_1068 = vector.shape_cast %get3A_1067 : vector<1x16xf32> to vector<16xf32>
        %add3A_1069 = arith.addf %add3A_1003, %get3A_1068 : vector<16xf32>
        %mul3A_1070 = arith.constant 4 : i32
        %mul3A_1071 = arith.muli %scan3A_1021, %mul3A_1070 : i32
        %add3A_1072 = arith.constant 200 : i32
        %add3A_1073 = arith.addi %add3A_1072, %mul3A_1071 : i32
        %add3A_1074 = arith.constant 3 : i32
        %add3A_1075 = arith.addi %add3A_1073, %add3A_1074 : i32
        %get3A_1076 = arith.index_cast %add3A_1075 : i32 to index
        %get3A_1077 = arith.constant 0 : index
        %get3A_1078 = tpu.vector_load %arg7[%get3A_1076, %get3A_1077] {strides = array<i32>} : memref<1600x32xf32, #tpu.memory_space<vmem>>, vector<1x16xf32>,
        %get3A_1079 = vector.shape_cast %get3A_1078 : vector<1x16xf32> to vector<16xf32>
        %add3A_1080 = arith.addf %add3A_1014, %get3A_1079 : vector<16xf32>
        %get3A_1081 = arith.index_cast %add3A_1075 : i32 to index
        %get3A_1082 = arith.constant 16 : index
        %get3A_1083 = tpu.vector_load %arg7[%get3A_1081, %get3A_1082] {strides = array<i32>} : memref<1600x32xf32, #tpu.memory_space<vmem>>, vector<1x16xf32>,
        %get3A_1084 = vector.shape_cast %get3A_1083 : vector<1x16xf32> to vector<16xf32>
        %add3A_1085 = arith.addf %add3A_1019, %get3A_1084 : vector<16xf32>
        scf.yield %add3A_1032, %add3A_1037, %add3A_1048, %add3A_1053, %add3A_1064, %add3A_1069, %add3A_1080, %add3A_1085 : vector<16xf32>, vector<16xf32>, vector<16xf32>, vector<16xf32>, vector<16xf32>, vector<16xf32>, vector<16xf32>, vector<16xf32>
      }
      %scan3A_383 = arith.constant 50 : i32
      %add3A_384 = arith.addf %scan3A_382#0, %scan3A_382#2 : vector<16xf32>
      %add3A_385 = arith.addf %scan3A_382#4, %scan3A_382#6 : vector<16xf32>
      %add3A_386 = arith.addf %add3A_384, %add3A_385 : vector<16xf32>
      %add3A_387 = arith.addf %scan3A_382#1, %scan3A_382#3 : vector<16xf32>
      %add3A_388 = arith.addf %scan3A_382#5, %scan3A_382#7 : vector<16xf32>
      %add3A_389 = arith.addf %add3A_387, %add3A_388 : vector<16xf32>
      %mul3A_390 = arith.constant 8 : i32
      %mul3A_391 = arith.muli %add3A_181, %mul3A_390 : i32
      %add3A_392 = arith.constant 1 : i32
      %add3A_393 = arith.addi %mul3A_391, %add3A_392 : i32
      %swap3A_394 = arith.index_cast %add3A_393 : i32 to index
      %swap3A_395 = arith.constant 0 : index
      %swap3A_396 = tpu.vector_load %arg9[%swap3A_394, %swap3A_395] {strides = array<i32>} : memref<512x32xf32, #tpu.memory_space<vmem>>, vector<1x16xf32>,
      %swap3A_397 = vector.shape_cast %swap3A_396 : vector<1x16xf32> to vector<16xf32>
      %swap3A_398 = vector.shape_cast %add3A_386 : vector<16xf32> to vector<1x16xf32>
      tpu.vector_store %arg9[%swap3A_394, %swap3A_395], %swap3A_398 {strides = array<i32>} : memref<512x32xf32, #tpu.memory_space<vmem>>, vector<1x16xf32>,
      %swap3A_399 = arith.index_cast %add3A_393 : i32 to index
      %swap3A_400 = arith.constant 16 : index
      %swap3A_401 = tpu.vector_load %arg9[%swap3A_399, %swap3A_400] {strides = array<i32>} : memref<512x32xf32, #tpu.memory_space<vmem>>, vector<1x16xf32>,
      %swap3A_402 = vector.shape_cast %swap3A_401 : vector<1x16xf32> to vector<16xf32>
      %swap3A_403 = vector.shape_cast %add3A_389 : vector<16xf32> to vector<1x16xf32>
      tpu.vector_store %arg9[%swap3A_399, %swap3A_400], %swap3A_403 {strides = array<i32>} : memref<512x32xf32, #tpu.memory_space<vmem>>, vector<1x16xf32>,
      %scan3A_404 = arith.constant 0 : i32
      %scan3A_405 = arith.constant 50 : i32
      %scan3A_406 = arith.addi %scan3A_404, %scan3A_405 : i32
      %scan3A_407 = arith.constant 2 : i32
      %scan3A_408:8 = scf.for %scan3A_948 = %scan3A_404 to %scan3A_406 step %scan3A_407 iter_args(%scan3A_949 = %broadcast_in_dim3A_352, %scan3A_950 = %broadcast_in_dim3A_352, %scan3A_951 = %broadcast_in_dim3A_352, %scan3A_952 = %broadcast_in_dim3A_352, %scan3A_953 = %broadcast_in_dim3A_352, %scan3A_954 = %broadcast_in_dim3A_352, %scan3A_955 = %broadcast_in_dim3A_352, %scan3A_956 = %broadcast_in_dim3A_352) -> (vector<16xf32>, vector<16xf32>, vector<16xf32>, vector<16xf32>, vector<16xf32>, vector<16xf32>, vector<16xf32>, vector<16xf32>)  : i32 {
        %mul3A_957 = arith.constant 4 : i32
        %mul3A_958 = arith.muli %scan3A_948, %mul3A_957 : i32
        %add3A_959 = arith.constant 400 : i32
        %add3A_960 = arith.addi %add3A_959, %mul3A_958 : i32
        %add3A_961 = arith.constant 0 : i32
        %add3A_962 = arith.addi %add3A_960, %add3A_961 : i32
        %get3A = arith.index_cast %add3A_962 : i32 to index
        %get3A_963 = arith.constant 0 : index
        %get3A_964 = tpu.vector_load %arg7[%get3A, %get3A_963] {strides = array<i32>} : memref<1600x32xf32, #tpu.memory_space<vmem>>, vector<1x16xf32>,
        %get3A_965 = vector.shape_cast %get3A_964 : vector<1x16xf32> to vector<16xf32>
        %add3A_966 = arith.addf %scan3A_949, %get3A_965 : vector<16xf32>
        %get3A_967 = arith.index_cast %add3A_962 : i32 to index
        %get3A_968 = arith.constant 16 : index
        %get3A_969 = tpu.vector_load %arg7[%get3A_967, %get3A_968] {strides = array<i32>} : memref<1600x32xf32, #tpu.memory_space<vmem>>, vector<1x16xf32>,
        %get3A_970 = vector.shape_cast %get3A_969 : vector<1x16xf32> to vector<16xf32>
        %add3A_971 = arith.addf %scan3A_950, %get3A_970 : vector<16xf32>
        %mul3A_972 = arith.constant 4 : i32
        %mul3A_973 = arith.muli %scan3A_948, %mul3A_972 : i32
        %add3A_974 = arith.constant 400 : i32
        %add3A_975 = arith.addi %add3A_974, %mul3A_973 : i32
        %add3A_976 = arith.constant 1 : i32
        %add3A_977 = arith.addi %add3A_975, %add3A_976 : i32
        %get3A_978 = arith.index_cast %add3A_977 : i32 to index
        %get3A_979 = arith.constant 0 : index
        %get3A_980 = tpu.vector_load %arg7[%get3A_978, %get3A_979] {strides = array<i32>} : memref<1600x32xf32, #tpu.memory_space<vmem>>, vector<1x16xf32>,
        %get3A_981 = vector.shape_cast %get3A_980 : vector<1x16xf32> to vector<16xf32>
        %add3A_982 = arith.addf %scan3A_951, %get3A_981 : vector<16xf32>
        %get3A_983 = arith.index_cast %add3A_977 : i32 to index
        %get3A_984 = arith.constant 16 : index
        %get3A_985 = tpu.vector_load %arg7[%get3A_983, %get3A_984] {strides = array<i32>} : memref<1600x32xf32, #tpu.memory_space<vmem>>, vector<1x16xf32>,
        %get3A_986 = vector.shape_cast %get3A_985 : vector<1x16xf32> to vector<16xf32>
        %add3A_987 = arith.addf %scan3A_952, %get3A_986 : vector<16xf32>
        %mul3A_988 = arith.constant 4 : i32
        %mul3A_989 = arith.muli %scan3A_948, %mul3A_988 : i32
        %add3A_990 = arith.constant 400 : i32
        %add3A_991 = arith.addi %add3A_990, %mul3A_989 : i32
        %add3A_992 = arith.constant 2 : i32
        %add3A_993 = arith.addi %add3A_991, %add3A_992 : i32
        %get3A_994 = arith.index_cast %add3A_993 : i32 to index
        %get3A_995 = arith.constant 0 : index
        %get3A_996 = tpu.vector_load %arg7[%get3A_994, %get3A_995] {strides = array<i32>} : memref<1600x32xf32, #tpu.memory_space<vmem>>, vector<1x16xf32>,
        %get3A_997 = vector.shape_cast %get3A_996 : vector<1x16xf32> to vector<16xf32>
        %add3A_998 = arith.addf %scan3A_953, %get3A_997 : vector<16xf32>
        %get3A_999 = arith.index_cast %add3A_993 : i32 to index
        %get3A_1000 = arith.constant 16 : index
        %get3A_1001 = tpu.vector_load %arg7[%get3A_999, %get3A_1000] {strides = array<i32>} : memref<1600x32xf32, #tpu.memory_space<vmem>>, vector<1x16xf32>,
        %get3A_1002 = vector.shape_cast %get3A_1001 : vector<1x16xf32> to vector<16xf32>
        %add3A_1003 = arith.addf %scan3A_954, %get3A_1002 : vector<16xf32>
        %mul3A_1004 = arith.constant 4 : i32
        %mul3A_1005 = arith.muli %scan3A_948, %mul3A_1004 : i32
        %add3A_1006 = arith.constant 400 : i32
        %add3A_1007 = arith.addi %add3A_1006, %mul3A_1005 : i32
        %add3A_1008 = arith.constant 3 : i32
        %add3A_1009 = arith.addi %add3A_1007, %add3A_1008 : i32
        %get3A_1010 = arith.index_cast %add3A_1009 : i32 to index
        %get3A_1011 = arith.constant 0 : index
        %get3A_1012 = tpu.vector_load %arg7[%get3A_1010, %get3A_1011] {strides = array<i32>} : memref<1600x32xf32, #tpu.memory_space<vmem>>, vector<1x16xf32>,
        %get3A_1013 = vector.shape_cast %get3A_1012 : vector<1x16xf32> to vector<16xf32>
        %add3A_1014 = arith.addf %scan3A_955, %get3A_1013 : vector<16xf32>
        %get3A_1015 = arith.index_cast %add3A_1009 : i32 to index
        %get3A_1016 = arith.constant 16 : index
        %get3A_1017 = tpu.vector_load %arg7[%get3A_1015, %get3A_1016] {strides = array<i32>} : memref<1600x32xf32, #tpu.memory_space<vmem>>, vector<1x16xf32>,
        %get3A_1018 = vector.shape_cast %get3A_1017 : vector<1x16xf32> to vector<16xf32>
        %add3A_1019 = arith.addf %scan3A_956, %get3A_1018 : vector<16xf32>
        %scan3A_1020 = arith.constant 1 : i32
        %scan3A_1021 = arith.addi %scan3A_948, %scan3A_1020 : i32
        %mul3A_1022 = arith.constant 4 : i32
        %mul3A_1023 = arith.muli %scan3A_1021, %mul3A_1022 : i32
        %add3A_1024 = arith.constant 400 : i32
        %add3A_1025 = arith.addi %add3A_1024, %mul3A_1023 : i32
        %add3A_1026 = arith.constant 0 : i32
        %add3A_1027 = arith.addi %add3A_1025, %add3A_1026 : i32
        %get3A_1028 = arith.index_cast %add3A_1027 : i32 to index
        %get3A_1029 = arith.constant 0 : index
        %get3A_1030 = tpu.vector_load %arg7[%get3A_1028, %get3A_1029] {strides = array<i32>} : memref<1600x32xf32, #tpu.memory_space<vmem>>, vector<1x16xf32>,
        %get3A_1031 = vector.shape_cast %get3A_1030 : vector<1x16xf32> to vector<16xf32>
        %add3A_1032 = arith.addf %add3A_966, %get3A_1031 : vector<16xf32>
        %get3A_1033 = arith.index_cast %add3A_1027 : i32 to index
        %get3A_1034 = arith.constant 16 : index
        %get3A_1035 = tpu.vector_load %arg7[%get3A_1033, %get3A_1034] {strides = array<i32>} : memref<1600x32xf32, #tpu.memory_space<vmem>>, vector<1x16xf32>,
        %get3A_1036 = vector.shape_cast %get3A_1035 : vector<1x16xf32> to vector<16xf32>
        %add3A_1037 = arith.addf %add3A_971, %get3A_1036 : vector<16xf32>
        %mul3A_1038 = arith.constant 4 : i32
        %mul3A_1039 = arith.muli %scan3A_1021, %mul3A_1038 : i32
        %add3A_1040 = arith.constant 400 : i32
        %add3A_1041 = arith.addi %add3A_1040, %mul3A_1039 : i32
        %add3A_1042 = arith.constant 1 : i32
        %add3A_1043 = arith.addi %add3A_1041, %add3A_1042 : i32
        %get3A_1044 = arith.index_cast %add3A_1043 : i32 to index
        %get3A_1045 = arith.constant 0 : index
        %get3A_1046 = tpu.vector_load %arg7[%get3A_1044, %get3A_1045] {strides = array<i32>} : memref<1600x32xf32, #tpu.memory_space<vmem>>, vector<1x16xf32>,
        %get3A_1047 = vector.shape_cast %get3A_1046 : vector<1x16xf32> to vector<16xf32>
        %add3A_1048 = arith.addf %add3A_982, %get3A_1047 : vector<16xf32>
        %get3A_1049 = arith.index_cast %add3A_1043 : i32 to index
        %get3A_1050 = arith.constant 16 : index
        %get3A_1051 = tpu.vector_load %arg7[%get3A_1049, %get3A_1050] {strides = array<i32>} : memref<1600x32xf32, #tpu.memory_space<vmem>>, vector<1x16xf32>,
        %get3A_1052 = vector.shape_cast %get3A_1051 : vector<1x16xf32> to vector<16xf32>
        %add3A_1053 = arith.addf %add3A_987, %get3A_1052 : vector<16xf32>
        %mul3A_1054 = arith.constant 4 : i32
        %mul3A_1055 = arith.muli %scan3A_1021, %mul3A_1054 : i32
        %add3A_1056 = arith.constant 400 : i32
        %add3A_1057 = arith.addi %add3A_1056, %mul3A_1055 : i32
        %add3A_1058 = arith.constant 2 : i32
        %add3A_1059 = arith.addi %add3A_1057, %add3A_1058 : i32
        %get3A_1060 = arith.index_cast %add3A_1059 : i32 to index
        %get3A_1061 = arith.constant 0 : index
        %get3A_1062 = tpu.vector_load %arg7[%get3A_1060, %get3A_1061] {strides = array<i32>} : memref<1600x32xf32, #tpu.memory_space<vmem>>, vector<1x16xf32>,
        %get3A_1063 = vector.shape_cast %get3A_1062 : vector<1x16xf32> to vector<16xf32>
        %add3A_1064 = arith.addf %add3A_998, %get3A_1063 : vector<16xf32>
        %get3A_1065 = arith.index_cast %add3A_1059 : i32 to index
        %get3A_1066 = arith.constant 16 : index
        %get3A_1067 = tpu.vector_load %arg7[%get3A_1065, %get3A_1066] {strides = array<i32>} : memref<1600x32xf32, #tpu.memory_space<vmem>>, vector<1x16xf32>,
        %get3A_1068 = vector.shape_cast %get3A_1067 : vector<1x16xf32> to vector<16xf32>
        %add3A_1069 = arith.addf %add3A_1003, %get3A_1068 : vector<16xf32>
        %mul3A_1070 = arith.constant 4 : i32
        %mul3A_1071 = arith.muli %scan3A_1021, %mul3A_1070 : i32
        %add3A_1072 = arith.constant 400 : i32
        %add3A_1073 = arith.addi %add3A_1072, %mul3A_1071 : i32
        %add3A_1074 = arith.constant 3 : i32
        %add3A_1075 = arith.addi %add3A_1073, %add3A_1074 : i32
        %get3A_1076 = arith.index_cast %add3A_1075 : i32 to index
        %get3A_1077 = arith.constant 0 : index
        %get3A_1078 = tpu.vector_load %arg7[%get3A_1076, %get3A_1077] {strides = array<i32>} : memref<1600x32xf32, #tpu.memory_space<vmem>>, vector<1x16xf32>,
        %get3A_1079 = vector.shape_cast %get3A_1078 : vector<1x16xf32> to vector<16xf32>
        %add3A_1080 = arith.addf %add3A_1014, %get3A_1079 : vector<16xf32>
        %get3A_1081 = arith.index_cast %add3A_1075 : i32 to index
        %get3A_1082 = arith.constant 16 : index
        %get3A_1083 = tpu.vector_load %arg7[%get3A_1081, %get3A_1082] {strides = array<i32>} : memref<1600x32xf32, #tpu.memory_space<vmem>>, vector<1x16xf32>,
        %get3A_1084 = vector.shape_cast %get3A_1083 : vector<1x16xf32> to vector<16xf32>
        %add3A_1085 = arith.addf %add3A_1019, %get3A_1084 : vector<16xf32>
        scf.yield %add3A_1032, %add3A_1037, %add3A_1048, %add3A_1053, %add3A_1064, %add3A_1069, %add3A_1080, %add3A_1085 : vector<16xf32>, vector<16xf32>, vector<16xf32>, vector<16xf32>, vector<16xf32>, vector<16xf32>, vector<16xf32>, vector<16xf32>
      }
      %scan3A_409 = arith.constant 50 : i32
      %add3A_410 = arith.addf %scan3A_408#0, %scan3A_408#2 : vector<16xf32>
      %add3A_411 = arith.addf %scan3A_408#4, %scan3A_408#6 : vector<16xf32>
      %add3A_412 = arith.addf %add3A_410, %add3A_411 : vector<16xf32>
      %add3A_413 = arith.addf %scan3A_408#1, %scan3A_408#3 : vector<16xf32>
      %add3A_414 = arith.addf %scan3A_408#5, %scan3A_408#7 : vector<16xf32>
      %add3A_415 = arith.addf %add3A_413, %add3A_414 : vector<16xf32>
      %mul3A_416 = arith.constant 8 : i32
      %mul3A_417 = arith.muli %add3A_181, %mul3A_416 : i32
      %add3A_418 = arith.constant 2 : i32
      %add3A_419 = arith.addi %mul3A_417, %add3A_418 : i32
      %swap3A_420 = arith.index_cast %add3A_419 : i32 to index
      %swap3A_421 = arith.constant 0 : index
      %swap3A_422 = tpu.vector_load %arg9[%swap3A_420, %swap3A_421] {strides = array<i32>} : memref<512x32xf32, #tpu.memory_space<vmem>>, vector<1x16xf32>,
      %swap3A_423 = vector.shape_cast %swap3A_422 : vector<1x16xf32> to vector<16xf32>
      %swap3A_424 = vector.shape_cast %add3A_412 : vector<16xf32> to vector<1x16xf32>
      tpu.vector_store %arg9[%swap3A_420, %swap3A_421], %swap3A_424 {strides = array<i32>} : memref<512x32xf32, #tpu.memory_space<vmem>>, vector<1x16xf32>,
      %swap3A_425 = arith.index_cast %add3A_419 : i32 to index
      %swap3A_426 = arith.constant 16 : index
      %swap3A_427 = tpu.vector_load %arg9[%swap3A_425, %swap3A_426] {strides = array<i32>} : memref<512x32xf32, #tpu.memory_space<vmem>>, vector<1x16xf32>,
      %swap3A_428 = vector.shape_cast %swap3A_427 : vector<1x16xf32> to vector<16xf32>
      %swap3A_429 = vector.shape_cast %add3A_415 : vector<16xf32> to vector<1x16xf32>
      tpu.vector_store %arg9[%swap3A_425, %swap3A_426], %swap3A_429 {strides = array<i32>} : memref<512x32xf32, #tpu.memory_space<vmem>>, vector<1x16xf32>,
      %scan3A_430 = arith.constant 0 : i32
      %scan3A_431 = arith.constant 50 : i32
      %scan3A_432 = arith.addi %scan3A_430, %scan3A_431 : i32
      %scan3A_433 = arith.constant 2 : i32
      %scan3A_434:8 = scf.for %scan3A_948 = %scan3A_430 to %scan3A_432 step %scan3A_433 iter_args(%scan3A_949 = %broadcast_in_dim3A_352, %scan3A_950 = %broadcast_in_dim3A_352, %scan3A_951 = %broadcast_in_dim3A_352, %scan3A_952 = %broadcast_in_dim3A_352, %scan3A_953 = %broadcast_in_dim3A_352, %scan3A_954 = %broadcast_in_dim3A_352, %scan3A_955 = %broadcast_in_dim3A_352, %scan3A_956 = %broadcast_in_dim3A_352) -> (vector<16xf32>, vector<16xf32>, vector<16xf32>, vector<16xf32>, vector<16xf32>, vector<16xf32>, vector<16xf32>, vector<16xf32>)  : i32 {
        %mul3A_957 = arith.constant 4 : i32
        %mul3A_958 = arith.muli %scan3A_948, %mul3A_957 : i32
        %add3A_959 = arith.constant 600 : i32
        %add3A_960 = arith.addi %add3A_959, %mul3A_958 : i32
        %add3A_961 = arith.constant 0 : i32
        %add3A_962 = arith.addi %add3A_960, %add3A_961 : i32
        %get3A = arith.index_cast %add3A_962 : i32 to index
        %get3A_963 = arith.constant 0 : index
        %get3A_964 = tpu.vector_load %arg7[%get3A, %get3A_963] {strides = array<i32>} : memref<1600x32xf32, #tpu.memory_space<vmem>>, vector<1x16xf32>,
        %get3A_965 = vector.shape_cast %get3A_964 : vector<1x16xf32> to vector<16xf32>
        %add3A_966 = arith.addf %scan3A_949, %get3A_965 : vector<16xf32>
        %get3A_967 = arith.index_cast %add3A_962 : i32 to index
        %get3A_968 = arith.constant 16 : index
        %get3A_969 = tpu.vector_load %arg7[%get3A_967, %get3A_968] {strides = array<i32>} : memref<1600x32xf32, #tpu.memory_space<vmem>>, vector<1x16xf32>,
        %get3A_970 = vector.shape_cast %get3A_969 : vector<1x16xf32> to vector<16xf32>
        %add3A_971 = arith.addf %scan3A_950, %get3A_970 : vector<16xf32>
        %mul3A_972 = arith.constant 4 : i32
        %mul3A_973 = arith.muli %scan3A_948, %mul3A_972 : i32
        %add3A_974 = arith.constant 600 : i32
        %add3A_975 = arith.addi %add3A_974, %mul3A_973 : i32
        %add3A_976 = arith.constant 1 : i32
        %add3A_977 = arith.addi %add3A_975, %add3A_976 : i32
        %get3A_978 = arith.index_cast %add3A_977 : i32 to index
        %get3A_979 = arith.constant 0 : index
        %get3A_980 = tpu.vector_load %arg7[%get3A_978, %get3A_979] {strides = array<i32>} : memref<1600x32xf32, #tpu.memory_space<vmem>>, vector<1x16xf32>,
        %get3A_981 = vector.shape_cast %get3A_980 : vector<1x16xf32> to vector<16xf32>
        %add3A_982 = arith.addf %scan3A_951, %get3A_981 : vector<16xf32>
        %get3A_983 = arith.index_cast %add3A_977 : i32 to index
        %get3A_984 = arith.constant 16 : index
        %get3A_985 = tpu.vector_load %arg7[%get3A_983, %get3A_984] {strides = array<i32>} : memref<1600x32xf32, #tpu.memory_space<vmem>>, vector<1x16xf32>,
        %get3A_986 = vector.shape_cast %get3A_985 : vector<1x16xf32> to vector<16xf32>
        %add3A_987 = arith.addf %scan3A_952, %get3A_986 : vector<16xf32>
        %mul3A_988 = arith.constant 4 : i32
        %mul3A_989 = arith.muli %scan3A_948, %mul3A_988 : i32
        %add3A_990 = arith.constant 600 : i32
        %add3A_991 = arith.addi %add3A_990, %mul3A_989 : i32
        %add3A_992 = arith.constant 2 : i32
        %add3A_993 = arith.addi %add3A_991, %add3A_992 : i32
        %get3A_994 = arith.index_cast %add3A_993 : i32 to index
        %get3A_995 = arith.constant 0 : index
        %get3A_996 = tpu.vector_load %arg7[%get3A_994, %get3A_995] {strides = array<i32>} : memref<1600x32xf32, #tpu.memory_space<vmem>>, vector<1x16xf32>,
        %get3A_997 = vector.shape_cast %get3A_996 : vector<1x16xf32> to vector<16xf32>
        %add3A_998 = arith.addf %scan3A_953, %get3A_997 : vector<16xf32>
        %get3A_999 = arith.index_cast %add3A_993 : i32 to index
        %get3A_1000 = arith.constant 16 : index
        %get3A_1001 = tpu.vector_load %arg7[%get3A_999, %get3A_1000] {strides = array<i32>} : memref<1600x32xf32, #tpu.memory_space<vmem>>, vector<1x16xf32>,
        %get3A_1002 = vector.shape_cast %get3A_1001 : vector<1x16xf32> to vector<16xf32>
        %add3A_1003 = arith.addf %scan3A_954, %get3A_1002 : vector<16xf32>
        %mul3A_1004 = arith.constant 4 : i32
        %mul3A_1005 = arith.muli %scan3A_948, %mul3A_1004 : i32
        %add3A_1006 = arith.constant 600 : i32
        %add3A_1007 = arith.addi %add3A_1006, %mul3A_1005 : i32
        %add3A_1008 = arith.constant 3 : i32
        %add3A_1009 = arith.addi %add3A_1007, %add3A_1008 : i32
        %get3A_1010 = arith.index_cast %add3A_1009 : i32 to index
        %get3A_1011 = arith.constant 0 : index
        %get3A_1012 = tpu.vector_load %arg7[%get3A_1010, %get3A_1011] {strides = array<i32>} : memref<1600x32xf32, #tpu.memory_space<vmem>>, vector<1x16xf32>,
        %get3A_1013 = vector.shape_cast %get3A_1012 : vector<1x16xf32> to vector<16xf32>
        %add3A_1014 = arith.addf %scan3A_955, %get3A_1013 : vector<16xf32>
        %get3A_1015 = arith.index_cast %add3A_1009 : i32 to index
        %get3A_1016 = arith.constant 16 : index
        %get3A_1017 = tpu.vector_load %arg7[%get3A_1015, %get3A_1016] {strides = array<i32>} : memref<1600x32xf32, #tpu.memory_space<vmem>>, vector<1x16xf32>,
        %get3A_1018 = vector.shape_cast %get3A_1017 : vector<1x16xf32> to vector<16xf32>
        %add3A_1019 = arith.addf %scan3A_956, %get3A_1018 : vector<16xf32>
        %scan3A_1020 = arith.constant 1 : i32
        %scan3A_1021 = arith.addi %scan3A_948, %scan3A_1020 : i32
        %mul3A_1022 = arith.constant 4 : i32
        %mul3A_1023 = arith.muli %scan3A_1021, %mul3A_1022 : i32
        %add3A_1024 = arith.constant 600 : i32
        %add3A_1025 = arith.addi %add3A_1024, %mul3A_1023 : i32
        %add3A_1026 = arith.constant 0 : i32
        %add3A_1027 = arith.addi %add3A_1025, %add3A_1026 : i32
        %get3A_1028 = arith.index_cast %add3A_1027 : i32 to index
        %get3A_1029 = arith.constant 0 : index
        %get3A_1030 = tpu.vector_load %arg7[%get3A_1028, %get3A_1029] {strides = array<i32>} : memref<1600x32xf32, #tpu.memory_space<vmem>>, vector<1x16xf32>,
        %get3A_1031 = vector.shape_cast %get3A_1030 : vector<1x16xf32> to vector<16xf32>
        %add3A_1032 = arith.addf %add3A_966, %get3A_1031 : vector<16xf32>
        %get3A_1033 = arith.index_cast %add3A_1027 : i32 to index
        %get3A_1034 = arith.constant 16 : index
        %get3A_1035 = tpu.vector_load %arg7[%get3A_1033, %get3A_1034] {strides = array<i32>} : memref<1600x32xf32, #tpu.memory_space<vmem>>, vector<1x16xf32>,
        %get3A_1036 = vector.shape_cast %get3A_1035 : vector<1x16xf32> to vector<16xf32>
        %add3A_1037 = arith.addf %add3A_971, %get3A_1036 : vector<16xf32>
        %mul3A_1038 = arith.constant 4 : i32
        %mul3A_1039 = arith.muli %scan3A_1021, %mul3A_1038 : i32
        %add3A_1040 = arith.constant 600 : i32
        %add3A_1041 = arith.addi %add3A_1040, %mul3A_1039 : i32
        %add3A_1042 = arith.constant 1 : i32
        %add3A_1043 = arith.addi %add3A_1041, %add3A_1042 : i32
        %get3A_1044 = arith.index_cast %add3A_1043 : i32 to index
        %get3A_1045 = arith.constant 0 : index
        %get3A_1046 = tpu.vector_load %arg7[%get3A_1044, %get3A_1045] {strides = array<i32>} : memref<1600x32xf32, #tpu.memory_space<vmem>>, vector<1x16xf32>,
        %get3A_1047 = vector.shape_cast %get3A_1046 : vector<1x16xf32> to vector<16xf32>
        %add3A_1048 = arith.addf %add3A_982, %get3A_1047 : vector<16xf32>
        %get3A_1049 = arith.index_cast %add3A_1043 : i32 to index
        %get3A_1050 = arith.constant 16 : index
        %get3A_1051 = tpu.vector_load %arg7[%get3A_1049, %get3A_1050] {strides = array<i32>} : memref<1600x32xf32, #tpu.memory_space<vmem>>, vector<1x16xf32>,
        %get3A_1052 = vector.shape_cast %get3A_1051 : vector<1x16xf32> to vector<16xf32>
        %add3A_1053 = arith.addf %add3A_987, %get3A_1052 : vector<16xf32>
        %mul3A_1054 = arith.constant 4 : i32
        %mul3A_1055 = arith.muli %scan3A_1021, %mul3A_1054 : i32
        %add3A_1056 = arith.constant 600 : i32
        %add3A_1057 = arith.addi %add3A_1056, %mul3A_1055 : i32
        %add3A_1058 = arith.constant 2 : i32
        %add3A_1059 = arith.addi %add3A_1057, %add3A_1058 : i32
        %get3A_1060 = arith.index_cast %add3A_1059 : i32 to index
        %get3A_1061 = arith.constant 0 : index
        %get3A_1062 = tpu.vector_load %arg7[%get3A_1060, %get3A_1061] {strides = array<i32>} : memref<1600x32xf32, #tpu.memory_space<vmem>>, vector<1x16xf32>,
        %get3A_1063 = vector.shape_cast %get3A_1062 : vector<1x16xf32> to vector<16xf32>
        %add3A_1064 = arith.addf %add3A_998, %get3A_1063 : vector<16xf32>
        %get3A_1065 = arith.index_cast %add3A_1059 : i32 to index
        %get3A_1066 = arith.constant 16 : index
        %get3A_1067 = tpu.vector_load %arg7[%get3A_1065, %get3A_1066] {strides = array<i32>} : memref<1600x32xf32, #tpu.memory_space<vmem>>, vector<1x16xf32>,
        %get3A_1068 = vector.shape_cast %get3A_1067 : vector<1x16xf32> to vector<16xf32>
        %add3A_1069 = arith.addf %add3A_1003, %get3A_1068 : vector<16xf32>
        %mul3A_1070 = arith.constant 4 : i32
        %mul3A_1071 = arith.muli %scan3A_1021, %mul3A_1070 : i32
        %add3A_1072 = arith.constant 600 : i32
        %add3A_1073 = arith.addi %add3A_1072, %mul3A_1071 : i32
        %add3A_1074 = arith.constant 3 : i32
        %add3A_1075 = arith.addi %add3A_1073, %add3A_1074 : i32
        %get3A_1076 = arith.index_cast %add3A_1075 : i32 to index
        %get3A_1077 = arith.constant 0 : index
        %get3A_1078 = tpu.vector_load %arg7[%get3A_1076, %get3A_1077] {strides = array<i32>} : memref<1600x32xf32, #tpu.memory_space<vmem>>, vector<1x16xf32>,
        %get3A_1079 = vector.shape_cast %get3A_1078 : vector<1x16xf32> to vector<16xf32>
        %add3A_1080 = arith.addf %add3A_1014, %get3A_1079 : vector<16xf32>
        %get3A_1081 = arith.index_cast %add3A_1075 : i32 to index
        %get3A_1082 = arith.constant 16 : index
        %get3A_1083 = tpu.vector_load %arg7[%get3A_1081, %get3A_1082] {strides = array<i32>} : memref<1600x32xf32, #tpu.memory_space<vmem>>, vector<1x16xf32>,
        %get3A_1084 = vector.shape_cast %get3A_1083 : vector<1x16xf32> to vector<16xf32>
        %add3A_1085 = arith.addf %add3A_1019, %get3A_1084 : vector<16xf32>
        scf.yield %add3A_1032, %add3A_1037, %add3A_1048, %add3A_1053, %add3A_1064, %add3A_1069, %add3A_1080, %add3A_1085 : vector<16xf32>, vector<16xf32>, vector<16xf32>, vector<16xf32>, vector<16xf32>, vector<16xf32>, vector<16xf32>, vector<16xf32>
      }
      %scan3A_435 = arith.constant 50 : i32
      %add3A_436 = arith.addf %scan3A_434#0, %scan3A_434#2 : vector<16xf32>
      %add3A_437 = arith.addf %scan3A_434#4, %scan3A_434#6 : vector<16xf32>
      %add3A_438 = arith.addf %add3A_436, %add3A_437 : vector<16xf32>
      %add3A_439 = arith.addf %scan3A_434#1, %scan3A_434#3 : vector<16xf32>
      %add3A_440 = arith.addf %scan3A_434#5, %scan3A_434#7 : vector<16xf32>
      %add3A_441 = arith.addf %add3A_439, %add3A_440 : vector<16xf32>
      %mul3A_442 = arith.constant 8 : i32
      %mul3A_443 = arith.muli %add3A_181, %mul3A_442 : i32
      %add3A_444 = arith.constant 3 : i32
      %add3A_445 = arith.addi %mul3A_443, %add3A_444 : i32
      %swap3A_446 = arith.index_cast %add3A_445 : i32 to index
      %swap3A_447 = arith.constant 0 : index
      %swap3A_448 = tpu.vector_load %arg9[%swap3A_446, %swap3A_447] {strides = array<i32>} : memref<512x32xf32, #tpu.memory_space<vmem>>, vector<1x16xf32>,
      %swap3A_449 = vector.shape_cast %swap3A_448 : vector<1x16xf32> to vector<16xf32>
      %swap3A_450 = vector.shape_cast %add3A_438 : vector<16xf32> to vector<1x16xf32>
      tpu.vector_store %arg9[%swap3A_446, %swap3A_447], %swap3A_450 {strides = array<i32>} : memref<512x32xf32, #tpu.memory_space<vmem>>, vector<1x16xf32>,
      %swap3A_451 = arith.index_cast %add3A_445 : i32 to index
      %swap3A_452 = arith.constant 16 : index
      %swap3A_453 = tpu.vector_load %arg9[%swap3A_451, %swap3A_452] {strides = array<i32>} : memref<512x32xf32, #tpu.memory_space<vmem>>, vector<1x16xf32>,
      %swap3A_454 = vector.shape_cast %swap3A_453 : vector<1x16xf32> to vector<16xf32>
      %swap3A_455 = vector.shape_cast %add3A_441 : vector<16xf32> to vector<1x16xf32>
      tpu.vector_store %arg9[%swap3A_451, %swap3A_452], %swap3A_455 {strides = array<i32>} : memref<512x32xf32, #tpu.memory_space<vmem>>, vector<1x16xf32>,
      %scan3A_456 = arith.constant 0 : i32
      %scan3A_457 = arith.constant 50 : i32
      %scan3A_458 = arith.addi %scan3A_456, %scan3A_457 : i32
      %scan3A_459 = arith.constant 2 : i32
      %scan3A_460:8 = scf.for %scan3A_948 = %scan3A_456 to %scan3A_458 step %scan3A_459 iter_args(%scan3A_949 = %broadcast_in_dim3A_352, %scan3A_950 = %broadcast_in_dim3A_352, %scan3A_951 = %broadcast_in_dim3A_352, %scan3A_952 = %broadcast_in_dim3A_352, %scan3A_953 = %broadcast_in_dim3A_352, %scan3A_954 = %broadcast_in_dim3A_352, %scan3A_955 = %broadcast_in_dim3A_352, %scan3A_956 = %broadcast_in_dim3A_352) -> (vector<16xf32>, vector<16xf32>, vector<16xf32>, vector<16xf32>, vector<16xf32>, vector<16xf32>, vector<16xf32>, vector<16xf32>)  : i32 {
        %mul3A_957 = arith.constant 4 : i32
        %mul3A_958 = arith.muli %scan3A_948, %mul3A_957 : i32
        %add3A_959 = arith.constant 800 : i32
        %add3A_960 = arith.addi %add3A_959, %mul3A_958 : i32
        %add3A_961 = arith.constant 0 : i32
        %add3A_962 = arith.addi %add3A_960, %add3A_961 : i32
        %get3A = arith.index_cast %add3A_962 : i32 to index
        %get3A_963 = arith.constant 0 : index
        %get3A_964 = tpu.vector_load %arg7[%get3A, %get3A_963] {strides = array<i32>} : memref<1600x32xf32, #tpu.memory_space<vmem>>, vector<1x16xf32>,
        %get3A_965 = vector.shape_cast %get3A_964 : vector<1x16xf32> to vector<16xf32>
        %add3A_966 = arith.addf %scan3A_949, %get3A_965 : vector<16xf32>
        %get3A_967 = arith.index_cast %add3A_962 : i32 to index
        %get3A_968 = arith.constant 16 : index
        %get3A_969 = tpu.vector_load %arg7[%get3A_967, %get3A_968] {strides = array<i32>} : memref<1600x32xf32, #tpu.memory_space<vmem>>, vector<1x16xf32>,
        %get3A_970 = vector.shape_cast %get3A_969 : vector<1x16xf32> to vector<16xf32>
        %add3A_971 = arith.addf %scan3A_950, %get3A_970 : vector<16xf32>
        %mul3A_972 = arith.constant 4 : i32
        %mul3A_973 = arith.muli %scan3A_948, %mul3A_972 : i32
        %add3A_974 = arith.constant 800 : i32
        %add3A_975 = arith.addi %add3A_974, %mul3A_973 : i32
        %add3A_976 = arith.constant 1 : i32
        %add3A_977 = arith.addi %add3A_975, %add3A_976 : i32
        %get3A_978 = arith.index_cast %add3A_977 : i32 to index
        %get3A_979 = arith.constant 0 : index
        %get3A_980 = tpu.vector_load %arg7[%get3A_978, %get3A_979] {strides = array<i32>} : memref<1600x32xf32, #tpu.memory_space<vmem>>, vector<1x16xf32>,
        %get3A_981 = vector.shape_cast %get3A_980 : vector<1x16xf32> to vector<16xf32>
        %add3A_982 = arith.addf %scan3A_951, %get3A_981 : vector<16xf32>
        %get3A_983 = arith.index_cast %add3A_977 : i32 to index
        %get3A_984 = arith.constant 16 : index
        %get3A_985 = tpu.vector_load %arg7[%get3A_983, %get3A_984] {strides = array<i32>} : memref<1600x32xf32, #tpu.memory_space<vmem>>, vector<1x16xf32>,
        %get3A_986 = vector.shape_cast %get3A_985 : vector<1x16xf32> to vector<16xf32>
        %add3A_987 = arith.addf %scan3A_952, %get3A_986 : vector<16xf32>
        %mul3A_988 = arith.constant 4 : i32
        %mul3A_989 = arith.muli %scan3A_948, %mul3A_988 : i32
        %add3A_990 = arith.constant 800 : i32
        %add3A_991 = arith.addi %add3A_990, %mul3A_989 : i32
        %add3A_992 = arith.constant 2 : i32
        %add3A_993 = arith.addi %add3A_991, %add3A_992 : i32
        %get3A_994 = arith.index_cast %add3A_993 : i32 to index
        %get3A_995 = arith.constant 0 : index
        %get3A_996 = tpu.vector_load %arg7[%get3A_994, %get3A_995] {strides = array<i32>} : memref<1600x32xf32, #tpu.memory_space<vmem>>, vector<1x16xf32>,
        %get3A_997 = vector.shape_cast %get3A_996 : vector<1x16xf32> to vector<16xf32>
        %add3A_998 = arith.addf %scan3A_953, %get3A_997 : vector<16xf32>
        %get3A_999 = arith.index_cast %add3A_993 : i32 to index
        %get3A_1000 = arith.constant 16 : index
        %get3A_1001 = tpu.vector_load %arg7[%get3A_999, %get3A_1000] {strides = array<i32>} : memref<1600x32xf32, #tpu.memory_space<vmem>>, vector<1x16xf32>,
        %get3A_1002 = vector.shape_cast %get3A_1001 : vector<1x16xf32> to vector<16xf32>
        %add3A_1003 = arith.addf %scan3A_954, %get3A_1002 : vector<16xf32>
        %mul3A_1004 = arith.constant 4 : i32
        %mul3A_1005 = arith.muli %scan3A_948, %mul3A_1004 : i32
        %add3A_1006 = arith.constant 800 : i32
        %add3A_1007 = arith.addi %add3A_1006, %mul3A_1005 : i32
        %add3A_1008 = arith.constant 3 : i32
        %add3A_1009 = arith.addi %add3A_1007, %add3A_1008 : i32
        %get3A_1010 = arith.index_cast %add3A_1009 : i32 to index
        %get3A_1011 = arith.constant 0 : index
        %get3A_1012 = tpu.vector_load %arg7[%get3A_1010, %get3A_1011] {strides = array<i32>} : memref<1600x32xf32, #tpu.memory_space<vmem>>, vector<1x16xf32>,
        %get3A_1013 = vector.shape_cast %get3A_1012 : vector<1x16xf32> to vector<16xf32>
        %add3A_1014 = arith.addf %scan3A_955, %get3A_1013 : vector<16xf32>
        %get3A_1015 = arith.index_cast %add3A_1009 : i32 to index
        %get3A_1016 = arith.constant 16 : index
        %get3A_1017 = tpu.vector_load %arg7[%get3A_1015, %get3A_1016] {strides = array<i32>} : memref<1600x32xf32, #tpu.memory_space<vmem>>, vector<1x16xf32>,
        %get3A_1018 = vector.shape_cast %get3A_1017 : vector<1x16xf32> to vector<16xf32>
        %add3A_1019 = arith.addf %scan3A_956, %get3A_1018 : vector<16xf32>
        %scan3A_1020 = arith.constant 1 : i32
        %scan3A_1021 = arith.addi %scan3A_948, %scan3A_1020 : i32
        %mul3A_1022 = arith.constant 4 : i32
        %mul3A_1023 = arith.muli %scan3A_1021, %mul3A_1022 : i32
        %add3A_1024 = arith.constant 800 : i32
        %add3A_1025 = arith.addi %add3A_1024, %mul3A_1023 : i32
        %add3A_1026 = arith.constant 0 : i32
        %add3A_1027 = arith.addi %add3A_1025, %add3A_1026 : i32
        %get3A_1028 = arith.index_cast %add3A_1027 : i32 to index
        %get3A_1029 = arith.constant 0 : index
        %get3A_1030 = tpu.vector_load %arg7[%get3A_1028, %get3A_1029] {strides = array<i32>} : memref<1600x32xf32, #tpu.memory_space<vmem>>, vector<1x16xf32>,
        %get3A_1031 = vector.shape_cast %get3A_1030 : vector<1x16xf32> to vector<16xf32>
        %add3A_1032 = arith.addf %add3A_966, %get3A_1031 : vector<16xf32>
        %get3A_1033 = arith.index_cast %add3A_1027 : i32 to index
        %get3A_1034 = arith.constant 16 : index
        %get3A_1035 = tpu.vector_load %arg7[%get3A_1033, %get3A_1034] {strides = array<i32>} : memref<1600x32xf32, #tpu.memory_space<vmem>>, vector<1x16xf32>,
        %get3A_1036 = vector.shape_cast %get3A_1035 : vector<1x16xf32> to vector<16xf32>
        %add3A_1037 = arith.addf %add3A_971, %get3A_1036 : vector<16xf32>
        %mul3A_1038 = arith.constant 4 : i32
        %mul3A_1039 = arith.muli %scan3A_1021, %mul3A_1038 : i32
        %add3A_1040 = arith.constant 800 : i32
        %add3A_1041 = arith.addi %add3A_1040, %mul3A_1039 : i32
        %add3A_1042 = arith.constant 1 : i32
        %add3A_1043 = arith.addi %add3A_1041, %add3A_1042 : i32
        %get3A_1044 = arith.index_cast %add3A_1043 : i32 to index
        %get3A_1045 = arith.constant 0 : index
        %get3A_1046 = tpu.vector_load %arg7[%get3A_1044, %get3A_1045] {strides = array<i32>} : memref<1600x32xf32, #tpu.memory_space<vmem>>, vector<1x16xf32>,
        %get3A_1047 = vector.shape_cast %get3A_1046 : vector<1x16xf32> to vector<16xf32>
        %add3A_1048 = arith.addf %add3A_982, %get3A_1047 : vector<16xf32>
        %get3A_1049 = arith.index_cast %add3A_1043 : i32 to index
        %get3A_1050 = arith.constant 16 : index
        %get3A_1051 = tpu.vector_load %arg7[%get3A_1049, %get3A_1050] {strides = array<i32>} : memref<1600x32xf32, #tpu.memory_space<vmem>>, vector<1x16xf32>,
        %get3A_1052 = vector.shape_cast %get3A_1051 : vector<1x16xf32> to vector<16xf32>
        %add3A_1053 = arith.addf %add3A_987, %get3A_1052 : vector<16xf32>
        %mul3A_1054 = arith.constant 4 : i32
        %mul3A_1055 = arith.muli %scan3A_1021, %mul3A_1054 : i32
        %add3A_1056 = arith.constant 800 : i32
        %add3A_1057 = arith.addi %add3A_1056, %mul3A_1055 : i32
        %add3A_1058 = arith.constant 2 : i32
        %add3A_1059 = arith.addi %add3A_1057, %add3A_1058 : i32
        %get3A_1060 = arith.index_cast %add3A_1059 : i32 to index
        %get3A_1061 = arith.constant 0 : index
        %get3A_1062 = tpu.vector_load %arg7[%get3A_1060, %get3A_1061] {strides = array<i32>} : memref<1600x32xf32, #tpu.memory_space<vmem>>, vector<1x16xf32>,
        %get3A_1063 = vector.shape_cast %get3A_1062 : vector<1x16xf32> to vector<16xf32>
        %add3A_1064 = arith.addf %add3A_998, %get3A_1063 : vector<16xf32>
        %get3A_1065 = arith.index_cast %add3A_1059 : i32 to index
        %get3A_1066 = arith.constant 16 : index
        %get3A_1067 = tpu.vector_load %arg7[%get3A_1065, %get3A_1066] {strides = array<i32>} : memref<1600x32xf32, #tpu.memory_space<vmem>>, vector<1x16xf32>,
        %get3A_1068 = vector.shape_cast %get3A_1067 : vector<1x16xf32> to vector<16xf32>
        %add3A_1069 = arith.addf %add3A_1003, %get3A_1068 : vector<16xf32>
        %mul3A_1070 = arith.constant 4 : i32
        %mul3A_1071 = arith.muli %scan3A_1021, %mul3A_1070 : i32
        %add3A_1072 = arith.constant 800 : i32
        %add3A_1073 = arith.addi %add3A_1072, %mul3A_1071 : i32
        %add3A_1074 = arith.constant 3 : i32
        %add3A_1075 = arith.addi %add3A_1073, %add3A_1074 : i32
        %get3A_1076 = arith.index_cast %add3A_1075 : i32 to index
        %get3A_1077 = arith.constant 0 : index
        %get3A_1078 = tpu.vector_load %arg7[%get3A_1076, %get3A_1077] {strides = array<i32>} : memref<1600x32xf32, #tpu.memory_space<vmem>>, vector<1x16xf32>,
        %get3A_1079 = vector.shape_cast %get3A_1078 : vector<1x16xf32> to vector<16xf32>
        %add3A_1080 = arith.addf %add3A_1014, %get3A_1079 : vector<16xf32>
        %get3A_1081 = arith.index_cast %add3A_1075 : i32 to index
        %get3A_1082 = arith.constant 16 : index
        %get3A_1083 = tpu.vector_load %arg7[%get3A_1081, %get3A_1082] {strides = array<i32>} : memref<1600x32xf32, #tpu.memory_space<vmem>>, vector<1x16xf32>,
        %get3A_1084 = vector.shape_cast %get3A_1083 : vector<1x16xf32> to vector<16xf32>
        %add3A_1085 = arith.addf %add3A_1019, %get3A_1084 : vector<16xf32>
        scf.yield %add3A_1032, %add3A_1037, %add3A_1048, %add3A_1053, %add3A_1064, %add3A_1069, %add3A_1080, %add3A_1085 : vector<16xf32>, vector<16xf32>, vector<16xf32>, vector<16xf32>, vector<16xf32>, vector<16xf32>, vector<16xf32>, vector<16xf32>
      }
      %scan3A_461 = arith.constant 50 : i32
      %add3A_462 = arith.addf %scan3A_460#0, %scan3A_460#2 : vector<16xf32>
      %add3A_463 = arith.addf %scan3A_460#4, %scan3A_460#6 : vector<16xf32>
      %add3A_464 = arith.addf %add3A_462, %add3A_463 : vector<16xf32>
      %add3A_465 = arith.addf %scan3A_460#1, %scan3A_460#3 : vector<16xf32>
      %add3A_466 = arith.addf %scan3A_460#5, %scan3A_460#7 : vector<16xf32>
      %add3A_467 = arith.addf %add3A_465, %add3A_466 : vector<16xf32>
      %mul3A_468 = arith.constant 8 : i32
      %mul3A_469 = arith.muli %add3A_181, %mul3A_468 : i32
      %add3A_470 = arith.constant 4 : i32
      %add3A_471 = arith.addi %mul3A_469, %add3A_470 : i32
      %swap3A_472 = arith.index_cast %add3A_471 : i32 to index
      %swap3A_473 = arith.constant 0 : index
      %swap3A_474 = tpu.vector_load %arg9[%swap3A_472, %swap3A_473] {strides = array<i32>} : memref<512x32xf32, #tpu.memory_space<vmem>>, vector<1x16xf32>,
      %swap3A_475 = vector.shape_cast %swap3A_474 : vector<1x16xf32> to vector<16xf32>
      %swap3A_476 = vector.shape_cast %add3A_464 : vector<16xf32> to vector<1x16xf32>
      tpu.vector_store %arg9[%swap3A_472, %swap3A_473], %swap3A_476 {strides = array<i32>} : memref<512x32xf32, #tpu.memory_space<vmem>>, vector<1x16xf32>,
      %swap3A_477 = arith.index_cast %add3A_471 : i32 to index
      %swap3A_478 = arith.constant 16 : index
      %swap3A_479 = tpu.vector_load %arg9[%swap3A_477, %swap3A_478] {strides = array<i32>} : memref<512x32xf32, #tpu.memory_space<vmem>>, vector<1x16xf32>,
      %swap3A_480 = vector.shape_cast %swap3A_479 : vector<1x16xf32> to vector<16xf32>
      %swap3A_481 = vector.shape_cast %add3A_467 : vector<16xf32> to vector<1x16xf32>
      tpu.vector_store %arg9[%swap3A_477, %swap3A_478], %swap3A_481 {strides = array<i32>} : memref<512x32xf32, #tpu.memory_space<vmem>>, vector<1x16xf32>,
      %scan3A_482 = arith.constant 0 : i32
      %scan3A_483 = arith.constant 50 : i32
      %scan3A_484 = arith.addi %scan3A_482, %scan3A_483 : i32
      %scan3A_485 = arith.constant 2 : i32
      %scan3A_486:8 = scf.for %scan3A_948 = %scan3A_482 to %scan3A_484 step %scan3A_485 iter_args(%scan3A_949 = %broadcast_in_dim3A_352, %scan3A_950 = %broadcast_in_dim3A_352, %scan3A_951 = %broadcast_in_dim3A_352, %scan3A_952 = %broadcast_in_dim3A_352, %scan3A_953 = %broadcast_in_dim3A_352, %scan3A_954 = %broadcast_in_dim3A_352, %scan3A_955 = %broadcast_in_dim3A_352, %scan3A_956 = %broadcast_in_dim3A_352) -> (vector<16xf32>, vector<16xf32>, vector<16xf32>, vector<16xf32>, vector<16xf32>, vector<16xf32>, vector<16xf32>, vector<16xf32>)  : i32 {
        %mul3A_957 = arith.constant 4 : i32
        %mul3A_958 = arith.muli %scan3A_948, %mul3A_957 : i32
        %add3A_959 = arith.constant 1000 : i32
        %add3A_960 = arith.addi %add3A_959, %mul3A_958 : i32
        %add3A_961 = arith.constant 0 : i32
        %add3A_962 = arith.addi %add3A_960, %add3A_961 : i32
        %get3A = arith.index_cast %add3A_962 : i32 to index
        %get3A_963 = arith.constant 0 : index
        %get3A_964 = tpu.vector_load %arg7[%get3A, %get3A_963] {strides = array<i32>} : memref<1600x32xf32, #tpu.memory_space<vmem>>, vector<1x16xf32>,
        %get3A_965 = vector.shape_cast %get3A_964 : vector<1x16xf32> to vector<16xf32>
        %add3A_966 = arith.addf %scan3A_949, %get3A_965 : vector<16xf32>
        %get3A_967 = arith.index_cast %add3A_962 : i32 to index
        %get3A_968 = arith.constant 16 : index
        %get3A_969 = tpu.vector_load %arg7[%get3A_967, %get3A_968] {strides = array<i32>} : memref<1600x32xf32, #tpu.memory_space<vmem>>, vector<1x16xf32>,
        %get3A_970 = vector.shape_cast %get3A_969 : vector<1x16xf32> to vector<16xf32>
        %add3A_971 = arith.addf %scan3A_950, %get3A_970 : vector<16xf32>
        %mul3A_972 = arith.constant 4 : i32
        %mul3A_973 = arith.muli %scan3A_948, %mul3A_972 : i32
        %add3A_974 = arith.constant 1000 : i32
        %add3A_975 = arith.addi %add3A_974, %mul3A_973 : i32
        %add3A_976 = arith.constant 1 : i32
        %add3A_977 = arith.addi %add3A_975, %add3A_976 : i32
        %get3A_978 = arith.index_cast %add3A_977 : i32 to index
        %get3A_979 = arith.constant 0 : index
        %get3A_980 = tpu.vector_load %arg7[%get3A_978, %get3A_979] {strides = array<i32>} : memref<1600x32xf32, #tpu.memory_space<vmem>>, vector<1x16xf32>,
        %get3A_981 = vector.shape_cast %get3A_980 : vector<1x16xf32> to vector<16xf32>
        %add3A_982 = arith.addf %scan3A_951, %get3A_981 : vector<16xf32>
        %get3A_983 = arith.index_cast %add3A_977 : i32 to index
        %get3A_984 = arith.constant 16 : index
        %get3A_985 = tpu.vector_load %arg7[%get3A_983, %get3A_984] {strides = array<i32>} : memref<1600x32xf32, #tpu.memory_space<vmem>>, vector<1x16xf32>,
        %get3A_986 = vector.shape_cast %get3A_985 : vector<1x16xf32> to vector<16xf32>
        %add3A_987 = arith.addf %scan3A_952, %get3A_986 : vector<16xf32>
        %mul3A_988 = arith.constant 4 : i32
        %mul3A_989 = arith.muli %scan3A_948, %mul3A_988 : i32
        %add3A_990 = arith.constant 1000 : i32
        %add3A_991 = arith.addi %add3A_990, %mul3A_989 : i32
        %add3A_992 = arith.constant 2 : i32
        %add3A_993 = arith.addi %add3A_991, %add3A_992 : i32
        %get3A_994 = arith.index_cast %add3A_993 : i32 to index
        %get3A_995 = arith.constant 0 : index
        %get3A_996 = tpu.vector_load %arg7[%get3A_994, %get3A_995] {strides = array<i32>} : memref<1600x32xf32, #tpu.memory_space<vmem>>, vector<1x16xf32>,
        %get3A_997 = vector.shape_cast %get3A_996 : vector<1x16xf32> to vector<16xf32>
        %add3A_998 = arith.addf %scan3A_953, %get3A_997 : vector<16xf32>
        %get3A_999 = arith.index_cast %add3A_993 : i32 to index
        %get3A_1000 = arith.constant 16 : index
        %get3A_1001 = tpu.vector_load %arg7[%get3A_999, %get3A_1000] {strides = array<i32>} : memref<1600x32xf32, #tpu.memory_space<vmem>>, vector<1x16xf32>,
        %get3A_1002 = vector.shape_cast %get3A_1001 : vector<1x16xf32> to vector<16xf32>
        %add3A_1003 = arith.addf %scan3A_954, %get3A_1002 : vector<16xf32>
        %mul3A_1004 = arith.constant 4 : i32
        %mul3A_1005 = arith.muli %scan3A_948, %mul3A_1004 : i32
        %add3A_1006 = arith.constant 1000 : i32
        %add3A_1007 = arith.addi %add3A_1006, %mul3A_1005 : i32
        %add3A_1008 = arith.constant 3 : i32
        %add3A_1009 = arith.addi %add3A_1007, %add3A_1008 : i32
        %get3A_1010 = arith.index_cast %add3A_1009 : i32 to index
        %get3A_1011 = arith.constant 0 : index
        %get3A_1012 = tpu.vector_load %arg7[%get3A_1010, %get3A_1011] {strides = array<i32>} : memref<1600x32xf32, #tpu.memory_space<vmem>>, vector<1x16xf32>,
        %get3A_1013 = vector.shape_cast %get3A_1012 : vector<1x16xf32> to vector<16xf32>
        %add3A_1014 = arith.addf %scan3A_955, %get3A_1013 : vector<16xf32>
        %get3A_1015 = arith.index_cast %add3A_1009 : i32 to index
        %get3A_1016 = arith.constant 16 : index
        %get3A_1017 = tpu.vector_load %arg7[%get3A_1015, %get3A_1016] {strides = array<i32>} : memref<1600x32xf32, #tpu.memory_space<vmem>>, vector<1x16xf32>,
        %get3A_1018 = vector.shape_cast %get3A_1017 : vector<1x16xf32> to vector<16xf32>
        %add3A_1019 = arith.addf %scan3A_956, %get3A_1018 : vector<16xf32>
        %scan3A_1020 = arith.constant 1 : i32
        %scan3A_1021 = arith.addi %scan3A_948, %scan3A_1020 : i32
        %mul3A_1022 = arith.constant 4 : i32
        %mul3A_1023 = arith.muli %scan3A_1021, %mul3A_1022 : i32
        %add3A_1024 = arith.constant 1000 : i32
        %add3A_1025 = arith.addi %add3A_1024, %mul3A_1023 : i32
        %add3A_1026 = arith.constant 0 : i32
        %add3A_1027 = arith.addi %add3A_1025, %add3A_1026 : i32
        %get3A_1028 = arith.index_cast %add3A_1027 : i32 to index
        %get3A_1029 = arith.constant 0 : index
        %get3A_1030 = tpu.vector_load %arg7[%get3A_1028, %get3A_1029] {strides = array<i32>} : memref<1600x32xf32, #tpu.memory_space<vmem>>, vector<1x16xf32>,
        %get3A_1031 = vector.shape_cast %get3A_1030 : vector<1x16xf32> to vector<16xf32>
        %add3A_1032 = arith.addf %add3A_966, %get3A_1031 : vector<16xf32>
        %get3A_1033 = arith.index_cast %add3A_1027 : i32 to index
        %get3A_1034 = arith.constant 16 : index
        %get3A_1035 = tpu.vector_load %arg7[%get3A_1033, %get3A_1034] {strides = array<i32>} : memref<1600x32xf32, #tpu.memory_space<vmem>>, vector<1x16xf32>,
        %get3A_1036 = vector.shape_cast %get3A_1035 : vector<1x16xf32> to vector<16xf32>
        %add3A_1037 = arith.addf %add3A_971, %get3A_1036 : vector<16xf32>
        %mul3A_1038 = arith.constant 4 : i32
        %mul3A_1039 = arith.muli %scan3A_1021, %mul3A_1038 : i32
        %add3A_1040 = arith.constant 1000 : i32
        %add3A_1041 = arith.addi %add3A_1040, %mul3A_1039 : i32
        %add3A_1042 = arith.constant 1 : i32
        %add3A_1043 = arith.addi %add3A_1041, %add3A_1042 : i32
        %get3A_1044 = arith.index_cast %add3A_1043 : i32 to index
        %get3A_1045 = arith.constant 0 : index
        %get3A_1046 = tpu.vector_load %arg7[%get3A_1044, %get3A_1045] {strides = array<i32>} : memref<1600x32xf32, #tpu.memory_space<vmem>>, vector<1x16xf32>,
        %get3A_1047 = vector.shape_cast %get3A_1046 : vector<1x16xf32> to vector<16xf32>
        %add3A_1048 = arith.addf %add3A_982, %get3A_1047 : vector<16xf32>
        %get3A_1049 = arith.index_cast %add3A_1043 : i32 to index
        %get3A_1050 = arith.constant 16 : index
        %get3A_1051 = tpu.vector_load %arg7[%get3A_1049, %get3A_1050] {strides = array<i32>} : memref<1600x32xf32, #tpu.memory_space<vmem>>, vector<1x16xf32>,
        %get3A_1052 = vector.shape_cast %get3A_1051 : vector<1x16xf32> to vector<16xf32>
        %add3A_1053 = arith.addf %add3A_987, %get3A_1052 : vector<16xf32>
        %mul3A_1054 = arith.constant 4 : i32
        %mul3A_1055 = arith.muli %scan3A_1021, %mul3A_1054 : i32
        %add3A_1056 = arith.constant 1000 : i32
        %add3A_1057 = arith.addi %add3A_1056, %mul3A_1055 : i32
        %add3A_1058 = arith.constant 2 : i32
        %add3A_1059 = arith.addi %add3A_1057, %add3A_1058 : i32
        %get3A_1060 = arith.index_cast %add3A_1059 : i32 to index
        %get3A_1061 = arith.constant 0 : index
        %get3A_1062 = tpu.vector_load %arg7[%get3A_1060, %get3A_1061] {strides = array<i32>} : memref<1600x32xf32, #tpu.memory_space<vmem>>, vector<1x16xf32>,
        %get3A_1063 = vector.shape_cast %get3A_1062 : vector<1x16xf32> to vector<16xf32>
        %add3A_1064 = arith.addf %add3A_998, %get3A_1063 : vector<16xf32>
        %get3A_1065 = arith.index_cast %add3A_1059 : i32 to index
        %get3A_1066 = arith.constant 16 : index
        %get3A_1067 = tpu.vector_load %arg7[%get3A_1065, %get3A_1066] {strides = array<i32>} : memref<1600x32xf32, #tpu.memory_space<vmem>>, vector<1x16xf32>,
        %get3A_1068 = vector.shape_cast %get3A_1067 : vector<1x16xf32> to vector<16xf32>
        %add3A_1069 = arith.addf %add3A_1003, %get3A_1068 : vector<16xf32>
        %mul3A_1070 = arith.constant 4 : i32
        %mul3A_1071 = arith.muli %scan3A_1021, %mul3A_1070 : i32
        %add3A_1072 = arith.constant 1000 : i32
        %add3A_1073 = arith.addi %add3A_1072, %mul3A_1071 : i32
        %add3A_1074 = arith.constant 3 : i32
        %add3A_1075 = arith.addi %add3A_1073, %add3A_1074 : i32
        %get3A_1076 = arith.index_cast %add3A_1075 : i32 to index
        %get3A_1077 = arith.constant 0 : index
        %get3A_1078 = tpu.vector_load %arg7[%get3A_1076, %get3A_1077] {strides = array<i32>} : memref<1600x32xf32, #tpu.memory_space<vmem>>, vector<1x16xf32>,
        %get3A_1079 = vector.shape_cast %get3A_1078 : vector<1x16xf32> to vector<16xf32>
        %add3A_1080 = arith.addf %add3A_1014, %get3A_1079 : vector<16xf32>
        %get3A_1081 = arith.index_cast %add3A_1075 : i32 to index
        %get3A_1082 = arith.constant 16 : index
        %get3A_1083 = tpu.vector_load %arg7[%get3A_1081, %get3A_1082] {strides = array<i32>} : memref<1600x32xf32, #tpu.memory_space<vmem>>, vector<1x16xf32>,
        %get3A_1084 = vector.shape_cast %get3A_1083 : vector<1x16xf32> to vector<16xf32>
        %add3A_1085 = arith.addf %add3A_1019, %get3A_1084 : vector<16xf32>
        scf.yield %add3A_1032, %add3A_1037, %add3A_1048, %add3A_1053, %add3A_1064, %add3A_1069, %add3A_1080, %add3A_1085 : vector<16xf32>, vector<16xf32>, vector<16xf32>, vector<16xf32>, vector<16xf32>, vector<16xf32>, vector<16xf32>, vector<16xf32>
      }
      %scan3A_487 = arith.constant 50 : i32
      %add3A_488 = arith.addf %scan3A_486#0, %scan3A_486#2 : vector<16xf32>
      %add3A_489 = arith.addf %scan3A_486#4, %scan3A_486#6 : vector<16xf32>
      %add3A_490 = arith.addf %add3A_488, %add3A_489 : vector<16xf32>
      %add3A_491 = arith.addf %scan3A_486#1, %scan3A_486#3 : vector<16xf32>
      %add3A_492 = arith.addf %scan3A_486#5, %scan3A_486#7 : vector<16xf32>
      %add3A_493 = arith.addf %add3A_491, %add3A_492 : vector<16xf32>
      %mul3A_494 = arith.constant 8 : i32
      %mul3A_495 = arith.muli %add3A_181, %mul3A_494 : i32
      %add3A_496 = arith.constant 5 : i32
      %add3A_497 = arith.addi %mul3A_495, %add3A_496 : i32
      %swap3A_498 = arith.index_cast %add3A_497 : i32 to index
      %swap3A_499 = arith.constant 0 : index
      %swap3A_500 = tpu.vector_load %arg9[%swap3A_498, %swap3A_499] {strides = array<i32>} : memref<512x32xf32, #tpu.memory_space<vmem>>, vector<1x16xf32>,
      %swap3A_501 = vector.shape_cast %swap3A_500 : vector<1x16xf32> to vector<16xf32>
      %swap3A_502 = vector.shape_cast %add3A_490 : vector<16xf32> to vector<1x16xf32>
      tpu.vector_store %arg9[%swap3A_498, %swap3A_499], %swap3A_502 {strides = array<i32>} : memref<512x32xf32, #tpu.memory_space<vmem>>, vector<1x16xf32>,
      %swap3A_503 = arith.index_cast %add3A_497 : i32 to index
      %swap3A_504 = arith.constant 16 : index
      %swap3A_505 = tpu.vector_load %arg9[%swap3A_503, %swap3A_504] {strides = array<i32>} : memref<512x32xf32, #tpu.memory_space<vmem>>, vector<1x16xf32>,
      %swap3A_506 = vector.shape_cast %swap3A_505 : vector<1x16xf32> to vector<16xf32>
      %swap3A_507 = vector.shape_cast %add3A_493 : vector<16xf32> to vector<1x16xf32>
      tpu.vector_store %arg9[%swap3A_503, %swap3A_504], %swap3A_507 {strides = array<i32>} : memref<512x32xf32, #tpu.memory_space<vmem>>, vector<1x16xf32>,
      %scan3A_508 = arith.constant 0 : i32
      %scan3A_509 = arith.constant 50 : i32
      %scan3A_510 = arith.addi %scan3A_508, %scan3A_509 : i32
      %scan3A_511 = arith.constant 2 : i32
      %scan3A_512:8 = scf.for %scan3A_948 = %scan3A_508 to %scan3A_510 step %scan3A_511 iter_args(%scan3A_949 = %broadcast_in_dim3A_352, %scan3A_950 = %broadcast_in_dim3A_352, %scan3A_951 = %broadcast_in_dim3A_352, %scan3A_952 = %broadcast_in_dim3A_352, %scan3A_953 = %broadcast_in_dim3A_352, %scan3A_954 = %broadcast_in_dim3A_352, %scan3A_955 = %broadcast_in_dim3A_352, %scan3A_956 = %broadcast_in_dim3A_352) -> (vector<16xf32>, vector<16xf32>, vector<16xf32>, vector<16xf32>, vector<16xf32>, vector<16xf32>, vector<16xf32>, vector<16xf32>)  : i32 {
        %mul3A_957 = arith.constant 4 : i32
        %mul3A_958 = arith.muli %scan3A_948, %mul3A_957 : i32
        %add3A_959 = arith.constant 1200 : i32
        %add3A_960 = arith.addi %add3A_959, %mul3A_958 : i32
        %add3A_961 = arith.constant 0 : i32
        %add3A_962 = arith.addi %add3A_960, %add3A_961 : i32
        %get3A = arith.index_cast %add3A_962 : i32 to index
        %get3A_963 = arith.constant 0 : index
        %get3A_964 = tpu.vector_load %arg7[%get3A, %get3A_963] {strides = array<i32>} : memref<1600x32xf32, #tpu.memory_space<vmem>>, vector<1x16xf32>,
        %get3A_965 = vector.shape_cast %get3A_964 : vector<1x16xf32> to vector<16xf32>
        %add3A_966 = arith.addf %scan3A_949, %get3A_965 : vector<16xf32>
        %get3A_967 = arith.index_cast %add3A_962 : i32 to index
        %get3A_968 = arith.constant 16 : index
        %get3A_969 = tpu.vector_load %arg7[%get3A_967, %get3A_968] {strides = array<i32>} : memref<1600x32xf32, #tpu.memory_space<vmem>>, vector<1x16xf32>,
        %get3A_970 = vector.shape_cast %get3A_969 : vector<1x16xf32> to vector<16xf32>
        %add3A_971 = arith.addf %scan3A_950, %get3A_970 : vector<16xf32>
        %mul3A_972 = arith.constant 4 : i32
        %mul3A_973 = arith.muli %scan3A_948, %mul3A_972 : i32
        %add3A_974 = arith.constant 1200 : i32
        %add3A_975 = arith.addi %add3A_974, %mul3A_973 : i32
        %add3A_976 = arith.constant 1 : i32
        %add3A_977 = arith.addi %add3A_975, %add3A_976 : i32
        %get3A_978 = arith.index_cast %add3A_977 : i32 to index
        %get3A_979 = arith.constant 0 : index
        %get3A_980 = tpu.vector_load %arg7[%get3A_978, %get3A_979] {strides = array<i32>} : memref<1600x32xf32, #tpu.memory_space<vmem>>, vector<1x16xf32>,
        %get3A_981 = vector.shape_cast %get3A_980 : vector<1x16xf32> to vector<16xf32>
        %add3A_982 = arith.addf %scan3A_951, %get3A_981 : vector<16xf32>
        %get3A_983 = arith.index_cast %add3A_977 : i32 to index
        %get3A_984 = arith.constant 16 : index
        %get3A_985 = tpu.vector_load %arg7[%get3A_983, %get3A_984] {strides = array<i32>} : memref<1600x32xf32, #tpu.memory_space<vmem>>, vector<1x16xf32>,
        %get3A_986 = vector.shape_cast %get3A_985 : vector<1x16xf32> to vector<16xf32>
        %add3A_987 = arith.addf %scan3A_952, %get3A_986 : vector<16xf32>
        %mul3A_988 = arith.constant 4 : i32
        %mul3A_989 = arith.muli %scan3A_948, %mul3A_988 : i32
        %add3A_990 = arith.constant 1200 : i32
        %add3A_991 = arith.addi %add3A_990, %mul3A_989 : i32
        %add3A_992 = arith.constant 2 : i32
        %add3A_993 = arith.addi %add3A_991, %add3A_992 : i32
        %get3A_994 = arith.index_cast %add3A_993 : i32 to index
        %get3A_995 = arith.constant 0 : index
        %get3A_996 = tpu.vector_load %arg7[%get3A_994, %get3A_995] {strides = array<i32>} : memref<1600x32xf32, #tpu.memory_space<vmem>>, vector<1x16xf32>,
        %get3A_997 = vector.shape_cast %get3A_996 : vector<1x16xf32> to vector<16xf32>
        %add3A_998 = arith.addf %scan3A_953, %get3A_997 : vector<16xf32>
        %get3A_999 = arith.index_cast %add3A_993 : i32 to index
        %get3A_1000 = arith.constant 16 : index
        %get3A_1001 = tpu.vector_load %arg7[%get3A_999, %get3A_1000] {strides = array<i32>} : memref<1600x32xf32, #tpu.memory_space<vmem>>, vector<1x16xf32>,
        %get3A_1002 = vector.shape_cast %get3A_1001 : vector<1x16xf32> to vector<16xf32>
        %add3A_1003 = arith.addf %scan3A_954, %get3A_1002 : vector<16xf32>
        %mul3A_1004 = arith.constant 4 : i32
        %mul3A_1005 = arith.muli %scan3A_948, %mul3A_1004 : i32
        %add3A_1006 = arith.constant 1200 : i32
        %add3A_1007 = arith.addi %add3A_1006, %mul3A_1005 : i32
        %add3A_1008 = arith.constant 3 : i32
        %add3A_1009 = arith.addi %add3A_1007, %add3A_1008 : i32
        %get3A_1010 = arith.index_cast %add3A_1009 : i32 to index
        %get3A_1011 = arith.constant 0 : index
        %get3A_1012 = tpu.vector_load %arg7[%get3A_1010, %get3A_1011] {strides = array<i32>} : memref<1600x32xf32, #tpu.memory_space<vmem>>, vector<1x16xf32>,
        %get3A_1013 = vector.shape_cast %get3A_1012 : vector<1x16xf32> to vector<16xf32>
        %add3A_1014 = arith.addf %scan3A_955, %get3A_1013 : vector<16xf32>
        %get3A_1015 = arith.index_cast %add3A_1009 : i32 to index
        %get3A_1016 = arith.constant 16 : index
        %get3A_1017 = tpu.vector_load %arg7[%get3A_1015, %get3A_1016] {strides = array<i32>} : memref<1600x32xf32, #tpu.memory_space<vmem>>, vector<1x16xf32>,
        %get3A_1018 = vector.shape_cast %get3A_1017 : vector<1x16xf32> to vector<16xf32>
        %add3A_1019 = arith.addf %scan3A_956, %get3A_1018 : vector<16xf32>
        %scan3A_1020 = arith.constant 1 : i32
        %scan3A_1021 = arith.addi %scan3A_948, %scan3A_1020 : i32
        %mul3A_1022 = arith.constant 4 : i32
        %mul3A_1023 = arith.muli %scan3A_1021, %mul3A_1022 : i32
        %add3A_1024 = arith.constant 1200 : i32
        %add3A_1025 = arith.addi %add3A_1024, %mul3A_1023 : i32
        %add3A_1026 = arith.constant 0 : i32
        %add3A_1027 = arith.addi %add3A_1025, %add3A_1026 : i32
        %get3A_1028 = arith.index_cast %add3A_1027 : i32 to index
        %get3A_1029 = arith.constant 0 : index
        %get3A_1030 = tpu.vector_load %arg7[%get3A_1028, %get3A_1029] {strides = array<i32>} : memref<1600x32xf32, #tpu.memory_space<vmem>>, vector<1x16xf32>,
        %get3A_1031 = vector.shape_cast %get3A_1030 : vector<1x16xf32> to vector<16xf32>
        %add3A_1032 = arith.addf %add3A_966, %get3A_1031 : vector<16xf32>
        %get3A_1033 = arith.index_cast %add3A_1027 : i32 to index
        %get3A_1034 = arith.constant 16 : index
        %get3A_1035 = tpu.vector_load %arg7[%get3A_1033, %get3A_1034] {strides = array<i32>} : memref<1600x32xf32, #tpu.memory_space<vmem>>, vector<1x16xf32>,
        %get3A_1036 = vector.shape_cast %get3A_1035 : vector<1x16xf32> to vector<16xf32>
        %add3A_1037 = arith.addf %add3A_971, %get3A_1036 : vector<16xf32>
        %mul3A_1038 = arith.constant 4 : i32
        %mul3A_1039 = arith.muli %scan3A_1021, %mul3A_1038 : i32
        %add3A_1040 = arith.constant 1200 : i32
        %add3A_1041 = arith.addi %add3A_1040, %mul3A_1039 : i32
        %add3A_1042 = arith.constant 1 : i32
        %add3A_1043 = arith.addi %add3A_1041, %add3A_1042 : i32
        %get3A_1044 = arith.index_cast %add3A_1043 : i32 to index
        %get3A_1045 = arith.constant 0 : index
        %get3A_1046 = tpu.vector_load %arg7[%get3A_1044, %get3A_1045] {strides = array<i32>} : memref<1600x32xf32, #tpu.memory_space<vmem>>, vector<1x16xf32>,
        %get3A_1047 = vector.shape_cast %get3A_1046 : vector<1x16xf32> to vector<16xf32>
        %add3A_1048 = arith.addf %add3A_982, %get3A_1047 : vector<16xf32>
        %get3A_1049 = arith.index_cast %add3A_1043 : i32 to index
        %get3A_1050 = arith.constant 16 : index
        %get3A_1051 = tpu.vector_load %arg7[%get3A_1049, %get3A_1050] {strides = array<i32>} : memref<1600x32xf32, #tpu.memory_space<vmem>>, vector<1x16xf32>,
        %get3A_1052 = vector.shape_cast %get3A_1051 : vector<1x16xf32> to vector<16xf32>
        %add3A_1053 = arith.addf %add3A_987, %get3A_1052 : vector<16xf32>
        %mul3A_1054 = arith.constant 4 : i32
        %mul3A_1055 = arith.muli %scan3A_1021, %mul3A_1054 : i32
        %add3A_1056 = arith.constant 1200 : i32
        %add3A_1057 = arith.addi %add3A_1056, %mul3A_1055 : i32
        %add3A_1058 = arith.constant 2 : i32
        %add3A_1059 = arith.addi %add3A_1057, %add3A_1058 : i32
        %get3A_1060 = arith.index_cast %add3A_1059 : i32 to index
        %get3A_1061 = arith.constant 0 : index
        %get3A_1062 = tpu.vector_load %arg7[%get3A_1060, %get3A_1061] {strides = array<i32>} : memref<1600x32xf32, #tpu.memory_space<vmem>>, vector<1x16xf32>,
        %get3A_1063 = vector.shape_cast %get3A_1062 : vector<1x16xf32> to vector<16xf32>
        %add3A_1064 = arith.addf %add3A_998, %get3A_1063 : vector<16xf32>
        %get3A_1065 = arith.index_cast %add3A_1059 : i32 to index
        %get3A_1066 = arith.constant 16 : index
        %get3A_1067 = tpu.vector_load %arg7[%get3A_1065, %get3A_1066] {strides = array<i32>} : memref<1600x32xf32, #tpu.memory_space<vmem>>, vector<1x16xf32>,
        %get3A_1068 = vector.shape_cast %get3A_1067 : vector<1x16xf32> to vector<16xf32>
        %add3A_1069 = arith.addf %add3A_1003, %get3A_1068 : vector<16xf32>
        %mul3A_1070 = arith.constant 4 : i32
        %mul3A_1071 = arith.muli %scan3A_1021, %mul3A_1070 : i32
        %add3A_1072 = arith.constant 1200 : i32
        %add3A_1073 = arith.addi %add3A_1072, %mul3A_1071 : i32
        %add3A_1074 = arith.constant 3 : i32
        %add3A_1075 = arith.addi %add3A_1073, %add3A_1074 : i32
        %get3A_1076 = arith.index_cast %add3A_1075 : i32 to index
        %get3A_1077 = arith.constant 0 : index
        %get3A_1078 = tpu.vector_load %arg7[%get3A_1076, %get3A_1077] {strides = array<i32>} : memref<1600x32xf32, #tpu.memory_space<vmem>>, vector<1x16xf32>,
        %get3A_1079 = vector.shape_cast %get3A_1078 : vector<1x16xf32> to vector<16xf32>
        %add3A_1080 = arith.addf %add3A_1014, %get3A_1079 : vector<16xf32>
        %get3A_1081 = arith.index_cast %add3A_1075 : i32 to index
        %get3A_1082 = arith.constant 16 : index
        %get3A_1083 = tpu.vector_load %arg7[%get3A_1081, %get3A_1082] {strides = array<i32>} : memref<1600x32xf32, #tpu.memory_space<vmem>>, vector<1x16xf32>,
        %get3A_1084 = vector.shape_cast %get3A_1083 : vector<1x16xf32> to vector<16xf32>
        %add3A_1085 = arith.addf %add3A_1019, %get3A_1084 : vector<16xf32>
        scf.yield %add3A_1032, %add3A_1037, %add3A_1048, %add3A_1053, %add3A_1064, %add3A_1069, %add3A_1080, %add3A_1085 : vector<16xf32>, vector<16xf32>, vector<16xf32>, vector<16xf32>, vector<16xf32>, vector<16xf32>, vector<16xf32>, vector<16xf32>
      }
      %scan3A_513 = arith.constant 50 : i32
      %add3A_514 = arith.addf %scan3A_512#0, %scan3A_512#2 : vector<16xf32>
      %add3A_515 = arith.addf %scan3A_512#4, %scan3A_512#6 : vector<16xf32>
      %add3A_516 = arith.addf %add3A_514, %add3A_515 : vector<16xf32>
      %add3A_517 = arith.addf %scan3A_512#1, %scan3A_512#3 : vector<16xf32>
      %add3A_518 = arith.addf %scan3A_512#5, %scan3A_512#7 : vector<16xf32>
      %add3A_519 = arith.addf %add3A_517, %add3A_518 : vector<16xf32>
      %mul3A_520 = arith.constant 8 : i32
      %mul3A_521 = arith.muli %add3A_181, %mul3A_520 : i32
      %add3A_522 = arith.constant 6 : i32
      %add3A_523 = arith.addi %mul3A_521, %add3A_522 : i32
      %swap3A_524 = arith.index_cast %add3A_523 : i32 to index
      %swap3A_525 = arith.constant 0 : index
      %swap3A_526 = tpu.vector_load %arg9[%swap3A_524, %swap3A_525] {strides = array<i32>} : memref<512x32xf32, #tpu.memory_space<vmem>>, vector<1x16xf32>,
      %swap3A_527 = vector.shape_cast %swap3A_526 : vector<1x16xf32> to vector<16xf32>
      %swap3A_528 = vector.shape_cast %add3A_516 : vector<16xf32> to vector<1x16xf32>
      tpu.vector_store %arg9[%swap3A_524, %swap3A_525], %swap3A_528 {strides = array<i32>} : memref<512x32xf32, #tpu.memory_space<vmem>>, vector<1x16xf32>,
      %swap3A_529 = arith.index_cast %add3A_523 : i32 to index
      %swap3A_530 = arith.constant 16 : index
      %swap3A_531 = tpu.vector_load %arg9[%swap3A_529, %swap3A_530] {strides = array<i32>} : memref<512x32xf32, #tpu.memory_space<vmem>>, vector<1x16xf32>,
      %swap3A_532 = vector.shape_cast %swap3A_531 : vector<1x16xf32> to vector<16xf32>
      %swap3A_533 = vector.shape_cast %add3A_519 : vector<16xf32> to vector<1x16xf32>
      tpu.vector_store %arg9[%swap3A_529, %swap3A_530], %swap3A_533 {strides = array<i32>} : memref<512x32xf32, #tpu.memory_space<vmem>>, vector<1x16xf32>,
      %scan3A_534 = arith.constant 0 : i32
      %scan3A_535 = arith.constant 50 : i32
      %scan3A_536 = arith.addi %scan3A_534, %scan3A_535 : i32
      %scan3A_537 = arith.constant 2 : i32
      %scan3A_538:8 = scf.for %scan3A_948 = %scan3A_534 to %scan3A_536 step %scan3A_537 iter_args(%scan3A_949 = %broadcast_in_dim3A_352, %scan3A_950 = %broadcast_in_dim3A_352, %scan3A_951 = %broadcast_in_dim3A_352, %scan3A_952 = %broadcast_in_dim3A_352, %scan3A_953 = %broadcast_in_dim3A_352, %scan3A_954 = %broadcast_in_dim3A_352, %scan3A_955 = %broadcast_in_dim3A_352, %scan3A_956 = %broadcast_in_dim3A_352) -> (vector<16xf32>, vector<16xf32>, vector<16xf32>, vector<16xf32>, vector<16xf32>, vector<16xf32>, vector<16xf32>, vector<16xf32>)  : i32 {
        %mul3A_957 = arith.constant 4 : i32
        %mul3A_958 = arith.muli %scan3A_948, %mul3A_957 : i32
        %add3A_959 = arith.constant 1400 : i32
        %add3A_960 = arith.addi %add3A_959, %mul3A_958 : i32
        %add3A_961 = arith.constant 0 : i32
        %add3A_962 = arith.addi %add3A_960, %add3A_961 : i32
        %get3A = arith.index_cast %add3A_962 : i32 to index
        %get3A_963 = arith.constant 0 : index
        %get3A_964 = tpu.vector_load %arg7[%get3A, %get3A_963] {strides = array<i32>} : memref<1600x32xf32, #tpu.memory_space<vmem>>, vector<1x16xf32>,
        %get3A_965 = vector.shape_cast %get3A_964 : vector<1x16xf32> to vector<16xf32>
        %add3A_966 = arith.addf %scan3A_949, %get3A_965 : vector<16xf32>
        %get3A_967 = arith.index_cast %add3A_962 : i32 to index
        %get3A_968 = arith.constant 16 : index
        %get3A_969 = tpu.vector_load %arg7[%get3A_967, %get3A_968] {strides = array<i32>} : memref<1600x32xf32, #tpu.memory_space<vmem>>, vector<1x16xf32>,
        %get3A_970 = vector.shape_cast %get3A_969 : vector<1x16xf32> to vector<16xf32>
        %add3A_971 = arith.addf %scan3A_950, %get3A_970 : vector<16xf32>
        %mul3A_972 = arith.constant 4 : i32
        %mul3A_973 = arith.muli %scan3A_948, %mul3A_972 : i32
        %add3A_974 = arith.constant 1400 : i32
        %add3A_975 = arith.addi %add3A_974, %mul3A_973 : i32
        %add3A_976 = arith.constant 1 : i32
        %add3A_977 = arith.addi %add3A_975, %add3A_976 : i32
        %get3A_978 = arith.index_cast %add3A_977 : i32 to index
        %get3A_979 = arith.constant 0 : index
        %get3A_980 = tpu.vector_load %arg7[%get3A_978, %get3A_979] {strides = array<i32>} : memref<1600x32xf32, #tpu.memory_space<vmem>>, vector<1x16xf32>,
        %get3A_981 = vector.shape_cast %get3A_980 : vector<1x16xf32> to vector<16xf32>
        %add3A_982 = arith.addf %scan3A_951, %get3A_981 : vector<16xf32>
        %get3A_983 = arith.index_cast %add3A_977 : i32 to index
        %get3A_984 = arith.constant 16 : index
        %get3A_985 = tpu.vector_load %arg7[%get3A_983, %get3A_984] {strides = array<i32>} : memref<1600x32xf32, #tpu.memory_space<vmem>>, vector<1x16xf32>,
        %get3A_986 = vector.shape_cast %get3A_985 : vector<1x16xf32> to vector<16xf32>
        %add3A_987 = arith.addf %scan3A_952, %get3A_986 : vector<16xf32>
        %mul3A_988 = arith.constant 4 : i32
        %mul3A_989 = arith.muli %scan3A_948, %mul3A_988 : i32
        %add3A_990 = arith.constant 1400 : i32
        %add3A_991 = arith.addi %add3A_990, %mul3A_989 : i32
        %add3A_992 = arith.constant 2 : i32
        %add3A_993 = arith.addi %add3A_991, %add3A_992 : i32
        %get3A_994 = arith.index_cast %add3A_993 : i32 to index
        %get3A_995 = arith.constant 0 : index
        %get3A_996 = tpu.vector_load %arg7[%get3A_994, %get3A_995] {strides = array<i32>} : memref<1600x32xf32, #tpu.memory_space<vmem>>, vector<1x16xf32>,
        %get3A_997 = vector.shape_cast %get3A_996 : vector<1x16xf32> to vector<16xf32>
        %add3A_998 = arith.addf %scan3A_953, %get3A_997 : vector<16xf32>
        %get3A_999 = arith.index_cast %add3A_993 : i32 to index
        %get3A_1000 = arith.constant 16 : index
        %get3A_1001 = tpu.vector_load %arg7[%get3A_999, %get3A_1000] {strides = array<i32>} : memref<1600x32xf32, #tpu.memory_space<vmem>>, vector<1x16xf32>,
        %get3A_1002 = vector.shape_cast %get3A_1001 : vector<1x16xf32> to vector<16xf32>
        %add3A_1003 = arith.addf %scan3A_954, %get3A_1002 : vector<16xf32>
        %mul3A_1004 = arith.constant 4 : i32
        %mul3A_1005 = arith.muli %scan3A_948, %mul3A_1004 : i32
        %add3A_1006 = arith.constant 1400 : i32
        %add3A_1007 = arith.addi %add3A_1006, %mul3A_1005 : i32
        %add3A_1008 = arith.constant 3 : i32
        %add3A_1009 = arith.addi %add3A_1007, %add3A_1008 : i32
        %get3A_1010 = arith.index_cast %add3A_1009 : i32 to index
        %get3A_1011 = arith.constant 0 : index
        %get3A_1012 = tpu.vector_load %arg7[%get3A_1010, %get3A_1011] {strides = array<i32>} : memref<1600x32xf32, #tpu.memory_space<vmem>>, vector<1x16xf32>,
        %get3A_1013 = vector.shape_cast %get3A_1012 : vector<1x16xf32> to vector<16xf32>
        %add3A_1014 = arith.addf %scan3A_955, %get3A_1013 : vector<16xf32>
        %get3A_1015 = arith.index_cast %add3A_1009 : i32 to index
        %get3A_1016 = arith.constant 16 : index
        %get3A_1017 = tpu.vector_load %arg7[%get3A_1015, %get3A_1016] {strides = array<i32>} : memref<1600x32xf32, #tpu.memory_space<vmem>>, vector<1x16xf32>,
        %get3A_1018 = vector.shape_cast %get3A_1017 : vector<1x16xf32> to vector<16xf32>
        %add3A_1019 = arith.addf %scan3A_956, %get3A_1018 : vector<16xf32>
        %scan3A_1020 = arith.constant 1 : i32
        %scan3A_1021 = arith.addi %scan3A_948, %scan3A_1020 : i32
        %mul3A_1022 = arith.constant 4 : i32
        %mul3A_1023 = arith.muli %scan3A_1021, %mul3A_1022 : i32
        %add3A_1024 = arith.constant 1400 : i32
        %add3A_1025 = arith.addi %add3A_1024, %mul3A_1023 : i32
        %add3A_1026 = arith.constant 0 : i32
        %add3A_1027 = arith.addi %add3A_1025, %add3A_1026 : i32
        %get3A_1028 = arith.index_cast %add3A_1027 : i32 to index
        %get3A_1029 = arith.constant 0 : index
        %get3A_1030 = tpu.vector_load %arg7[%get3A_1028, %get3A_1029] {strides = array<i32>} : memref<1600x32xf32, #tpu.memory_space<vmem>>, vector<1x16xf32>,
        %get3A_1031 = vector.shape_cast %get3A_1030 : vector<1x16xf32> to vector<16xf32>
        %add3A_1032 = arith.addf %add3A_966, %get3A_1031 : vector<16xf32>
        %get3A_1033 = arith.index_cast %add3A_1027 : i32 to index
        %get3A_1034 = arith.constant 16 : index
        %get3A_1035 = tpu.vector_load %arg7[%get3A_1033, %get3A_1034] {strides = array<i32>} : memref<1600x32xf32, #tpu.memory_space<vmem>>, vector<1x16xf32>,
        %get3A_1036 = vector.shape_cast %get3A_1035 : vector<1x16xf32> to vector<16xf32>
        %add3A_1037 = arith.addf %add3A_971, %get3A_1036 : vector<16xf32>
        %mul3A_1038 = arith.constant 4 : i32
        %mul3A_1039 = arith.muli %scan3A_1021, %mul3A_1038 : i32
        %add3A_1040 = arith.constant 1400 : i32
        %add3A_1041 = arith.addi %add3A_1040, %mul3A_1039 : i32
        %add3A_1042 = arith.constant 1 : i32
        %add3A_1043 = arith.addi %add3A_1041, %add3A_1042 : i32
        %get3A_1044 = arith.index_cast %add3A_1043 : i32 to index
        %get3A_1045 = arith.constant 0 : index
        %get3A_1046 = tpu.vector_load %arg7[%get3A_1044, %get3A_1045] {strides = array<i32>} : memref<1600x32xf32, #tpu.memory_space<vmem>>, vector<1x16xf32>,
        %get3A_1047 = vector.shape_cast %get3A_1046 : vector<1x16xf32> to vector<16xf32>
        %add3A_1048 = arith.addf %add3A_982, %get3A_1047 : vector<16xf32>
        %get3A_1049 = arith.index_cast %add3A_1043 : i32 to index
        %get3A_1050 = arith.constant 16 : index
        %get3A_1051 = tpu.vector_load %arg7[%get3A_1049, %get3A_1050] {strides = array<i32>} : memref<1600x32xf32, #tpu.memory_space<vmem>>, vector<1x16xf32>,
        %get3A_1052 = vector.shape_cast %get3A_1051 : vector<1x16xf32> to vector<16xf32>
        %add3A_1053 = arith.addf %add3A_987, %get3A_1052 : vector<16xf32>
        %mul3A_1054 = arith.constant 4 : i32
        %mul3A_1055 = arith.muli %scan3A_1021, %mul3A_1054 : i32
        %add3A_1056 = arith.constant 1400 : i32
        %add3A_1057 = arith.addi %add3A_1056, %mul3A_1055 : i32
        %add3A_1058 = arith.constant 2 : i32
        %add3A_1059 = arith.addi %add3A_1057, %add3A_1058 : i32
        %get3A_1060 = arith.index_cast %add3A_1059 : i32 to index
        %get3A_1061 = arith.constant 0 : index
        %get3A_1062 = tpu.vector_load %arg7[%get3A_1060, %get3A_1061] {strides = array<i32>} : memref<1600x32xf32, #tpu.memory_space<vmem>>, vector<1x16xf32>,
        %get3A_1063 = vector.shape_cast %get3A_1062 : vector<1x16xf32> to vector<16xf32>
        %add3A_1064 = arith.addf %add3A_998, %get3A_1063 : vector<16xf32>
        %get3A_1065 = arith.index_cast %add3A_1059 : i32 to index
        %get3A_1066 = arith.constant 16 : index
        %get3A_1067 = tpu.vector_load %arg7[%get3A_1065, %get3A_1066] {strides = array<i32>} : memref<1600x32xf32, #tpu.memory_space<vmem>>, vector<1x16xf32>,
        %get3A_1068 = vector.shape_cast %get3A_1067 : vector<1x16xf32> to vector<16xf32>
        %add3A_1069 = arith.addf %add3A_1003, %get3A_1068 : vector<16xf32>
        %mul3A_1070 = arith.constant 4 : i32
        %mul3A_1071 = arith.muli %scan3A_1021, %mul3A_1070 : i32
        %add3A_1072 = arith.constant 1400 : i32
        %add3A_1073 = arith.addi %add3A_1072, %mul3A_1071 : i32
        %add3A_1074 = arith.constant 3 : i32
        %add3A_1075 = arith.addi %add3A_1073, %add3A_1074 : i32
        %get3A_1076 = arith.index_cast %add3A_1075 : i32 to index
        %get3A_1077 = arith.constant 0 : index
        %get3A_1078 = tpu.vector_load %arg7[%get3A_1076, %get3A_1077] {strides = array<i32>} : memref<1600x32xf32, #tpu.memory_space<vmem>>, vector<1x16xf32>,
        %get3A_1079 = vector.shape_cast %get3A_1078 : vector<1x16xf32> to vector<16xf32>
        %add3A_1080 = arith.addf %add3A_1014, %get3A_1079 : vector<16xf32>
        %get3A_1081 = arith.index_cast %add3A_1075 : i32 to index
        %get3A_1082 = arith.constant 16 : index
        %get3A_1083 = tpu.vector_load %arg7[%get3A_1081, %get3A_1082] {strides = array<i32>} : memref<1600x32xf32, #tpu.memory_space<vmem>>, vector<1x16xf32>,
        %get3A_1084 = vector.shape_cast %get3A_1083 : vector<1x16xf32> to vector<16xf32>
        %add3A_1085 = arith.addf %add3A_1019, %get3A_1084 : vector<16xf32>
        scf.yield %add3A_1032, %add3A_1037, %add3A_1048, %add3A_1053, %add3A_1064, %add3A_1069, %add3A_1080, %add3A_1085 : vector<16xf32>, vector<16xf32>, vector<16xf32>, vector<16xf32>, vector<16xf32>, vector<16xf32>, vector<16xf32>, vector<16xf32>
      }
      %scan3A_539 = arith.constant 50 : i32
      %add3A_540 = arith.addf %scan3A_538#0, %scan3A_538#2 : vector<16xf32>
      %add3A_541 = arith.addf %scan3A_538#4, %scan3A_538#6 : vector<16xf32>
      %add3A_542 = arith.addf %add3A_540, %add3A_541 : vector<16xf32>
      %add3A_543 = arith.addf %scan3A_538#1, %scan3A_538#3 : vector<16xf32>
      %add3A_544 = arith.addf %scan3A_538#5, %scan3A_538#7 : vector<16xf32>
      %add3A_545 = arith.addf %add3A_543, %add3A_544 : vector<16xf32>
      %mul3A_546 = arith.constant 8 : i32
      %mul3A_547 = arith.muli %add3A_181, %mul3A_546 : i32
      %add3A_548 = arith.constant 7 : i32
      %add3A_549 = arith.addi %mul3A_547, %add3A_548 : i32
      %swap3A_550 = arith.index_cast %add3A_549 : i32 to index
      %swap3A_551 = arith.constant 0 : index
      %swap3A_552 = tpu.vector_load %arg9[%swap3A_550, %swap3A_551] {strides = array<i32>} : memref<512x32xf32, #tpu.memory_space<vmem>>, vector<1x16xf32>,
      %swap3A_553 = vector.shape_cast %swap3A_552 : vector<1x16xf32> to vector<16xf32>
      %swap3A_554 = vector.shape_cast %add3A_542 : vector<16xf32> to vector<1x16xf32>
      tpu.vector_store %arg9[%swap3A_550, %swap3A_551], %swap3A_554 {strides = array<i32>} : memref<512x32xf32, #tpu.memory_space<vmem>>, vector<1x16xf32>,
      %swap3A_555 = arith.index_cast %add3A_549 : i32 to index
      %swap3A_556 = arith.constant 16 : index
      %swap3A_557 = tpu.vector_load %arg9[%swap3A_555, %swap3A_556] {strides = array<i32>} : memref<512x32xf32, #tpu.memory_space<vmem>>, vector<1x16xf32>,
      %swap3A_558 = vector.shape_cast %swap3A_557 : vector<1x16xf32> to vector<16xf32>
      %swap3A_559 = vector.shape_cast %add3A_545 : vector<16xf32> to vector<1x16xf32>
      tpu.vector_store %arg9[%swap3A_555, %swap3A_556], %swap3A_559 {strides = array<i32>} : memref<512x32xf32, #tpu.memory_space<vmem>>, vector<1x16xf32>,
      %mul3A_560 = arith.constant 2 : i32
      %mul3A_561 = arith.muli %scan3A_177, %mul3A_560 : i32
      %add3A_562 = arith.constant 1 : i32
      %add3A_563 = arith.addi %mul3A_561, %add3A_562 : i32
      %dma_wait3A_564 = arith.constant 0 : i32
      %dma_wait3A_565 = arith.constant 0 : i32
      %dma_wait3A_566 = arith.constant 0 : i32
      %dma_wait3A_567 = tpu.memref_slice %arg8[%dma_wait3A_565, %dma_wait3A_566] : memref<1600x32xf32, #tpu.memory_space<vmem>> -> memref<128x32xf32, #tpu.memory_space<vmem>>
      %dma_wait3A_568 = arith.constant 0 : i32
      %dma_wait3A_569 = tpu.memref_slice %arg6[%dma_wait3A_564, %dma_wait3A_568] : memref<16x128xi32, #tpu.memory_space<vmem>> -> memref<1x128xi32, #tpu.memory_space<vmem>>
      %dma_wait3A_570 = tpu.memref_squeeze %dma_wait3A_569 : memref<1x128xi32, #tpu.memory_space<vmem>> -> memref<128xi32, #tpu.memory_space<vmem>>
      %dma_wait3A_571 = arith.constant 0 : i32
      %dma_wait3A_572 = arith.constant 0 : i32
      %dma_wait3A_573 = tpu.memref_slice %arg3[%dma_wait3A_571, %dma_wait3A_572] : memref<1000000x32xf32, #tpu.memory_space<hbm>> -> memref<1000000x32xf32, #tpu.memory_space<hbm>>
      tpu.wait_indirect_dma semaphore(%arg11 : memref<!tpu.dma_semaphore, #tpu.memory_space<semaphore_mem>>) src(%dma_wait3A_573 : memref<1000000x32xf32, #tpu.memory_space<hbm>>) dst(%dma_wait3A_567 : memref<128x32xf32, #tpu.memory_space<vmem>>)
      %dma_wait3A_574 = arith.constant 1 : i32
      %dma_wait3A_575 = arith.constant 128 : i32
      %dma_wait3A_576 = arith.constant 0 : i32
      %dma_wait3A_577 = tpu.memref_slice %arg8[%dma_wait3A_575, %dma_wait3A_576] : memref<1600x32xf32, #tpu.memory_space<vmem>> -> memref<72x32xf32, #tpu.memory_space<vmem>>
      %dma_wait3A_578 = arith.constant 0 : i32
      %dma_wait3A_579 = tpu.memref_slice %arg6[%dma_wait3A_574, %dma_wait3A_578] : memref<16x128xi32, #tpu.memory_space<vmem>> -> memref<1x72xi32, #tpu.memory_space<vmem>>
      %dma_wait3A_580 = tpu.memref_squeeze %dma_wait3A_579 : memref<1x72xi32, #tpu.memory_space<vmem>> -> memref<72xi32, #tpu.memory_space<vmem>>
      %dma_wait3A_581 = arith.constant 0 : i32
      %dma_wait3A_582 = arith.constant 0 : i32
      %dma_wait3A_583 = tpu.memref_slice %arg3[%dma_wait3A_581, %dma_wait3A_582] : memref<1000000x32xf32, #tpu.memory_space<hbm>> -> memref<1000000x32xf32, #tpu.memory_space<hbm>>
      tpu.wait_indirect_dma semaphore(%arg11 : memref<!tpu.dma_semaphore, #tpu.memory_space<semaphore_mem>>) src(%dma_wait3A_583 : memref<1000000x32xf32, #tpu.memory_space<hbm>>) dst(%dma_wait3A_577 : memref<72x32xf32, #tpu.memory_space<vmem>>)
      %dma_wait3A_584 = arith.constant 2 : i32
      %dma_wait3A_585 = arith.constant 200 : i32
      %dma_wait3A_586 = arith.constant 0 : i32
      %dma_wait3A_587 = tpu.memref_slice %arg8[%dma_wait3A_585, %dma_wait3A_586] : memref<1600x32xf32, #tpu.memory_space<vmem>> -> memref<128x32xf32, #tpu.memory_space<vmem>>
      %dma_wait3A_588 = arith.constant 0 : i32
      %dma_wait3A_589 = tpu.memref_slice %arg6[%dma_wait3A_584, %dma_wait3A_588] : memref<16x128xi32, #tpu.memory_space<vmem>> -> memref<1x128xi32, #tpu.memory_space<vmem>>
      %dma_wait3A_590 = tpu.memref_squeeze %dma_wait3A_589 : memref<1x128xi32, #tpu.memory_space<vmem>> -> memref<128xi32, #tpu.memory_space<vmem>>
      %dma_wait3A_591 = arith.constant 0 : i32
      %dma_wait3A_592 = arith.constant 0 : i32
      %dma_wait3A_593 = tpu.memref_slice %arg3[%dma_wait3A_591, %dma_wait3A_592] : memref<1000000x32xf32, #tpu.memory_space<hbm>> -> memref<1000000x32xf32, #tpu.memory_space<hbm>>
      tpu.wait_indirect_dma semaphore(%arg11 : memref<!tpu.dma_semaphore, #tpu.memory_space<semaphore_mem>>) src(%dma_wait3A_593 : memref<1000000x32xf32, #tpu.memory_space<hbm>>) dst(%dma_wait3A_587 : memref<128x32xf32, #tpu.memory_space<vmem>>)
      %dma_wait3A_594 = arith.constant 3 : i32
      %dma_wait3A_595 = arith.constant 328 : i32
      %dma_wait3A_596 = arith.constant 0 : i32
      %dma_wait3A_597 = tpu.memref_slice %arg8[%dma_wait3A_595, %dma_wait3A_596] : memref<1600x32xf32, #tpu.memory_space<vmem>> -> memref<72x32xf32, #tpu.memory_space<vmem>>
      %dma_wait3A_598 = arith.constant 0 : i32
      %dma_wait3A_599 = tpu.memref_slice %arg6[%dma_wait3A_594, %dma_wait3A_598] : memref<16x128xi32, #tpu.memory_space<vmem>> -> memref<1x72xi32, #tpu.memory_space<vmem>>
      %dma_wait3A_600 = tpu.memref_squeeze %dma_wait3A_599 : memref<1x72xi32, #tpu.memory_space<vmem>> -> memref<72xi32, #tpu.memory_space<vmem>>
      %dma_wait3A_601 = arith.constant 0 : i32
      %dma_wait3A_602 = arith.constant 0 : i32
      %dma_wait3A_603 = tpu.memref_slice %arg3[%dma_wait3A_601, %dma_wait3A_602] : memref<1000000x32xf32, #tpu.memory_space<hbm>> -> memref<1000000x32xf32, #tpu.memory_space<hbm>>
      tpu.wait_indirect_dma semaphore(%arg11 : memref<!tpu.dma_semaphore, #tpu.memory_space<semaphore_mem>>) src(%dma_wait3A_603 : memref<1000000x32xf32, #tpu.memory_space<hbm>>) dst(%dma_wait3A_597 : memref<72x32xf32, #tpu.memory_space<vmem>>)
      %dma_wait3A_604 = arith.constant 4 : i32
      %dma_wait3A_605 = arith.constant 400 : i32
      %dma_wait3A_606 = arith.constant 0 : i32
      %dma_wait3A_607 = tpu.memref_slice %arg8[%dma_wait3A_605, %dma_wait3A_606] : memref<1600x32xf32, #tpu.memory_space<vmem>> -> memref<128x32xf32, #tpu.memory_space<vmem>>
      %dma_wait3A_608 = arith.constant 0 : i32
      %dma_wait3A_609 = tpu.memref_slice %arg6[%dma_wait3A_604, %dma_wait3A_608] : memref<16x128xi32, #tpu.memory_space<vmem>> -> memref<1x128xi32, #tpu.memory_space<vmem>>
      %dma_wait3A_610 = tpu.memref_squeeze %dma_wait3A_609 : memref<1x128xi32, #tpu.memory_space<vmem>> -> memref<128xi32, #tpu.memory_space<vmem>>
      %dma_wait3A_611 = arith.constant 0 : i32
      %dma_wait3A_612 = arith.constant 0 : i32
      %dma_wait3A_613 = tpu.memref_slice %arg3[%dma_wait3A_611, %dma_wait3A_612] : memref<1000000x32xf32, #tpu.memory_space<hbm>> -> memref<1000000x32xf32, #tpu.memory_space<hbm>>
      tpu.wait_indirect_dma semaphore(%arg11 : memref<!tpu.dma_semaphore, #tpu.memory_space<semaphore_mem>>) src(%dma_wait3A_613 : memref<1000000x32xf32, #tpu.memory_space<hbm>>) dst(%dma_wait3A_607 : memref<128x32xf32, #tpu.memory_space<vmem>>)
      %dma_wait3A_614 = arith.constant 5 : i32
      %dma_wait3A_615 = arith.constant 528 : i32
      %dma_wait3A_616 = arith.constant 0 : i32
      %dma_wait3A_617 = tpu.memref_slice %arg8[%dma_wait3A_615, %dma_wait3A_616] : memref<1600x32xf32, #tpu.memory_space<vmem>> -> memref<72x32xf32, #tpu.memory_space<vmem>>
      %dma_wait3A_618 = arith.constant 0 : i32
      %dma_wait3A_619 = tpu.memref_slice %arg6[%dma_wait3A_614, %dma_wait3A_618] : memref<16x128xi32, #tpu.memory_space<vmem>> -> memref<1x72xi32, #tpu.memory_space<vmem>>
      %dma_wait3A_620 = tpu.memref_squeeze %dma_wait3A_619 : memref<1x72xi32, #tpu.memory_space<vmem>> -> memref<72xi32, #tpu.memory_space<vmem>>
      %dma_wait3A_621 = arith.constant 0 : i32
      %dma_wait3A_622 = arith.constant 0 : i32
      %dma_wait3A_623 = tpu.memref_slice %arg3[%dma_wait3A_621, %dma_wait3A_622] : memref<1000000x32xf32, #tpu.memory_space<hbm>> -> memref<1000000x32xf32, #tpu.memory_space<hbm>>
      tpu.wait_indirect_dma semaphore(%arg11 : memref<!tpu.dma_semaphore, #tpu.memory_space<semaphore_mem>>) src(%dma_wait3A_623 : memref<1000000x32xf32, #tpu.memory_space<hbm>>) dst(%dma_wait3A_617 : memref<72x32xf32, #tpu.memory_space<vmem>>)
      %dma_wait3A_624 = arith.constant 6 : i32
      %dma_wait3A_625 = arith.constant 600 : i32
      %dma_wait3A_626 = arith.constant 0 : i32
      %dma_wait3A_627 = tpu.memref_slice %arg8[%dma_wait3A_625, %dma_wait3A_626] : memref<1600x32xf32, #tpu.memory_space<vmem>> -> memref<128x32xf32, #tpu.memory_space<vmem>>
      %dma_wait3A_628 = arith.constant 0 : i32
      %dma_wait3A_629 = tpu.memref_slice %arg6[%dma_wait3A_624, %dma_wait3A_628] : memref<16x128xi32, #tpu.memory_space<vmem>> -> memref<1x128xi32, #tpu.memory_space<vmem>>
      %dma_wait3A_630 = tpu.memref_squeeze %dma_wait3A_629 : memref<1x128xi32, #tpu.memory_space<vmem>> -> memref<128xi32, #tpu.memory_space<vmem>>
      %dma_wait3A_631 = arith.constant 0 : i32
      %dma_wait3A_632 = arith.constant 0 : i32
      %dma_wait3A_633 = tpu.memref_slice %arg3[%dma_wait3A_631, %dma_wait3A_632] : memref<1000000x32xf32, #tpu.memory_space<hbm>> -> memref<1000000x32xf32, #tpu.memory_space<hbm>>
      tpu.wait_indirect_dma semaphore(%arg11 : memref<!tpu.dma_semaphore, #tpu.memory_space<semaphore_mem>>) src(%dma_wait3A_633 : memref<1000000x32xf32, #tpu.memory_space<hbm>>) dst(%dma_wait3A_627 : memref<128x32xf32, #tpu.memory_space<vmem>>)
      %dma_wait3A_634 = arith.constant 7 : i32
      %dma_wait3A_635 = arith.constant 728 : i32
      %dma_wait3A_636 = arith.constant 0 : i32
      %dma_wait3A_637 = tpu.memref_slice %arg8[%dma_wait3A_635, %dma_wait3A_636] : memref<1600x32xf32, #tpu.memory_space<vmem>> -> memref<72x32xf32, #tpu.memory_space<vmem>>
      %dma_wait3A_638 = arith.constant 0 : i32
      %dma_wait3A_639 = tpu.memref_slice %arg6[%dma_wait3A_634, %dma_wait3A_638] : memref<16x128xi32, #tpu.memory_space<vmem>> -> memref<1x72xi32, #tpu.memory_space<vmem>>
      %dma_wait3A_640 = tpu.memref_squeeze %dma_wait3A_639 : memref<1x72xi32, #tpu.memory_space<vmem>> -> memref<72xi32, #tpu.memory_space<vmem>>
      %dma_wait3A_641 = arith.constant 0 : i32
      %dma_wait3A_642 = arith.constant 0 : i32
      %dma_wait3A_643 = tpu.memref_slice %arg3[%dma_wait3A_641, %dma_wait3A_642] : memref<1000000x32xf32, #tpu.memory_space<hbm>> -> memref<1000000x32xf32, #tpu.memory_space<hbm>>
      tpu.wait_indirect_dma semaphore(%arg11 : memref<!tpu.dma_semaphore, #tpu.memory_space<semaphore_mem>>) src(%dma_wait3A_643 : memref<1000000x32xf32, #tpu.memory_space<hbm>>) dst(%dma_wait3A_637 : memref<72x32xf32, #tpu.memory_space<vmem>>)
      %dma_wait3A_644 = arith.constant 8 : i32
      %dma_wait3A_645 = arith.constant 800 : i32
      %dma_wait3A_646 = arith.constant 0 : i32
      %dma_wait3A_647 = tpu.memref_slice %arg8[%dma_wait3A_645, %dma_wait3A_646] : memref<1600x32xf32, #tpu.memory_space<vmem>> -> memref<128x32xf32, #tpu.memory_space<vmem>>
      %dma_wait3A_648 = arith.constant 0 : i32
      %dma_wait3A_649 = tpu.memref_slice %arg6[%dma_wait3A_644, %dma_wait3A_648] : memref<16x128xi32, #tpu.memory_space<vmem>> -> memref<1x128xi32, #tpu.memory_space<vmem>>
      %dma_wait3A_650 = tpu.memref_squeeze %dma_wait3A_649 : memref<1x128xi32, #tpu.memory_space<vmem>> -> memref<128xi32, #tpu.memory_space<vmem>>
      %dma_wait3A_651 = arith.constant 0 : i32
      %dma_wait3A_652 = arith.constant 0 : i32
      %dma_wait3A_653 = tpu.memref_slice %arg3[%dma_wait3A_651, %dma_wait3A_652] : memref<1000000x32xf32, #tpu.memory_space<hbm>> -> memref<1000000x32xf32, #tpu.memory_space<hbm>>
      tpu.wait_indirect_dma semaphore(%arg11 : memref<!tpu.dma_semaphore, #tpu.memory_space<semaphore_mem>>) src(%dma_wait3A_653 : memref<1000000x32xf32, #tpu.memory_space<hbm>>) dst(%dma_wait3A_647 : memref<128x32xf32, #tpu.memory_space<vmem>>)
      %dma_wait3A_654 = arith.constant 9 : i32
      %dma_wait3A_655 = arith.constant 928 : i32
      %dma_wait3A_656 = arith.constant 0 : i32
      %dma_wait3A_657 = tpu.memref_slice %arg8[%dma_wait3A_655, %dma_wait3A_656] : memref<1600x32xf32, #tpu.memory_space<vmem>> -> memref<72x32xf32, #tpu.memory_space<vmem>>
      %dma_wait3A_658 = arith.constant 0 : i32
      %dma_wait3A_659 = tpu.memref_slice %arg6[%dma_wait3A_654, %dma_wait3A_658] : memref<16x128xi32, #tpu.memory_space<vmem>> -> memref<1x72xi32, #tpu.memory_space<vmem>>
      %dma_wait3A_660 = tpu.memref_squeeze %dma_wait3A_659 : memref<1x72xi32, #tpu.memory_space<vmem>> -> memref<72xi32, #tpu.memory_space<vmem>>
      %dma_wait3A_661 = arith.constant 0 : i32
      %dma_wait3A_662 = arith.constant 0 : i32
      %dma_wait3A_663 = tpu.memref_slice %arg3[%dma_wait3A_661, %dma_wait3A_662] : memref<1000000x32xf32, #tpu.memory_space<hbm>> -> memref<1000000x32xf32, #tpu.memory_space<hbm>>
      tpu.wait_indirect_dma semaphore(%arg11 : memref<!tpu.dma_semaphore, #tpu.memory_space<semaphore_mem>>) src(%dma_wait3A_663 : memref<1000000x32xf32, #tpu.memory_space<hbm>>) dst(%dma_wait3A_657 : memref<72x32xf32, #tpu.memory_space<vmem>>)
      %dma_wait3A_664 = arith.constant 10 : i32
      %dma_wait3A_665 = arith.constant 1000 : i32
      %dma_wait3A_666 = arith.constant 0 : i32
      %dma_wait3A_667 = tpu.memref_slice %arg8[%dma_wait3A_665, %dma_wait3A_666] : memref<1600x32xf32, #tpu.memory_space<vmem>> -> memref<128x32xf32, #tpu.memory_space<vmem>>
      %dma_wait3A_668 = arith.constant 0 : i32
      %dma_wait3A_669 = tpu.memref_slice %arg6[%dma_wait3A_664, %dma_wait3A_668] : memref<16x128xi32, #tpu.memory_space<vmem>> -> memref<1x128xi32, #tpu.memory_space<vmem>>
      %dma_wait3A_670 = tpu.memref_squeeze %dma_wait3A_669 : memref<1x128xi32, #tpu.memory_space<vmem>> -> memref<128xi32, #tpu.memory_space<vmem>>
      %dma_wait3A_671 = arith.constant 0 : i32
      %dma_wait3A_672 = arith.constant 0 : i32
      %dma_wait3A_673 = tpu.memref_slice %arg3[%dma_wait3A_671, %dma_wait3A_672] : memref<1000000x32xf32, #tpu.memory_space<hbm>> -> memref<1000000x32xf32, #tpu.memory_space<hbm>>
      tpu.wait_indirect_dma semaphore(%arg11 : memref<!tpu.dma_semaphore, #tpu.memory_space<semaphore_mem>>) src(%dma_wait3A_673 : memref<1000000x32xf32, #tpu.memory_space<hbm>>) dst(%dma_wait3A_667 : memref<128x32xf32, #tpu.memory_space<vmem>>)
      %dma_wait3A_674 = arith.constant 11 : i32
      %dma_wait3A_675 = arith.constant 1128 : i32
      %dma_wait3A_676 = arith.constant 0 : i32
      %dma_wait3A_677 = tpu.memref_slice %arg8[%dma_wait3A_675, %dma_wait3A_676] : memref<1600x32xf32, #tpu.memory_space<vmem>> -> memref<72x32xf32, #tpu.memory_space<vmem>>
      %dma_wait3A_678 = arith.constant 0 : i32
      %dma_wait3A_679 = tpu.memref_slice %arg6[%dma_wait3A_674, %dma_wait3A_678] : memref<16x128xi32, #tpu.memory_space<vmem>> -> memref<1x72xi32, #tpu.memory_space<vmem>>
      %dma_wait3A_680 = tpu.memref_squeeze %dma_wait3A_679 : memref<1x72xi32, #tpu.memory_space<vmem>> -> memref<72xi32, #tpu.memory_space<vmem>>
      %dma_wait3A_681 = arith.constant 0 : i32
      %dma_wait3A_682 = arith.constant 0 : i32
      %dma_wait3A_683 = tpu.memref_slice %arg3[%dma_wait3A_681, %dma_wait3A_682] : memref<1000000x32xf32, #tpu.memory_space<hbm>> -> memref<1000000x32xf32, #tpu.memory_space<hbm>>
      tpu.wait_indirect_dma semaphore(%arg11 : memref<!tpu.dma_semaphore, #tpu.memory_space<semaphore_mem>>) src(%dma_wait3A_683 : memref<1000000x32xf32, #tpu.memory_space<hbm>>) dst(%dma_wait3A_677 : memref<72x32xf32, #tpu.memory_space<vmem>>)
      %dma_wait3A_684 = arith.constant 12 : i32
      %dma_wait3A_685 = arith.constant 1200 : i32
      %dma_wait3A_686 = arith.constant 0 : i32
      %dma_wait3A_687 = tpu.memref_slice %arg8[%dma_wait3A_685, %dma_wait3A_686] : memref<1600x32xf32, #tpu.memory_space<vmem>> -> memref<128x32xf32, #tpu.memory_space<vmem>>
      %dma_wait3A_688 = arith.constant 0 : i32
      %dma_wait3A_689 = tpu.memref_slice %arg6[%dma_wait3A_684, %dma_wait3A_688] : memref<16x128xi32, #tpu.memory_space<vmem>> -> memref<1x128xi32, #tpu.memory_space<vmem>>
      %dma_wait3A_690 = tpu.memref_squeeze %dma_wait3A_689 : memref<1x128xi32, #tpu.memory_space<vmem>> -> memref<128xi32, #tpu.memory_space<vmem>>
      %dma_wait3A_691 = arith.constant 0 : i32
      %dma_wait3A_692 = arith.constant 0 : i32
      %dma_wait3A_693 = tpu.memref_slice %arg3[%dma_wait3A_691, %dma_wait3A_692] : memref<1000000x32xf32, #tpu.memory_space<hbm>> -> memref<1000000x32xf32, #tpu.memory_space<hbm>>
      tpu.wait_indirect_dma semaphore(%arg11 : memref<!tpu.dma_semaphore, #tpu.memory_space<semaphore_mem>>) src(%dma_wait3A_693 : memref<1000000x32xf32, #tpu.memory_space<hbm>>) dst(%dma_wait3A_687 : memref<128x32xf32, #tpu.memory_space<vmem>>)
      %dma_wait3A_694 = arith.constant 13 : i32
      %dma_wait3A_695 = arith.constant 1328 : i32
      %dma_wait3A_696 = arith.constant 0 : i32
      %dma_wait3A_697 = tpu.memref_slice %arg8[%dma_wait3A_695, %dma_wait3A_696] : memref<1600x32xf32, #tpu.memory_space<vmem>> -> memref<72x32xf32, #tpu.memory_space<vmem>>
      %dma_wait3A_698 = arith.constant 0 : i32
      %dma_wait3A_699 = tpu.memref_slice %arg6[%dma_wait3A_694, %dma_wait3A_698] : memref<16x128xi32, #tpu.memory_space<vmem>> -> memref<1x72xi32, #tpu.memory_space<vmem>>
      %dma_wait3A_700 = tpu.memref_squeeze %dma_wait3A_699 : memref<1x72xi32, #tpu.memory_space<vmem>> -> memref<72xi32, #tpu.memory_space<vmem>>
      %dma_wait3A_701 = arith.constant 0 : i32
      %dma_wait3A_702 = arith.constant 0 : i32
      %dma_wait3A_703 = tpu.memref_slice %arg3[%dma_wait3A_701, %dma_wait3A_702] : memref<1000000x32xf32, #tpu.memory_space<hbm>> -> memref<1000000x32xf32, #tpu.memory_space<hbm>>
      tpu.wait_indirect_dma semaphore(%arg11 : memref<!tpu.dma_semaphore, #tpu.memory_space<semaphore_mem>>) src(%dma_wait3A_703 : memref<1000000x32xf32, #tpu.memory_space<hbm>>) dst(%dma_wait3A_697 : memref<72x32xf32, #tpu.memory_space<vmem>>)
      %dma_wait3A_704 = arith.constant 14 : i32
      %dma_wait3A_705 = arith.constant 1400 : i32
      %dma_wait3A_706 = arith.constant 0 : i32
      %dma_wait3A_707 = tpu.memref_slice %arg8[%dma_wait3A_705, %dma_wait3A_706] : memref<1600x32xf32, #tpu.memory_space<vmem>> -> memref<128x32xf32, #tpu.memory_space<vmem>>
      %dma_wait3A_708 = arith.constant 0 : i32
      %dma_wait3A_709 = tpu.memref_slice %arg6[%dma_wait3A_704, %dma_wait3A_708] : memref<16x128xi32, #tpu.memory_space<vmem>> -> memref<1x128xi32, #tpu.memory_space<vmem>>
      %dma_wait3A_710 = tpu.memref_squeeze %dma_wait3A_709 : memref<1x128xi32, #tpu.memory_space<vmem>> -> memref<128xi32, #tpu.memory_space<vmem>>
      %dma_wait3A_711 = arith.constant 0 : i32
      %dma_wait3A_712 = arith.constant 0 : i32
      %dma_wait3A_713 = tpu.memref_slice %arg3[%dma_wait3A_711, %dma_wait3A_712] : memref<1000000x32xf32, #tpu.memory_space<hbm>> -> memref<1000000x32xf32, #tpu.memory_space<hbm>>
      tpu.wait_indirect_dma semaphore(%arg11 : memref<!tpu.dma_semaphore, #tpu.memory_space<semaphore_mem>>) src(%dma_wait3A_713 : memref<1000000x32xf32, #tpu.memory_space<hbm>>) dst(%dma_wait3A_707 : memref<128x32xf32, #tpu.memory_space<vmem>>)
      %dma_wait3A_714 = arith.constant 15 : i32
      %dma_wait3A_715 = arith.constant 1528 : i32
      %dma_wait3A_716 = arith.constant 0 : i32
      %dma_wait3A_717 = tpu.memref_slice %arg8[%dma_wait3A_715, %dma_wait3A_716] : memref<1600x32xf32, #tpu.memory_space<vmem>> -> memref<72x32xf32, #tpu.memory_space<vmem>>
      %dma_wait3A_718 = arith.constant 0 : i32
      %dma_wait3A_719 = tpu.memref_slice %arg6[%dma_wait3A_714, %dma_wait3A_718] : memref<16x128xi32, #tpu.memory_space<vmem>> -> memref<1x72xi32, #tpu.memory_space<vmem>>
      %dma_wait3A_720 = tpu.memref_squeeze %dma_wait3A_719 : memref<1x72xi32, #tpu.memory_space<vmem>> -> memref<72xi32, #tpu.memory_space<vmem>>
      %dma_wait3A_721 = arith.constant 0 : i32
      %dma_wait3A_722 = arith.constant 0 : i32
      %dma_wait3A_723 = tpu.memref_slice %arg3[%dma_wait3A_721, %dma_wait3A_722] : memref<1000000x32xf32, #tpu.memory_space<hbm>> -> memref<1000000x32xf32, #tpu.memory_space<hbm>>
      tpu.wait_indirect_dma semaphore(%arg11 : memref<!tpu.dma_semaphore, #tpu.memory_space<semaphore_mem>>) src(%dma_wait3A_723 : memref<1000000x32xf32, #tpu.memory_space<hbm>>) dst(%dma_wait3A_717 : memref<72x32xf32, #tpu.memory_space<vmem>>)
      %add3A_724 = arith.constant 1 : i32
      %add3A_725 = arith.addi %add3A_563, %add3A_724 : i32
      %lt3A_726 = arith.constant 64 : i32
      %lt3A_727 = arith.cmpi slt, %add3A_725, %lt3A_726 : i32
      %convert_element_type3A_728 = arith.extui %lt3A_727 : i1 to i32
      %cond3A_729 = arith.constant 0 : i32
      %cond3A_730 = arith.cmpi ne, %convert_element_type3A_728, %cond3A_729 : i32
      scf.if %cond3A_730 {
        %dma_wait3A_948 = arith.constant 0 : i32
        %dma_wait3A_949 = arith.constant 0 : i32
        %dma_wait3A_950 = tpu.memref_slice %arg2[%dma_wait3A_948, %dma_wait3A_949] : memref<32768x128xi32, #tpu.memory_space<hbm>> -> memref<16x128xi32, #tpu.memory_space<hbm>>
        %dma_wait3A_951 = arith.constant 0 : i32
        %dma_wait3A_952 = arith.constant 0 : i32
        %dma_wait3A_953 = tpu.memref_slice %arg2[%dma_wait3A_951, %dma_wait3A_952] : memref<32768x128xi32, #tpu.memory_space<hbm>> -> memref<16x128xi32, #tpu.memory_space<hbm>>
        tpu.wait_dma2 semaphore(%arg12 : memref<!tpu.dma_semaphore, #tpu.memory_space<semaphore_mem>>) src(%dma_wait3A_953 : memref<16x128xi32, #tpu.memory_space<hbm>>) dst(%arg5 : memref<16x128xi32, #tpu.memory_space<vmem>>)
        %dma_start3A_954 = arith.constant 0 : i32
        %dma_start3A_955 = arith.constant 0 : i32
        %dma_start3A_956 = arith.constant 0 : i32
        %dma_start3A_957 = tpu.memref_slice %arg7[%dma_start3A_955, %dma_start3A_956] : memref<1600x32xf32, #tpu.memory_space<vmem>> -> memref<128x32xf32, #tpu.memory_space<vmem>>
        %dma_start3A_958 = arith.constant 0 : i32
        %dma_start3A_959 = tpu.memref_slice %arg5[%dma_start3A_954, %dma_start3A_958] : memref<16x128xi32, #tpu.memory_space<vmem>> -> memref<1x128xi32, #tpu.memory_space<vmem>>
        %dma_start3A_960 = tpu.memref_squeeze %dma_start3A_959 : memref<1x128xi32, #tpu.memory_space<vmem>> -> memref<128xi32, #tpu.memory_space<vmem>>
        %dma_start3A_961 = arith.constant 0 : i32
        %dma_start3A_962 = arith.constant 0 : i32
        %dma_start3A_963 = tpu.memref_slice %arg3[%dma_start3A_961, %dma_start3A_962] : memref<1000000x32xf32, #tpu.memory_space<hbm>> -> memref<1000000x32xf32, #tpu.memory_space<hbm>>
        tpu.enqueue_indirect_dma source(%dma_start3A_963 : memref<1000000x32xf32, #tpu.memory_space<hbm>>) target(%dma_start3A_957 : memref<128x32xf32, #tpu.memory_space<vmem>>) offsets(%dma_start3A_960 : memref<128xi32, #tpu.memory_space<vmem>>) semaphore(%arg10 : memref<!tpu.dma_semaphore, #tpu.memory_space<semaphore_mem>>)
        %dma_start3A_964 = arith.constant 1 : i32
        %dma_start3A_965 = arith.constant 128 : i32
        %dma_start3A_966 = arith.constant 0 : i32
        %dma_start3A_967 = tpu.memref_slice %arg7[%dma_start3A_965, %dma_start3A_966] : memref<1600x32xf32, #tpu.memory_space<vmem>> -> memref<72x32xf32, #tpu.memory_space<vmem>>
        %dma_start3A_968 = arith.constant 0 : i32
        %dma_start3A_969 = tpu.memref_slice %arg5[%dma_start3A_964, %dma_start3A_968] : memref<16x128xi32, #tpu.memory_space<vmem>> -> memref<1x72xi32, #tpu.memory_space<vmem>>
        %dma_start3A_970 = tpu.memref_squeeze %dma_start3A_969 : memref<1x72xi32, #tpu.memory_space<vmem>> -> memref<72xi32, #tpu.memory_space<vmem>>
        %dma_start3A_971 = arith.constant 0 : i32
        %dma_start3A_972 = arith.constant 0 : i32
        %dma_start3A_973 = tpu.memref_slice %arg3[%dma_start3A_971, %dma_start3A_972] : memref<1000000x32xf32, #tpu.memory_space<hbm>> -> memref<1000000x32xf32, #tpu.memory_space<hbm>>
        tpu.enqueue_indirect_dma source(%dma_start3A_973 : memref<1000000x32xf32, #tpu.memory_space<hbm>>) target(%dma_start3A_967 : memref<72x32xf32, #tpu.memory_space<vmem>>) offsets(%dma_start3A_970 : memref<72xi32, #tpu.memory_space<vmem>>) semaphore(%arg10 : memref<!tpu.dma_semaphore, #tpu.memory_space<semaphore_mem>>)
        %dma_start3A_974 = arith.constant 2 : i32
        %dma_start3A_975 = arith.constant 200 : i32
        %dma_start3A_976 = arith.constant 0 : i32
        %dma_start3A_977 = tpu.memref_slice %arg7[%dma_start3A_975, %dma_start3A_976] : memref<1600x32xf32, #tpu.memory_space<vmem>> -> memref<128x32xf32, #tpu.memory_space<vmem>>
        %dma_start3A_978 = arith.constant 0 : i32
        %dma_start3A_979 = tpu.memref_slice %arg5[%dma_start3A_974, %dma_start3A_978] : memref<16x128xi32, #tpu.memory_space<vmem>> -> memref<1x128xi32, #tpu.memory_space<vmem>>
        %dma_start3A_980 = tpu.memref_squeeze %dma_start3A_979 : memref<1x128xi32, #tpu.memory_space<vmem>> -> memref<128xi32, #tpu.memory_space<vmem>>
        %dma_start3A_981 = arith.constant 0 : i32
        %dma_start3A_982 = arith.constant 0 : i32
        %dma_start3A_983 = tpu.memref_slice %arg3[%dma_start3A_981, %dma_start3A_982] : memref<1000000x32xf32, #tpu.memory_space<hbm>> -> memref<1000000x32xf32, #tpu.memory_space<hbm>>
        tpu.enqueue_indirect_dma source(%dma_start3A_983 : memref<1000000x32xf32, #tpu.memory_space<hbm>>) target(%dma_start3A_977 : memref<128x32xf32, #tpu.memory_space<vmem>>) offsets(%dma_start3A_980 : memref<128xi32, #tpu.memory_space<vmem>>) semaphore(%arg10 : memref<!tpu.dma_semaphore, #tpu.memory_space<semaphore_mem>>)
        %dma_start3A_984 = arith.constant 3 : i32
        %dma_start3A_985 = arith.constant 328 : i32
        %dma_start3A_986 = arith.constant 0 : i32
        %dma_start3A_987 = tpu.memref_slice %arg7[%dma_start3A_985, %dma_start3A_986] : memref<1600x32xf32, #tpu.memory_space<vmem>> -> memref<72x32xf32, #tpu.memory_space<vmem>>
        %dma_start3A_988 = arith.constant 0 : i32
        %dma_start3A_989 = tpu.memref_slice %arg5[%dma_start3A_984, %dma_start3A_988] : memref<16x128xi32, #tpu.memory_space<vmem>> -> memref<1x72xi32, #tpu.memory_space<vmem>>
        %dma_start3A_990 = tpu.memref_squeeze %dma_start3A_989 : memref<1x72xi32, #tpu.memory_space<vmem>> -> memref<72xi32, #tpu.memory_space<vmem>>
        %dma_start3A_991 = arith.constant 0 : i32
        %dma_start3A_992 = arith.constant 0 : i32
        %dma_start3A_993 = tpu.memref_slice %arg3[%dma_start3A_991, %dma_start3A_992] : memref<1000000x32xf32, #tpu.memory_space<hbm>> -> memref<1000000x32xf32, #tpu.memory_space<hbm>>
        tpu.enqueue_indirect_dma source(%dma_start3A_993 : memref<1000000x32xf32, #tpu.memory_space<hbm>>) target(%dma_start3A_987 : memref<72x32xf32, #tpu.memory_space<vmem>>) offsets(%dma_start3A_990 : memref<72xi32, #tpu.memory_space<vmem>>) semaphore(%arg10 : memref<!tpu.dma_semaphore, #tpu.memory_space<semaphore_mem>>)
        %dma_start3A_994 = arith.constant 4 : i32
        %dma_start3A_995 = arith.constant 400 : i32
        %dma_start3A_996 = arith.constant 0 : i32
        %dma_start3A_997 = tpu.memref_slice %arg7[%dma_start3A_995, %dma_start3A_996] : memref<1600x32xf32, #tpu.memory_space<vmem>> -> memref<128x32xf32, #tpu.memory_space<vmem>>
        %dma_start3A_998 = arith.constant 0 : i32
        %dma_start3A_999 = tpu.memref_slice %arg5[%dma_start3A_994, %dma_start3A_998] : memref<16x128xi32, #tpu.memory_space<vmem>> -> memref<1x128xi32, #tpu.memory_space<vmem>>
        %dma_start3A_1000 = tpu.memref_squeeze %dma_start3A_999 : memref<1x128xi32, #tpu.memory_space<vmem>> -> memref<128xi32, #tpu.memory_space<vmem>>
        %dma_start3A_1001 = arith.constant 0 : i32
        %dma_start3A_1002 = arith.constant 0 : i32
        %dma_start3A_1003 = tpu.memref_slice %arg3[%dma_start3A_1001, %dma_start3A_1002] : memref<1000000x32xf32, #tpu.memory_space<hbm>> -> memref<1000000x32xf32, #tpu.memory_space<hbm>>
        tpu.enqueue_indirect_dma source(%dma_start3A_1003 : memref<1000000x32xf32, #tpu.memory_space<hbm>>) target(%dma_start3A_997 : memref<128x32xf32, #tpu.memory_space<vmem>>) offsets(%dma_start3A_1000 : memref<128xi32, #tpu.memory_space<vmem>>) semaphore(%arg10 : memref<!tpu.dma_semaphore, #tpu.memory_space<semaphore_mem>>)
        %dma_start3A_1004 = arith.constant 5 : i32
        %dma_start3A_1005 = arith.constant 528 : i32
        %dma_start3A_1006 = arith.constant 0 : i32
        %dma_start3A_1007 = tpu.memref_slice %arg7[%dma_start3A_1005, %dma_start3A_1006] : memref<1600x32xf32, #tpu.memory_space<vmem>> -> memref<72x32xf32, #tpu.memory_space<vmem>>
        %dma_start3A_1008 = arith.constant 0 : i32
        %dma_start3A_1009 = tpu.memref_slice %arg5[%dma_start3A_1004, %dma_start3A_1008] : memref<16x128xi32, #tpu.memory_space<vmem>> -> memref<1x72xi32, #tpu.memory_space<vmem>>
        %dma_start3A_1010 = tpu.memref_squeeze %dma_start3A_1009 : memref<1x72xi32, #tpu.memory_space<vmem>> -> memref<72xi32, #tpu.memory_space<vmem>>
        %dma_start3A_1011 = arith.constant 0 : i32
        %dma_start3A_1012 = arith.constant 0 : i32
        %dma_start3A_1013 = tpu.memref_slice %arg3[%dma_start3A_1011, %dma_start3A_1012] : memref<1000000x32xf32, #tpu.memory_space<hbm>> -> memref<1000000x32xf32, #tpu.memory_space<hbm>>
        tpu.enqueue_indirect_dma source(%dma_start3A_1013 : memref<1000000x32xf32, #tpu.memory_space<hbm>>) target(%dma_start3A_1007 : memref<72x32xf32, #tpu.memory_space<vmem>>) offsets(%dma_start3A_1010 : memref<72xi32, #tpu.memory_space<vmem>>) semaphore(%arg10 : memref<!tpu.dma_semaphore, #tpu.memory_space<semaphore_mem>>)
        %dma_start3A_1014 = arith.constant 6 : i32
        %dma_start3A_1015 = arith.constant 600 : i32
        %dma_start3A_1016 = arith.constant 0 : i32
        %dma_start3A_1017 = tpu.memref_slice %arg7[%dma_start3A_1015, %dma_start3A_1016] : memref<1600x32xf32, #tpu.memory_space<vmem>> -> memref<128x32xf32, #tpu.memory_space<vmem>>
        %dma_start3A_1018 = arith.constant 0 : i32
        %dma_start3A_1019 = tpu.memref_slice %arg5[%dma_start3A_1014, %dma_start3A_1018] : memref<16x128xi32, #tpu.memory_space<vmem>> -> memref<1x128xi32, #tpu.memory_space<vmem>>
        %dma_start3A_1020 = tpu.memref_squeeze %dma_start3A_1019 : memref<1x128xi32, #tpu.memory_space<vmem>> -> memref<128xi32, #tpu.memory_space<vmem>>
        %dma_start3A_1021 = arith.constant 0 : i32
        %dma_start3A_1022 = arith.constant 0 : i32
        %dma_start3A_1023 = tpu.memref_slice %arg3[%dma_start3A_1021, %dma_start3A_1022] : memref<1000000x32xf32, #tpu.memory_space<hbm>> -> memref<1000000x32xf32, #tpu.memory_space<hbm>>
        tpu.enqueue_indirect_dma source(%dma_start3A_1023 : memref<1000000x32xf32, #tpu.memory_space<hbm>>) target(%dma_start3A_1017 : memref<128x32xf32, #tpu.memory_space<vmem>>) offsets(%dma_start3A_1020 : memref<128xi32, #tpu.memory_space<vmem>>) semaphore(%arg10 : memref<!tpu.dma_semaphore, #tpu.memory_space<semaphore_mem>>)
        %dma_start3A_1024 = arith.constant 7 : i32
        %dma_start3A_1025 = arith.constant 728 : i32
        %dma_start3A_1026 = arith.constant 0 : i32
        %dma_start3A_1027 = tpu.memref_slice %arg7[%dma_start3A_1025, %dma_start3A_1026] : memref<1600x32xf32, #tpu.memory_space<vmem>> -> memref<72x32xf32, #tpu.memory_space<vmem>>
        %dma_start3A_1028 = arith.constant 0 : i32
        %dma_start3A_1029 = tpu.memref_slice %arg5[%dma_start3A_1024, %dma_start3A_1028] : memref<16x128xi32, #tpu.memory_space<vmem>> -> memref<1x72xi32, #tpu.memory_space<vmem>>
        %dma_start3A_1030 = tpu.memref_squeeze %dma_start3A_1029 : memref<1x72xi32, #tpu.memory_space<vmem>> -> memref<72xi32, #tpu.memory_space<vmem>>
        %dma_start3A_1031 = arith.constant 0 : i32
        %dma_start3A_1032 = arith.constant 0 : i32
        %dma_start3A_1033 = tpu.memref_slice %arg3[%dma_start3A_1031, %dma_start3A_1032] : memref<1000000x32xf32, #tpu.memory_space<hbm>> -> memref<1000000x32xf32, #tpu.memory_space<hbm>>
        tpu.enqueue_indirect_dma source(%dma_start3A_1033 : memref<1000000x32xf32, #tpu.memory_space<hbm>>) target(%dma_start3A_1027 : memref<72x32xf32, #tpu.memory_space<vmem>>) offsets(%dma_start3A_1030 : memref<72xi32, #tpu.memory_space<vmem>>) semaphore(%arg10 : memref<!tpu.dma_semaphore, #tpu.memory_space<semaphore_mem>>)
        %dma_start3A_1034 = arith.constant 8 : i32
        %dma_start3A_1035 = arith.constant 800 : i32
        %dma_start3A_1036 = arith.constant 0 : i32
        %dma_start3A_1037 = tpu.memref_slice %arg7[%dma_start3A_1035, %dma_start3A_1036] : memref<1600x32xf32, #tpu.memory_space<vmem>> -> memref<128x32xf32, #tpu.memory_space<vmem>>
        %dma_start3A_1038 = arith.constant 0 : i32
        %dma_start3A_1039 = tpu.memref_slice %arg5[%dma_start3A_1034, %dma_start3A_1038] : memref<16x128xi32, #tpu.memory_space<vmem>> -> memref<1x128xi32, #tpu.memory_space<vmem>>
        %dma_start3A_1040 = tpu.memref_squeeze %dma_start3A_1039 : memref<1x128xi32, #tpu.memory_space<vmem>> -> memref<128xi32, #tpu.memory_space<vmem>>
        %dma_start3A_1041 = arith.constant 0 : i32
        %dma_start3A_1042 = arith.constant 0 : i32
        %dma_start3A_1043 = tpu.memref_slice %arg3[%dma_start3A_1041, %dma_start3A_1042] : memref<1000000x32xf32, #tpu.memory_space<hbm>> -> memref<1000000x32xf32, #tpu.memory_space<hbm>>
        tpu.enqueue_indirect_dma source(%dma_start3A_1043 : memref<1000000x32xf32, #tpu.memory_space<hbm>>) target(%dma_start3A_1037 : memref<128x32xf32, #tpu.memory_space<vmem>>) offsets(%dma_start3A_1040 : memref<128xi32, #tpu.memory_space<vmem>>) semaphore(%arg10 : memref<!tpu.dma_semaphore, #tpu.memory_space<semaphore_mem>>)
        %dma_start3A_1044 = arith.constant 9 : i32
        %dma_start3A_1045 = arith.constant 928 : i32
        %dma_start3A_1046 = arith.constant 0 : i32
        %dma_start3A_1047 = tpu.memref_slice %arg7[%dma_start3A_1045, %dma_start3A_1046] : memref<1600x32xf32, #tpu.memory_space<vmem>> -> memref<72x32xf32, #tpu.memory_space<vmem>>
        %dma_start3A_1048 = arith.constant 0 : i32
        %dma_start3A_1049 = tpu.memref_slice %arg5[%dma_start3A_1044, %dma_start3A_1048] : memref<16x128xi32, #tpu.memory_space<vmem>> -> memref<1x72xi32, #tpu.memory_space<vmem>>
        %dma_start3A_1050 = tpu.memref_squeeze %dma_start3A_1049 : memref<1x72xi32, #tpu.memory_space<vmem>> -> memref<72xi32, #tpu.memory_space<vmem>>
        %dma_start3A_1051 = arith.constant 0 : i32
        %dma_start3A_1052 = arith.constant 0 : i32
        %dma_start3A_1053 = tpu.memref_slice %arg3[%dma_start3A_1051, %dma_start3A_1052] : memref<1000000x32xf32, #tpu.memory_space<hbm>> -> memref<1000000x32xf32, #tpu.memory_space<hbm>>
        tpu.enqueue_indirect_dma source(%dma_start3A_1053 : memref<1000000x32xf32, #tpu.memory_space<hbm>>) target(%dma_start3A_1047 : memref<72x32xf32, #tpu.memory_space<vmem>>) offsets(%dma_start3A_1050 : memref<72xi32, #tpu.memory_space<vmem>>) semaphore(%arg10 : memref<!tpu.dma_semaphore, #tpu.memory_space<semaphore_mem>>)
        %dma_start3A_1054 = arith.constant 10 : i32
        %dma_start3A_1055 = arith.constant 1000 : i32
        %dma_start3A_1056 = arith.constant 0 : i32
        %dma_start3A_1057 = tpu.memref_slice %arg7[%dma_start3A_1055, %dma_start3A_1056] : memref<1600x32xf32, #tpu.memory_space<vmem>> -> memref<128x32xf32, #tpu.memory_space<vmem>>
        %dma_start3A_1058 = arith.constant 0 : i32
        %dma_start3A_1059 = tpu.memref_slice %arg5[%dma_start3A_1054, %dma_start3A_1058] : memref<16x128xi32, #tpu.memory_space<vmem>> -> memref<1x128xi32, #tpu.memory_space<vmem>>
        %dma_start3A_1060 = tpu.memref_squeeze %dma_start3A_1059 : memref<1x128xi32, #tpu.memory_space<vmem>> -> memref<128xi32, #tpu.memory_space<vmem>>
        %dma_start3A_1061 = arith.constant 0 : i32
        %dma_start3A_1062 = arith.constant 0 : i32
        %dma_start3A_1063 = tpu.memref_slice %arg3[%dma_start3A_1061, %dma_start3A_1062] : memref<1000000x32xf32, #tpu.memory_space<hbm>> -> memref<1000000x32xf32, #tpu.memory_space<hbm>>
        tpu.enqueue_indirect_dma source(%dma_start3A_1063 : memref<1000000x32xf32, #tpu.memory_space<hbm>>) target(%dma_start3A_1057 : memref<128x32xf32, #tpu.memory_space<vmem>>) offsets(%dma_start3A_1060 : memref<128xi32, #tpu.memory_space<vmem>>) semaphore(%arg10 : memref<!tpu.dma_semaphore, #tpu.memory_space<semaphore_mem>>)
        %dma_start3A_1064 = arith.constant 11 : i32
        %dma_start3A_1065 = arith.constant 1128 : i32
        %dma_start3A_1066 = arith.constant 0 : i32
        %dma_start3A_1067 = tpu.memref_slice %arg7[%dma_start3A_1065, %dma_start3A_1066] : memref<1600x32xf32, #tpu.memory_space<vmem>> -> memref<72x32xf32, #tpu.memory_space<vmem>>
        %dma_start3A_1068 = arith.constant 0 : i32
        %dma_start3A_1069 = tpu.memref_slice %arg5[%dma_start3A_1064, %dma_start3A_1068] : memref<16x128xi32, #tpu.memory_space<vmem>> -> memref<1x72xi32, #tpu.memory_space<vmem>>
        %dma_start3A_1070 = tpu.memref_squeeze %dma_start3A_1069 : memref<1x72xi32, #tpu.memory_space<vmem>> -> memref<72xi32, #tpu.memory_space<vmem>>
        %dma_start3A_1071 = arith.constant 0 : i32
        %dma_start3A_1072 = arith.constant 0 : i32
        %dma_start3A_1073 = tpu.memref_slice %arg3[%dma_start3A_1071, %dma_start3A_1072] : memref<1000000x32xf32, #tpu.memory_space<hbm>> -> memref<1000000x32xf32, #tpu.memory_space<hbm>>
        tpu.enqueue_indirect_dma source(%dma_start3A_1073 : memref<1000000x32xf32, #tpu.memory_space<hbm>>) target(%dma_start3A_1067 : memref<72x32xf32, #tpu.memory_space<vmem>>) offsets(%dma_start3A_1070 : memref<72xi32, #tpu.memory_space<vmem>>) semaphore(%arg10 : memref<!tpu.dma_semaphore, #tpu.memory_space<semaphore_mem>>)
        %dma_start3A_1074 = arith.constant 12 : i32
        %dma_start3A_1075 = arith.constant 1200 : i32
        %dma_start3A_1076 = arith.constant 0 : i32
        %dma_start3A_1077 = tpu.memref_slice %arg7[%dma_start3A_1075, %dma_start3A_1076] : memref<1600x32xf32, #tpu.memory_space<vmem>> -> memref<128x32xf32, #tpu.memory_space<vmem>>
        %dma_start3A_1078 = arith.constant 0 : i32
        %dma_start3A_1079 = tpu.memref_slice %arg5[%dma_start3A_1074, %dma_start3A_1078] : memref<16x128xi32, #tpu.memory_space<vmem>> -> memref<1x128xi32, #tpu.memory_space<vmem>>
        %dma_start3A_1080 = tpu.memref_squeeze %dma_start3A_1079 : memref<1x128xi32, #tpu.memory_space<vmem>> -> memref<128xi32, #tpu.memory_space<vmem>>
        %dma_start3A_1081 = arith.constant 0 : i32
        %dma_start3A_1082 = arith.constant 0 : i32
        %dma_start3A_1083 = tpu.memref_slice %arg3[%dma_start3A_1081, %dma_start3A_1082] : memref<1000000x32xf32, #tpu.memory_space<hbm>> -> memref<1000000x32xf32, #tpu.memory_space<hbm>>
        tpu.enqueue_indirect_dma source(%dma_start3A_1083 : memref<1000000x32xf32, #tpu.memory_space<hbm>>) target(%dma_start3A_1077 : memref<128x32xf32, #tpu.memory_space<vmem>>) offsets(%dma_start3A_1080 : memref<128xi32, #tpu.memory_space<vmem>>) semaphore(%arg10 : memref<!tpu.dma_semaphore, #tpu.memory_space<semaphore_mem>>)
        %dma_start3A_1084 = arith.constant 13 : i32
        %dma_start3A_1085 = arith.constant 1328 : i32
        %dma_start3A_1086 = arith.constant 0 : i32
        %dma_start3A_1087 = tpu.memref_slice %arg7[%dma_start3A_1085, %dma_start3A_1086] : memref<1600x32xf32, #tpu.memory_space<vmem>> -> memref<72x32xf32, #tpu.memory_space<vmem>>
        %dma_start3A_1088 = arith.constant 0 : i32
        %dma_start3A_1089 = tpu.memref_slice %arg5[%dma_start3A_1084, %dma_start3A_1088] : memref<16x128xi32, #tpu.memory_space<vmem>> -> memref<1x72xi32, #tpu.memory_space<vmem>>
        %dma_start3A_1090 = tpu.memref_squeeze %dma_start3A_1089 : memref<1x72xi32, #tpu.memory_space<vmem>> -> memref<72xi32, #tpu.memory_space<vmem>>
        %dma_start3A_1091 = arith.constant 0 : i32
        %dma_start3A_1092 = arith.constant 0 : i32
        %dma_start3A_1093 = tpu.memref_slice %arg3[%dma_start3A_1091, %dma_start3A_1092] : memref<1000000x32xf32, #tpu.memory_space<hbm>> -> memref<1000000x32xf32, #tpu.memory_space<hbm>>
        tpu.enqueue_indirect_dma source(%dma_start3A_1093 : memref<1000000x32xf32, #tpu.memory_space<hbm>>) target(%dma_start3A_1087 : memref<72x32xf32, #tpu.memory_space<vmem>>) offsets(%dma_start3A_1090 : memref<72xi32, #tpu.memory_space<vmem>>) semaphore(%arg10 : memref<!tpu.dma_semaphore, #tpu.memory_space<semaphore_mem>>)
        %dma_start3A_1094 = arith.constant 14 : i32
        %dma_start3A_1095 = arith.constant 1400 : i32
        %dma_start3A_1096 = arith.constant 0 : i32
        %dma_start3A_1097 = tpu.memref_slice %arg7[%dma_start3A_1095, %dma_start3A_1096] : memref<1600x32xf32, #tpu.memory_space<vmem>> -> memref<128x32xf32, #tpu.memory_space<vmem>>
        %dma_start3A_1098 = arith.constant 0 : i32
        %dma_start3A_1099 = tpu.memref_slice %arg5[%dma_start3A_1094, %dma_start3A_1098] : memref<16x128xi32, #tpu.memory_space<vmem>> -> memref<1x128xi32, #tpu.memory_space<vmem>>
        %dma_start3A_1100 = tpu.memref_squeeze %dma_start3A_1099 : memref<1x128xi32, #tpu.memory_space<vmem>> -> memref<128xi32, #tpu.memory_space<vmem>>
        %dma_start3A_1101 = arith.constant 0 : i32
        %dma_start3A_1102 = arith.constant 0 : i32
        %dma_start3A_1103 = tpu.memref_slice %arg3[%dma_start3A_1101, %dma_start3A_1102] : memref<1000000x32xf32, #tpu.memory_space<hbm>> -> memref<1000000x32xf32, #tpu.memory_space<hbm>>
        tpu.enqueue_indirect_dma source(%dma_start3A_1103 : memref<1000000x32xf32, #tpu.memory_space<hbm>>) target(%dma_start3A_1097 : memref<128x32xf32, #tpu.memory_space<vmem>>) offsets(%dma_start3A_1100 : memref<128xi32, #tpu.memory_space<vmem>>) semaphore(%arg10 : memref<!tpu.dma_semaphore, #tpu.memory_space<semaphore_mem>>)
        %dma_start3A_1104 = arith.constant 15 : i32
        %dma_start3A_1105 = arith.constant 1528 : i32
        %dma_start3A_1106 = arith.constant 0 : i32
        %dma_start3A_1107 = tpu.memref_slice %arg7[%dma_start3A_1105, %dma_start3A_1106] : memref<1600x32xf32, #tpu.memory_space<vmem>> -> memref<72x32xf32, #tpu.memory_space<vmem>>
        %dma_start3A_1108 = arith.constant 0 : i32
        %dma_start3A_1109 = tpu.memref_slice %arg5[%dma_start3A_1104, %dma_start3A_1108] : memref<16x128xi32, #tpu.memory_space<vmem>> -> memref<1x72xi32, #tpu.memory_space<vmem>>
        %dma_start3A_1110 = tpu.memref_squeeze %dma_start3A_1109 : memref<1x72xi32, #tpu.memory_space<vmem>> -> memref<72xi32, #tpu.memory_space<vmem>>
        %dma_start3A_1111 = arith.constant 0 : i32
        %dma_start3A_1112 = arith.constant 0 : i32
        %dma_start3A_1113 = tpu.memref_slice %arg3[%dma_start3A_1111, %dma_start3A_1112] : memref<1000000x32xf32, #tpu.memory_space<hbm>> -> memref<1000000x32xf32, #tpu.memory_space<hbm>>
        tpu.enqueue_indirect_dma source(%dma_start3A_1113 : memref<1000000x32xf32, #tpu.memory_space<hbm>>) target(%dma_start3A_1107 : memref<72x32xf32, #tpu.memory_space<vmem>>) offsets(%dma_start3A_1110 : memref<72xi32, #tpu.memory_space<vmem>>) semaphore(%arg10 : memref<!tpu.dma_semaphore, #tpu.memory_space<semaphore_mem>>)
      } else {
      }
      %add3A_731 = arith.constant 2 : i32
      %add3A_732 = arith.addi %add3A_563, %add3A_731 : i32
      %lt3A_733 = arith.constant 64 : i32
      %lt3A_734 = arith.cmpi slt, %add3A_732, %lt3A_733 : i32
      %convert_element_type3A_735 = arith.extui %lt3A_734 : i1 to i32
      %cond3A_736 = arith.constant 0 : i32
      %cond3A_737 = arith.cmpi ne, %convert_element_type3A_735, %cond3A_736 : i32
      scf.if %cond3A_737 {
        %add3A_948 = arith.constant 2 : i32
        %add3A_949 = arith.addi %add3A_563, %add3A_948 : i32
        %mul3A_950 = arith.constant 8 : i32
        %mul3A_951 = arith.muli %add3A_949, %mul3A_950 : i32
        %add3A_952 = arith.addi %mul3A_2, %mul3A_951 : i32
        %mul3A_953 = arith.constant 2 : i32
        %mul3A_954 = arith.muli %mul3A_953, %add3A_952 : i32
        %dma_start3A_955 = arith.constant 0 : i32
        %dma_start3A_956 = tpu.memref_slice %arg2[%mul3A_954, %dma_start3A_955] : memref<32768x128xi32, #tpu.memory_space<hbm>> -> memref<16x128xi32, #tpu.memory_space<hbm>>
        %dma_start3A_957 = arith.constant 0 : i32
        %dma_start3A_958 = tpu.memref_slice %arg2[%mul3A_954, %dma_start3A_957] : memref<32768x128xi32, #tpu.memory_space<hbm>> -> memref<16x128xi32, #tpu.memory_space<hbm>>
        tpu.enqueue_dma source(%dma_start3A_958 : memref<16x128xi32, #tpu.memory_space<hbm>>) target(%arg6 : memref<16x128xi32, #tpu.memory_space<vmem>>) target_semaphore(%arg13 : memref<!tpu.dma_semaphore, #tpu.memory_space<semaphore_mem>>)
      } else {
      }
      %broadcast_in_dim3A_738 = arith.constant 0.000000e+00 : f32
      %broadcast_in_dim3A_739 = vector.broadcast %broadcast_in_dim3A_738 : f32 to vector<16xf32>
      %scan3A_740 = arith.constant 0 : i32
      %scan3A_741 = arith.constant 50 : i32
      %scan3A_742 = arith.addi %scan3A_740, %scan3A_741 : i32
      %scan3A_743 = arith.constant 2 : i32
      %scan3A_744:8 = scf.for %scan3A_948 = %scan3A_740 to %scan3A_742 step %scan3A_743 iter_args(%scan3A_949 = %broadcast_in_dim3A_739, %scan3A_950 = %broadcast_in_dim3A_739, %scan3A_951 = %broadcast_in_dim3A_739, %scan3A_952 = %broadcast_in_dim3A_739, %scan3A_953 = %broadcast_in_dim3A_739, %scan3A_954 = %broadcast_in_dim3A_739, %scan3A_955 = %broadcast_in_dim3A_739, %scan3A_956 = %broadcast_in_dim3A_739) -> (vector<16xf32>, vector<16xf32>, vector<16xf32>, vector<16xf32>, vector<16xf32>, vector<16xf32>, vector<16xf32>, vector<16xf32>)  : i32 {
        %mul3A_957 = arith.constant 4 : i32
        %mul3A_958 = arith.muli %scan3A_948, %mul3A_957 : i32
        %add3A_959 = arith.constant 0 : i32
        %add3A_960 = arith.addi %add3A_959, %mul3A_958 : i32
        %add3A_961 = arith.constant 0 : i32
        %add3A_962 = arith.addi %add3A_960, %add3A_961 : i32
        %get3A = arith.index_cast %add3A_962 : i32 to index
        %get3A_963 = arith.constant 0 : index
        %get3A_964 = tpu.vector_load %arg8[%get3A, %get3A_963] {strides = array<i32>} : memref<1600x32xf32, #tpu.memory_space<vmem>>, vector<1x16xf32>,
        %get3A_965 = vector.shape_cast %get3A_964 : vector<1x16xf32> to vector<16xf32>
        %add3A_966 = arith.addf %scan3A_949, %get3A_965 : vector<16xf32>
        %get3A_967 = arith.index_cast %add3A_962 : i32 to index
        %get3A_968 = arith.constant 16 : index
        %get3A_969 = tpu.vector_load %arg8[%get3A_967, %get3A_968] {strides = array<i32>} : memref<1600x32xf32, #tpu.memory_space<vmem>>, vector<1x16xf32>,
        %get3A_970 = vector.shape_cast %get3A_969 : vector<1x16xf32> to vector<16xf32>
        %add3A_971 = arith.addf %scan3A_950, %get3A_970 : vector<16xf32>
        %mul3A_972 = arith.constant 4 : i32
        %mul3A_973 = arith.muli %scan3A_948, %mul3A_972 : i32
        %add3A_974 = arith.constant 0 : i32
        %add3A_975 = arith.addi %add3A_974, %mul3A_973 : i32
        %add3A_976 = arith.constant 1 : i32
        %add3A_977 = arith.addi %add3A_975, %add3A_976 : i32
        %get3A_978 = arith.index_cast %add3A_977 : i32 to index
        %get3A_979 = arith.constant 0 : index
        %get3A_980 = tpu.vector_load %arg8[%get3A_978, %get3A_979] {strides = array<i32>} : memref<1600x32xf32, #tpu.memory_space<vmem>>, vector<1x16xf32>,
        %get3A_981 = vector.shape_cast %get3A_980 : vector<1x16xf32> to vector<16xf32>
        %add3A_982 = arith.addf %scan3A_951, %get3A_981 : vector<16xf32>
        %get3A_983 = arith.index_cast %add3A_977 : i32 to index
        %get3A_984 = arith.constant 16 : index
        %get3A_985 = tpu.vector_load %arg8[%get3A_983, %get3A_984] {strides = array<i32>} : memref<1600x32xf32, #tpu.memory_space<vmem>>, vector<1x16xf32>,
        %get3A_986 = vector.shape_cast %get3A_985 : vector<1x16xf32> to vector<16xf32>
        %add3A_987 = arith.addf %scan3A_952, %get3A_986 : vector<16xf32>
        %mul3A_988 = arith.constant 4 : i32
        %mul3A_989 = arith.muli %scan3A_948, %mul3A_988 : i32
        %add3A_990 = arith.constant 0 : i32
        %add3A_991 = arith.addi %add3A_990, %mul3A_989 : i32
        %add3A_992 = arith.constant 2 : i32
        %add3A_993 = arith.addi %add3A_991, %add3A_992 : i32
        %get3A_994 = arith.index_cast %add3A_993 : i32 to index
        %get3A_995 = arith.constant 0 : index
        %get3A_996 = tpu.vector_load %arg8[%get3A_994, %get3A_995] {strides = array<i32>} : memref<1600x32xf32, #tpu.memory_space<vmem>>, vector<1x16xf32>,
        %get3A_997 = vector.shape_cast %get3A_996 : vector<1x16xf32> to vector<16xf32>
        %add3A_998 = arith.addf %scan3A_953, %get3A_997 : vector<16xf32>
        %get3A_999 = arith.index_cast %add3A_993 : i32 to index
        %get3A_1000 = arith.constant 16 : index
        %get3A_1001 = tpu.vector_load %arg8[%get3A_999, %get3A_1000] {strides = array<i32>} : memref<1600x32xf32, #tpu.memory_space<vmem>>, vector<1x16xf32>,
        %get3A_1002 = vector.shape_cast %get3A_1001 : vector<1x16xf32> to vector<16xf32>
        %add3A_1003 = arith.addf %scan3A_954, %get3A_1002 : vector<16xf32>
        %mul3A_1004 = arith.constant 4 : i32
        %mul3A_1005 = arith.muli %scan3A_948, %mul3A_1004 : i32
        %add3A_1006 = arith.constant 0 : i32
        %add3A_1007 = arith.addi %add3A_1006, %mul3A_1005 : i32
        %add3A_1008 = arith.constant 3 : i32
        %add3A_1009 = arith.addi %add3A_1007, %add3A_1008 : i32
        %get3A_1010 = arith.index_cast %add3A_1009 : i32 to index
        %get3A_1011 = arith.constant 0 : index
        %get3A_1012 = tpu.vector_load %arg8[%get3A_1010, %get3A_1011] {strides = array<i32>} : memref<1600x32xf32, #tpu.memory_space<vmem>>, vector<1x16xf32>,
        %get3A_1013 = vector.shape_cast %get3A_1012 : vector<1x16xf32> to vector<16xf32>
        %add3A_1014 = arith.addf %scan3A_955, %get3A_1013 : vector<16xf32>
        %get3A_1015 = arith.index_cast %add3A_1009 : i32 to index
        %get3A_1016 = arith.constant 16 : index
        %get3A_1017 = tpu.vector_load %arg8[%get3A_1015, %get3A_1016] {strides = array<i32>} : memref<1600x32xf32, #tpu.memory_space<vmem>>, vector<1x16xf32>,
        %get3A_1018 = vector.shape_cast %get3A_1017 : vector<1x16xf32> to vector<16xf32>
        %add3A_1019 = arith.addf %scan3A_956, %get3A_1018 : vector<16xf32>
        %scan3A_1020 = arith.constant 1 : i32
        %scan3A_1021 = arith.addi %scan3A_948, %scan3A_1020 : i32
        %mul3A_1022 = arith.constant 4 : i32
        %mul3A_1023 = arith.muli %scan3A_1021, %mul3A_1022 : i32
        %add3A_1024 = arith.constant 0 : i32
        %add3A_1025 = arith.addi %add3A_1024, %mul3A_1023 : i32
        %add3A_1026 = arith.constant 0 : i32
        %add3A_1027 = arith.addi %add3A_1025, %add3A_1026 : i32
        %get3A_1028 = arith.index_cast %add3A_1027 : i32 to index
        %get3A_1029 = arith.constant 0 : index
        %get3A_1030 = tpu.vector_load %arg8[%get3A_1028, %get3A_1029] {strides = array<i32>} : memref<1600x32xf32, #tpu.memory_space<vmem>>, vector<1x16xf32>,
        %get3A_1031 = vector.shape_cast %get3A_1030 : vector<1x16xf32> to vector<16xf32>
        %add3A_1032 = arith.addf %add3A_966, %get3A_1031 : vector<16xf32>
        %get3A_1033 = arith.index_cast %add3A_1027 : i32 to index
        %get3A_1034 = arith.constant 16 : index
        %get3A_1035 = tpu.vector_load %arg8[%get3A_1033, %get3A_1034] {strides = array<i32>} : memref<1600x32xf32, #tpu.memory_space<vmem>>, vector<1x16xf32>,
        %get3A_1036 = vector.shape_cast %get3A_1035 : vector<1x16xf32> to vector<16xf32>
        %add3A_1037 = arith.addf %add3A_971, %get3A_1036 : vector<16xf32>
        %mul3A_1038 = arith.constant 4 : i32
        %mul3A_1039 = arith.muli %scan3A_1021, %mul3A_1038 : i32
        %add3A_1040 = arith.constant 0 : i32
        %add3A_1041 = arith.addi %add3A_1040, %mul3A_1039 : i32
        %add3A_1042 = arith.constant 1 : i32
        %add3A_1043 = arith.addi %add3A_1041, %add3A_1042 : i32
        %get3A_1044 = arith.index_cast %add3A_1043 : i32 to index
        %get3A_1045 = arith.constant 0 : index
        %get3A_1046 = tpu.vector_load %arg8[%get3A_1044, %get3A_1045] {strides = array<i32>} : memref<1600x32xf32, #tpu.memory_space<vmem>>, vector<1x16xf32>,
        %get3A_1047 = vector.shape_cast %get3A_1046 : vector<1x16xf32> to vector<16xf32>
        %add3A_1048 = arith.addf %add3A_982, %get3A_1047 : vector<16xf32>
        %get3A_1049 = arith.index_cast %add3A_1043 : i32 to index
        %get3A_1050 = arith.constant 16 : index
        %get3A_1051 = tpu.vector_load %arg8[%get3A_1049, %get3A_1050] {strides = array<i32>} : memref<1600x32xf32, #tpu.memory_space<vmem>>, vector<1x16xf32>,
        %get3A_1052 = vector.shape_cast %get3A_1051 : vector<1x16xf32> to vector<16xf32>
        %add3A_1053 = arith.addf %add3A_987, %get3A_1052 : vector<16xf32>
        %mul3A_1054 = arith.constant 4 : i32
        %mul3A_1055 = arith.muli %scan3A_1021, %mul3A_1054 : i32
        %add3A_1056 = arith.constant 0 : i32
        %add3A_1057 = arith.addi %add3A_1056, %mul3A_1055 : i32
        %add3A_1058 = arith.constant 2 : i32
        %add3A_1059 = arith.addi %add3A_1057, %add3A_1058 : i32
        %get3A_1060 = arith.index_cast %add3A_1059 : i32 to index
        %get3A_1061 = arith.constant 0 : index
        %get3A_1062 = tpu.vector_load %arg8[%get3A_1060, %get3A_1061] {strides = array<i32>} : memref<1600x32xf32, #tpu.memory_space<vmem>>, vector<1x16xf32>,
        %get3A_1063 = vector.shape_cast %get3A_1062 : vector<1x16xf32> to vector<16xf32>
        %add3A_1064 = arith.addf %add3A_998, %get3A_1063 : vector<16xf32>
        %get3A_1065 = arith.index_cast %add3A_1059 : i32 to index
        %get3A_1066 = arith.constant 16 : index
        %get3A_1067 = tpu.vector_load %arg8[%get3A_1065, %get3A_1066] {strides = array<i32>} : memref<1600x32xf32, #tpu.memory_space<vmem>>, vector<1x16xf32>,
        %get3A_1068 = vector.shape_cast %get3A_1067 : vector<1x16xf32> to vector<16xf32>
        %add3A_1069 = arith.addf %add3A_1003, %get3A_1068 : vector<16xf32>
        %mul3A_1070 = arith.constant 4 : i32
        %mul3A_1071 = arith.muli %scan3A_1021, %mul3A_1070 : i32
        %add3A_1072 = arith.constant 0 : i32
        %add3A_1073 = arith.addi %add3A_1072, %mul3A_1071 : i32
        %add3A_1074 = arith.constant 3 : i32
        %add3A_1075 = arith.addi %add3A_1073, %add3A_1074 : i32
        %get3A_1076 = arith.index_cast %add3A_1075 : i32 to index
        %get3A_1077 = arith.constant 0 : index
        %get3A_1078 = tpu.vector_load %arg8[%get3A_1076, %get3A_1077] {strides = array<i32>} : memref<1600x32xf32, #tpu.memory_space<vmem>>, vector<1x16xf32>,
        %get3A_1079 = vector.shape_cast %get3A_1078 : vector<1x16xf32> to vector<16xf32>
        %add3A_1080 = arith.addf %add3A_1014, %get3A_1079 : vector<16xf32>
        %get3A_1081 = arith.index_cast %add3A_1075 : i32 to index
        %get3A_1082 = arith.constant 16 : index
        %get3A_1083 = tpu.vector_load %arg8[%get3A_1081, %get3A_1082] {strides = array<i32>} : memref<1600x32xf32, #tpu.memory_space<vmem>>, vector<1x16xf32>,
        %get3A_1084 = vector.shape_cast %get3A_1083 : vector<1x16xf32> to vector<16xf32>
        %add3A_1085 = arith.addf %add3A_1019, %get3A_1084 : vector<16xf32>
        scf.yield %add3A_1032, %add3A_1037, %add3A_1048, %add3A_1053, %add3A_1064, %add3A_1069, %add3A_1080, %add3A_1085 : vector<16xf32>, vector<16xf32>, vector<16xf32>, vector<16xf32>, vector<16xf32>, vector<16xf32>, vector<16xf32>, vector<16xf32>
      }
      %scan3A_745 = arith.constant 50 : i32
      %add3A_746 = arith.addf %scan3A_744#0, %scan3A_744#2 : vector<16xf32>
      %add3A_747 = arith.addf %scan3A_744#4, %scan3A_744#6 : vector<16xf32>
      %add3A_748 = arith.addf %add3A_746, %add3A_747 : vector<16xf32>
      %add3A_749 = arith.addf %scan3A_744#1, %scan3A_744#3 : vector<16xf32>
      %add3A_750 = arith.addf %scan3A_744#5, %scan3A_744#7 : vector<16xf32>
      %add3A_751 = arith.addf %add3A_749, %add3A_750 : vector<16xf32>
      %mul3A_752 = arith.constant 8 : i32
      %mul3A_753 = arith.muli %add3A_563, %mul3A_752 : i32
      %add3A_754 = arith.constant 0 : i32
      %add3A_755 = arith.addi %mul3A_753, %add3A_754 : i32
      %swap3A_756 = arith.index_cast %add3A_755 : i32 to index
      %swap3A_757 = arith.constant 0 : index
      %swap3A_758 = tpu.vector_load %arg9[%swap3A_756, %swap3A_757] {strides = array<i32>} : memref<512x32xf32, #tpu.memory_space<vmem>>, vector<1x16xf32>,
      %swap3A_759 = vector.shape_cast %swap3A_758 : vector<1x16xf32> to vector<16xf32>
      %swap3A_760 = vector.shape_cast %add3A_748 : vector<16xf32> to vector<1x16xf32>
      tpu.vector_store %arg9[%swap3A_756, %swap3A_757], %swap3A_760 {strides = array<i32>} : memref<512x32xf32, #tpu.memory_space<vmem>>, vector<1x16xf32>,
      %swap3A_761 = arith.index_cast %add3A_755 : i32 to index
      %swap3A_762 = arith.constant 16 : index
      %swap3A_763 = tpu.vector_load %arg9[%swap3A_761, %swap3A_762] {strides = array<i32>} : memref<512x32xf32, #tpu.memory_space<vmem>>, vector<1x16xf32>,
      %swap3A_764 = vector.shape_cast %swap3A_763 : vector<1x16xf32> to vector<16xf32>
      %swap3A_765 = vector.shape_cast %add3A_751 : vector<16xf32> to vector<1x16xf32>
      tpu.vector_store %arg9[%swap3A_761, %swap3A_762], %swap3A_765 {strides = array<i32>} : memref<512x32xf32, #tpu.memory_space<vmem>>, vector<1x16xf32>,
      %scan3A_766 = arith.constant 0 : i32
      %scan3A_767 = arith.constant 50 : i32
      %scan3A_768 = arith.addi %scan3A_766, %scan3A_767 : i32
      %scan3A_769 = arith.constant 2 : i32
      %scan3A_770:8 = scf.for %scan3A_948 = %scan3A_766 to %scan3A_768 step %scan3A_769 iter_args(%scan3A_949 = %broadcast_in_dim3A_739, %scan3A_950 = %broadcast_in_dim3A_739, %scan3A_951 = %broadcast_in_dim3A_739, %scan3A_952 = %broadcast_in_dim3A_739, %scan3A_953 = %broadcast_in_dim3A_739, %scan3A_954 = %broadcast_in_dim3A_739, %scan3A_955 = %broadcast_in_dim3A_739, %scan3A_956 = %broadcast_in_dim3A_739) -> (vector<16xf32>, vector<16xf32>, vector<16xf32>, vector<16xf32>, vector<16xf32>, vector<16xf32>, vector<16xf32>, vector<16xf32>)  : i32 {
        %mul3A_957 = arith.constant 4 : i32
        %mul3A_958 = arith.muli %scan3A_948, %mul3A_957 : i32
        %add3A_959 = arith.constant 200 : i32
        %add3A_960 = arith.addi %add3A_959, %mul3A_958 : i32
        %add3A_961 = arith.constant 0 : i32
        %add3A_962 = arith.addi %add3A_960, %add3A_961 : i32
        %get3A = arith.index_cast %add3A_962 : i32 to index
        %get3A_963 = arith.constant 0 : index
        %get3A_964 = tpu.vector_load %arg8[%get3A, %get3A_963] {strides = array<i32>} : memref<1600x32xf32, #tpu.memory_space<vmem>>, vector<1x16xf32>,
        %get3A_965 = vector.shape_cast %get3A_964 : vector<1x16xf32> to vector<16xf32>
        %add3A_966 = arith.addf %scan3A_949, %get3A_965 : vector<16xf32>
        %get3A_967 = arith.index_cast %add3A_962 : i32 to index
        %get3A_968 = arith.constant 16 : index
        %get3A_969 = tpu.vector_load %arg8[%get3A_967, %get3A_968] {strides = array<i32>} : memref<1600x32xf32, #tpu.memory_space<vmem>>, vector<1x16xf32>,
        %get3A_970 = vector.shape_cast %get3A_969 : vector<1x16xf32> to vector<16xf32>
        %add3A_971 = arith.addf %scan3A_950, %get3A_970 : vector<16xf32>
        %mul3A_972 = arith.constant 4 : i32
        %mul3A_973 = arith.muli %scan3A_948, %mul3A_972 : i32
        %add3A_974 = arith.constant 200 : i32
        %add3A_975 = arith.addi %add3A_974, %mul3A_973 : i32
        %add3A_976 = arith.constant 1 : i32
        %add3A_977 = arith.addi %add3A_975, %add3A_976 : i32
        %get3A_978 = arith.index_cast %add3A_977 : i32 to index
        %get3A_979 = arith.constant 0 : index
        %get3A_980 = tpu.vector_load %arg8[%get3A_978, %get3A_979] {strides = array<i32>} : memref<1600x32xf32, #tpu.memory_space<vmem>>, vector<1x16xf32>,
        %get3A_981 = vector.shape_cast %get3A_980 : vector<1x16xf32> to vector<16xf32>
        %add3A_982 = arith.addf %scan3A_951, %get3A_981 : vector<16xf32>
        %get3A_983 = arith.index_cast %add3A_977 : i32 to index
        %get3A_984 = arith.constant 16 : index
        %get3A_985 = tpu.vector_load %arg8[%get3A_983, %get3A_984] {strides = array<i32>} : memref<1600x32xf32, #tpu.memory_space<vmem>>, vector<1x16xf32>,
        %get3A_986 = vector.shape_cast %get3A_985 : vector<1x16xf32> to vector<16xf32>
        %add3A_987 = arith.addf %scan3A_952, %get3A_986 : vector<16xf32>
        %mul3A_988 = arith.constant 4 : i32
        %mul3A_989 = arith.muli %scan3A_948, %mul3A_988 : i32
        %add3A_990 = arith.constant 200 : i32
        %add3A_991 = arith.addi %add3A_990, %mul3A_989 : i32
        %add3A_992 = arith.constant 2 : i32
        %add3A_993 = arith.addi %add3A_991, %add3A_992 : i32
        %get3A_994 = arith.index_cast %add3A_993 : i32 to index
        %get3A_995 = arith.constant 0 : index
        %get3A_996 = tpu.vector_load %arg8[%get3A_994, %get3A_995] {strides = array<i32>} : memref<1600x32xf32, #tpu.memory_space<vmem>>, vector<1x16xf32>,
        %get3A_997 = vector.shape_cast %get3A_996 : vector<1x16xf32> to vector<16xf32>
        %add3A_998 = arith.addf %scan3A_953, %get3A_997 : vector<16xf32>
        %get3A_999 = arith.index_cast %add3A_993 : i32 to index
        %get3A_1000 = arith.constant 16 : index
        %get3A_1001 = tpu.vector_load %arg8[%get3A_999, %get3A_1000] {strides = array<i32>} : memref<1600x32xf32, #tpu.memory_space<vmem>>, vector<1x16xf32>,
        %get3A_1002 = vector.shape_cast %get3A_1001 : vector<1x16xf32> to vector<16xf32>
        %add3A_1003 = arith.addf %scan3A_954, %get3A_1002 : vector<16xf32>
        %mul3A_1004 = arith.constant 4 : i32
        %mul3A_1005 = arith.muli %scan3A_948, %mul3A_1004 : i32
        %add3A_1006 = arith.constant 200 : i32
        %add3A_1007 = arith.addi %add3A_1006, %mul3A_1005 : i32
        %add3A_1008 = arith.constant 3 : i32
        %add3A_1009 = arith.addi %add3A_1007, %add3A_1008 : i32
        %get3A_1010 = arith.index_cast %add3A_1009 : i32 to index
        %get3A_1011 = arith.constant 0 : index
        %get3A_1012 = tpu.vector_load %arg8[%get3A_1010, %get3A_1011] {strides = array<i32>} : memref<1600x32xf32, #tpu.memory_space<vmem>>, vector<1x16xf32>,
        %get3A_1013 = vector.shape_cast %get3A_1012 : vector<1x16xf32> to vector<16xf32>
        %add3A_1014 = arith.addf %scan3A_955, %get3A_1013 : vector<16xf32>
        %get3A_1015 = arith.index_cast %add3A_1009 : i32 to index
        %get3A_1016 = arith.constant 16 : index
        %get3A_1017 = tpu.vector_load %arg8[%get3A_1015, %get3A_1016] {strides = array<i32>} : memref<1600x32xf32, #tpu.memory_space<vmem>>, vector<1x16xf32>,
        %get3A_1018 = vector.shape_cast %get3A_1017 : vector<1x16xf32> to vector<16xf32>
        %add3A_1019 = arith.addf %scan3A_956, %get3A_1018 : vector<16xf32>
        %scan3A_1020 = arith.constant 1 : i32
        %scan3A_1021 = arith.addi %scan3A_948, %scan3A_1020 : i32
        %mul3A_1022 = arith.constant 4 : i32
        %mul3A_1023 = arith.muli %scan3A_1021, %mul3A_1022 : i32
        %add3A_1024 = arith.constant 200 : i32
        %add3A_1025 = arith.addi %add3A_1024, %mul3A_1023 : i32
        %add3A_1026 = arith.constant 0 : i32
        %add3A_1027 = arith.addi %add3A_1025, %add3A_1026 : i32
        %get3A_1028 = arith.index_cast %add3A_1027 : i32 to index
        %get3A_1029 = arith.constant 0 : index
        %get3A_1030 = tpu.vector_load %arg8[%get3A_1028, %get3A_1029] {strides = array<i32>} : memref<1600x32xf32, #tpu.memory_space<vmem>>, vector<1x16xf32>,
        %get3A_1031 = vector.shape_cast %get3A_1030 : vector<1x16xf32> to vector<16xf32>
        %add3A_1032 = arith.addf %add3A_966, %get3A_1031 : vector<16xf32>
        %get3A_1033 = arith.index_cast %add3A_1027 : i32 to index
        %get3A_1034 = arith.constant 16 : index
        %get3A_1035 = tpu.vector_load %arg8[%get3A_1033, %get3A_1034] {strides = array<i32>} : memref<1600x32xf32, #tpu.memory_space<vmem>>, vector<1x16xf32>,
        %get3A_1036 = vector.shape_cast %get3A_1035 : vector<1x16xf32> to vector<16xf32>
        %add3A_1037 = arith.addf %add3A_971, %get3A_1036 : vector<16xf32>
        %mul3A_1038 = arith.constant 4 : i32
        %mul3A_1039 = arith.muli %scan3A_1021, %mul3A_1038 : i32
        %add3A_1040 = arith.constant 200 : i32
        %add3A_1041 = arith.addi %add3A_1040, %mul3A_1039 : i32
        %add3A_1042 = arith.constant 1 : i32
        %add3A_1043 = arith.addi %add3A_1041, %add3A_1042 : i32
        %get3A_1044 = arith.index_cast %add3A_1043 : i32 to index
        %get3A_1045 = arith.constant 0 : index
        %get3A_1046 = tpu.vector_load %arg8[%get3A_1044, %get3A_1045] {strides = array<i32>} : memref<1600x32xf32, #tpu.memory_space<vmem>>, vector<1x16xf32>,
        %get3A_1047 = vector.shape_cast %get3A_1046 : vector<1x16xf32> to vector<16xf32>
        %add3A_1048 = arith.addf %add3A_982, %get3A_1047 : vector<16xf32>
        %get3A_1049 = arith.index_cast %add3A_1043 : i32 to index
        %get3A_1050 = arith.constant 16 : index
        %get3A_1051 = tpu.vector_load %arg8[%get3A_1049, %get3A_1050] {strides = array<i32>} : memref<1600x32xf32, #tpu.memory_space<vmem>>, vector<1x16xf32>,
        %get3A_1052 = vector.shape_cast %get3A_1051 : vector<1x16xf32> to vector<16xf32>
        %add3A_1053 = arith.addf %add3A_987, %get3A_1052 : vector<16xf32>
        %mul3A_1054 = arith.constant 4 : i32
        %mul3A_1055 = arith.muli %scan3A_1021, %mul3A_1054 : i32
        %add3A_1056 = arith.constant 200 : i32
        %add3A_1057 = arith.addi %add3A_1056, %mul3A_1055 : i32
        %add3A_1058 = arith.constant 2 : i32
        %add3A_1059 = arith.addi %add3A_1057, %add3A_1058 : i32
        %get3A_1060 = arith.index_cast %add3A_1059 : i32 to index
        %get3A_1061 = arith.constant 0 : index
        %get3A_1062 = tpu.vector_load %arg8[%get3A_1060, %get3A_1061] {strides = array<i32>} : memref<1600x32xf32, #tpu.memory_space<vmem>>, vector<1x16xf32>,
        %get3A_1063 = vector.shape_cast %get3A_1062 : vector<1x16xf32> to vector<16xf32>
        %add3A_1064 = arith.addf %add3A_998, %get3A_1063 : vector<16xf32>
        %get3A_1065 = arith.index_cast %add3A_1059 : i32 to index
        %get3A_1066 = arith.constant 16 : index
        %get3A_1067 = tpu.vector_load %arg8[%get3A_1065, %get3A_1066] {strides = array<i32>} : memref<1600x32xf32, #tpu.memory_space<vmem>>, vector<1x16xf32>,
        %get3A_1068 = vector.shape_cast %get3A_1067 : vector<1x16xf32> to vector<16xf32>
        %add3A_1069 = arith.addf %add3A_1003, %get3A_1068 : vector<16xf32>
        %mul3A_1070 = arith.constant 4 : i32
        %mul3A_1071 = arith.muli %scan3A_1021, %mul3A_1070 : i32
        %add3A_1072 = arith.constant 200 : i32
        %add3A_1073 = arith.addi %add3A_1072, %mul3A_1071 : i32
        %add3A_1074 = arith.constant 3 : i32
        %add3A_1075 = arith.addi %add3A_1073, %add3A_1074 : i32
        %get3A_1076 = arith.index_cast %add3A_1075 : i32 to index
        %get3A_1077 = arith.constant 0 : index
        %get3A_1078 = tpu.vector_load %arg8[%get3A_1076, %get3A_1077] {strides = array<i32>} : memref<1600x32xf32, #tpu.memory_space<vmem>>, vector<1x16xf32>,
        %get3A_1079 = vector.shape_cast %get3A_1078 : vector<1x16xf32> to vector<16xf32>
        %add3A_1080 = arith.addf %add3A_1014, %get3A_1079 : vector<16xf32>
        %get3A_1081 = arith.index_cast %add3A_1075 : i32 to index
        %get3A_1082 = arith.constant 16 : index
        %get3A_1083 = tpu.vector_load %arg8[%get3A_1081, %get3A_1082] {strides = array<i32>} : memref<1600x32xf32, #tpu.memory_space<vmem>>, vector<1x16xf32>,
        %get3A_1084 = vector.shape_cast %get3A_1083 : vector<1x16xf32> to vector<16xf32>
        %add3A_1085 = arith.addf %add3A_1019, %get3A_1084 : vector<16xf32>
        scf.yield %add3A_1032, %add3A_1037, %add3A_1048, %add3A_1053, %add3A_1064, %add3A_1069, %add3A_1080, %add3A_1085 : vector<16xf32>, vector<16xf32>, vector<16xf32>, vector<16xf32>, vector<16xf32>, vector<16xf32>, vector<16xf32>, vector<16xf32>
      }
      %scan3A_771 = arith.constant 50 : i32
      %add3A_772 = arith.addf %scan3A_770#0, %scan3A_770#2 : vector<16xf32>
      %add3A_773 = arith.addf %scan3A_770#4, %scan3A_770#6 : vector<16xf32>
      %add3A_774 = arith.addf %add3A_772, %add3A_773 : vector<16xf32>
      %add3A_775 = arith.addf %scan3A_770#1, %scan3A_770#3 : vector<16xf32>
      %add3A_776 = arith.addf %scan3A_770#5, %scan3A_770#7 : vector<16xf32>
      %add3A_777 = arith.addf %add3A_775, %add3A_776 : vector<16xf32>
      %mul3A_778 = arith.constant 8 : i32
      %mul3A_779 = arith.muli %add3A_563, %mul3A_778 : i32
      %add3A_780 = arith.constant 1 : i32
      %add3A_781 = arith.addi %mul3A_779, %add3A_780 : i32
      %swap3A_782 = arith.index_cast %add3A_781 : i32 to index
      %swap3A_783 = arith.constant 0 : index
      %swap3A_784 = tpu.vector_load %arg9[%swap3A_782, %swap3A_783] {strides = array<i32>} : memref<512x32xf32, #tpu.memory_space<vmem>>, vector<1x16xf32>,
      %swap3A_785 = vector.shape_cast %swap3A_784 : vector<1x16xf32> to vector<16xf32>
      %swap3A_786 = vector.shape_cast %add3A_774 : vector<16xf32> to vector<1x16xf32>
      tpu.vector_store %arg9[%swap3A_782, %swap3A_783], %swap3A_786 {strides = array<i32>} : memref<512x32xf32, #tpu.memory_space<vmem>>, vector<1x16xf32>,
      %swap3A_787 = arith.index_cast %add3A_781 : i32 to index
      %swap3A_788 = arith.constant 16 : index
      %swap3A_789 = tpu.vector_load %arg9[%swap3A_787, %swap3A_788] {strides = array<i32>} : memref<512x32xf32, #tpu.memory_space<vmem>>, vector<1x16xf32>,
      %swap3A_790 = vector.shape_cast %swap3A_789 : vector<1x16xf32> to vector<16xf32>
      %swap3A_791 = vector.shape_cast %add3A_777 : vector<16xf32> to vector<1x16xf32>
      tpu.vector_store %arg9[%swap3A_787, %swap3A_788], %swap3A_791 {strides = array<i32>} : memref<512x32xf32, #tpu.memory_space<vmem>>, vector<1x16xf32>,
      %scan3A_792 = arith.constant 0 : i32
      %scan3A_793 = arith.constant 50 : i32
      %scan3A_794 = arith.addi %scan3A_792, %scan3A_793 : i32
      %scan3A_795 = arith.constant 2 : i32
      %scan3A_796:8 = scf.for %scan3A_948 = %scan3A_792 to %scan3A_794 step %scan3A_795 iter_args(%scan3A_949 = %broadcast_in_dim3A_739, %scan3A_950 = %broadcast_in_dim3A_739, %scan3A_951 = %broadcast_in_dim3A_739, %scan3A_952 = %broadcast_in_dim3A_739, %scan3A_953 = %broadcast_in_dim3A_739, %scan3A_954 = %broadcast_in_dim3A_739, %scan3A_955 = %broadcast_in_dim3A_739, %scan3A_956 = %broadcast_in_dim3A_739) -> (vector<16xf32>, vector<16xf32>, vector<16xf32>, vector<16xf32>, vector<16xf32>, vector<16xf32>, vector<16xf32>, vector<16xf32>)  : i32 {
        %mul3A_957 = arith.constant 4 : i32
        %mul3A_958 = arith.muli %scan3A_948, %mul3A_957 : i32
        %add3A_959 = arith.constant 400 : i32
        %add3A_960 = arith.addi %add3A_959, %mul3A_958 : i32
        %add3A_961 = arith.constant 0 : i32
        %add3A_962 = arith.addi %add3A_960, %add3A_961 : i32
        %get3A = arith.index_cast %add3A_962 : i32 to index
        %get3A_963 = arith.constant 0 : index
        %get3A_964 = tpu.vector_load %arg8[%get3A, %get3A_963] {strides = array<i32>} : memref<1600x32xf32, #tpu.memory_space<vmem>>, vector<1x16xf32>,
        %get3A_965 = vector.shape_cast %get3A_964 : vector<1x16xf32> to vector<16xf32>
        %add3A_966 = arith.addf %scan3A_949, %get3A_965 : vector<16xf32>
        %get3A_967 = arith.index_cast %add3A_962 : i32 to index
        %get3A_968 = arith.constant 16 : index
        %get3A_969 = tpu.vector_load %arg8[%get3A_967, %get3A_968] {strides = array<i32>} : memref<1600x32xf32, #tpu.memory_space<vmem>>, vector<1x16xf32>,
        %get3A_970 = vector.shape_cast %get3A_969 : vector<1x16xf32> to vector<16xf32>
        %add3A_971 = arith.addf %scan3A_950, %get3A_970 : vector<16xf32>
        %mul3A_972 = arith.constant 4 : i32
        %mul3A_973 = arith.muli %scan3A_948, %mul3A_972 : i32
        %add3A_974 = arith.constant 400 : i32
        %add3A_975 = arith.addi %add3A_974, %mul3A_973 : i32
        %add3A_976 = arith.constant 1 : i32
        %add3A_977 = arith.addi %add3A_975, %add3A_976 : i32
        %get3A_978 = arith.index_cast %add3A_977 : i32 to index
        %get3A_979 = arith.constant 0 : index
        %get3A_980 = tpu.vector_load %arg8[%get3A_978, %get3A_979] {strides = array<i32>} : memref<1600x32xf32, #tpu.memory_space<vmem>>, vector<1x16xf32>,
        %get3A_981 = vector.shape_cast %get3A_980 : vector<1x16xf32> to vector<16xf32>
        %add3A_982 = arith.addf %scan3A_951, %get3A_981 : vector<16xf32>
        %get3A_983 = arith.index_cast %add3A_977 : i32 to index
        %get3A_984 = arith.constant 16 : index
        %get3A_985 = tpu.vector_load %arg8[%get3A_983, %get3A_984] {strides = array<i32>} : memref<1600x32xf32, #tpu.memory_space<vmem>>, vector<1x16xf32>,
        %get3A_986 = vector.shape_cast %get3A_985 : vector<1x16xf32> to vector<16xf32>
        %add3A_987 = arith.addf %scan3A_952, %get3A_986 : vector<16xf32>
        %mul3A_988 = arith.constant 4 : i32
        %mul3A_989 = arith.muli %scan3A_948, %mul3A_988 : i32
        %add3A_990 = arith.constant 400 : i32
        %add3A_991 = arith.addi %add3A_990, %mul3A_989 : i32
        %add3A_992 = arith.constant 2 : i32
        %add3A_993 = arith.addi %add3A_991, %add3A_992 : i32
        %get3A_994 = arith.index_cast %add3A_993 : i32 to index
        %get3A_995 = arith.constant 0 : index
        %get3A_996 = tpu.vector_load %arg8[%get3A_994, %get3A_995] {strides = array<i32>} : memref<1600x32xf32, #tpu.memory_space<vmem>>, vector<1x16xf32>,
        %get3A_997 = vector.shape_cast %get3A_996 : vector<1x16xf32> to vector<16xf32>
        %add3A_998 = arith.addf %scan3A_953, %get3A_997 : vector<16xf32>
        %get3A_999 = arith.index_cast %add3A_993 : i32 to index
        %get3A_1000 = arith.constant 16 : index
        %get3A_1001 = tpu.vector_load %arg8[%get3A_999, %get3A_1000] {strides = array<i32>} : memref<1600x32xf32, #tpu.memory_space<vmem>>, vector<1x16xf32>,
        %get3A_1002 = vector.shape_cast %get3A_1001 : vector<1x16xf32> to vector<16xf32>
        %add3A_1003 = arith.addf %scan3A_954, %get3A_1002 : vector<16xf32>
        %mul3A_1004 = arith.constant 4 : i32
        %mul3A_1005 = arith.muli %scan3A_948, %mul3A_1004 : i32
        %add3A_1006 = arith.constant 400 : i32
        %add3A_1007 = arith.addi %add3A_1006, %mul3A_1005 : i32
        %add3A_1008 = arith.constant 3 : i32
        %add3A_1009 = arith.addi %add3A_1007, %add3A_1008 : i32
        %get3A_1010 = arith.index_cast %add3A_1009 : i32 to index
        %get3A_1011 = arith.constant 0 : index
        %get3A_1012 = tpu.vector_load %arg8[%get3A_1010, %get3A_1011] {strides = array<i32>} : memref<1600x32xf32, #tpu.memory_space<vmem>>, vector<1x16xf32>,
        %get3A_1013 = vector.shape_cast %get3A_1012 : vector<1x16xf32> to vector<16xf32>
        %add3A_1014 = arith.addf %scan3A_955, %get3A_1013 : vector<16xf32>
        %get3A_1015 = arith.index_cast %add3A_1009 : i32 to index
        %get3A_1016 = arith.constant 16 : index
        %get3A_1017 = tpu.vector_load %arg8[%get3A_1015, %get3A_1016] {strides = array<i32>} : memref<1600x32xf32, #tpu.memory_space<vmem>>, vector<1x16xf32>,
        %get3A_1018 = vector.shape_cast %get3A_1017 : vector<1x16xf32> to vector<16xf32>
        %add3A_1019 = arith.addf %scan3A_956, %get3A_1018 : vector<16xf32>
        %scan3A_1020 = arith.constant 1 : i32
        %scan3A_1021 = arith.addi %scan3A_948, %scan3A_1020 : i32
        %mul3A_1022 = arith.constant 4 : i32
        %mul3A_1023 = arith.muli %scan3A_1021, %mul3A_1022 : i32
        %add3A_1024 = arith.constant 400 : i32
        %add3A_1025 = arith.addi %add3A_1024, %mul3A_1023 : i32
        %add3A_1026 = arith.constant 0 : i32
        %add3A_1027 = arith.addi %add3A_1025, %add3A_1026 : i32
        %get3A_1028 = arith.index_cast %add3A_1027 : i32 to index
        %get3A_1029 = arith.constant 0 : index
        %get3A_1030 = tpu.vector_load %arg8[%get3A_1028, %get3A_1029] {strides = array<i32>} : memref<1600x32xf32, #tpu.memory_space<vmem>>, vector<1x16xf32>,
        %get3A_1031 = vector.shape_cast %get3A_1030 : vector<1x16xf32> to vector<16xf32>
        %add3A_1032 = arith.addf %add3A_966, %get3A_1031 : vector<16xf32>
        %get3A_1033 = arith.index_cast %add3A_1027 : i32 to index
        %get3A_1034 = arith.constant 16 : index
        %get3A_1035 = tpu.vector_load %arg8[%get3A_1033, %get3A_1034] {strides = array<i32>} : memref<1600x32xf32, #tpu.memory_space<vmem>>, vector<1x16xf32>,
        %get3A_1036 = vector.shape_cast %get3A_1035 : vector<1x16xf32> to vector<16xf32>
        %add3A_1037 = arith.addf %add3A_971, %get3A_1036 : vector<16xf32>
        %mul3A_1038 = arith.constant 4 : i32
        %mul3A_1039 = arith.muli %scan3A_1021, %mul3A_1038 : i32
        %add3A_1040 = arith.constant 400 : i32
        %add3A_1041 = arith.addi %add3A_1040, %mul3A_1039 : i32
        %add3A_1042 = arith.constant 1 : i32
        %add3A_1043 = arith.addi %add3A_1041, %add3A_1042 : i32
        %get3A_1044 = arith.index_cast %add3A_1043 : i32 to index
        %get3A_1045 = arith.constant 0 : index
        %get3A_1046 = tpu.vector_load %arg8[%get3A_1044, %get3A_1045] {strides = array<i32>} : memref<1600x32xf32, #tpu.memory_space<vmem>>, vector<1x16xf32>,
        %get3A_1047 = vector.shape_cast %get3A_1046 : vector<1x16xf32> to vector<16xf32>
        %add3A_1048 = arith.addf %add3A_982, %get3A_1047 : vector<16xf32>
        %get3A_1049 = arith.index_cast %add3A_1043 : i32 to index
        %get3A_1050 = arith.constant 16 : index
        %get3A_1051 = tpu.vector_load %arg8[%get3A_1049, %get3A_1050] {strides = array<i32>} : memref<1600x32xf32, #tpu.memory_space<vmem>>, vector<1x16xf32>,
        %get3A_1052 = vector.shape_cast %get3A_1051 : vector<1x16xf32> to vector<16xf32>
        %add3A_1053 = arith.addf %add3A_987, %get3A_1052 : vector<16xf32>
        %mul3A_1054 = arith.constant 4 : i32
        %mul3A_1055 = arith.muli %scan3A_1021, %mul3A_1054 : i32
        %add3A_1056 = arith.constant 400 : i32
        %add3A_1057 = arith.addi %add3A_1056, %mul3A_1055 : i32
        %add3A_1058 = arith.constant 2 : i32
        %add3A_1059 = arith.addi %add3A_1057, %add3A_1058 : i32
        %get3A_1060 = arith.index_cast %add3A_1059 : i32 to index
        %get3A_1061 = arith.constant 0 : index
        %get3A_1062 = tpu.vector_load %arg8[%get3A_1060, %get3A_1061] {strides = array<i32>} : memref<1600x32xf32, #tpu.memory_space<vmem>>, vector<1x16xf32>,
        %get3A_1063 = vector.shape_cast %get3A_1062 : vector<1x16xf32> to vector<16xf32>
        %add3A_1064 = arith.addf %add3A_998, %get3A_1063 : vector<16xf32>
        %get3A_1065 = arith.index_cast %add3A_1059 : i32 to index
        %get3A_1066 = arith.constant 16 : index
        %get3A_1067 = tpu.vector_load %arg8[%get3A_1065, %get3A_1066] {strides = array<i32>} : memref<1600x32xf32, #tpu.memory_space<vmem>>, vector<1x16xf32>,
        %get3A_1068 = vector.shape_cast %get3A_1067 : vector<1x16xf32> to vector<16xf32>
        %add3A_1069 = arith.addf %add3A_1003, %get3A_1068 : vector<16xf32>
        %mul3A_1070 = arith.constant 4 : i32
        %mul3A_1071 = arith.muli %scan3A_1021, %mul3A_1070 : i32
        %add3A_1072 = arith.constant 400 : i32
        %add3A_1073 = arith.addi %add3A_1072, %mul3A_1071 : i32
        %add3A_1074 = arith.constant 3 : i32
        %add3A_1075 = arith.addi %add3A_1073, %add3A_1074 : i32
        %get3A_1076 = arith.index_cast %add3A_1075 : i32 to index
        %get3A_1077 = arith.constant 0 : index
        %get3A_1078 = tpu.vector_load %arg8[%get3A_1076, %get3A_1077] {strides = array<i32>} : memref<1600x32xf32, #tpu.memory_space<vmem>>, vector<1x16xf32>,
        %get3A_1079 = vector.shape_cast %get3A_1078 : vector<1x16xf32> to vector<16xf32>
        %add3A_1080 = arith.addf %add3A_1014, %get3A_1079 : vector<16xf32>
        %get3A_1081 = arith.index_cast %add3A_1075 : i32 to index
        %get3A_1082 = arith.constant 16 : index
        %get3A_1083 = tpu.vector_load %arg8[%get3A_1081, %get3A_1082] {strides = array<i32>} : memref<1600x32xf32, #tpu.memory_space<vmem>>, vector<1x16xf32>,
        %get3A_1084 = vector.shape_cast %get3A_1083 : vector<1x16xf32> to vector<16xf32>
        %add3A_1085 = arith.addf %add3A_1019, %get3A_1084 : vector<16xf32>
        scf.yield %add3A_1032, %add3A_1037, %add3A_1048, %add3A_1053, %add3A_1064, %add3A_1069, %add3A_1080, %add3A_1085 : vector<16xf32>, vector<16xf32>, vector<16xf32>, vector<16xf32>, vector<16xf32>, vector<16xf32>, vector<16xf32>, vector<16xf32>
      }
      %scan3A_797 = arith.constant 50 : i32
      %add3A_798 = arith.addf %scan3A_796#0, %scan3A_796#2 : vector<16xf32>
      %add3A_799 = arith.addf %scan3A_796#4, %scan3A_796#6 : vector<16xf32>
      %add3A_800 = arith.addf %add3A_798, %add3A_799 : vector<16xf32>
      %add3A_801 = arith.addf %scan3A_796#1, %scan3A_796#3 : vector<16xf32>
      %add3A_802 = arith.addf %scan3A_796#5, %scan3A_796#7 : vector<16xf32>
      %add3A_803 = arith.addf %add3A_801, %add3A_802 : vector<16xf32>
      %mul3A_804 = arith.constant 8 : i32
      %mul3A_805 = arith.muli %add3A_563, %mul3A_804 : i32
      %add3A_806 = arith.constant 2 : i32
      %add3A_807 = arith.addi %mul3A_805, %add3A_806 : i32
      %swap3A_808 = arith.index_cast %add3A_807 : i32 to index
      %swap3A_809 = arith.constant 0 : index
      %swap3A_810 = tpu.vector_load %arg9[%swap3A_808, %swap3A_809] {strides = array<i32>} : memref<512x32xf32, #tpu.memory_space<vmem>>, vector<1x16xf32>,
      %swap3A_811 = vector.shape_cast %swap3A_810 : vector<1x16xf32> to vector<16xf32>
      %swap3A_812 = vector.shape_cast %add3A_800 : vector<16xf32> to vector<1x16xf32>
      tpu.vector_store %arg9[%swap3A_808, %swap3A_809], %swap3A_812 {strides = array<i32>} : memref<512x32xf32, #tpu.memory_space<vmem>>, vector<1x16xf32>,
      %swap3A_813 = arith.index_cast %add3A_807 : i32 to index
      %swap3A_814 = arith.constant 16 : index
      %swap3A_815 = tpu.vector_load %arg9[%swap3A_813, %swap3A_814] {strides = array<i32>} : memref<512x32xf32, #tpu.memory_space<vmem>>, vector<1x16xf32>,
      %swap3A_816 = vector.shape_cast %swap3A_815 : vector<1x16xf32> to vector<16xf32>
      %swap3A_817 = vector.shape_cast %add3A_803 : vector<16xf32> to vector<1x16xf32>
      tpu.vector_store %arg9[%swap3A_813, %swap3A_814], %swap3A_817 {strides = array<i32>} : memref<512x32xf32, #tpu.memory_space<vmem>>, vector<1x16xf32>,
      %scan3A_818 = arith.constant 0 : i32
      %scan3A_819 = arith.constant 50 : i32
      %scan3A_820 = arith.addi %scan3A_818, %scan3A_819 : i32
      %scan3A_821 = arith.constant 2 : i32
      %scan3A_822:8 = scf.for %scan3A_948 = %scan3A_818 to %scan3A_820 step %scan3A_821 iter_args(%scan3A_949 = %broadcast_in_dim3A_739, %scan3A_950 = %broadcast_in_dim3A_739, %scan3A_951 = %broadcast_in_dim3A_739, %scan3A_952 = %broadcast_in_dim3A_739, %scan3A_953 = %broadcast_in_dim3A_739, %scan3A_954 = %broadcast_in_dim3A_739, %scan3A_955 = %broadcast_in_dim3A_739, %scan3A_956 = %broadcast_in_dim3A_739) -> (vector<16xf32>, vector<16xf32>, vector<16xf32>, vector<16xf32>, vector<16xf32>, vector<16xf32>, vector<16xf32>, vector<16xf32>)  : i32 {
        %mul3A_957 = arith.constant 4 : i32
        %mul3A_958 = arith.muli %scan3A_948, %mul3A_957 : i32
        %add3A_959 = arith.constant 600 : i32
        %add3A_960 = arith.addi %add3A_959, %mul3A_958 : i32
        %add3A_961 = arith.constant 0 : i32
        %add3A_962 = arith.addi %add3A_960, %add3A_961 : i32
        %get3A = arith.index_cast %add3A_962 : i32 to index
        %get3A_963 = arith.constant 0 : index
        %get3A_964 = tpu.vector_load %arg8[%get3A, %get3A_963] {strides = array<i32>} : memref<1600x32xf32, #tpu.memory_space<vmem>>, vector<1x16xf32>,
        %get3A_965 = vector.shape_cast %get3A_964 : vector<1x16xf32> to vector<16xf32>
        %add3A_966 = arith.addf %scan3A_949, %get3A_965 : vector<16xf32>
        %get3A_967 = arith.index_cast %add3A_962 : i32 to index
        %get3A_968 = arith.constant 16 : index
        %get3A_969 = tpu.vector_load %arg8[%get3A_967, %get3A_968] {strides = array<i32>} : memref<1600x32xf32, #tpu.memory_space<vmem>>, vector<1x16xf32>,
        %get3A_970 = vector.shape_cast %get3A_969 : vector<1x16xf32> to vector<16xf32>
        %add3A_971 = arith.addf %scan3A_950, %get3A_970 : vector<16xf32>
        %mul3A_972 = arith.constant 4 : i32
        %mul3A_973 = arith.muli %scan3A_948, %mul3A_972 : i32
        %add3A_974 = arith.constant 600 : i32
        %add3A_975 = arith.addi %add3A_974, %mul3A_973 : i32
        %add3A_976 = arith.constant 1 : i32
        %add3A_977 = arith.addi %add3A_975, %add3A_976 : i32
        %get3A_978 = arith.index_cast %add3A_977 : i32 to index
        %get3A_979 = arith.constant 0 : index
        %get3A_980 = tpu.vector_load %arg8[%get3A_978, %get3A_979] {strides = array<i32>} : memref<1600x32xf32, #tpu.memory_space<vmem>>, vector<1x16xf32>,
        %get3A_981 = vector.shape_cast %get3A_980 : vector<1x16xf32> to vector<16xf32>
        %add3A_982 = arith.addf %scan3A_951, %get3A_981 : vector<16xf32>
        %get3A_983 = arith.index_cast %add3A_977 : i32 to index
        %get3A_984 = arith.constant 16 : index
        %get3A_985 = tpu.vector_load %arg8[%get3A_983, %get3A_984] {strides = array<i32>} : memref<1600x32xf32, #tpu.memory_space<vmem>>, vector<1x16xf32>,
        %get3A_986 = vector.shape_cast %get3A_985 : vector<1x16xf32> to vector<16xf32>
        %add3A_987 = arith.addf %scan3A_952, %get3A_986 : vector<16xf32>
        %mul3A_988 = arith.constant 4 : i32
        %mul3A_989 = arith.muli %scan3A_948, %mul3A_988 : i32
        %add3A_990 = arith.constant 600 : i32
        %add3A_991 = arith.addi %add3A_990, %mul3A_989 : i32
        %add3A_992 = arith.constant 2 : i32
        %add3A_993 = arith.addi %add3A_991, %add3A_992 : i32
        %get3A_994 = arith.index_cast %add3A_993 : i32 to index
        %get3A_995 = arith.constant 0 : index
        %get3A_996 = tpu.vector_load %arg8[%get3A_994, %get3A_995] {strides = array<i32>} : memref<1600x32xf32, #tpu.memory_space<vmem>>, vector<1x16xf32>,
        %get3A_997 = vector.shape_cast %get3A_996 : vector<1x16xf32> to vector<16xf32>
        %add3A_998 = arith.addf %scan3A_953, %get3A_997 : vector<16xf32>
        %get3A_999 = arith.index_cast %add3A_993 : i32 to index
        %get3A_1000 = arith.constant 16 : index
        %get3A_1001 = tpu.vector_load %arg8[%get3A_999, %get3A_1000] {strides = array<i32>} : memref<1600x32xf32, #tpu.memory_space<vmem>>, vector<1x16xf32>,
        %get3A_1002 = vector.shape_cast %get3A_1001 : vector<1x16xf32> to vector<16xf32>
        %add3A_1003 = arith.addf %scan3A_954, %get3A_1002 : vector<16xf32>
        %mul3A_1004 = arith.constant 4 : i32
        %mul3A_1005 = arith.muli %scan3A_948, %mul3A_1004 : i32
        %add3A_1006 = arith.constant 600 : i32
        %add3A_1007 = arith.addi %add3A_1006, %mul3A_1005 : i32
        %add3A_1008 = arith.constant 3 : i32
        %add3A_1009 = arith.addi %add3A_1007, %add3A_1008 : i32
        %get3A_1010 = arith.index_cast %add3A_1009 : i32 to index
        %get3A_1011 = arith.constant 0 : index
        %get3A_1012 = tpu.vector_load %arg8[%get3A_1010, %get3A_1011] {strides = array<i32>} : memref<1600x32xf32, #tpu.memory_space<vmem>>, vector<1x16xf32>,
        %get3A_1013 = vector.shape_cast %get3A_1012 : vector<1x16xf32> to vector<16xf32>
        %add3A_1014 = arith.addf %scan3A_955, %get3A_1013 : vector<16xf32>
        %get3A_1015 = arith.index_cast %add3A_1009 : i32 to index
        %get3A_1016 = arith.constant 16 : index
        %get3A_1017 = tpu.vector_load %arg8[%get3A_1015, %get3A_1016] {strides = array<i32>} : memref<1600x32xf32, #tpu.memory_space<vmem>>, vector<1x16xf32>,
        %get3A_1018 = vector.shape_cast %get3A_1017 : vector<1x16xf32> to vector<16xf32>
        %add3A_1019 = arith.addf %scan3A_956, %get3A_1018 : vector<16xf32>
        %scan3A_1020 = arith.constant 1 : i32
        %scan3A_1021 = arith.addi %scan3A_948, %scan3A_1020 : i32
        %mul3A_1022 = arith.constant 4 : i32
        %mul3A_1023 = arith.muli %scan3A_1021, %mul3A_1022 : i32
        %add3A_1024 = arith.constant 600 : i32
        %add3A_1025 = arith.addi %add3A_1024, %mul3A_1023 : i32
        %add3A_1026 = arith.constant 0 : i32
        %add3A_1027 = arith.addi %add3A_1025, %add3A_1026 : i32
        %get3A_1028 = arith.index_cast %add3A_1027 : i32 to index
        %get3A_1029 = arith.constant 0 : index
        %get3A_1030 = tpu.vector_load %arg8[%get3A_1028, %get3A_1029] {strides = array<i32>} : memref<1600x32xf32, #tpu.memory_space<vmem>>, vector<1x16xf32>,
        %get3A_1031 = vector.shape_cast %get3A_1030 : vector<1x16xf32> to vector<16xf32>
        %add3A_1032 = arith.addf %add3A_966, %get3A_1031 : vector<16xf32>
        %get3A_1033 = arith.index_cast %add3A_1027 : i32 to index
        %get3A_1034 = arith.constant 16 : index
        %get3A_1035 = tpu.vector_load %arg8[%get3A_1033, %get3A_1034] {strides = array<i32>} : memref<1600x32xf32, #tpu.memory_space<vmem>>, vector<1x16xf32>,
        %get3A_1036 = vector.shape_cast %get3A_1035 : vector<1x16xf32> to vector<16xf32>
        %add3A_1037 = arith.addf %add3A_971, %get3A_1036 : vector<16xf32>
        %mul3A_1038 = arith.constant 4 : i32
        %mul3A_1039 = arith.muli %scan3A_1021, %mul3A_1038 : i32
        %add3A_1040 = arith.constant 600 : i32
        %add3A_1041 = arith.addi %add3A_1040, %mul3A_1039 : i32
        %add3A_1042 = arith.constant 1 : i32
        %add3A_1043 = arith.addi %add3A_1041, %add3A_1042 : i32
        %get3A_1044 = arith.index_cast %add3A_1043 : i32 to index
        %get3A_1045 = arith.constant 0 : index
        %get3A_1046 = tpu.vector_load %arg8[%get3A_1044, %get3A_1045] {strides = array<i32>} : memref<1600x32xf32, #tpu.memory_space<vmem>>, vector<1x16xf32>,
        %get3A_1047 = vector.shape_cast %get3A_1046 : vector<1x16xf32> to vector<16xf32>
        %add3A_1048 = arith.addf %add3A_982, %get3A_1047 : vector<16xf32>
        %get3A_1049 = arith.index_cast %add3A_1043 : i32 to index
        %get3A_1050 = arith.constant 16 : index
        %get3A_1051 = tpu.vector_load %arg8[%get3A_1049, %get3A_1050] {strides = array<i32>} : memref<1600x32xf32, #tpu.memory_space<vmem>>, vector<1x16xf32>,
        %get3A_1052 = vector.shape_cast %get3A_1051 : vector<1x16xf32> to vector<16xf32>
        %add3A_1053 = arith.addf %add3A_987, %get3A_1052 : vector<16xf32>
        %mul3A_1054 = arith.constant 4 : i32
        %mul3A_1055 = arith.muli %scan3A_1021, %mul3A_1054 : i32
        %add3A_1056 = arith.constant 600 : i32
        %add3A_1057 = arith.addi %add3A_1056, %mul3A_1055 : i32
        %add3A_1058 = arith.constant 2 : i32
        %add3A_1059 = arith.addi %add3A_1057, %add3A_1058 : i32
        %get3A_1060 = arith.index_cast %add3A_1059 : i32 to index
        %get3A_1061 = arith.constant 0 : index
        %get3A_1062 = tpu.vector_load %arg8[%get3A_1060, %get3A_1061] {strides = array<i32>} : memref<1600x32xf32, #tpu.memory_space<vmem>>, vector<1x16xf32>,
        %get3A_1063 = vector.shape_cast %get3A_1062 : vector<1x16xf32> to vector<16xf32>
        %add3A_1064 = arith.addf %add3A_998, %get3A_1063 : vector<16xf32>
        %get3A_1065 = arith.index_cast %add3A_1059 : i32 to index
        %get3A_1066 = arith.constant 16 : index
        %get3A_1067 = tpu.vector_load %arg8[%get3A_1065, %get3A_1066] {strides = array<i32>} : memref<1600x32xf32, #tpu.memory_space<vmem>>, vector<1x16xf32>,
        %get3A_1068 = vector.shape_cast %get3A_1067 : vector<1x16xf32> to vector<16xf32>
        %add3A_1069 = arith.addf %add3A_1003, %get3A_1068 : vector<16xf32>
        %mul3A_1070 = arith.constant 4 : i32
        %mul3A_1071 = arith.muli %scan3A_1021, %mul3A_1070 : i32
        %add3A_1072 = arith.constant 600 : i32
        %add3A_1073 = arith.addi %add3A_1072, %mul3A_1071 : i32
        %add3A_1074 = arith.constant 3 : i32
        %add3A_1075 = arith.addi %add3A_1073, %add3A_1074 : i32
        %get3A_1076 = arith.index_cast %add3A_1075 : i32 to index
        %get3A_1077 = arith.constant 0 : index
        %get3A_1078 = tpu.vector_load %arg8[%get3A_1076, %get3A_1077] {strides = array<i32>} : memref<1600x32xf32, #tpu.memory_space<vmem>>, vector<1x16xf32>,
        %get3A_1079 = vector.shape_cast %get3A_1078 : vector<1x16xf32> to vector<16xf32>
        %add3A_1080 = arith.addf %add3A_1014, %get3A_1079 : vector<16xf32>
        %get3A_1081 = arith.index_cast %add3A_1075 : i32 to index
        %get3A_1082 = arith.constant 16 : index
        %get3A_1083 = tpu.vector_load %arg8[%get3A_1081, %get3A_1082] {strides = array<i32>} : memref<1600x32xf32, #tpu.memory_space<vmem>>, vector<1x16xf32>,
        %get3A_1084 = vector.shape_cast %get3A_1083 : vector<1x16xf32> to vector<16xf32>
        %add3A_1085 = arith.addf %add3A_1019, %get3A_1084 : vector<16xf32>
        scf.yield %add3A_1032, %add3A_1037, %add3A_1048, %add3A_1053, %add3A_1064, %add3A_1069, %add3A_1080, %add3A_1085 : vector<16xf32>, vector<16xf32>, vector<16xf32>, vector<16xf32>, vector<16xf32>, vector<16xf32>, vector<16xf32>, vector<16xf32>
      }
      %scan3A_823 = arith.constant 50 : i32
      %add3A_824 = arith.addf %scan3A_822#0, %scan3A_822#2 : vector<16xf32>
      %add3A_825 = arith.addf %scan3A_822#4, %scan3A_822#6 : vector<16xf32>
      %add3A_826 = arith.addf %add3A_824, %add3A_825 : vector<16xf32>
      %add3A_827 = arith.addf %scan3A_822#1, %scan3A_822#3 : vector<16xf32>
      %add3A_828 = arith.addf %scan3A_822#5, %scan3A_822#7 : vector<16xf32>
      %add3A_829 = arith.addf %add3A_827, %add3A_828 : vector<16xf32>
      %mul3A_830 = arith.constant 8 : i32
      %mul3A_831 = arith.muli %add3A_563, %mul3A_830 : i32
      %add3A_832 = arith.constant 3 : i32
      %add3A_833 = arith.addi %mul3A_831, %add3A_832 : i32
      %swap3A_834 = arith.index_cast %add3A_833 : i32 to index
      %swap3A_835 = arith.constant 0 : index
      %swap3A_836 = tpu.vector_load %arg9[%swap3A_834, %swap3A_835] {strides = array<i32>} : memref<512x32xf32, #tpu.memory_space<vmem>>, vector<1x16xf32>,
      %swap3A_837 = vector.shape_cast %swap3A_836 : vector<1x16xf32> to vector<16xf32>
      %swap3A_838 = vector.shape_cast %add3A_826 : vector<16xf32> to vector<1x16xf32>
      tpu.vector_store %arg9[%swap3A_834, %swap3A_835], %swap3A_838 {strides = array<i32>} : memref<512x32xf32, #tpu.memory_space<vmem>>, vector<1x16xf32>,
      %swap3A_839 = arith.index_cast %add3A_833 : i32 to index
      %swap3A_840 = arith.constant 16 : index
      %swap3A_841 = tpu.vector_load %arg9[%swap3A_839, %swap3A_840] {strides = array<i32>} : memref<512x32xf32, #tpu.memory_space<vmem>>, vector<1x16xf32>,
      %swap3A_842 = vector.shape_cast %swap3A_841 : vector<1x16xf32> to vector<16xf32>
      %swap3A_843 = vector.shape_cast %add3A_829 : vector<16xf32> to vector<1x16xf32>
      tpu.vector_store %arg9[%swap3A_839, %swap3A_840], %swap3A_843 {strides = array<i32>} : memref<512x32xf32, #tpu.memory_space<vmem>>, vector<1x16xf32>,
      %scan3A_844 = arith.constant 0 : i32
      %scan3A_845 = arith.constant 50 : i32
      %scan3A_846 = arith.addi %scan3A_844, %scan3A_845 : i32
      %scan3A_847 = arith.constant 2 : i32
      %scan3A_848:8 = scf.for %scan3A_948 = %scan3A_844 to %scan3A_846 step %scan3A_847 iter_args(%scan3A_949 = %broadcast_in_dim3A_739, %scan3A_950 = %broadcast_in_dim3A_739, %scan3A_951 = %broadcast_in_dim3A_739, %scan3A_952 = %broadcast_in_dim3A_739, %scan3A_953 = %broadcast_in_dim3A_739, %scan3A_954 = %broadcast_in_dim3A_739, %scan3A_955 = %broadcast_in_dim3A_739, %scan3A_956 = %broadcast_in_dim3A_739) -> (vector<16xf32>, vector<16xf32>, vector<16xf32>, vector<16xf32>, vector<16xf32>, vector<16xf32>, vector<16xf32>, vector<16xf32>)  : i32 {
        %mul3A_957 = arith.constant 4 : i32
        %mul3A_958 = arith.muli %scan3A_948, %mul3A_957 : i32
        %add3A_959 = arith.constant 800 : i32
        %add3A_960 = arith.addi %add3A_959, %mul3A_958 : i32
        %add3A_961 = arith.constant 0 : i32
        %add3A_962 = arith.addi %add3A_960, %add3A_961 : i32
        %get3A = arith.index_cast %add3A_962 : i32 to index
        %get3A_963 = arith.constant 0 : index
        %get3A_964 = tpu.vector_load %arg8[%get3A, %get3A_963] {strides = array<i32>} : memref<1600x32xf32, #tpu.memory_space<vmem>>, vector<1x16xf32>,
        %get3A_965 = vector.shape_cast %get3A_964 : vector<1x16xf32> to vector<16xf32>
        %add3A_966 = arith.addf %scan3A_949, %get3A_965 : vector<16xf32>
        %get3A_967 = arith.index_cast %add3A_962 : i32 to index
        %get3A_968 = arith.constant 16 : index
        %get3A_969 = tpu.vector_load %arg8[%get3A_967, %get3A_968] {strides = array<i32>} : memref<1600x32xf32, #tpu.memory_space<vmem>>, vector<1x16xf32>,
        %get3A_970 = vector.shape_cast %get3A_969 : vector<1x16xf32> to vector<16xf32>
        %add3A_971 = arith.addf %scan3A_950, %get3A_970 : vector<16xf32>
        %mul3A_972 = arith.constant 4 : i32
        %mul3A_973 = arith.muli %scan3A_948, %mul3A_972 : i32
        %add3A_974 = arith.constant 800 : i32
        %add3A_975 = arith.addi %add3A_974, %mul3A_973 : i32
        %add3A_976 = arith.constant 1 : i32
        %add3A_977 = arith.addi %add3A_975, %add3A_976 : i32
        %get3A_978 = arith.index_cast %add3A_977 : i32 to index
        %get3A_979 = arith.constant 0 : index
        %get3A_980 = tpu.vector_load %arg8[%get3A_978, %get3A_979] {strides = array<i32>} : memref<1600x32xf32, #tpu.memory_space<vmem>>, vector<1x16xf32>,
        %get3A_981 = vector.shape_cast %get3A_980 : vector<1x16xf32> to vector<16xf32>
        %add3A_982 = arith.addf %scan3A_951, %get3A_981 : vector<16xf32>
        %get3A_983 = arith.index_cast %add3A_977 : i32 to index
        %get3A_984 = arith.constant 16 : index
        %get3A_985 = tpu.vector_load %arg8[%get3A_983, %get3A_984] {strides = array<i32>} : memref<1600x32xf32, #tpu.memory_space<vmem>>, vector<1x16xf32>,
        %get3A_986 = vector.shape_cast %get3A_985 : vector<1x16xf32> to vector<16xf32>
        %add3A_987 = arith.addf %scan3A_952, %get3A_986 : vector<16xf32>
        %mul3A_988 = arith.constant 4 : i32
        %mul3A_989 = arith.muli %scan3A_948, %mul3A_988 : i32
        %add3A_990 = arith.constant 800 : i32
        %add3A_991 = arith.addi %add3A_990, %mul3A_989 : i32
        %add3A_992 = arith.constant 2 : i32
        %add3A_993 = arith.addi %add3A_991, %add3A_992 : i32
        %get3A_994 = arith.index_cast %add3A_993 : i32 to index
        %get3A_995 = arith.constant 0 : index
        %get3A_996 = tpu.vector_load %arg8[%get3A_994, %get3A_995] {strides = array<i32>} : memref<1600x32xf32, #tpu.memory_space<vmem>>, vector<1x16xf32>,
        %get3A_997 = vector.shape_cast %get3A_996 : vector<1x16xf32> to vector<16xf32>
        %add3A_998 = arith.addf %scan3A_953, %get3A_997 : vector<16xf32>
        %get3A_999 = arith.index_cast %add3A_993 : i32 to index
        %get3A_1000 = arith.constant 16 : index
        %get3A_1001 = tpu.vector_load %arg8[%get3A_999, %get3A_1000] {strides = array<i32>} : memref<1600x32xf32, #tpu.memory_space<vmem>>, vector<1x16xf32>,
        %get3A_1002 = vector.shape_cast %get3A_1001 : vector<1x16xf32> to vector<16xf32>
        %add3A_1003 = arith.addf %scan3A_954, %get3A_1002 : vector<16xf32>
        %mul3A_1004 = arith.constant 4 : i32
        %mul3A_1005 = arith.muli %scan3A_948, %mul3A_1004 : i32
        %add3A_1006 = arith.constant 800 : i32
        %add3A_1007 = arith.addi %add3A_1006, %mul3A_1005 : i32
        %add3A_1008 = arith.constant 3 : i32
        %add3A_1009 = arith.addi %add3A_1007, %add3A_1008 : i32
        %get3A_1010 = arith.index_cast %add3A_1009 : i32 to index
        %get3A_1011 = arith.constant 0 : index
        %get3A_1012 = tpu.vector_load %arg8[%get3A_1010, %get3A_1011] {strides = array<i32>} : memref<1600x32xf32, #tpu.memory_space<vmem>>, vector<1x16xf32>,
        %get3A_1013 = vector.shape_cast %get3A_1012 : vector<1x16xf32> to vector<16xf32>
        %add3A_1014 = arith.addf %scan3A_955, %get3A_1013 : vector<16xf32>
        %get3A_1015 = arith.index_cast %add3A_1009 : i32 to index
        %get3A_1016 = arith.constant 16 : index
        %get3A_1017 = tpu.vector_load %arg8[%get3A_1015, %get3A_1016] {strides = array<i32>} : memref<1600x32xf32, #tpu.memory_space<vmem>>, vector<1x16xf32>,
        %get3A_1018 = vector.shape_cast %get3A_1017 : vector<1x16xf32> to vector<16xf32>
        %add3A_1019 = arith.addf %scan3A_956, %get3A_1018 : vector<16xf32>
        %scan3A_1020 = arith.constant 1 : i32
        %scan3A_1021 = arith.addi %scan3A_948, %scan3A_1020 : i32
        %mul3A_1022 = arith.constant 4 : i32
        %mul3A_1023 = arith.muli %scan3A_1021, %mul3A_1022 : i32
        %add3A_1024 = arith.constant 800 : i32
        %add3A_1025 = arith.addi %add3A_1024, %mul3A_1023 : i32
        %add3A_1026 = arith.constant 0 : i32
        %add3A_1027 = arith.addi %add3A_1025, %add3A_1026 : i32
        %get3A_1028 = arith.index_cast %add3A_1027 : i32 to index
        %get3A_1029 = arith.constant 0 : index
        %get3A_1030 = tpu.vector_load %arg8[%get3A_1028, %get3A_1029] {strides = array<i32>} : memref<1600x32xf32, #tpu.memory_space<vmem>>, vector<1x16xf32>,
        %get3A_1031 = vector.shape_cast %get3A_1030 : vector<1x16xf32> to vector<16xf32>
        %add3A_1032 = arith.addf %add3A_966, %get3A_1031 : vector<16xf32>
        %get3A_1033 = arith.index_cast %add3A_1027 : i32 to index
        %get3A_1034 = arith.constant 16 : index
        %get3A_1035 = tpu.vector_load %arg8[%get3A_1033, %get3A_1034] {strides = array<i32>} : memref<1600x32xf32, #tpu.memory_space<vmem>>, vector<1x16xf32>,
        %get3A_1036 = vector.shape_cast %get3A_1035 : vector<1x16xf32> to vector<16xf32>
        %add3A_1037 = arith.addf %add3A_971, %get3A_1036 : vector<16xf32>
        %mul3A_1038 = arith.constant 4 : i32
        %mul3A_1039 = arith.muli %scan3A_1021, %mul3A_1038 : i32
        %add3A_1040 = arith.constant 800 : i32
        %add3A_1041 = arith.addi %add3A_1040, %mul3A_1039 : i32
        %add3A_1042 = arith.constant 1 : i32
        %add3A_1043 = arith.addi %add3A_1041, %add3A_1042 : i32
        %get3A_1044 = arith.index_cast %add3A_1043 : i32 to index
        %get3A_1045 = arith.constant 0 : index
        %get3A_1046 = tpu.vector_load %arg8[%get3A_1044, %get3A_1045] {strides = array<i32>} : memref<1600x32xf32, #tpu.memory_space<vmem>>, vector<1x16xf32>,
        %get3A_1047 = vector.shape_cast %get3A_1046 : vector<1x16xf32> to vector<16xf32>
        %add3A_1048 = arith.addf %add3A_982, %get3A_1047 : vector<16xf32>
        %get3A_1049 = arith.index_cast %add3A_1043 : i32 to index
        %get3A_1050 = arith.constant 16 : index
        %get3A_1051 = tpu.vector_load %arg8[%get3A_1049, %get3A_1050] {strides = array<i32>} : memref<1600x32xf32, #tpu.memory_space<vmem>>, vector<1x16xf32>,
        %get3A_1052 = vector.shape_cast %get3A_1051 : vector<1x16xf32> to vector<16xf32>
        %add3A_1053 = arith.addf %add3A_987, %get3A_1052 : vector<16xf32>
        %mul3A_1054 = arith.constant 4 : i32
        %mul3A_1055 = arith.muli %scan3A_1021, %mul3A_1054 : i32
        %add3A_1056 = arith.constant 800 : i32
        %add3A_1057 = arith.addi %add3A_1056, %mul3A_1055 : i32
        %add3A_1058 = arith.constant 2 : i32
        %add3A_1059 = arith.addi %add3A_1057, %add3A_1058 : i32
        %get3A_1060 = arith.index_cast %add3A_1059 : i32 to index
        %get3A_1061 = arith.constant 0 : index
        %get3A_1062 = tpu.vector_load %arg8[%get3A_1060, %get3A_1061] {strides = array<i32>} : memref<1600x32xf32, #tpu.memory_space<vmem>>, vector<1x16xf32>,
        %get3A_1063 = vector.shape_cast %get3A_1062 : vector<1x16xf32> to vector<16xf32>
        %add3A_1064 = arith.addf %add3A_998, %get3A_1063 : vector<16xf32>
        %get3A_1065 = arith.index_cast %add3A_1059 : i32 to index
        %get3A_1066 = arith.constant 16 : index
        %get3A_1067 = tpu.vector_load %arg8[%get3A_1065, %get3A_1066] {strides = array<i32>} : memref<1600x32xf32, #tpu.memory_space<vmem>>, vector<1x16xf32>,
        %get3A_1068 = vector.shape_cast %get3A_1067 : vector<1x16xf32> to vector<16xf32>
        %add3A_1069 = arith.addf %add3A_1003, %get3A_1068 : vector<16xf32>
        %mul3A_1070 = arith.constant 4 : i32
        %mul3A_1071 = arith.muli %scan3A_1021, %mul3A_1070 : i32
        %add3A_1072 = arith.constant 800 : i32
        %add3A_1073 = arith.addi %add3A_1072, %mul3A_1071 : i32
        %add3A_1074 = arith.constant 3 : i32
        %add3A_1075 = arith.addi %add3A_1073, %add3A_1074 : i32
        %get3A_1076 = arith.index_cast %add3A_1075 : i32 to index
        %get3A_1077 = arith.constant 0 : index
        %get3A_1078 = tpu.vector_load %arg8[%get3A_1076, %get3A_1077] {strides = array<i32>} : memref<1600x32xf32, #tpu.memory_space<vmem>>, vector<1x16xf32>,
        %get3A_1079 = vector.shape_cast %get3A_1078 : vector<1x16xf32> to vector<16xf32>
        %add3A_1080 = arith.addf %add3A_1014, %get3A_1079 : vector<16xf32>
        %get3A_1081 = arith.index_cast %add3A_1075 : i32 to index
        %get3A_1082 = arith.constant 16 : index
        %get3A_1083 = tpu.vector_load %arg8[%get3A_1081, %get3A_1082] {strides = array<i32>} : memref<1600x32xf32, #tpu.memory_space<vmem>>, vector<1x16xf32>,
        %get3A_1084 = vector.shape_cast %get3A_1083 : vector<1x16xf32> to vector<16xf32>
        %add3A_1085 = arith.addf %add3A_1019, %get3A_1084 : vector<16xf32>
        scf.yield %add3A_1032, %add3A_1037, %add3A_1048, %add3A_1053, %add3A_1064, %add3A_1069, %add3A_1080, %add3A_1085 : vector<16xf32>, vector<16xf32>, vector<16xf32>, vector<16xf32>, vector<16xf32>, vector<16xf32>, vector<16xf32>, vector<16xf32>
      }
      %scan3A_849 = arith.constant 50 : i32
      %add3A_850 = arith.addf %scan3A_848#0, %scan3A_848#2 : vector<16xf32>
      %add3A_851 = arith.addf %scan3A_848#4, %scan3A_848#6 : vector<16xf32>
      %add3A_852 = arith.addf %add3A_850, %add3A_851 : vector<16xf32>
      %add3A_853 = arith.addf %scan3A_848#1, %scan3A_848#3 : vector<16xf32>
      %add3A_854 = arith.addf %scan3A_848#5, %scan3A_848#7 : vector<16xf32>
      %add3A_855 = arith.addf %add3A_853, %add3A_854 : vector<16xf32>
      %mul3A_856 = arith.constant 8 : i32
      %mul3A_857 = arith.muli %add3A_563, %mul3A_856 : i32
      %add3A_858 = arith.constant 4 : i32
      %add3A_859 = arith.addi %mul3A_857, %add3A_858 : i32
      %swap3A_860 = arith.index_cast %add3A_859 : i32 to index
      %swap3A_861 = arith.constant 0 : index
      %swap3A_862 = tpu.vector_load %arg9[%swap3A_860, %swap3A_861] {strides = array<i32>} : memref<512x32xf32, #tpu.memory_space<vmem>>, vector<1x16xf32>,
      %swap3A_863 = vector.shape_cast %swap3A_862 : vector<1x16xf32> to vector<16xf32>
      %swap3A_864 = vector.shape_cast %add3A_852 : vector<16xf32> to vector<1x16xf32>
      tpu.vector_store %arg9[%swap3A_860, %swap3A_861], %swap3A_864 {strides = array<i32>} : memref<512x32xf32, #tpu.memory_space<vmem>>, vector<1x16xf32>,
      %swap3A_865 = arith.index_cast %add3A_859 : i32 to index
      %swap3A_866 = arith.constant 16 : index
      %swap3A_867 = tpu.vector_load %arg9[%swap3A_865, %swap3A_866] {strides = array<i32>} : memref<512x32xf32, #tpu.memory_space<vmem>>, vector<1x16xf32>,
      %swap3A_868 = vector.shape_cast %swap3A_867 : vector<1x16xf32> to vector<16xf32>
      %swap3A_869 = vector.shape_cast %add3A_855 : vector<16xf32> to vector<1x16xf32>
      tpu.vector_store %arg9[%swap3A_865, %swap3A_866], %swap3A_869 {strides = array<i32>} : memref<512x32xf32, #tpu.memory_space<vmem>>, vector<1x16xf32>,
      %scan3A_870 = arith.constant 0 : i32
      %scan3A_871 = arith.constant 50 : i32
      %scan3A_872 = arith.addi %scan3A_870, %scan3A_871 : i32
      %scan3A_873 = arith.constant 2 : i32
      %scan3A_874:8 = scf.for %scan3A_948 = %scan3A_870 to %scan3A_872 step %scan3A_873 iter_args(%scan3A_949 = %broadcast_in_dim3A_739, %scan3A_950 = %broadcast_in_dim3A_739, %scan3A_951 = %broadcast_in_dim3A_739, %scan3A_952 = %broadcast_in_dim3A_739, %scan3A_953 = %broadcast_in_dim3A_739, %scan3A_954 = %broadcast_in_dim3A_739, %scan3A_955 = %broadcast_in_dim3A_739, %scan3A_956 = %broadcast_in_dim3A_739) -> (vector<16xf32>, vector<16xf32>, vector<16xf32>, vector<16xf32>, vector<16xf32>, vector<16xf32>, vector<16xf32>, vector<16xf32>)  : i32 {
        %mul3A_957 = arith.constant 4 : i32
        %mul3A_958 = arith.muli %scan3A_948, %mul3A_957 : i32
        %add3A_959 = arith.constant 1000 : i32
        %add3A_960 = arith.addi %add3A_959, %mul3A_958 : i32
        %add3A_961 = arith.constant 0 : i32
        %add3A_962 = arith.addi %add3A_960, %add3A_961 : i32
        %get3A = arith.index_cast %add3A_962 : i32 to index
        %get3A_963 = arith.constant 0 : index
        %get3A_964 = tpu.vector_load %arg8[%get3A, %get3A_963] {strides = array<i32>} : memref<1600x32xf32, #tpu.memory_space<vmem>>, vector<1x16xf32>,
        %get3A_965 = vector.shape_cast %get3A_964 : vector<1x16xf32> to vector<16xf32>
        %add3A_966 = arith.addf %scan3A_949, %get3A_965 : vector<16xf32>
        %get3A_967 = arith.index_cast %add3A_962 : i32 to index
        %get3A_968 = arith.constant 16 : index
        %get3A_969 = tpu.vector_load %arg8[%get3A_967, %get3A_968] {strides = array<i32>} : memref<1600x32xf32, #tpu.memory_space<vmem>>, vector<1x16xf32>,
        %get3A_970 = vector.shape_cast %get3A_969 : vector<1x16xf32> to vector<16xf32>
        %add3A_971 = arith.addf %scan3A_950, %get3A_970 : vector<16xf32>
        %mul3A_972 = arith.constant 4 : i32
        %mul3A_973 = arith.muli %scan3A_948, %mul3A_972 : i32
        %add3A_974 = arith.constant 1000 : i32
        %add3A_975 = arith.addi %add3A_974, %mul3A_973 : i32
        %add3A_976 = arith.constant 1 : i32
        %add3A_977 = arith.addi %add3A_975, %add3A_976 : i32
        %get3A_978 = arith.index_cast %add3A_977 : i32 to index
        %get3A_979 = arith.constant 0 : index
        %get3A_980 = tpu.vector_load %arg8[%get3A_978, %get3A_979] {strides = array<i32>} : memref<1600x32xf32, #tpu.memory_space<vmem>>, vector<1x16xf32>,
        %get3A_981 = vector.shape_cast %get3A_980 : vector<1x16xf32> to vector<16xf32>
        %add3A_982 = arith.addf %scan3A_951, %get3A_981 : vector<16xf32>
        %get3A_983 = arith.index_cast %add3A_977 : i32 to index
        %get3A_984 = arith.constant 16 : index
        %get3A_985 = tpu.vector_load %arg8[%get3A_983, %get3A_984] {strides = array<i32>} : memref<1600x32xf32, #tpu.memory_space<vmem>>, vector<1x16xf32>,
        %get3A_986 = vector.shape_cast %get3A_985 : vector<1x16xf32> to vector<16xf32>
        %add3A_987 = arith.addf %scan3A_952, %get3A_986 : vector<16xf32>
        %mul3A_988 = arith.constant 4 : i32
        %mul3A_989 = arith.muli %scan3A_948, %mul3A_988 : i32
        %add3A_990 = arith.constant 1000 : i32
        %add3A_991 = arith.addi %add3A_990, %mul3A_989 : i32
        %add3A_992 = arith.constant 2 : i32
        %add3A_993 = arith.addi %add3A_991, %add3A_992 : i32
        %get3A_994 = arith.index_cast %add3A_993 : i32 to index
        %get3A_995 = arith.constant 0 : index
        %get3A_996 = tpu.vector_load %arg8[%get3A_994, %get3A_995] {strides = array<i32>} : memref<1600x32xf32, #tpu.memory_space<vmem>>, vector<1x16xf32>,
        %get3A_997 = vector.shape_cast %get3A_996 : vector<1x16xf32> to vector<16xf32>
        %add3A_998 = arith.addf %scan3A_953, %get3A_997 : vector<16xf32>
        %get3A_999 = arith.index_cast %add3A_993 : i32 to index
        %get3A_1000 = arith.constant 16 : index
        %get3A_1001 = tpu.vector_load %arg8[%get3A_999, %get3A_1000] {strides = array<i32>} : memref<1600x32xf32, #tpu.memory_space<vmem>>, vector<1x16xf32>,
        %get3A_1002 = vector.shape_cast %get3A_1001 : vector<1x16xf32> to vector<16xf32>
        %add3A_1003 = arith.addf %scan3A_954, %get3A_1002 : vector<16xf32>
        %mul3A_1004 = arith.constant 4 : i32
        %mul3A_1005 = arith.muli %scan3A_948, %mul3A_1004 : i32
        %add3A_1006 = arith.constant 1000 : i32
        %add3A_1007 = arith.addi %add3A_1006, %mul3A_1005 : i32
        %add3A_1008 = arith.constant 3 : i32
        %add3A_1009 = arith.addi %add3A_1007, %add3A_1008 : i32
        %get3A_1010 = arith.index_cast %add3A_1009 : i32 to index
        %get3A_1011 = arith.constant 0 : index
        %get3A_1012 = tpu.vector_load %arg8[%get3A_1010, %get3A_1011] {strides = array<i32>} : memref<1600x32xf32, #tpu.memory_space<vmem>>, vector<1x16xf32>,
        %get3A_1013 = vector.shape_cast %get3A_1012 : vector<1x16xf32> to vector<16xf32>
        %add3A_1014 = arith.addf %scan3A_955, %get3A_1013 : vector<16xf32>
        %get3A_1015 = arith.index_cast %add3A_1009 : i32 to index
        %get3A_1016 = arith.constant 16 : index
        %get3A_1017 = tpu.vector_load %arg8[%get3A_1015, %get3A_1016] {strides = array<i32>} : memref<1600x32xf32, #tpu.memory_space<vmem>>, vector<1x16xf32>,
        %get3A_1018 = vector.shape_cast %get3A_1017 : vector<1x16xf32> to vector<16xf32>
        %add3A_1019 = arith.addf %scan3A_956, %get3A_1018 : vector<16xf32>
        %scan3A_1020 = arith.constant 1 : i32
        %scan3A_1021 = arith.addi %scan3A_948, %scan3A_1020 : i32
        %mul3A_1022 = arith.constant 4 : i32
        %mul3A_1023 = arith.muli %scan3A_1021, %mul3A_1022 : i32
        %add3A_1024 = arith.constant 1000 : i32
        %add3A_1025 = arith.addi %add3A_1024, %mul3A_1023 : i32
        %add3A_1026 = arith.constant 0 : i32
        %add3A_1027 = arith.addi %add3A_1025, %add3A_1026 : i32
        %get3A_1028 = arith.index_cast %add3A_1027 : i32 to index
        %get3A_1029 = arith.constant 0 : index
        %get3A_1030 = tpu.vector_load %arg8[%get3A_1028, %get3A_1029] {strides = array<i32>} : memref<1600x32xf32, #tpu.memory_space<vmem>>, vector<1x16xf32>,
        %get3A_1031 = vector.shape_cast %get3A_1030 : vector<1x16xf32> to vector<16xf32>
        %add3A_1032 = arith.addf %add3A_966, %get3A_1031 : vector<16xf32>
        %get3A_1033 = arith.index_cast %add3A_1027 : i32 to index
        %get3A_1034 = arith.constant 16 : index
        %get3A_1035 = tpu.vector_load %arg8[%get3A_1033, %get3A_1034] {strides = array<i32>} : memref<1600x32xf32, #tpu.memory_space<vmem>>, vector<1x16xf32>,
        %get3A_1036 = vector.shape_cast %get3A_1035 : vector<1x16xf32> to vector<16xf32>
        %add3A_1037 = arith.addf %add3A_971, %get3A_1036 : vector<16xf32>
        %mul3A_1038 = arith.constant 4 : i32
        %mul3A_1039 = arith.muli %scan3A_1021, %mul3A_1038 : i32
        %add3A_1040 = arith.constant 1000 : i32
        %add3A_1041 = arith.addi %add3A_1040, %mul3A_1039 : i32
        %add3A_1042 = arith.constant 1 : i32
        %add3A_1043 = arith.addi %add3A_1041, %add3A_1042 : i32
        %get3A_1044 = arith.index_cast %add3A_1043 : i32 to index
        %get3A_1045 = arith.constant 0 : index
        %get3A_1046 = tpu.vector_load %arg8[%get3A_1044, %get3A_1045] {strides = array<i32>} : memref<1600x32xf32, #tpu.memory_space<vmem>>, vector<1x16xf32>,
        %get3A_1047 = vector.shape_cast %get3A_1046 : vector<1x16xf32> to vector<16xf32>
        %add3A_1048 = arith.addf %add3A_982, %get3A_1047 : vector<16xf32>
        %get3A_1049 = arith.index_cast %add3A_1043 : i32 to index
        %get3A_1050 = arith.constant 16 : index
        %get3A_1051 = tpu.vector_load %arg8[%get3A_1049, %get3A_1050] {strides = array<i32>} : memref<1600x32xf32, #tpu.memory_space<vmem>>, vector<1x16xf32>,
        %get3A_1052 = vector.shape_cast %get3A_1051 : vector<1x16xf32> to vector<16xf32>
        %add3A_1053 = arith.addf %add3A_987, %get3A_1052 : vector<16xf32>
        %mul3A_1054 = arith.constant 4 : i32
        %mul3A_1055 = arith.muli %scan3A_1021, %mul3A_1054 : i32
        %add3A_1056 = arith.constant 1000 : i32
        %add3A_1057 = arith.addi %add3A_1056, %mul3A_1055 : i32
        %add3A_1058 = arith.constant 2 : i32
        %add3A_1059 = arith.addi %add3A_1057, %add3A_1058 : i32
        %get3A_1060 = arith.index_cast %add3A_1059 : i32 to index
        %get3A_1061 = arith.constant 0 : index
        %get3A_1062 = tpu.vector_load %arg8[%get3A_1060, %get3A_1061] {strides = array<i32>} : memref<1600x32xf32, #tpu.memory_space<vmem>>, vector<1x16xf32>,
        %get3A_1063 = vector.shape_cast %get3A_1062 : vector<1x16xf32> to vector<16xf32>
        %add3A_1064 = arith.addf %add3A_998, %get3A_1063 : vector<16xf32>
        %get3A_1065 = arith.index_cast %add3A_1059 : i32 to index
        %get3A_1066 = arith.constant 16 : index
        %get3A_1067 = tpu.vector_load %arg8[%get3A_1065, %get3A_1066] {strides = array<i32>} : memref<1600x32xf32, #tpu.memory_space<vmem>>, vector<1x16xf32>,
        %get3A_1068 = vector.shape_cast %get3A_1067 : vector<1x16xf32> to vector<16xf32>
        %add3A_1069 = arith.addf %add3A_1003, %get3A_1068 : vector<16xf32>
        %mul3A_1070 = arith.constant 4 : i32
        %mul3A_1071 = arith.muli %scan3A_1021, %mul3A_1070 : i32
        %add3A_1072 = arith.constant 1000 : i32
        %add3A_1073 = arith.addi %add3A_1072, %mul3A_1071 : i32
        %add3A_1074 = arith.constant 3 : i32
        %add3A_1075 = arith.addi %add3A_1073, %add3A_1074 : i32
        %get3A_1076 = arith.index_cast %add3A_1075 : i32 to index
        %get3A_1077 = arith.constant 0 : index
        %get3A_1078 = tpu.vector_load %arg8[%get3A_1076, %get3A_1077] {strides = array<i32>} : memref<1600x32xf32, #tpu.memory_space<vmem>>, vector<1x16xf32>,
        %get3A_1079 = vector.shape_cast %get3A_1078 : vector<1x16xf32> to vector<16xf32>
        %add3A_1080 = arith.addf %add3A_1014, %get3A_1079 : vector<16xf32>
        %get3A_1081 = arith.index_cast %add3A_1075 : i32 to index
        %get3A_1082 = arith.constant 16 : index
        %get3A_1083 = tpu.vector_load %arg8[%get3A_1081, %get3A_1082] {strides = array<i32>} : memref<1600x32xf32, #tpu.memory_space<vmem>>, vector<1x16xf32>,
        %get3A_1084 = vector.shape_cast %get3A_1083 : vector<1x16xf32> to vector<16xf32>
        %add3A_1085 = arith.addf %add3A_1019, %get3A_1084 : vector<16xf32>
        scf.yield %add3A_1032, %add3A_1037, %add3A_1048, %add3A_1053, %add3A_1064, %add3A_1069, %add3A_1080, %add3A_1085 : vector<16xf32>, vector<16xf32>, vector<16xf32>, vector<16xf32>, vector<16xf32>, vector<16xf32>, vector<16xf32>, vector<16xf32>
      }
      %scan3A_875 = arith.constant 50 : i32
      %add3A_876 = arith.addf %scan3A_874#0, %scan3A_874#2 : vector<16xf32>
      %add3A_877 = arith.addf %scan3A_874#4, %scan3A_874#6 : vector<16xf32>
      %add3A_878 = arith.addf %add3A_876, %add3A_877 : vector<16xf32>
      %add3A_879 = arith.addf %scan3A_874#1, %scan3A_874#3 : vector<16xf32>
      %add3A_880 = arith.addf %scan3A_874#5, %scan3A_874#7 : vector<16xf32>
      %add3A_881 = arith.addf %add3A_879, %add3A_880 : vector<16xf32>
      %mul3A_882 = arith.constant 8 : i32
      %mul3A_883 = arith.muli %add3A_563, %mul3A_882 : i32
      %add3A_884 = arith.constant 5 : i32
      %add3A_885 = arith.addi %mul3A_883, %add3A_884 : i32
      %swap3A_886 = arith.index_cast %add3A_885 : i32 to index
      %swap3A_887 = arith.constant 0 : index
      %swap3A_888 = tpu.vector_load %arg9[%swap3A_886, %swap3A_887] {strides = array<i32>} : memref<512x32xf32, #tpu.memory_space<vmem>>, vector<1x16xf32>,
      %swap3A_889 = vector.shape_cast %swap3A_888 : vector<1x16xf32> to vector<16xf32>
      %swap3A_890 = vector.shape_cast %add3A_878 : vector<16xf32> to vector<1x16xf32>
      tpu.vector_store %arg9[%swap3A_886, %swap3A_887], %swap3A_890 {strides = array<i32>} : memref<512x32xf32, #tpu.memory_space<vmem>>, vector<1x16xf32>,
      %swap3A_891 = arith.index_cast %add3A_885 : i32 to index
      %swap3A_892 = arith.constant 16 : index
      %swap3A_893 = tpu.vector_load %arg9[%swap3A_891, %swap3A_892] {strides = array<i32>} : memref<512x32xf32, #tpu.memory_space<vmem>>, vector<1x16xf32>,
      %swap3A_894 = vector.shape_cast %swap3A_893 : vector<1x16xf32> to vector<16xf32>
      %swap3A_895 = vector.shape_cast %add3A_881 : vector<16xf32> to vector<1x16xf32>
      tpu.vector_store %arg9[%swap3A_891, %swap3A_892], %swap3A_895 {strides = array<i32>} : memref<512x32xf32, #tpu.memory_space<vmem>>, vector<1x16xf32>,
      %scan3A_896 = arith.constant 0 : i32
      %scan3A_897 = arith.constant 50 : i32
      %scan3A_898 = arith.addi %scan3A_896, %scan3A_897 : i32
      %scan3A_899 = arith.constant 2 : i32
      %scan3A_900:8 = scf.for %scan3A_948 = %scan3A_896 to %scan3A_898 step %scan3A_899 iter_args(%scan3A_949 = %broadcast_in_dim3A_739, %scan3A_950 = %broadcast_in_dim3A_739, %scan3A_951 = %broadcast_in_dim3A_739, %scan3A_952 = %broadcast_in_dim3A_739, %scan3A_953 = %broadcast_in_dim3A_739, %scan3A_954 = %broadcast_in_dim3A_739, %scan3A_955 = %broadcast_in_dim3A_739, %scan3A_956 = %broadcast_in_dim3A_739) -> (vector<16xf32>, vector<16xf32>, vector<16xf32>, vector<16xf32>, vector<16xf32>, vector<16xf32>, vector<16xf32>, vector<16xf32>)  : i32 {
        %mul3A_957 = arith.constant 4 : i32
        %mul3A_958 = arith.muli %scan3A_948, %mul3A_957 : i32
        %add3A_959 = arith.constant 1200 : i32
        %add3A_960 = arith.addi %add3A_959, %mul3A_958 : i32
        %add3A_961 = arith.constant 0 : i32
        %add3A_962 = arith.addi %add3A_960, %add3A_961 : i32
        %get3A = arith.index_cast %add3A_962 : i32 to index
        %get3A_963 = arith.constant 0 : index
        %get3A_964 = tpu.vector_load %arg8[%get3A, %get3A_963] {strides = array<i32>} : memref<1600x32xf32, #tpu.memory_space<vmem>>, vector<1x16xf32>,
        %get3A_965 = vector.shape_cast %get3A_964 : vector<1x16xf32> to vector<16xf32>
        %add3A_966 = arith.addf %scan3A_949, %get3A_965 : vector<16xf32>
        %get3A_967 = arith.index_cast %add3A_962 : i32 to index
        %get3A_968 = arith.constant 16 : index
        %get3A_969 = tpu.vector_load %arg8[%get3A_967, %get3A_968] {strides = array<i32>} : memref<1600x32xf32, #tpu.memory_space<vmem>>, vector<1x16xf32>,
        %get3A_970 = vector.shape_cast %get3A_969 : vector<1x16xf32> to vector<16xf32>
        %add3A_971 = arith.addf %scan3A_950, %get3A_970 : vector<16xf32>
        %mul3A_972 = arith.constant 4 : i32
        %mul3A_973 = arith.muli %scan3A_948, %mul3A_972 : i32
        %add3A_974 = arith.constant 1200 : i32
        %add3A_975 = arith.addi %add3A_974, %mul3A_973 : i32
        %add3A_976 = arith.constant 1 : i32
        %add3A_977 = arith.addi %add3A_975, %add3A_976 : i32
        %get3A_978 = arith.index_cast %add3A_977 : i32 to index
        %get3A_979 = arith.constant 0 : index
        %get3A_980 = tpu.vector_load %arg8[%get3A_978, %get3A_979] {strides = array<i32>} : memref<1600x32xf32, #tpu.memory_space<vmem>>, vector<1x16xf32>,
        %get3A_981 = vector.shape_cast %get3A_980 : vector<1x16xf32> to vector<16xf32>
        %add3A_982 = arith.addf %scan3A_951, %get3A_981 : vector<16xf32>
        %get3A_983 = arith.index_cast %add3A_977 : i32 to index
        %get3A_984 = arith.constant 16 : index
        %get3A_985 = tpu.vector_load %arg8[%get3A_983, %get3A_984] {strides = array<i32>} : memref<1600x32xf32, #tpu.memory_space<vmem>>, vector<1x16xf32>,
        %get3A_986 = vector.shape_cast %get3A_985 : vector<1x16xf32> to vector<16xf32>
        %add3A_987 = arith.addf %scan3A_952, %get3A_986 : vector<16xf32>
        %mul3A_988 = arith.constant 4 : i32
        %mul3A_989 = arith.muli %scan3A_948, %mul3A_988 : i32
        %add3A_990 = arith.constant 1200 : i32
        %add3A_991 = arith.addi %add3A_990, %mul3A_989 : i32
        %add3A_992 = arith.constant 2 : i32
        %add3A_993 = arith.addi %add3A_991, %add3A_992 : i32
        %get3A_994 = arith.index_cast %add3A_993 : i32 to index
        %get3A_995 = arith.constant 0 : index
        %get3A_996 = tpu.vector_load %arg8[%get3A_994, %get3A_995] {strides = array<i32>} : memref<1600x32xf32, #tpu.memory_space<vmem>>, vector<1x16xf32>,
        %get3A_997 = vector.shape_cast %get3A_996 : vector<1x16xf32> to vector<16xf32>
        %add3A_998 = arith.addf %scan3A_953, %get3A_997 : vector<16xf32>
        %get3A_999 = arith.index_cast %add3A_993 : i32 to index
        %get3A_1000 = arith.constant 16 : index
        %get3A_1001 = tpu.vector_load %arg8[%get3A_999, %get3A_1000] {strides = array<i32>} : memref<1600x32xf32, #tpu.memory_space<vmem>>, vector<1x16xf32>,
        %get3A_1002 = vector.shape_cast %get3A_1001 : vector<1x16xf32> to vector<16xf32>
        %add3A_1003 = arith.addf %scan3A_954, %get3A_1002 : vector<16xf32>
        %mul3A_1004 = arith.constant 4 : i32
        %mul3A_1005 = arith.muli %scan3A_948, %mul3A_1004 : i32
        %add3A_1006 = arith.constant 1200 : i32
        %add3A_1007 = arith.addi %add3A_1006, %mul3A_1005 : i32
        %add3A_1008 = arith.constant 3 : i32
        %add3A_1009 = arith.addi %add3A_1007, %add3A_1008 : i32
        %get3A_1010 = arith.index_cast %add3A_1009 : i32 to index
        %get3A_1011 = arith.constant 0 : index
        %get3A_1012 = tpu.vector_load %arg8[%get3A_1010, %get3A_1011] {strides = array<i32>} : memref<1600x32xf32, #tpu.memory_space<vmem>>, vector<1x16xf32>,
        %get3A_1013 = vector.shape_cast %get3A_1012 : vector<1x16xf32> to vector<16xf32>
        %add3A_1014 = arith.addf %scan3A_955, %get3A_1013 : vector<16xf32>
        %get3A_1015 = arith.index_cast %add3A_1009 : i32 to index
        %get3A_1016 = arith.constant 16 : index
        %get3A_1017 = tpu.vector_load %arg8[%get3A_1015, %get3A_1016] {strides = array<i32>} : memref<1600x32xf32, #tpu.memory_space<vmem>>, vector<1x16xf32>,
        %get3A_1018 = vector.shape_cast %get3A_1017 : vector<1x16xf32> to vector<16xf32>
        %add3A_1019 = arith.addf %scan3A_956, %get3A_1018 : vector<16xf32>
        %scan3A_1020 = arith.constant 1 : i32
        %scan3A_1021 = arith.addi %scan3A_948, %scan3A_1020 : i32
        %mul3A_1022 = arith.constant 4 : i32
        %mul3A_1023 = arith.muli %scan3A_1021, %mul3A_1022 : i32
        %add3A_1024 = arith.constant 1200 : i32
        %add3A_1025 = arith.addi %add3A_1024, %mul3A_1023 : i32
        %add3A_1026 = arith.constant 0 : i32
        %add3A_1027 = arith.addi %add3A_1025, %add3A_1026 : i32
        %get3A_1028 = arith.index_cast %add3A_1027 : i32 to index
        %get3A_1029 = arith.constant 0 : index
        %get3A_1030 = tpu.vector_load %arg8[%get3A_1028, %get3A_1029] {strides = array<i32>} : memref<1600x32xf32, #tpu.memory_space<vmem>>, vector<1x16xf32>,
        %get3A_1031 = vector.shape_cast %get3A_1030 : vector<1x16xf32> to vector<16xf32>
        %add3A_1032 = arith.addf %add3A_966, %get3A_1031 : vector<16xf32>
        %get3A_1033 = arith.index_cast %add3A_1027 : i32 to index
        %get3A_1034 = arith.constant 16 : index
        %get3A_1035 = tpu.vector_load %arg8[%get3A_1033, %get3A_1034] {strides = array<i32>} : memref<1600x32xf32, #tpu.memory_space<vmem>>, vector<1x16xf32>,
        %get3A_1036 = vector.shape_cast %get3A_1035 : vector<1x16xf32> to vector<16xf32>
        %add3A_1037 = arith.addf %add3A_971, %get3A_1036 : vector<16xf32>
        %mul3A_1038 = arith.constant 4 : i32
        %mul3A_1039 = arith.muli %scan3A_1021, %mul3A_1038 : i32
        %add3A_1040 = arith.constant 1200 : i32
        %add3A_1041 = arith.addi %add3A_1040, %mul3A_1039 : i32
        %add3A_1042 = arith.constant 1 : i32
        %add3A_1043 = arith.addi %add3A_1041, %add3A_1042 : i32
        %get3A_1044 = arith.index_cast %add3A_1043 : i32 to index
        %get3A_1045 = arith.constant 0 : index
        %get3A_1046 = tpu.vector_load %arg8[%get3A_1044, %get3A_1045] {strides = array<i32>} : memref<1600x32xf32, #tpu.memory_space<vmem>>, vector<1x16xf32>,
        %get3A_1047 = vector.shape_cast %get3A_1046 : vector<1x16xf32> to vector<16xf32>
        %add3A_1048 = arith.addf %add3A_982, %get3A_1047 : vector<16xf32>
        %get3A_1049 = arith.index_cast %add3A_1043 : i32 to index
        %get3A_1050 = arith.constant 16 : index
        %get3A_1051 = tpu.vector_load %arg8[%get3A_1049, %get3A_1050] {strides = array<i32>} : memref<1600x32xf32, #tpu.memory_space<vmem>>, vector<1x16xf32>,
        %get3A_1052 = vector.shape_cast %get3A_1051 : vector<1x16xf32> to vector<16xf32>
        %add3A_1053 = arith.addf %add3A_987, %get3A_1052 : vector<16xf32>
        %mul3A_1054 = arith.constant 4 : i32
        %mul3A_1055 = arith.muli %scan3A_1021, %mul3A_1054 : i32
        %add3A_1056 = arith.constant 1200 : i32
        %add3A_1057 = arith.addi %add3A_1056, %mul3A_1055 : i32
        %add3A_1058 = arith.constant 2 : i32
        %add3A_1059 = arith.addi %add3A_1057, %add3A_1058 : i32
        %get3A_1060 = arith.index_cast %add3A_1059 : i32 to index
        %get3A_1061 = arith.constant 0 : index
        %get3A_1062 = tpu.vector_load %arg8[%get3A_1060, %get3A_1061] {strides = array<i32>} : memref<1600x32xf32, #tpu.memory_space<vmem>>, vector<1x16xf32>,
        %get3A_1063 = vector.shape_cast %get3A_1062 : vector<1x16xf32> to vector<16xf32>
        %add3A_1064 = arith.addf %add3A_998, %get3A_1063 : vector<16xf32>
        %get3A_1065 = arith.index_cast %add3A_1059 : i32 to index
        %get3A_1066 = arith.constant 16 : index
        %get3A_1067 = tpu.vector_load %arg8[%get3A_1065, %get3A_1066] {strides = array<i32>} : memref<1600x32xf32, #tpu.memory_space<vmem>>, vector<1x16xf32>,
        %get3A_1068 = vector.shape_cast %get3A_1067 : vector<1x16xf32> to vector<16xf32>
        %add3A_1069 = arith.addf %add3A_1003, %get3A_1068 : vector<16xf32>
        %mul3A_1070 = arith.constant 4 : i32
        %mul3A_1071 = arith.muli %scan3A_1021, %mul3A_1070 : i32
        %add3A_1072 = arith.constant 1200 : i32
        %add3A_1073 = arith.addi %add3A_1072, %mul3A_1071 : i32
        %add3A_1074 = arith.constant 3 : i32
        %add3A_1075 = arith.addi %add3A_1073, %add3A_1074 : i32
        %get3A_1076 = arith.index_cast %add3A_1075 : i32 to index
        %get3A_1077 = arith.constant 0 : index
        %get3A_1078 = tpu.vector_load %arg8[%get3A_1076, %get3A_1077] {strides = array<i32>} : memref<1600x32xf32, #tpu.memory_space<vmem>>, vector<1x16xf32>,
        %get3A_1079 = vector.shape_cast %get3A_1078 : vector<1x16xf32> to vector<16xf32>
        %add3A_1080 = arith.addf %add3A_1014, %get3A_1079 : vector<16xf32>
        %get3A_1081 = arith.index_cast %add3A_1075 : i32 to index
        %get3A_1082 = arith.constant 16 : index
        %get3A_1083 = tpu.vector_load %arg8[%get3A_1081, %get3A_1082] {strides = array<i32>} : memref<1600x32xf32, #tpu.memory_space<vmem>>, vector<1x16xf32>,
        %get3A_1084 = vector.shape_cast %get3A_1083 : vector<1x16xf32> to vector<16xf32>
        %add3A_1085 = arith.addf %add3A_1019, %get3A_1084 : vector<16xf32>
        scf.yield %add3A_1032, %add3A_1037, %add3A_1048, %add3A_1053, %add3A_1064, %add3A_1069, %add3A_1080, %add3A_1085 : vector<16xf32>, vector<16xf32>, vector<16xf32>, vector<16xf32>, vector<16xf32>, vector<16xf32>, vector<16xf32>, vector<16xf32>
      }
      %scan3A_901 = arith.constant 50 : i32
      %add3A_902 = arith.addf %scan3A_900#0, %scan3A_900#2 : vector<16xf32>
      %add3A_903 = arith.addf %scan3A_900#4, %scan3A_900#6 : vector<16xf32>
      %add3A_904 = arith.addf %add3A_902, %add3A_903 : vector<16xf32>
      %add3A_905 = arith.addf %scan3A_900#1, %scan3A_900#3 : vector<16xf32>
      %add3A_906 = arith.addf %scan3A_900#5, %scan3A_900#7 : vector<16xf32>
      %add3A_907 = arith.addf %add3A_905, %add3A_906 : vector<16xf32>
      %mul3A_908 = arith.constant 8 : i32
      %mul3A_909 = arith.muli %add3A_563, %mul3A_908 : i32
      %add3A_910 = arith.constant 6 : i32
      %add3A_911 = arith.addi %mul3A_909, %add3A_910 : i32
      %swap3A_912 = arith.index_cast %add3A_911 : i32 to index
      %swap3A_913 = arith.constant 0 : index
      %swap3A_914 = tpu.vector_load %arg9[%swap3A_912, %swap3A_913] {strides = array<i32>} : memref<512x32xf32, #tpu.memory_space<vmem>>, vector<1x16xf32>,
      %swap3A_915 = vector.shape_cast %swap3A_914 : vector<1x16xf32> to vector<16xf32>
      %swap3A_916 = vector.shape_cast %add3A_904 : vector<16xf32> to vector<1x16xf32>
      tpu.vector_store %arg9[%swap3A_912, %swap3A_913], %swap3A_916 {strides = array<i32>} : memref<512x32xf32, #tpu.memory_space<vmem>>, vector<1x16xf32>,
      %swap3A_917 = arith.index_cast %add3A_911 : i32 to index
      %swap3A_918 = arith.constant 16 : index
      %swap3A_919 = tpu.vector_load %arg9[%swap3A_917, %swap3A_918] {strides = array<i32>} : memref<512x32xf32, #tpu.memory_space<vmem>>, vector<1x16xf32>,
      %swap3A_920 = vector.shape_cast %swap3A_919 : vector<1x16xf32> to vector<16xf32>
      %swap3A_921 = vector.shape_cast %add3A_907 : vector<16xf32> to vector<1x16xf32>
      tpu.vector_store %arg9[%swap3A_917, %swap3A_918], %swap3A_921 {strides = array<i32>} : memref<512x32xf32, #tpu.memory_space<vmem>>, vector<1x16xf32>,
      %scan3A_922 = arith.constant 0 : i32
      %scan3A_923 = arith.constant 50 : i32
      %scan3A_924 = arith.addi %scan3A_922, %scan3A_923 : i32
      %scan3A_925 = arith.constant 2 : i32
      %scan3A_926:8 = scf.for %scan3A_948 = %scan3A_922 to %scan3A_924 step %scan3A_925 iter_args(%scan3A_949 = %broadcast_in_dim3A_739, %scan3A_950 = %broadcast_in_dim3A_739, %scan3A_951 = %broadcast_in_dim3A_739, %scan3A_952 = %broadcast_in_dim3A_739, %scan3A_953 = %broadcast_in_dim3A_739, %scan3A_954 = %broadcast_in_dim3A_739, %scan3A_955 = %broadcast_in_dim3A_739, %scan3A_956 = %broadcast_in_dim3A_739) -> (vector<16xf32>, vector<16xf32>, vector<16xf32>, vector<16xf32>, vector<16xf32>, vector<16xf32>, vector<16xf32>, vector<16xf32>)  : i32 {
        %mul3A_957 = arith.constant 4 : i32
        %mul3A_958 = arith.muli %scan3A_948, %mul3A_957 : i32
        %add3A_959 = arith.constant 1400 : i32
        %add3A_960 = arith.addi %add3A_959, %mul3A_958 : i32
        %add3A_961 = arith.constant 0 : i32
        %add3A_962 = arith.addi %add3A_960, %add3A_961 : i32
        %get3A = arith.index_cast %add3A_962 : i32 to index
        %get3A_963 = arith.constant 0 : index
        %get3A_964 = tpu.vector_load %arg8[%get3A, %get3A_963] {strides = array<i32>} : memref<1600x32xf32, #tpu.memory_space<vmem>>, vector<1x16xf32>,
        %get3A_965 = vector.shape_cast %get3A_964 : vector<1x16xf32> to vector<16xf32>
        %add3A_966 = arith.addf %scan3A_949, %get3A_965 : vector<16xf32>
        %get3A_967 = arith.index_cast %add3A_962 : i32 to index
        %get3A_968 = arith.constant 16 : index
        %get3A_969 = tpu.vector_load %arg8[%get3A_967, %get3A_968] {strides = array<i32>} : memref<1600x32xf32, #tpu.memory_space<vmem>>, vector<1x16xf32>,
        %get3A_970 = vector.shape_cast %get3A_969 : vector<1x16xf32> to vector<16xf32>
        %add3A_971 = arith.addf %scan3A_950, %get3A_970 : vector<16xf32>
        %mul3A_972 = arith.constant 4 : i32
        %mul3A_973 = arith.muli %scan3A_948, %mul3A_972 : i32
        %add3A_974 = arith.constant 1400 : i32
        %add3A_975 = arith.addi %add3A_974, %mul3A_973 : i32
        %add3A_976 = arith.constant 1 : i32
        %add3A_977 = arith.addi %add3A_975, %add3A_976 : i32
        %get3A_978 = arith.index_cast %add3A_977 : i32 to index
        %get3A_979 = arith.constant 0 : index
        %get3A_980 = tpu.vector_load %arg8[%get3A_978, %get3A_979] {strides = array<i32>} : memref<1600x32xf32, #tpu.memory_space<vmem>>, vector<1x16xf32>,
        %get3A_981 = vector.shape_cast %get3A_980 : vector<1x16xf32> to vector<16xf32>
        %add3A_982 = arith.addf %scan3A_951, %get3A_981 : vector<16xf32>
        %get3A_983 = arith.index_cast %add3A_977 : i32 to index
        %get3A_984 = arith.constant 16 : index
        %get3A_985 = tpu.vector_load %arg8[%get3A_983, %get3A_984] {strides = array<i32>} : memref<1600x32xf32, #tpu.memory_space<vmem>>, vector<1x16xf32>,
        %get3A_986 = vector.shape_cast %get3A_985 : vector<1x16xf32> to vector<16xf32>
        %add3A_987 = arith.addf %scan3A_952, %get3A_986 : vector<16xf32>
        %mul3A_988 = arith.constant 4 : i32
        %mul3A_989 = arith.muli %scan3A_948, %mul3A_988 : i32
        %add3A_990 = arith.constant 1400 : i32
        %add3A_991 = arith.addi %add3A_990, %mul3A_989 : i32
        %add3A_992 = arith.constant 2 : i32
        %add3A_993 = arith.addi %add3A_991, %add3A_992 : i32
        %get3A_994 = arith.index_cast %add3A_993 : i32 to index
        %get3A_995 = arith.constant 0 : index
        %get3A_996 = tpu.vector_load %arg8[%get3A_994, %get3A_995] {strides = array<i32>} : memref<1600x32xf32, #tpu.memory_space<vmem>>, vector<1x16xf32>,
        %get3A_997 = vector.shape_cast %get3A_996 : vector<1x16xf32> to vector<16xf32>
        %add3A_998 = arith.addf %scan3A_953, %get3A_997 : vector<16xf32>
        %get3A_999 = arith.index_cast %add3A_993 : i32 to index
        %get3A_1000 = arith.constant 16 : index
        %get3A_1001 = tpu.vector_load %arg8[%get3A_999, %get3A_1000] {strides = array<i32>} : memref<1600x32xf32, #tpu.memory_space<vmem>>, vector<1x16xf32>,
        %get3A_1002 = vector.shape_cast %get3A_1001 : vector<1x16xf32> to vector<16xf32>
        %add3A_1003 = arith.addf %scan3A_954, %get3A_1002 : vector<16xf32>
        %mul3A_1004 = arith.constant 4 : i32
        %mul3A_1005 = arith.muli %scan3A_948, %mul3A_1004 : i32
        %add3A_1006 = arith.constant 1400 : i32
        %add3A_1007 = arith.addi %add3A_1006, %mul3A_1005 : i32
        %add3A_1008 = arith.constant 3 : i32
        %add3A_1009 = arith.addi %add3A_1007, %add3A_1008 : i32
        %get3A_1010 = arith.index_cast %add3A_1009 : i32 to index
        %get3A_1011 = arith.constant 0 : index
        %get3A_1012 = tpu.vector_load %arg8[%get3A_1010, %get3A_1011] {strides = array<i32>} : memref<1600x32xf32, #tpu.memory_space<vmem>>, vector<1x16xf32>,
        %get3A_1013 = vector.shape_cast %get3A_1012 : vector<1x16xf32> to vector<16xf32>
        %add3A_1014 = arith.addf %scan3A_955, %get3A_1013 : vector<16xf32>
        %get3A_1015 = arith.index_cast %add3A_1009 : i32 to index
        %get3A_1016 = arith.constant 16 : index
        %get3A_1017 = tpu.vector_load %arg8[%get3A_1015, %get3A_1016] {strides = array<i32>} : memref<1600x32xf32, #tpu.memory_space<vmem>>, vector<1x16xf32>,
        %get3A_1018 = vector.shape_cast %get3A_1017 : vector<1x16xf32> to vector<16xf32>
        %add3A_1019 = arith.addf %scan3A_956, %get3A_1018 : vector<16xf32>
        %scan3A_1020 = arith.constant 1 : i32
        %scan3A_1021 = arith.addi %scan3A_948, %scan3A_1020 : i32
        %mul3A_1022 = arith.constant 4 : i32
        %mul3A_1023 = arith.muli %scan3A_1021, %mul3A_1022 : i32
        %add3A_1024 = arith.constant 1400 : i32
        %add3A_1025 = arith.addi %add3A_1024, %mul3A_1023 : i32
        %add3A_1026 = arith.constant 0 : i32
        %add3A_1027 = arith.addi %add3A_1025, %add3A_1026 : i32
        %get3A_1028 = arith.index_cast %add3A_1027 : i32 to index
        %get3A_1029 = arith.constant 0 : index
        %get3A_1030 = tpu.vector_load %arg8[%get3A_1028, %get3A_1029] {strides = array<i32>} : memref<1600x32xf32, #tpu.memory_space<vmem>>, vector<1x16xf32>,
        %get3A_1031 = vector.shape_cast %get3A_1030 : vector<1x16xf32> to vector<16xf32>
        %add3A_1032 = arith.addf %add3A_966, %get3A_1031 : vector<16xf32>
        %get3A_1033 = arith.index_cast %add3A_1027 : i32 to index
        %get3A_1034 = arith.constant 16 : index
        %get3A_1035 = tpu.vector_load %arg8[%get3A_1033, %get3A_1034] {strides = array<i32>} : memref<1600x32xf32, #tpu.memory_space<vmem>>, vector<1x16xf32>,
        %get3A_1036 = vector.shape_cast %get3A_1035 : vector<1x16xf32> to vector<16xf32>
        %add3A_1037 = arith.addf %add3A_971, %get3A_1036 : vector<16xf32>
        %mul3A_1038 = arith.constant 4 : i32
        %mul3A_1039 = arith.muli %scan3A_1021, %mul3A_1038 : i32
        %add3A_1040 = arith.constant 1400 : i32
        %add3A_1041 = arith.addi %add3A_1040, %mul3A_1039 : i32
        %add3A_1042 = arith.constant 1 : i32
        %add3A_1043 = arith.addi %add3A_1041, %add3A_1042 : i32
        %get3A_1044 = arith.index_cast %add3A_1043 : i32 to index
        %get3A_1045 = arith.constant 0 : index
        %get3A_1046 = tpu.vector_load %arg8[%get3A_1044, %get3A_1045] {strides = array<i32>} : memref<1600x32xf32, #tpu.memory_space<vmem>>, vector<1x16xf32>,
        %get3A_1047 = vector.shape_cast %get3A_1046 : vector<1x16xf32> to vector<16xf32>
        %add3A_1048 = arith.addf %add3A_982, %get3A_1047 : vector<16xf32>
        %get3A_1049 = arith.index_cast %add3A_1043 : i32 to index
        %get3A_1050 = arith.constant 16 : index
        %get3A_1051 = tpu.vector_load %arg8[%get3A_1049, %get3A_1050] {strides = array<i32>} : memref<1600x32xf32, #tpu.memory_space<vmem>>, vector<1x16xf32>,
        %get3A_1052 = vector.shape_cast %get3A_1051 : vector<1x16xf32> to vector<16xf32>
        %add3A_1053 = arith.addf %add3A_987, %get3A_1052 : vector<16xf32>
        %mul3A_1054 = arith.constant 4 : i32
        %mul3A_1055 = arith.muli %scan3A_1021, %mul3A_1054 : i32
        %add3A_1056 = arith.constant 1400 : i32
        %add3A_1057 = arith.addi %add3A_1056, %mul3A_1055 : i32
        %add3A_1058 = arith.constant 2 : i32
        %add3A_1059 = arith.addi %add3A_1057, %add3A_1058 : i32
        %get3A_1060 = arith.index_cast %add3A_1059 : i32 to index
        %get3A_1061 = arith.constant 0 : index
        %get3A_1062 = tpu.vector_load %arg8[%get3A_1060, %get3A_1061] {strides = array<i32>} : memref<1600x32xf32, #tpu.memory_space<vmem>>, vector<1x16xf32>,
        %get3A_1063 = vector.shape_cast %get3A_1062 : vector<1x16xf32> to vector<16xf32>
        %add3A_1064 = arith.addf %add3A_998, %get3A_1063 : vector<16xf32>
        %get3A_1065 = arith.index_cast %add3A_1059 : i32 to index
        %get3A_1066 = arith.constant 16 : index
        %get3A_1067 = tpu.vector_load %arg8[%get3A_1065, %get3A_1066] {strides = array<i32>} : memref<1600x32xf32, #tpu.memory_space<vmem>>, vector<1x16xf32>,
        %get3A_1068 = vector.shape_cast %get3A_1067 : vector<1x16xf32> to vector<16xf32>
        %add3A_1069 = arith.addf %add3A_1003, %get3A_1068 : vector<16xf32>
        %mul3A_1070 = arith.constant 4 : i32
        %mul3A_1071 = arith.muli %scan3A_1021, %mul3A_1070 : i32
        %add3A_1072 = arith.constant 1400 : i32
        %add3A_1073 = arith.addi %add3A_1072, %mul3A_1071 : i32
        %add3A_1074 = arith.constant 3 : i32
        %add3A_1075 = arith.addi %add3A_1073, %add3A_1074 : i32
        %get3A_1076 = arith.index_cast %add3A_1075 : i32 to index
        %get3A_1077 = arith.constant 0 : index
        %get3A_1078 = tpu.vector_load %arg8[%get3A_1076, %get3A_1077] {strides = array<i32>} : memref<1600x32xf32, #tpu.memory_space<vmem>>, vector<1x16xf32>,
        %get3A_1079 = vector.shape_cast %get3A_1078 : vector<1x16xf32> to vector<16xf32>
        %add3A_1080 = arith.addf %add3A_1014, %get3A_1079 : vector<16xf32>
        %get3A_1081 = arith.index_cast %add3A_1075 : i32 to index
        %get3A_1082 = arith.constant 16 : index
        %get3A_1083 = tpu.vector_load %arg8[%get3A_1081, %get3A_1082] {strides = array<i32>} : memref<1600x32xf32, #tpu.memory_space<vmem>>, vector<1x16xf32>,
        %get3A_1084 = vector.shape_cast %get3A_1083 : vector<1x16xf32> to vector<16xf32>
        %add3A_1085 = arith.addf %add3A_1019, %get3A_1084 : vector<16xf32>
        scf.yield %add3A_1032, %add3A_1037, %add3A_1048, %add3A_1053, %add3A_1064, %add3A_1069, %add3A_1080, %add3A_1085 : vector<16xf32>, vector<16xf32>, vector<16xf32>, vector<16xf32>, vector<16xf32>, vector<16xf32>, vector<16xf32>, vector<16xf32>
      }
      %scan3A_927 = arith.constant 50 : i32
      %add3A_928 = arith.addf %scan3A_926#0, %scan3A_926#2 : vector<16xf32>
      %add3A_929 = arith.addf %scan3A_926#4, %scan3A_926#6 : vector<16xf32>
      %add3A_930 = arith.addf %add3A_928, %add3A_929 : vector<16xf32>
      %add3A_931 = arith.addf %scan3A_926#1, %scan3A_926#3 : vector<16xf32>
      %add3A_932 = arith.addf %scan3A_926#5, %scan3A_926#7 : vector<16xf32>
      %add3A_933 = arith.addf %add3A_931, %add3A_932 : vector<16xf32>
      %mul3A_934 = arith.constant 8 : i32
      %mul3A_935 = arith.muli %add3A_563, %mul3A_934 : i32
      %add3A_936 = arith.constant 7 : i32
      %add3A_937 = arith.addi %mul3A_935, %add3A_936 : i32
      %swap3A_938 = arith.index_cast %add3A_937 : i32 to index
      %swap3A_939 = arith.constant 0 : index
      %swap3A_940 = tpu.vector_load %arg9[%swap3A_938, %swap3A_939] {strides = array<i32>} : memref<512x32xf32, #tpu.memory_space<vmem>>, vector<1x16xf32>,
      %swap3A_941 = vector.shape_cast %swap3A_940 : vector<1x16xf32> to vector<16xf32>
      %swap3A_942 = vector.shape_cast %add3A_930 : vector<16xf32> to vector<1x16xf32>
      tpu.vector_store %arg9[%swap3A_938, %swap3A_939], %swap3A_942 {strides = array<i32>} : memref<512x32xf32, #tpu.memory_space<vmem>>, vector<1x16xf32>,
      %swap3A_943 = arith.index_cast %add3A_937 : i32 to index
      %swap3A_944 = arith.constant 16 : index
      %swap3A_945 = tpu.vector_load %arg9[%swap3A_943, %swap3A_944] {strides = array<i32>} : memref<512x32xf32, #tpu.memory_space<vmem>>, vector<1x16xf32>,
      %swap3A_946 = vector.shape_cast %swap3A_945 : vector<1x16xf32> to vector<16xf32>
      %swap3A_947 = vector.shape_cast %add3A_933 : vector<16xf32> to vector<1x16xf32>
      tpu.vector_store %arg9[%swap3A_943, %swap3A_944], %swap3A_947 {strides = array<i32>} : memref<512x32xf32, #tpu.memory_space<vmem>>, vector<1x16xf32>,
    }
    %scan3A_176 = arith.constant 32 : i32
    "tpu.region"() ({
      %run_scoped3A = tpu.sem_alloc : memref<!tpu.dma_semaphore, #tpu.memory_space<semaphore_mem>>
      %dma_start3A_177 = arith.constant 0 : i32
      %dma_start3A_178 = tpu.memref_slice %arg4[%mul3A_2, %dma_start3A_177] : memref<16384x32xf32, #tpu.memory_space<hbm>> -> memref<512x32xf32, #tpu.memory_space<hbm>>
      %dma_start3A_179 = arith.constant 0 : i32
      %dma_start3A_180 = tpu.memref_slice %arg4[%mul3A_2, %dma_start3A_179] : memref<16384x32xf32, #tpu.memory_space<hbm>> -> memref<512x32xf32, #tpu.memory_space<hbm>>
      tpu.enqueue_dma source(%arg9 : memref<512x32xf32, #tpu.memory_space<vmem>>) target(%dma_start3A_180 : memref<512x32xf32, #tpu.memory_space<hbm>>) target_semaphore(%run_scoped3A : memref<!tpu.dma_semaphore, #tpu.memory_space<semaphore_mem>>)
      %dma_wait3A = arith.constant 0 : i32
      %dma_wait3A_181 = tpu.memref_slice %arg4[%mul3A_2, %dma_wait3A] : memref<16384x32xf32, #tpu.memory_space<hbm>> -> memref<512x32xf32, #tpu.memory_space<hbm>>
      %dma_wait3A_182 = arith.constant 0 : i32
      %dma_wait3A_183 = tpu.memref_slice %arg4[%mul3A_2, %dma_wait3A_182] : memref<16384x32xf32, #tpu.memory_space<hbm>> -> memref<512x32xf32, #tpu.memory_space<hbm>>
      tpu.wait_dma2 semaphore(%run_scoped3A : memref<!tpu.dma_semaphore, #tpu.memory_space<semaphore_mem>>) src(%arg9 : memref<512x32xf32, #tpu.memory_space<vmem>>) dst(%dma_wait3A_183 : memref<512x32xf32, #tpu.memory_space<hbm>>)
      tpu.yield
    }) : () -> ()
    return
  }
}

module attributes {stable_mosaic.version = 14 : i64} {
  func.func @_tc_head(%arg0: i32, %arg1: memref<512x200xi32, #tpu.memory_space<vmem>>, %arg2: memref<512x32xf32, #tpu.memory_space<vmem>>, %arg3: memref<512x64xf32, #tpu.memory_space<vmem>>, %arg4: memref<64x32xf32, #tpu.memory_space<vmem>>, %arg5: memref<1x32xf32, #tpu.memory_space<vmem>>, %arg6: memref<32x32xf32, #tpu.memory_space<vmem>>, %arg7: memref<1x32xf32, #tpu.memory_space<vmem>>, %arg8: memref<64x100xf32, #tpu.memory_space<vmem>>, %arg9: memref<1x100xf32, #tpu.memory_space<vmem>>, %arg10: memref<512x100xf32, #tpu.memory_space<vmem>>) attributes {dimension_semantics = [#tpu.dimension_semantics<arbitrary>], iteration_bounds = array<i64: 32>, scalar_prefetch = 0 : i64, scratch_operands = 0 : i64, tpu.core_type = #tpu.core_type<tc>, window_params = [{transform_indices = @transform_0, window_bounds = array<i64: 512, 200>}, {transform_indices = @transform_1, window_bounds = array<i64: 512, 32>}, {transform_indices = @transform_2, window_bounds = array<i64: 512, 64>}, {pipeline_mode = #tpu.pipeline_mode<synchronous>, transform_indices = @transform_3, window_bounds = array<i64: 64, 32>}, {pipeline_mode = #tpu.pipeline_mode<synchronous>, transform_indices = @transform_4, window_bounds = array<i64: 1, 32>}, {pipeline_mode = #tpu.pipeline_mode<synchronous>, transform_indices = @transform_5, window_bounds = array<i64: 32, 32>}, {pipeline_mode = #tpu.pipeline_mode<synchronous>, transform_indices = @transform_6, window_bounds = array<i64: 1, 32>}, {pipeline_mode = #tpu.pipeline_mode<synchronous>, transform_indices = @transform_7, window_bounds = array<i64: 64, 100>}, {pipeline_mode = #tpu.pipeline_mode<synchronous>, transform_indices = @transform_8, window_bounds = array<i64: 1, 100>}, {transform_indices = @transform_9, window_bounds = array<i64: 512, 100>}]} {
    %get3A = arith.constant 0 : index
    %get3A_0 = arith.constant 0 : index
    %get3A_1 = vector.load %arg1[%get3A, %get3A_0] : memref<512x200xi32, #tpu.memory_space<vmem>>, vector<512x200xi32>
    %ne3A = arith.constant 0 : i32
    %ne3A_2 = vector.broadcast %ne3A : i32 to vector<512x200xi32>
    %ne3A_3 = arith.cmpi ne, %get3A_1, %ne3A_2 : vector<512x200xi32>
    %convert_element_type3A = arith.extui %ne3A_3 : vector<512x200xi1> to vector<512x200xi32>
    %convert_element_type3A_4 = arith.sitofp %convert_element_type3A : vector<512x200xi32> to vector<512x200xf32>
    %reduce_sum3A = arith.constant dense<0.000000e+00> : vector<512xf32>
    %reduce_sum3A_5 = vector.multi_reduction <add>, %convert_element_type3A_4, %reduce_sum3A [1] : vector<512x200xf32> to vector<512xf32>
    %broadcast_in_dim3A = vector.shape_cast %reduce_sum3A_5 : vector<512xf32> to vector<512x1xf32>
    %get3A_6 = arith.constant 0 : index
    %get3A_7 = arith.constant 0 : index
    %get3A_8 = vector.load %arg2[%get3A_6, %get3A_7] : memref<512x32xf32, #tpu.memory_space<vmem>>, vector<512x32xf32>
    %max3A = arith.constant 1.000000e+00 : f32
    %max3A_9 = vector.broadcast %max3A : f32 to vector<512x1xf32>
    %max3A_10 = arith.maximumf %broadcast_in_dim3A, %max3A_9 : vector<512x1xf32>
    %div3A = vector.broadcast %max3A_10 : vector<512x1xf32> to vector<512x32xf32>
    %div3A_11 = arith.divf %get3A_8, %div3A : vector<512x32xf32>
    %get3A_12 = arith.constant 0 : index
    %get3A_13 = arith.constant 0 : index
    %get3A_14 = vector.load %arg3[%get3A_12, %get3A_13] : memref<512x64xf32, #tpu.memory_space<vmem>>, vector<512x64xf32>
    %get3A_15 = arith.constant 0 : index
    %get3A_16 = arith.constant 0 : index
    %get3A_17 = vector.load %arg4[%get3A_15, %get3A_16] : memref<64x32xf32, #tpu.memory_space<vmem>>, vector<64x32xf32>
    %dot_general3A = arith.constant dense<0.000000e+00> : vector<512x32xf32>
    %dot_general3A_18 = tpu.matmul %get3A_14, %get3A_17, %dot_general3A {dimension_numbers = #tpu.dot_dimension_numbers<[1], [0], [0], [1], [0, 0, 1, 1], [], []>, transpose_lhs_hint = false} : vector<512x64xf32>, vector<64x32xf32>, vector<512x32xf32> -> vector<512x32xf32>
    %get3A_19 = arith.constant 0 : index
    %get3A_20 = arith.constant 0 : index
    %get3A_21 = vector.load %arg5[%get3A_19, %get3A_20] : memref<1x32xf32, #tpu.memory_space<vmem>>, vector<1x32xf32>
    %add3A = vector.broadcast %get3A_21 : vector<1x32xf32> to vector<512x32xf32>
    %add3A_22 = arith.addf %dot_general3A_18, %add3A : vector<512x32xf32>
    %max3A_23 = arith.constant 0.000000e+00 : f32
    %max3A_24 = vector.broadcast %max3A_23 : f32 to vector<512x32xf32>
    %max3A_25 = arith.maximumf %add3A_22, %max3A_24 : vector<512x32xf32>
    %get3A_26 = arith.constant 0 : index
    %get3A_27 = arith.constant 0 : index
    %get3A_28 = vector.load %arg6[%get3A_26, %get3A_27] : memref<32x32xf32, #tpu.memory_space<vmem>>, vector<32x32xf32>
    %dot_general3A_29 = arith.constant dense<0.000000e+00> : vector<512x32xf32>
    %dot_general3A_30 = tpu.matmul %max3A_25, %get3A_28, %dot_general3A_29 {dimension_numbers = #tpu.dot_dimension_numbers<[1], [0], [0], [1], [0, 0, 1, 1], [], []>, transpose_lhs_hint = false} : vector<512x32xf32>, vector<32x32xf32>, vector<512x32xf32> -> vector<512x32xf32>
    %get3A_31 = arith.constant 0 : index
    %get3A_32 = arith.constant 0 : index
    %get3A_33 = vector.load %arg7[%get3A_31, %get3A_32] : memref<1x32xf32, #tpu.memory_space<vmem>>, vector<1x32xf32>
    %add3A_34 = vector.broadcast %get3A_33 : vector<1x32xf32> to vector<512x32xf32>
    %add3A_35 = arith.addf %dot_general3A_30, %add3A_34 : vector<512x32xf32>
    %max3A_36 = arith.constant 0.000000e+00 : f32
    %max3A_37 = vector.broadcast %max3A_36 : f32 to vector<512x32xf32>
    %max3A_38 = arith.maximumf %add3A_35, %max3A_37 : vector<512x32xf32>
    %get3A_39 = arith.constant 0 : index
    %get3A_40 = arith.constant 0 : index
    %get3A_41 = vector.load %arg8[%get3A_39, %get3A_40] : memref<64x100xf32, #tpu.memory_space<vmem>>, vector<32x100xf32>
    %dot_general3A_42 = arith.constant dense<0.000000e+00> : vector<512x100xf32>
    %dot_general3A_43 = tpu.matmul %div3A_11, %get3A_41, %dot_general3A_42 {dimension_numbers = #tpu.dot_dimension_numbers<[1], [0], [0], [1], [0, 0, 1, 1], [], []>, transpose_lhs_hint = false} : vector<512x32xf32>, vector<32x100xf32>, vector<512x100xf32> -> vector<512x100xf32>
    %get3A_44 = arith.constant 32 : index
    %get3A_45 = arith.constant 0 : index
    %get3A_46 = vector.load %arg8[%get3A_44, %get3A_45] : memref<64x100xf32, #tpu.memory_space<vmem>>, vector<32x100xf32>
    %dot_general3A_47 = arith.constant dense<0.000000e+00> : vector<512x100xf32>
    %dot_general3A_48 = tpu.matmul %max3A_38, %get3A_46, %dot_general3A_47 {dimension_numbers = #tpu.dot_dimension_numbers<[1], [0], [0], [1], [0, 0, 1, 1], [], []>, transpose_lhs_hint = false} : vector<512x32xf32>, vector<32x100xf32>, vector<512x100xf32> -> vector<512x100xf32>
    %add3A_49 = arith.addf %dot_general3A_43, %dot_general3A_48 : vector<512x100xf32>
    %get3A_50 = arith.constant 0 : index
    %get3A_51 = arith.constant 0 : index
    %get3A_52 = vector.load %arg9[%get3A_50, %get3A_51] : memref<1x100xf32, #tpu.memory_space<vmem>>, vector<1x100xf32>
    %add3A_53 = vector.broadcast %get3A_52 : vector<1x100xf32> to vector<512x100xf32>
    %add3A_54 = arith.addf %add3A_49, %add3A_53 : vector<512x100xf32>
    %swap3A = arith.constant 0 : index
    %swap3A_55 = arith.constant 0 : index
    %swap3A_56 = vector.load %arg10[%swap3A, %swap3A_55] : memref<512x100xf32, #tpu.memory_space<vmem>>, vector<512x100xf32>
    tpu.vector_store %arg10[%swap3A, %swap3A_55], %add3A_54 {strides = array<i32>} : memref<512x100xf32, #tpu.memory_space<vmem>>, vector<512x100xf32>,
    return
  }
  func.func @transform_0(%arg0: i32) -> (i32, i32) {
    %c0_i32 = arith.constant 0 : i32
    %c0_i32_0 = arith.constant 0 : i32
    return %arg0, %c0_i32 : i32, i32
  }
  func.func @transform_1(%arg0: i32) -> (i32, i32) {
    %c0_i32 = arith.constant 0 : i32
    %c0_i32_0 = arith.constant 0 : i32
    return %arg0, %c0_i32 : i32, i32
  }
  func.func @transform_2(%arg0: i32) -> (i32, i32) {
    %c0_i32 = arith.constant 0 : i32
    %c0_i32_0 = arith.constant 0 : i32
    return %arg0, %c0_i32 : i32, i32
  }
  func.func @transform_3(%arg0: i32) -> (i32, i32) {
    %c0_i32 = arith.constant 0 : i32
    %c0_i32_0 = arith.constant 0 : i32
    %c0_i32_1 = arith.constant 0 : i32
    return %c0_i32, %c0_i32_0 : i32, i32
  }
  func.func @transform_4(%arg0: i32) -> (i32, i32) {
    %c0_i32 = arith.constant 0 : i32
    %c0_i32_0 = arith.constant 0 : i32
    %c0_i32_1 = arith.constant 0 : i32
    return %c0_i32, %c0_i32_0 : i32, i32
  }
  func.func @transform_5(%arg0: i32) -> (i32, i32) {
    %c0_i32 = arith.constant 0 : i32
    %c0_i32_0 = arith.constant 0 : i32
    %c0_i32_1 = arith.constant 0 : i32
    return %c0_i32, %c0_i32_0 : i32, i32
  }
  func.func @transform_6(%arg0: i32) -> (i32, i32) {
    %c0_i32 = arith.constant 0 : i32
    %c0_i32_0 = arith.constant 0 : i32
    %c0_i32_1 = arith.constant 0 : i32
    return %c0_i32, %c0_i32_0 : i32, i32
  }
  func.func @transform_7(%arg0: i32) -> (i32, i32) {
    %c0_i32 = arith.constant 0 : i32
    %c0_i32_0 = arith.constant 0 : i32
    %c0_i32_1 = arith.constant 0 : i32
    return %c0_i32, %c0_i32_0 : i32, i32
  }
  func.func @transform_8(%arg0: i32) -> (i32, i32) {
    %c0_i32 = arith.constant 0 : i32
    %c0_i32_0 = arith.constant 0 : i32
    %c0_i32_1 = arith.constant 0 : i32
    return %c0_i32, %c0_i32_0 : i32, i32
  }
  func.func @transform_9(%arg0: i32) -> (i32, i32) {
    %c0_i32 = arith.constant 0 : i32
    %c0_i32_0 = arith.constant 0 : i32
    return %arg0, %c0_i32 : i32, i32
  }
}

</mosaic_0001>

<sc_bundles>
// kernel: kernel.4.cloned.1.call-start
scs
__scs_entry_jumppad:
0x0: {  	(pc) =	sbr.rel $0x88, $3  }
0x1: {  	(tag) =	ssettag $0x0;
	lr =	simm.s32 $0x1  }
0x2: {  	[smem:$0x3F98] =	sst lr;
	_ =	strace $0xD0000000  }
0x3: {  	_ = 	snop  }
0x4: {  	_ = 	snop  }
0x5: {  	_ = 	snop  }
0x6: {  	_ = 	snop  }
0x7: {  	_ = 	snop  }
__scs_overlays_trampoline_lowered:
0x8: {  	[smem:$0x3FA7] =	sst s0  }
0x9: {  	[smem:$0x3FA8] =	sst s1  }
0xa: {  	[smem:$0x3FA9] =	sst s2  }
0xb: {  	[smem:$0x3FAA] =	sst s3  }
0xc: {  	[smem:$0x3FAB] =	sst s4  }
0xd: {  	[smem:$0x3FAC] =	sst s5  }
0xe: {  	[smem:$0x3FAD] =	sst s6  }
0xf: {  	[smem:$0x3FAE] =	sst s7  }
0x10: {  	[smem:$0x3FAF] =	sst s8  }
0x11: {  	[smem:$0x3FB0] =	sst s9;
	s0 =	simm.s32 @!p0 $0x0  }
0x12: {  	s1 =	sld [smem:$0x3F96];
	s0 =	simm.s32 @p0 $0x1  }
0x13: {  	[smem:$0x3FB1] =	sst s0;
	s0 =	simm.s32 @!p1 $0x0  }
0x14: {  	s2 =	sld [smem:$0x3F95];
	s0 =	simm.s32 @p1 $0x1  }
0x15: {  	[smem:$0x3FB2] =	sst s0;
	s0 =	simm.s32 @!p2 $0x0  }
0x16: {  	s3 =	sld [smem:$0x3FDB];
	s0 =	simm.s32 @p2 $0x1  }
0x17: {  	s4 =	simm.s32 $0x1BF5;
	[smem:$0x3FB4] =	sst s0  }
0x18: {  	s0 =	sld [smem:$0x3F97];
	_ =	swait.ge [sflag:s4], $0x0  }
0x19: {  	s7 =	sld [smem:$0x3F98]  }
0x1a: {  	s8 =	sadd.s32 $0xFFFFE003, lr  }
0x1b: {  	s9 =	sadd.s32 $0xFFFFFEF7, lr;
	s5 =	simm.s32 $0xFFFFFFFF;
	p2 =	slt.u32 s8, $0xFFFFF086  }
0x1c: {  	p1 =	slt.u32 s9, $0xF7A;
	s5 =	simm.s32 @!p2 $0x0  }
0x1d: {  	s5 =	simm.s32 @p1 $0x1;
	p0 =	seq.s32 s7, s2  }
0x1e: {  	s7 =	smul.u32 @!p0 $0xF7A, s2;
	p2 =	seq.s32 @!p0 s5, $0x0  }
0x1f: {  	s9 =	smul.u32 $0xF7A, s1;
	s8 =	simm.s32 @!p0 $0x1BF5;
	p2 =	por !p2, p0  }
0x20: {  	[sflag:s8] =	ssyncset.s32 @!p0 $0xFFFFF086;
	s6 =	sadd.s32 @!p0 s3, s7;
	s7 =	simm.s32 @!p0 $0x108  }
0x21: {  	s3 =	sadd.s32 s3, s9;
	s6 =	sadd.s32 @!p0 $0x88, s6;
	s7 =	simm.s32 @p2 $0x1082  }
0x22: {  	[simem:s7], [sflag:s8] =	dma.local @!p0 [hbm:s6], $0xF7A  }
0x23: {  	s9 =	sor.u32 $0xD0000000, s2;
	s6 =	simm.s32 $0x108;
	_ =	swait.ge @!p0 [sflag:s8], $0x0  }
0x24: {  	s3 =	sadd.s32 $0x88, s3;
	s6 =	simm.s32 @!p1 $0x1082;
	[sflag:s4] =	ssyncset.s32 $0xFFFFF086  }
0x25: {  	[simem:s6], [sflag:s4] =	dma.local [hbm:s3], $0xF7A  }
0x26: {  	[smem:$0x3F98] =	sst s1;
	(tag) =	ssettag s2;
	_ =	strace s9  }
0x27: {  	s1 =	sld [smem:$0x3FA8]  }
0x28: {  	s2 =	sld [smem:$0x3FA9]  }
0x29: {  	s4 =	sld [smem:$0x3FAB]  }
0x2a: {  	p0 =	seq.s32 s5, $0x0;
	s5 =	sld [smem:$0x3FAC]  }
0x2b: {  	s6 =	sld [smem:$0x3FAD]  }
0x2c: {  	s7 =	sld [smem:$0x3FAE]  }
0x2d: {  	s3 =	simm.s32 $0x108;
	s8 =	sld [smem:$0x3FAF]  }
0x2e: {  	s3 =	simm.s32 @!p0 $0x1082;
	s9 =	sld [smem:$0x3FB0]  }
0x2f: {  	lr =	sadd.s32 s0, s3;
	s0 =	sld [smem:$0x3FA7]  }
0x30: {  	s3 =	sld [smem:$0x3FAA]  }
0x31: {  	[smem:$0x3FB3] =	sst s10  }
0x32: {  	s10 =	sld [smem:$0x3FB1];
	_ =	sdelay $0x3  }
0x33: {  	p0 =	seq.s32 s10, $0x1;
	s10 =	sld [smem:$0x3FB3];
	_ =	sdelay $0x3  }
0x34: {  	[smem:$0x3FB3] =	sst s10  }
0x35: {  	s10 =	sld [smem:$0x3FB2];
	_ =	sdelay $0x3  }
0x36: {  	p1 =	seq.s32 s10, $0x1;
	s10 =	sld [smem:$0x3FB3];
	_ =	sdelay $0x3  }
0x37: {  	[smem:$0x3FB3] =	sst s10  }
0x38: {  	s10 =	sld [smem:$0x3FB4]  }
0x39: {  	_ = 	snop;
	(pc) =	sbr.ind lr, $3  }
0x3a: {  	_ = 	snop  }
0x3b: {  	_ = 	snop  }
0x3c: {  	p2 =	seq.s32 s10, $0x1;
	s10 =	sld [smem:$0x3FB3]  }
0x3d: {  	_ =	shalt  }
0x3e: {  	_ =	shalt  }
0x3f: {  	_ =	shalt  }
0x40: {  	_ =	shalt  }
0x41: {  	_ =	shalt  }
0x42: {  	_ =	shalt  }
0x43: {  	_ =	shalt  }
0x44: {  	_ =	shalt  }
0x45: {  	_ =	shalt  }
0x46: {  	_ =	shalt  }
0x47: {  	_ =	shalt  }
0x48: {  	_ =	shalt  }
0x49: {  	_ =	shalt  }
0x4a: {  	_ =	shalt  }
0x4b: {  	_ =	shalt  }
0x4c: {  	_ =	shalt  }
0x4d: {  	_ =	shalt  }
0x4e: {  	_ =	shalt  }
0x4f: {  	_ =	shalt  }
0x50: {  	_ =	shalt  }
0x51: {  	_ =	shalt  }
0x52: {  	_ =	shalt  }
0x53: {  	_ =	shalt  }
0x54: {  	_ =	shalt  }
0x55: {  	_ =	shalt  }
0x56: {  	_ =	shalt  }
0x57: {  	_ =	shalt  }
0x58: {  	_ =	shalt  }
0x59: {  	_ =	shalt  }
0x5a: {  	_ =	shalt  }
0x5b: {  	_ =	shalt  }
0x5c: {  	_ =	shalt  }
0x5d: {  	_ =	shalt  }
0x5e: {  	_ =	shalt  }
0x5f: {  	_ =	shalt  }
0x60: {  	_ =	shalt  }
0x61: {  	_ =	shalt  }
0x62: {  	_ =	shalt  }
0x63: {  	_ =	shalt  }
0x64: {  	_ =	shalt  }
0x65: {  	_ =	shalt  }
0x66: {  	_ =	shalt  }
0x67: {  	_ =	shalt  }
0x68: {  	_ =	shalt  }
0x69: {  	_ =	shalt  }
0x6a: {  	_ =	shalt  }
0x6b: {  	_ =	shalt  }
0x6c: {  	_ =	shalt  }
0x6d: {  	_ =	shalt  }
0x6e: {  	_ =	shalt  }
0x6f: {  	_ =	shalt  }
0x70: {  	_ =	shalt  }
0x71: {  	_ =	shalt  }
0x72: {  	_ =	shalt  }
0x73: {  	_ =	shalt  }
0x74: {  	_ =	shalt  }
0x75: {  	_ =	shalt  }
0x76: {  	_ =	shalt  }
0x77: {  	_ =	shalt  }
0x78: {  	_ =	shalt  }
0x79: {  	_ =	shalt  }
0x7a: {  	_ =	shalt  }
0x7b: {  	_ =	shalt  }
0x7c: {  	_ =	shalt  }
0x7d: {  	_ =	shalt  }
0x7e: {  	_ =	shalt  }
0x7f: {  	_ =	shalt  }
0x80: {  	_ =	shalt  }
0x81: {  	_ =	shalt  }
0x82: {  	_ =	shalt  }
0x83: {  	_ =	shalt  }
0x84: {  	_ =	shalt  }
0x85: {  	_ =	shalt  }
0x86: {  	_ =	shalt  }
0x87: {  	_ =	shalt  }
.Lfunc_end0:
.L_simem_size_0:
called_computation_lowered:
.L_overlay_start_0:
0x88: {  	s2 =	sld [smem:$0x3FD9]  }
0x89: {  	s3 =	sld [smem:$0x3FFE];
	_ =	sdelay $0x1  }
0x8a: {  	s1 =	srdreg.scid  }
0x8b: {  	s0 =	sand.u32 $0x1, s1  }
0x8c: {  	s17 =	sshll.u32 s0, $0xA;
	s2 =	sadd.s32 s3, s2  }
0x8d: {  	s2 =	sadd.s32 s2, s17  }
0x8e: {  	[smem:$0x3FBF] =	sst s2  }
0x8f: {  	_ = 	snop  }
0x90: {  	s2 =	sld [smem:$0x3FD0];
	(tm) =	ssettm $0x1  }
0x91: {  	s18 =	sld [smem:$0x3FFB];
	_ =	sdelay $0x3  }
0x92: {  	_ =	strace s18  }
0x93: {  	s3 =	sld [smem:$0x3FFC];
	_ =	sdelay $0x3  }
0x94: {  	_ =	strace s3  }
0x95: {  	s3 =	sld [smem:$0x3FFD];
	_ =	sdelay $0x3  }
0x96: {  	_ =	strace s3  }
0x97: {  	_ =	strace $0x8FFFFFFF  }
0x98: {  	s19 =	sld [smem:$0x3FDB];
	_ =	sdelay $0x1  }
0x99: {  	s4 =	simm.s32 $_scs_section_size  }
0x9a: {  	s5 =	simm.s32 $_size__tile_overlayer_lowered;
	s6 =	simm.s32 $_tile_overlayer_lowered  }
0x9b: {  	s22 =	simm.s32 $0x1BFF;
	s21 =	sshll.u32 s6, $0x1;
	s3 =	sadd.s32 s4, s19  }
0x9c: {  	s7 =	simm.s32 $0x0;
	s20 =	sshll.u32 s5, $0x1;
	s5 =	sadd.s32 s21, s3  }
0x9d: {  	[timem:s7], [sflag:s22] =	dma.local [hbm:s5], s20  }
0x9e: {  	_ =	swait.ge [sflag:s22], s20  }
0x9f: {  	s4 =	ssub.s32 $0x0, s20;
	[sflag:s22] =	ssyncset.done $0x0  }
0xa0: {  	[sflag:s22] =	ssyncadd.s32 s4;
	_ =	sdelay $0x1  }
0xa1: {  	s23 =	simm.s32 $0x1B8B  }
0xa2: {  	_ =	swait.ge [sflag:s23], $0x1  }
0xa3: {  	[sflag:s23] =	ssyncset.done $0x0  }
0xa4: {  	s25 =	simm.s32 $0x1B8E;
	s24 =	sld [smem:$0x3FFE];
	[sflag:s23] =	ssyncadd.s32 $0xFFFFFFFF  }
0xa5: {  	s26 =	simm.s32 $execute0_lowered;
	[smem:$0x3FD2] =	sst s25  }
0xa6: {  	s5 =	sshll.u32 s26, $0x1;
	_ =	strace $0x80000046;
	[dreg:$0x1] =	wrdreg $0xFFFFFFFF  }
0xa7: {  	s28 =	simm.s32 $_size_execute0_lowered;
	s3 =	sadd.s32 s3, s5;
	[dreg:$0x0] =	wrdreg $0x0  }
0xa8: {  	s5 =	sshll.u32 s28, $0x1;
	[dreg:$0x2] =	wrdreg s3  }
0xa9: {  	[dreg:$0x3] =	wrdreg s5  }
0xaa: {  	[dreg:$0x4] =	wrdreg $0xC0  }
0xab: {  	_ =	task [dreg:s7], $0x5FFFF  }
0xac: {  	[dreg:$0x1] =	wrdreg $0xFFFFFFFF  }
0xad: {  	[dreg:$0x0] =	wrdreg $0x60  }
0xae: {  	[dreg:$0x2] =	wrdreg s24  }
0xaf: {  	[dreg:$0x3] =	wrdreg s2  }
0xb0: {  	[dreg:$0x4] =	wrdreg $0x9  }
0xb1: {  	_ =	task.clear_ibuf [dreg:s7], $0x5FFFF;
	_ =	strace $0x90000046  }
0xb2: {  	s29 =	simm.s32 $0x9;
	_ =	strace $0x80000048  }
0xb3: {  	_ =	swait.ge [sflag:s29], $0x1  }
0xb4: {  	[sflag:s29] =	ssyncadd.s32 $0xFFFFFFFF  }
0xb5: {  	_ =	strace $0x90000048  }
0xb6: {  	_ =	sfence  }
0xb7: {  	s30 =	sld [smem:$0x0];
	_ =	sdelay $0x2  }
0xb8: {  	s31 =	sshll.u32 s1, $0xD;
	s1 =	sshrl.u32 s1, $0x2  }
0xb9: {  	s3 =	sand.u32 $0x4000, s31;
	s1 =	sadd.s32 s1, s30  }
0xba: {  	s0 =	sor.u32 s3, s0;
	s1 =	sshll.u32 s1, $0x11  }
0xbb: {  	s0 =	sor.u32 s1, s0  }
0xbc: {  	s0 =	sadd.s32 $0x8F2B, s0  }
0xbd: {  	[sflag:s0] =	ssyncadd.remote.s32 $0x1  }
0xbe: {  	_ =	sfence.sel $0xFFFF  }
0xbf: {  	[dreg:$0x0] =	wrdreg $0xFFFFFFFF;
	(pc) =	sbr.abs _section_cstart, $3  }
0xc0: {  	[dreg:$0x1] =	wrdreg $0xFFFFFFFF  }
0xc1: {  	_ =	task.clear_ibuf [dreg:s7], $0x2FFFF;
	_ =	strace $0x9FFFFFFF  }
0xc2: {  	(tm) =	ssettm $0x7FFFFFFF  }
0xc3: {  	_ =	shalt  }
tec
execute0_lowered:
.L_overlay_start_1:
0x0: {  	(tag) =	ssettag $0x1  }
0x1: {  	s0 =	rddreg [dreg:$0x0]  }
0x2: {  	s1 =	rddreg [dreg:$0x1]  }
0x3: {  	s2 =	srdreg.scid;
	s3 =	stileid.u32;
	s15 =	simm.s32 $0x0  }
0x4: {  	s17 =	simm.s32 $0x5;
	s11 =	simm.s32 $0x80;
	s13 =	simm.s32 $0x48  }
0x5: {  	s22 =	simm.s32 $0x13C00;
	s8 =	simm.s32 $0xD00;
	s9 =	simm.s32 $0x15500  }
0x6: {  	s10 =	simm.s32 $0x16500;
	s28 =	simm.s32 $0x16E00;
	s29 =	simm.s32 $0xE80  }
0x7: {  	s30 =	simm.s32 $0x17E00;
	s31 =	simm.s32 $0xF00;
	s12 =	simm.s32 $0x19700  }
0x8: {  	s14 =	simm.s32 $0x2;
	s2 =	sand.u32 $0x1, s2;
	s3 =	sshll.u32 s3, $0x1  }
0x9: {  	s18 =	simm.s32 $0x0;
	[smem:$0x7FF] =	sst s15;
	s4 =	sor.u32 s2, s3  }
0xa: {  	_ =	strace $0x80000047;
	s2 =	ssub.s32 $0x2, s2;
	s3 =	sshll.u32 s4, $0xE  }
0xb: {  	s23 =	sshrl.u32 s2, $0x1;
	s26 =	sshll.u32 s4, $0xB;
	s4 =	simm.s32 $0xC80  }
0xc: {  	s5 =	sadd.s32 s3, s0;
	s3 =	sadd.s32 $0xF43800, s0;
	s0 =	ssub.s32 s2, s23  }
0xd: {  	s1 =	sadd.s32 s1, s26;
	s23 =	simm.s32 $0x800;
	s2 =	simm.s32 $0xD80  }
0xe: {  	s26 =	simm.s32 $0xE00;
	s24 =	sadd.s32 $0x81400, s5;
	[dreg:$0x5] =	wrdreg s1  }
0xf: {  	s25 =	sadd.s32 $0x81500, s5;
	s6 =	sadd.s32 $0x81600, s5;
	[dreg:$0x3] =	wrdreg s24  }
0x10: {  	s7 =	sadd.s32 $0x81700, s5;
	s0 =	smax.u32 s0, $0x1;
	[dreg:$0x4] =	wrdreg s25  }
0x11: {  	s5 =	simm.s32 $0x14C00;
	s1 =	simm.s32 $0xF80;
	[dreg:$0x6] =	wrdreg s0  }
0x12: {  	s24 =	simm.s32 $0x1;
	s25 =	simm.s32 $0x4;
	s0 =	simm.s32 $0x18700  }
.LBB2_1:
0x13: {  	[dreg:$0x7] =	wrdreg s18  }
0x14: {  	s16 =	rddreg [dreg:$0x3]  }
0x15: {  	[tilespmem:s15], [sflag:$0x5] =	stream.linear.gather [hbm4b:s16+s15], $0x800, $0x38;
	[tilespmem:$0x1E000] =	vst v63  }
0x16: {  	_ =	swait.ge [sflag:s17], $0x800  }
0x17: {  	[sflag:s17] =	ssyncset.done $0x0  }
0x18: {  	s21 =	simm.s32 $0x1000;
	[sflag:s17] =	ssyncadd.s32 $0xFFFFF800  }
0x19: {  	[tilespmem:s21], [sflag:$0x1] =	stream.indirect.gather [hbm4b:s3+s11], $0x20, s15, s11, $0xb8;
	[tilespmem:$0x1E000] =	vst v63  }
0x1a: {  	s17 =	simm.s32 $0x2000  }
0x1b: {  	[tilespmem:s17], [sflag:$0x1] =	stream.indirect.gather [hbm4b:s3+s13], $0x20, s11, s13, $0xb8;
	[tilespmem:$0x1E000] =	vst v63  }
0x1c: {  	s18 =	simm.s32 $0x100;
	s19 =	simm.s32 $0x2900  }
0x1d: {  	[tilespmem:s19], [sflag:$0x1] =	stream.indirect.gather [hbm4b:s3+s11], $0x20, s18, s11, $0xb8;
	[tilespmem:$0x1E000] =	vst v63  }
0x1e: {  	s20 =	simm.s32 $0x180;
	s21 =	simm.s32 $0x3900  }
0x1f: {  	[tilespmem:s21], [sflag:$0x1] =	stream.indirect.gather [hbm4b:s3+s13], $0x20, s20, s13, $0xb8;
	[tilespmem:$0x1E000] =	vst v63  }
0x20: {  	s18 =	simm.s32 $0x200;
	s19 =	simm.s32 $0x4200  }
0x21: {  	[tilespmem:s19], [sflag:$0x1] =	stream.indirect.gather [hbm4b:s3+s11], $0x20, s18, s11, $0xb8;
	[tilespmem:$0x1E000] =	vst v63  }
0x22: {  	s20 =	simm.s32 $0x280;
	s21 =	simm.s32 $0x5200  }
0x23: {  	[tilespmem:s21], [sflag:$0x1] =	stream.indirect.gather [hbm4b:s3+s13], $0x20, s20, s13, $0xb8;
	[tilespmem:$0x1E000] =	vst v63  }
0x24: {  	s18 =	simm.s32 $0x300;
	s19 =	simm.s32 $0x5B00  }
0x25: {  	[tilespmem:s19], [sflag:$0x1] =	stream.indirect.gather [hbm4b:s3+s11], $0x20, s18, s11, $0xb8;
	[tilespmem:$0x1E000] =	vst v63  }
0x26: {  	s20 =	simm.s32 $0x380;
	s21 =	simm.s32 $0x6B00  }
0x27: {  	[tilespmem:s21], [sflag:$0x1] =	stream.indirect.gather [hbm4b:s3+s13], $0x20, s20, s13, $0xb8;
	[tilespmem:$0x1E000] =	vst v63  }
0x28: {  	s18 =	simm.s32 $0x400;
	s19 =	simm.s32 $0x7400  }
0x29: {  	[tilespmem:s19], [sflag:$0x1] =	stream.indirect.gather [hbm4b:s3+s11], $0x20, s18, s11, $0xb8;
	[tilespmem:$0x1E000] =	vst v63  }
0x2a: {  	s20 =	simm.s32 $0x480;
	s21 =	simm.s32 $0x8400  }
0x2b: {  	[tilespmem:s21], [sflag:$0x1] =	stream.indirect.gather [hbm4b:s3+s13], $0x20, s20, s13, $0xb8;
	[tilespmem:$0x1E000] =	vst v63  }
0x2c: {  	s18 =	simm.s32 $0x500;
	s19 =	simm.s32 $0x8D00  }
0x2d: {  	[tilespmem:s19], [sflag:$0x1] =	stream.indirect.gather [hbm4b:s3+s11], $0x20, s18, s11, $0xb8;
	[tilespmem:$0x1E000] =	vst v63  }
0x2e: {  	s20 =	simm.s32 $0x580;
	s21 =	simm.s32 $0x9D00  }
0x2f: {  	[tilespmem:s21], [sflag:$0x1] =	stream.indirect.gather [hbm4b:s3+s13], $0x20, s20, s13, $0xb8;
	[tilespmem:$0x1E000] =	vst v63  }
0x30: {  	s18 =	simm.s32 $0x600;
	s19 =	simm.s32 $0xA600  }
0x31: {  	[tilespmem:s19], [sflag:$0x1] =	stream.indirect.gather [hbm4b:s3+s11], $0x20, s18, s11, $0xb8;
	[tilespmem:$0x1E000] =	vst v63  }
0x32: {  	s20 =	simm.s32 $0x680;
	s21 =	simm.s32 $0xB600  }
0x33: {  	[tilespmem:s21], [sflag:$0x1] =	stream.indirect.gather [hbm4b:s3+s13], $0x20, s20, s13, $0xb8;
	[tilespmem:$0x1E000] =	vst v63  }
0x34: {  	s17 =	simm.s32 $0x700;
	s18 =	simm.s32 $0xBF00  }
0x35: {  	[tilespmem:s18], [sflag:$0x1] =	stream.indirect.gather [hbm4b:s3+s11], $0x20, s17, s11, $0xb8;
	[tilespmem:$0x1E000] =	vst v63  }
0x36: {  	s19 =	simm.s32 $0x780;
	s20 =	simm.s32 $0xCF00  }
0x37: {  	[tilespmem:s20], [sflag:$0x1] =	stream.indirect.gather [hbm4b:s3+s13], $0x20, s19, s13, $0xb8;
	[tilespmem:$0x1E000] =	vst v63  }
0x38: {  	s21 =	rddreg [dreg:$0x4]  }
0x39: {  	[tilespmem:s23], [sflag:$0x4] =	stream.linear.gather [hbm4b:s21+s15], $0x800, $0x38;
	[tilespmem:$0x1E000] =	vst v63  }
0x3a: {  	s15 =	simm.s32 $0x0  }
.LBB2_2:
0x3b: {  	_ =	swait.ge [sflag:s24], $0x1000  }
0x3c: {  	[sflag:s24] =	ssyncset.done $0x0  }
0x3d: {  	[sflag:s24] =	ssyncadd.s32 $0xFFFFF000  }
0x3e: {  	_ =	swait.ge [sflag:s24], $0x900  }
0x3f: {  	[sflag:s24] =	ssyncset.done $0x0  }
0x40: {  	[sflag:s24] =	ssyncadd.s32 $0xFFFFF700  }
0x41: {  	_ =	swait.ge [sflag:s24], $0x1000  }
0x42: {  	[sflag:s24] =	ssyncset.done $0x0  }
0x43: {  	[sflag:s24] =	ssyncadd.s32 $0xFFFFF000  }
0x44: {  	_ =	swait.ge [sflag:s24], $0x900  }
0x45: {  	[sflag:s24] =	ssyncset.done $0x0  }
0x46: {  	[sflag:s24] =	ssyncadd.s32 $0xFFFFF700  }
0x47: {  	_ =	swait.ge [sflag:s24], $0x1000  }
0x48: {  	[sflag:s24] =	ssyncset.done $0x0  }
0x49: {  	[sflag:s24] =	ssyncadd.s32 $0xFFFFF000  }
0x4a: {  	_ =	swait.ge [sflag:s24], $0x900  }
0x4b: {  	[sflag:s24] =	ssyncset.done $0x0  }
0x4c: {  	[sflag:s24] =	ssyncadd.s32 $0xFFFFF700  }
0x4d: {  	_ =	swait.ge [sflag:s24], $0x1000  }
0x4e: {  	[sflag:s24] =	ssyncset.done $0x0  }
0x4f: {  	[sflag:s24] =	ssyncadd.s32 $0xFFFFF000  }
0x50: {  	_ =	swait.ge [sflag:s24], $0x900  }
0x51: {  	[sflag:s24] =	ssyncset.done $0x0  }
0x52: {  	[sflag:s24] =	ssyncadd.s32 $0xFFFFF700  }
0x53: {  	_ =	swait.ge [sflag:s24], $0x1000  }
0x54: {  	[sflag:s24] =	ssyncset.done $0x0  }
0x55: {  	[sflag:s24] =	ssyncadd.s32 $0xFFFFF000  }
0x56: {  	_ =	swait.ge [sflag:s24], $0x900  }
0x57: {  	[sflag:s24] =	ssyncset.done $0x0  }
0x58: {  	[sflag:s24] =	ssyncadd.s32 $0xFFFFF700  }
0x59: {  	_ =	swait.ge [sflag:s24], $0x1000  }
0x5a: {  	[sflag:s24] =	ssyncset.done $0x0  }
0x5b: {  	[sflag:s24] =	ssyncadd.s32 $0xFFFFF000  }
0x5c: {  	_ =	swait.ge [sflag:s24], $0x900  }
0x5d: {  	[sflag:s24] =	ssyncset.done $0x0  }
0x5e: {  	[sflag:s24] =	ssyncadd.s32 $0xFFFFF700  }
0x5f: {  	_ =	swait.ge [sflag:s24], $0x1000  }
0x60: {  	[sflag:s24] =	ssyncset.done $0x0  }
0x61: {  	[sflag:s24] =	ssyncadd.s32 $0xFFFFF000  }
0x62: {  	_ =	swait.ge [sflag:s24], $0x900  }
0x63: {  	[sflag:s24] =	ssyncset.done $0x0  }
0x64: {  	[sflag:s24] =	ssyncadd.s32 $0xFFFFF700  }
0x65: {  	_ =	swait.ge [sflag:s24], $0x1000  }
0x66: {  	[sflag:s24] =	ssyncset.done $0x0  }
0x67: {  	[sflag:s24] =	ssyncadd.s32 $0xFFFFF000  }
0x68: {  	_ =	swait.ge [sflag:s24], $0x900  }
0x69: {  	[sflag:s24] =	ssyncset.done $0x0  }
0x6a: {  	[sflag:s24] =	ssyncadd.s32 $0xFFFFF700  }
0x6b: {  	_ =	swait.ge [sflag:s25], $0x800  }
0x6c: {  	[sflag:s25] =	ssyncset.done $0x0  }
0x6d: {  	s16 =	simm.s32 $0xD800;
	[sflag:s25] =	ssyncadd.s32 $0xFFFFF800  }
0x6e: {  	[tilespmem:s16], [sflag:$0x2] =	stream.indirect.gather [hbm4b:s3+s11], $0x20, s23, s11, $0xb8;
	[tilespmem:$0x1E000] =	vst v63  }
0x6f: {  	s19 =	simm.s32 $0x880;
	s17 =	simm.s32 $0xE800  }
0x70: {  	[tilespmem:s17], [sflag:$0x2] =	stream.indirect.gather [hbm4b:s3+s13], $0x20, s19, s13, $0xb8;
	[tilespmem:$0x1E000] =	vst v63  }
0x71: {  	s20 =	simm.s32 $0x900;
	s21 =	simm.s32 $0xF100  }
0x72: {  	[tilespmem:s21], [sflag:$0x2] =	stream.indirect.gather [hbm4b:s3+s11], $0x20, s20, s11, $0xb8;
	[tilespmem:$0x1E000] =	vst v63  }
0x73: {  	s18 =	simm.s32 $0x980;
	s19 =	simm.s32 $0x10100  }
0x74: {  	[tilespmem:s19], [sflag:$0x2] =	stream.indirect.gather [hbm4b:s3+s13], $0x20, s18, s13, $0xb8;
	[tilespmem:$0x1E000] =	vst v63  }
0x75: {  	s20 =	simm.s32 $0xA00;
	s21 =	simm.s32 $0x10A00  }
0x76: {  	[tilespmem:s21], [sflag:$0x2] =	stream.indirect.gather [hbm4b:s3+s11], $0x20, s20, s11, $0xb8;
	[tilespmem:$0x1E000] =	vst v63  }
0x77: {  	s18 =	simm.s32 $0xA80;
	s19 =	simm.s32 $0x11A00  }
0x78: {  	[tilespmem:s19], [sflag:$0x2] =	stream.indirect.gather [hbm4b:s3+s13], $0x20, s18, s13, $0xb8;
	[tilespmem:$0x1E000] =	vst v63  }
0x79: {  	s20 =	simm.s32 $0xB00;
	s21 =	simm.s32 $0x12300  }
0x7a: {  	[tilespmem:s21], [sflag:$0x2] =	stream.indirect.gather [hbm4b:s3+s11], $0x20, s20, s11, $0xb8;
	[tilespmem:$0x1E000] =	vst v63  }
0x7b: {  	s18 =	simm.s32 $0xB80;
	s19 =	simm.s32 $0x13300  }
0x7c: {  	[tilespmem:s19], [sflag:$0x2] =	stream.indirect.gather [hbm4b:s3+s13], $0x20, s18, s13, $0xb8;
	[tilespmem:$0x1E000] =	vst v63  }
0x7d: {  	s20 =	simm.s32 $0xC00  }
0x7e: {  	[tilespmem:s22], [sflag:$0x2] =	stream.indirect.gather [hbm4b:s3+s11], $0x20, s20, s11, $0xb8;
	[tilespmem:$0x1E000] =	vst v63  }
0x7f: {  	_ = 	snop  }
0x80: {  	[tilespmem:s5], [sflag:$0x2] =	stream.indirect.gather [hbm4b:s3+s13], $0x20, s4, s13, $0xb8;
	[tilespmem:$0x1E000] =	vst v63  }
0x81: {  	_ = 	snop  }
0x82: {  	[tilespmem:s9], [sflag:$0x2] =	stream.indirect.gather [hbm4b:s3+s11], $0x20, s8, s11, $0xb8;
	[tilespmem:$0x1E000] =	vst v63  }
0x83: {  	_ = 	snop  }
0x84: {  	[tilespmem:s10], [sflag:$0x2] =	stream.indirect.gather [hbm4b:s3+s13], $0x20, s2, s13, $0xb8;
	[tilespmem:$0x1E000] =	vst v63  }
0x85: {  	_ = 	snop  }
0x86: {  	[tilespmem:s28], [sflag:$0x2] =	stream.indirect.gather [hbm4b:s3+s11], $0x20, s26, s11, $0xb8;
	[tilespmem:$0x1E000] =	vst v63  }
0x87: {  	_ = 	snop  }
0x88: {  	[tilespmem:s30], [sflag:$0x2] =	stream.indirect.gather [hbm4b:s3+s13], $0x20, s29, s13, $0xb8;
	[tilespmem:$0x1E000] =	vst v63  }
0x89: {  	p0 =	seq.s32 s15, $0x1F  }
0x8a: {  	[tilespmem:s0], [sflag:$0x2] =	stream.indirect.gather [hbm4b:s3+s11], $0x20, s31, s11, $0xb8;
	[tilespmem:$0x1E000] =	vst v63  }
0x8b: {  	s16 =	sshll.u32 @!p0 s15, $0x9  }
0x8c: {  	[tilespmem:s12], [sflag:$0x2] =	stream.indirect.gather [hbm4b:s3+s13], $0x20, s1, s13, $0xb8;
	[tilespmem:$0x1E000] =	vst v63  }
0x8d: {  	s16 =	sadd.s32 @!p0 s16, s6;
	s17 =	simm.s32 @!p0 $0x0;
	s21 =	simm.s32 $0x1080  }
0x8e: {  	[tilespmem:s17], [sflag:$0x3] =	stream.linear.gather @!p0 [hbm4b:s16+s17], $0x800, $0x38;
	[tilespmem:$0x1E000] =	vst v63  }
0x8f: {  	v5 =	vld [tilespmem:s21+$0x0]  }
0x90: {  	v7 =	vld [tilespmem:s21+$0x10]  }
0x91: {  	v2 =	vld [tilespmem:s21+$0x20]  }
0x92: {  	v3 =	vld [tilespmem:s21+$0x30]  }
0x93: {  	v0 =	vld [tilespmem:s21+$0x40]  }
0x94: {  	v6 =	vld [tilespmem:s21+$0xFFFFFF80]  }
0x95: {  	v8 =	vld [tilespmem:s21+$0xFFFFFF90]  }
0x96: {  	v9 =	vld [tilespmem:s21+$0xFFFFFFA0]  }
0x97: {  	v13 =	vld [tilespmem:s21+$0xFFFFFFB0]  }
0x98: {  	v1 =	vld [tilespmem:s21+$0x50]  }
0x99: {  	v10 =	vld [tilespmem:s21+$0xFFFFFFC0]  }
0x9a: {  	v4 =	vimm.f32 $0.0e+00;
	v11 =	vld [tilespmem:s21+$0xFFFFFFD0]  }
0x9b: {  	v12 =	vld [tilespmem:s21+$0xFFFFFFE0];
	v6 =	vadd.f32 v6, v4  }
0x9c: {  	v14 =	vld [tilespmem:s21+$0xFFFFFFF0];
	v8 =	vadd.f32 v8, v4;
	v16 =	vadd.f32 v9, v4  }
0x9d: {  	v15 =	vld [tilespmem:s21+$0x70];
	v17 =	vadd.f32 v13, v4;
	v9 =	vimm.f32 $0.0e+00;
	v6 =	vadd.f32 v5, v6  }
0x9e: {  	s16 =	simm.s32 $0x0;
	s17 =	simm.s32 $0x1180;
	v13 =	vld [tilespmem:s21+$0x60];
	v5 =	vadd.f32 v7, v8;
	v7 =	vimm.f32 $0.0e+00;
	v8 =	vimm.f32 $0.0e+00  }
.LBB2_3:
0x9f: {  	v18 =	vld [tilespmem:s17+$0x0];
	v16 =	vadd.f32 v2, v16;
	v17 =	vadd.f32 v3, v17  }
0xa0: {  	v4 =	vadd.f32 v10, v4;
	v7 =	vadd.f32 v11, v7;
	v19 =	vld [tilespmem:s17+$0x10]  }
0xa1: {  	v9 =	vadd.f32 v12, v9;
	v2 =	vld [tilespmem:s17+$0x20];
	v8 =	vadd.f32 v14, v8  }
0xa2: {  	v4 =	vadd.f32 v0, v4;
	v7 =	vadd.f32 v1, v7;
	v3 =	vld [tilespmem:s17+$0x30]  }
0xa3: {  	v9 =	vadd.f32 v13, v9;
	v0 =	vld [tilespmem:s17+$0x40];
	v8 =	vadd.f32 v15, v8  }
0xa4: {  	v1 =	vld [tilespmem:s17+$0x50]  }
0xa5: {  	v13 =	vld [tilespmem:s17+$0xFFFFFF80]  }
0xa6: {  	v14 =	vld [tilespmem:s17+$0xFFFFFF90]  }
0xa7: {  	v15 =	vld [tilespmem:s17+$0xFFFFFFA0]  }
0xa8: {  	s16 =	sadd.s32 $0x2, s16;
	v20 =	vld [tilespmem:s17+$0xFFFFFFB0]  }
0xa9: {  	p1 =	slt.u32 s16, $0x30;
	v10 =	vld [tilespmem:s17+$0xFFFFFFC0]  }
.Ltmp0:
0xaa: {  	v11 =	vld [tilespmem:s17+$0xFFFFFFD0];
	(pc) =	sbr.rel @p1 .LBB2_3-.Ltmp0, $4  }
0xab: {  	v12 =	vld [tilespmem:s17+$0xFFFFFFE0]  }
0xac: {  	v6 =	vadd.f32 v13, v6;
	v5 =	vadd.f32 v14, v5;
	v14 =	vld [tilespmem:s17+$0xFFFFFFF0]  }
0xad: {  	v16 =	vadd.f32 v15, v16;
	v17 =	vadd.f32 v20, v17;
	v13 =	vld [tilespmem:s17+$0x60]  }
0xae: {  	v6 =	vadd.f32 v18, v6;
	v5 =	vadd.f32 v19, v5;
	v15 =	vld [tilespmem:s17+$0x70];
	s17 =	sadd.s32 $0x100, s17  }
0xaf: {  	v2 =	vadd.f32 v2, v16;
	v3 =	vadd.f32 v3, v17  }
0xb0: {  	v4 =	vadd.f32 v10, v4;
	v9 =	vadd.f32 v12, v9  }
0xb1: {  	v7 =	vadd.f32 v11, v7;
	v8 =	vadd.f32 v14, v8  }
0xb2: {  	v0 =	vadd.f32 v0, v4;
	v4 =	vadd.f32 v13, v9  }
0xb3: {  	v1 =	vadd.f32 v1, v7;
	v7 =	vadd.f32 v15, v8  }
0xb4: {  	v2 =	vadd.f32 v2, v6;
	v0 =	vadd.f32 v4, v0  }
0xb5: {  	v3 =	vadd.f32 v3, v5;
	v1 =	vadd.f32 v7, v1  }
0xb6: {  	v0 =	vadd.f32 v0, v2  }
0xb7: {  	s16 =	sshll.u32 s15, $0x9;
	v1 =	vadd.f32 v1, v3  }
0xb8: {  	[tilespmem:s16+$0x1A000] =	vst v0  }
0xb9: {  	s18 =	simm.s32 $0x29F0;
	[tilespmem:s16+$0x1A010] =	vst v1  }
0xba: {  	v5 =	vld [tilespmem:s18+$0xFFFFFF90]  }
0xbb: {  	v7 =	vld [tilespmem:s18+$0xFFFFFFA0]  }
0xbc: {  	v2 =	vld [tilespmem:s18+$0xFFFFFFB0]  }
0xbd: {  	v3 =	vld [tilespmem:s18+$0xFFFFFFC0]  }
0xbe: {  	v0 =	vld [tilespmem:s18+$0xFFFFFFD0]  }
0xbf: {  	v6 =	vld [tilespmem:s18+$0xFFFFFF10]  }
0xc0: {  	v8 =	vld [tilespmem:s18+$0xFFFFFF20]  }
0xc1: {  	v9 =	vld [tilespmem:s18+$0xFFFFFF30]  }
0xc2: {  	v13 =	vld [tilespmem:s18+$0xFFFFFF40]  }
0xc3: {  	v1 =	vld [tilespmem:s18+$0xFFFFFFE0]  }
0xc4: {  	v10 =	vld [tilespmem:s18+$0xFFFFFF50]  }
0xc5: {  	v4 =	vimm.f32 $0.0e+00;
	v11 =	vld [tilespmem:s18+$0xFFFFFF60]  }
0xc6: {  	v12 =	vld [tilespmem:s18+$0xFFFFFF70];
	v6 =	vadd.f32 v6, v4  }
0xc7: {  	v14 =	vld [tilespmem:s18+$0xFFFFFF80];
	v8 =	vadd.f32 v8, v4;
	v16 =	vadd.f32 v9, v4  }
0xc8: {  	v15 =	vld [tilespmem:s18+$0x0];
	v17 =	vadd.f32 v13, v4;
	v9 =	vimm.f32 $0.0e+00;
	v6 =	vadd.f32 v5, v6  }
0xc9: {  	s17 =	simm.s32 $0x0;
	v13 =	vld [tilespmem:s18+$0xFFFFFFF0];
	s18 =	simm.s32 $0x2AF0;
	v5 =	vadd.f32 v7, v8;
	v7 =	vimm.f32 $0.0e+00;
	v8 =	vimm.f32 $0.0e+00  }
.LBB2_5:
0xca: {  	v18 =	vld [tilespmem:s18+$0xFFFFFF90];
	v16 =	vadd.f32 v2, v16;
	v17 =	vadd.f32 v3, v17  }
0xcb: {  	v4 =	vadd.f32 v10, v4;
	v7 =	vadd.f32 v11, v7;
	v19 =	vld [tilespmem:s18+$0xFFFFFFA0]  }
0xcc: {  	v9 =	vadd.f32 v12, v9;
	v2 =	vld [tilespmem:s18+$0xFFFFFFB0];
	v8 =	vadd.f32 v14, v8  }
0xcd: {  	v4 =	vadd.f32 v0, v4;
	v7 =	vadd.f32 v1, v7;
	v3 =	vld [tilespmem:s18+$0xFFFFFFC0]  }
0xce: {  	v9 =	vadd.f32 v13, v9;
	v0 =	vld [tilespmem:s18+$0xFFFFFFD0];
	v8 =	vadd.f32 v15, v8  }
0xcf: {  	v1 =	vld [tilespmem:s18+$0xFFFFFFE0]  }
0xd0: {  	v13 =	vld [tilespmem:s18+$0xFFFFFF10]  }
0xd1: {  	v14 =	vld [tilespmem:s18+$0xFFFFFF20]  }
0xd2: {  	v15 =	vld [tilespmem:s18+$0xFFFFFF30]  }
0xd3: {  	s17 =	sadd.s32 $0x2, s17;
	v20 =	vld [tilespmem:s18+$0xFFFFFF40]  }
0xd4: {  	p1 =	slt.u32 s17, $0x30;
	v10 =	vld [tilespmem:s18+$0xFFFFFF50]  }
.Ltmp1:
0xd5: {  	v11 =	vld [tilespmem:s18+$0xFFFFFF60];
	(pc) =	sbr.rel @p1 .LBB2_5-.Ltmp1, $4  }
0xd6: {  	v12 =	vld [tilespmem:s18+$0xFFFFFF70]  }
0xd7: {  	v6 =	vadd.f32 v13, v6;
	v5 =	vadd.f32 v14, v5;
	v14 =	vld [tilespmem:s18+$0xFFFFFF80]  }
0xd8: {  	v16 =	vadd.f32 v15, v16;
	v17 =	vadd.f32 v20, v17;
	v13 =	vld [tilespmem:s18+$0xFFFFFFF0]  }
0xd9: {  	v6 =	vadd.f32 v18, v6;
	v5 =	vadd.f32 v19, v5;
	v15 =	vld [tilespmem:s18+$0x0];
	s18 =	sadd.s32 $0x100, s18  }
0xda: {  	v2 =	vadd.f32 v2, v16;
	v3 =	vadd.f32 v3, v17  }
0xdb: {  	v4 =	vadd.f32 v10, v4;
	v9 =	vadd.f32 v12, v9  }
0xdc: {  	v7 =	vadd.f32 v11, v7;
	v8 =	vadd.f32 v14, v8  }
0xdd: {  	v0 =	vadd.f32 v0, v4;
	v4 =	vadd.f32 v13, v9  }
0xde: {  	v1 =	vadd.f32 v1, v7;
	v7 =	vadd.f32 v15, v8  }
0xdf: {  	v2 =	vadd.f32 v2, v6;
	v0 =	vadd.f32 v4, v0  }
0xe0: {  	v3 =	vadd.f32 v3, v5;
	v1 =	vadd.f32 v7, v1  }
0xe1: {  	v0 =	vadd.f32 v0, v2  }
0xe2: {  	v1 =	vadd.f32 v1, v3  }
0xe3: {  	[tilespmem:s16+$0x1A020] =	vst v0  }
0xe4: {  	s18 =	simm.s32 $0x42F0;
	[tilespmem:s16+$0x1A030] =	vst v1  }
0xe5: {  	v5 =	vld [tilespmem:s18+$0xFFFFFF90]  }
0xe6: {  	v7 =	vld [tilespmem:s18+$0xFFFFFFA0]  }
0xe7: {  	v2 =	vld [tilespmem:s18+$0xFFFFFFB0]  }
0xe8: {  	v3 =	vld [tilespmem:s18+$0xFFFFFFC0]  }
0xe9: {  	v0 =	vld [tilespmem:s18+$0xFFFFFFD0]  }
0xea: {  	v6 =	vld [tilespmem:s18+$0xFFFFFF10]  }
0xeb: {  	v8 =	vld [tilespmem:s18+$0xFFFFFF20]  }
0xec: {  	v9 =	vld [tilespmem:s18+$0xFFFFFF30]  }
0xed: {  	v13 =	vld [tilespmem:s18+$0xFFFFFF40]  }
0xee: {  	v1 =	vld [tilespmem:s18+$0xFFFFFFE0]  }
0xef: {  	v10 =	vld [tilespmem:s18+$0xFFFFFF50]  }
0xf0: {  	v4 =	vimm.f32 $0.0e+00;
	v11 =	vld [tilespmem:s18+$0xFFFFFF60]  }
0xf1: {  	v12 =	vld [tilespmem:s18+$0xFFFFFF70];
	v6 =	vadd.f32 v6, v4  }
0xf2: {  	v14 =	vld [tilespmem:s18+$0xFFFFFF80];
	v8 =	vadd.f32 v8, v4;
	v16 =	vadd.f32 v9, v4  }
0xf3: {  	v15 =	vld [tilespmem:s18+$0x0];
	v17 =	vadd.f32 v13, v4;
	v9 =	vimm.f32 $0.0e+00;
	v6 =	vadd.f32 v5, v6  }
0xf4: {  	s17 =	simm.s32 $0x0;
	v13 =	vld [tilespmem:s18+$0xFFFFFFF0];
	s18 =	simm.s32 $0x43F0;
	v5 =	vadd.f32 v7, v8;
	v7 =	vimm.f32 $0.0e+00;
	v8 =	vimm.f32 $0.0e+00  }
.LBB2_7:
0xf5: {  	v18 =	vld [tilespmem:s18+$0xFFFFFF90];
	v16 =	vadd.f32 v2, v16;
	v17 =	vadd.f32 v3, v17  }
0xf6: {  	v4 =	vadd.f32 v10, v4;
	v7 =	vadd.f32 v11, v7;
	v19 =	vld [tilespmem:s18+$0xFFFFFFA0]  }
0xf7: {  	v9 =	vadd.f32 v12, v9;
	v2 =	vld [tilespmem:s18+$0xFFFFFFB0];
	v8 =	vadd.f32 v14, v8  }
0xf8: {  	v4 =	vadd.f32 v0, v4;
	v7 =	vadd.f32 v1, v7;
	v3 =	vld [tilespmem:s18+$0xFFFFFFC0]  }
0xf9: {  	v9 =	vadd.f32 v13, v9;
	v0 =	vld [tilespmem:s18+$0xFFFFFFD0];
	v8 =	vadd.f32 v15, v8  }
0xfa: {  	v1 =	vld [tilespmem:s18+$0xFFFFFFE0]  }
0xfb: {  	v13 =	vld [tilespmem:s18+$0xFFFFFF10]  }
0xfc: {  	v14 =	vld [tilespmem:s18+$0xFFFFFF20]  }
0xfd: {  	v15 =	vld [tilespmem:s18+$0xFFFFFF30]  }
0xfe: {  	s17 =	sadd.s32 $0x2, s17;
	v20 =	vld [tilespmem:s18+$0xFFFFFF40]  }
0xff: {  	p1 =	slt.u32 s17, $0x30;
	v10 =	vld [tilespmem:s18+$0xFFFFFF50]  }
.Ltmp2:
0x100: {  	v11 =	vld [tilespmem:s18+$0xFFFFFF60];
	(pc) =	sbr.rel @p1 .LBB2_7-.Ltmp2, $4  }
0x101: {  	v12 =	vld [tilespmem:s18+$0xFFFFFF70]  }
0x102: {  	v6 =	vadd.f32 v13, v6;
	v5 =	vadd.f32 v14, v5;
	v14 =	vld [tilespmem:s18+$0xFFFFFF80]  }
0x103: {  	v16 =	vadd.f32 v15, v16;
	v17 =	vadd.f32 v20, v17;
	v13 =	vld [tilespmem:s18+$0xFFFFFFF0]  }
0x104: {  	v6 =	vadd.f32 v18, v6;
	v5 =	vadd.f32 v19, v5;
	v15 =	vld [tilespmem:s18+$0x0];
	s18 =	sadd.s32 $0x100, s18  }
0x105: {  	v2 =	vadd.f32 v2, v16;
	v3 =	vadd.f32 v3, v17  }
0x106: {  	v4 =	vadd.f32 v10, v4;
	v9 =	vadd.f32 v12, v9  }
0x107: {  	v7 =	vadd.f32 v11, v7;
	v8 =	vadd.f32 v14, v8  }
0x108: {  	v0 =	vadd.f32 v0, v4;
	v4 =	vadd.f32 v13, v9  }
0x109: {  	v1 =	vadd.f32 v1, v7;
	v7 =	vadd.f32 v15, v8  }
0x10a: {  	v2 =	vadd.f32 v2, v6;
	v0 =	vadd.f32 v4, v0  }
0x10b: {  	v3 =	vadd.f32 v3, v5;
	v1 =	vadd.f32 v7, v1  }
0x10c: {  	v0 =	vadd.f32 v0, v2  }
0x10d: {  	v1 =	vadd.f32 v1, v3  }
0x10e: {  	[tilespmem:s16+$0x1A040] =	vst v0  }
0x10f: {  	s18 =	simm.s32 $0x5B00;
	[tilespmem:s16+$0x1A050] =	vst v1  }
0x110: {  	v5 =	vld [tilespmem:s18+$0x80]  }
0x111: {  	v7 =	vld [tilespmem:s18+$0x90]  }
0x112: {  	v2 =	vld [tilespmem:s18+$0xA0]  }
0x113: {  	v3 =	vld [tilespmem:s18+$0xB0]  }
0x114: {  	v0 =	vld [tilespmem:s18+$0xC0]  }
0x115: {  	v6 =	vld [tilespmem:s18+$0x0]  }
0x116: {  	v8 =	vld [tilespmem:s18+$0x10]  }
0x117: {  	v9 =	vld [tilespmem:s18+$0x20]  }
0x118: {  	v13 =	vld [tilespmem:s18+$0x30]  }
0x119: {  	v1 =	vld [tilespmem:s18+$0xD0]  }
0x11a: {  	v10 =	vld [tilespmem:s18+$0x40]  }
0x11b: {  	v4 =	vimm.f32 $0.0e+00;
	v11 =	vld [tilespmem:s18+$0x50]  }
0x11c: {  	v12 =	vld [tilespmem:s18+$0x60];
	v6 =	vadd.f32 v6, v4  }
0x11d: {  	v14 =	vld [tilespmem:s18+$0x70];
	v8 =	vadd.f32 v8, v4;
	v16 =	vadd.f32 v9, v4  }
0x11e: {  	v15 =	vld [tilespmem:s18+$0xF0];
	v17 =	vadd.f32 v13, v4;
	v9 =	vimm.f32 $0.0e+00;
	v6 =	vadd.f32 v5, v6  }
0x11f: {  	s17 =	simm.s32 $0x0;
	v13 =	vld [tilespmem:s18+$0xE0];
	s18 =	simm.s32 $0x5C00;
	v5 =	vadd.f32 v7, v8;
	v7 =	vimm.f32 $0.0e+00;
	v8 =	vimm.f32 $0.0e+00  }
.LBB2_9:
0x120: {  	v18 =	vld [tilespmem:s18+$0x80];
	v16 =	vadd.f32 v2, v16;
	v17 =	vadd.f32 v3, v17  }
0x121: {  	v4 =	vadd.f32 v10, v4;
	v7 =	vadd.f32 v11, v7;
	v19 =	vld [tilespmem:s18+$0x90]  }
0x122: {  	v9 =	vadd.f32 v12, v9;
	v2 =	vld [tilespmem:s18+$0xA0];
	v8 =	vadd.f32 v14, v8  }
0x123: {  	v4 =	vadd.f32 v0, v4;
	v7 =	vadd.f32 v1, v7;
	v3 =	vld [tilespmem:s18+$0xB0]  }
0x124: {  	v9 =	vadd.f32 v13, v9;
	v0 =	vld [tilespmem:s18+$0xC0];
	v8 =	vadd.f32 v15, v8  }
0x125: {  	v1 =	vld [tilespmem:s18+$0xD0]  }
0x126: {  	v13 =	vld [tilespmem:s18+$0x0]  }
0x127: {  	v14 =	vld [tilespmem:s18+$0x10]  }
0x128: {  	v15 =	vld [tilespmem:s18+$0x20]  }
0x129: {  	s17 =	sadd.s32 $0x2, s17;
	v20 =	vld [tilespmem:s18+$0x30]  }
0x12a: {  	p1 =	slt.u32 s17, $0x30;
	v10 =	vld [tilespmem:s18+$0x40]  }
.Ltmp3:
0x12b: {  	v11 =	vld [tilespmem:s18+$0x50];
	(pc) =	sbr.rel @p1 .LBB2_9-.Ltmp3, $4  }
0x12c: {  	v12 =	vld [tilespmem:s18+$0x60]  }
0x12d: {  	v6 =	vadd.f32 v13, v6;
	v5 =	vadd.f32 v14, v5;
	v14 =	vld [tilespmem:s18+$0x70]  }
0x12e: {  	v16 =	vadd.f32 v15, v16;
	v17 =	vadd.f32 v20, v17;
	v13 =	vld [tilespmem:s18+$0xE0]  }
0x12f: {  	v6 =	vadd.f32 v18, v6;
	v5 =	vadd.f32 v19, v5;
	v15 =	vld [tilespmem:s18+$0xF0];
	s18 =	sadd.s32 $0x100, s18  }
0x130: {  	v2 =	vadd.f32 v2, v16;
	v3 =	vadd.f32 v3, v17  }
0x131: {  	v4 =	vadd.f32 v10, v4;
	v9 =	vadd.f32 v12, v9  }
0x132: {  	v7 =	vadd.f32 v11, v7;
	v8 =	vadd.f32 v14, v8  }
0x133: {  	v0 =	vadd.f32 v0, v4;
	v4 =	vadd.f32 v13, v9  }
0x134: {  	v1 =	vadd.f32 v1, v7;
	v7 =	vadd.f32 v15, v8  }
0x135: {  	v2 =	vadd.f32 v2, v6;
	v0 =	vadd.f32 v4, v0  }
0x136: {  	v3 =	vadd.f32 v3, v5;
	v1 =	vadd.f32 v7, v1  }
0x137: {  	v0 =	vadd.f32 v0, v2  }
0x138: {  	v1 =	vadd.f32 v1, v3  }
0x139: {  	[tilespmem:s16+$0x1A060] =	vst v0  }
0x13a: {  	s18 =	simm.s32 $0x7400;
	[tilespmem:s16+$0x1A070] =	vst v1  }
0x13b: {  	v5 =	vld [tilespmem:s18+$0x80]  }
0x13c: {  	v7 =	vld [tilespmem:s18+$0x90]  }
0x13d: {  	v2 =	vld [tilespmem:s18+$0xA0]  }
0x13e: {  	v3 =	vld [tilespmem:s18+$0xB0]  }
0x13f: {  	v0 =	vld [tilespmem:s18+$0xC0]  }
0x140: {  	v6 =	vld [tilespmem:s18+$0x0]  }
0x141: {  	v8 =	vld [tilespmem:s18+$0x10]  }
0x142: {  	v9 =	vld [tilespmem:s18+$0x20]  }
0x143: {  	v13 =	vld [tilespmem:s18+$0x30]  }
0x144: {  	v1 =	vld [tilespmem:s18+$0xD0]  }
0x145: {  	v10 =	vld [tilespmem:s18+$0x40]  }
0x146: {  	v4 =	vimm.f32 $0.0e+00;
	v11 =	vld [tilespmem:s18+$0x50]  }
0x147: {  	v12 =	vld [tilespmem:s18+$0x60];
	v6 =	vadd.f32 v6, v4  }
0x148: {  	v14 =	vld [tilespmem:s18+$0x70];
	v8 =	vadd.f32 v8, v4;
	v16 =	vadd.f32 v9, v4  }
0x149: {  	v15 =	vld [tilespmem:s18+$0xF0];
	v17 =	vadd.f32 v13, v4;
	v9 =	vimm.f32 $0.0e+00;
	v6 =	vadd.f32 v5, v6  }
0x14a: {  	s17 =	simm.s32 $0x0;
	v13 =	vld [tilespmem:s18+$0xE0];
	s18 =	simm.s32 $0x7500;
	v5 =	vadd.f32 v7, v8;
	v7 =	vimm.f32 $0.0e+00;
	v8 =	vimm.f32 $0.0e+00  }
.LBB2_11:
0x14b: {  	v18 =	vld [tilespmem:s18+$0x80];
	v16 =	vadd.f32 v2, v16;
	v17 =	vadd.f32 v3, v17  }
0x14c: {  	v4 =	vadd.f32 v10, v4;
	v7 =	vadd.f32 v11, v7;
	v19 =	vld [tilespmem:s18+$0x90]  }
0x14d: {  	v9 =	vadd.f32 v12, v9;
	v2 =	vld [tilespmem:s18+$0xA0];
	v8 =	vadd.f32 v14, v8  }
0x14e: {  	v4 =	vadd.f32 v0, v4;
	v7 =	vadd.f32 v1, v7;
	v3 =	vld [tilespmem:s18+$0xB0]  }
0x14f: {  	v9 =	vadd.f32 v13, v9;
	v0 =	vld [tilespmem:s18+$0xC0];
	v8 =	vadd.f32 v15, v8  }
0x150: {  	v1 =	vld [tilespmem:s18+$0xD0]  }
0x151: {  	v13 =	vld [tilespmem:s18+$0x0]  }
0x152: {  	v14 =	vld [tilespmem:s18+$0x10]  }
0x153: {  	v15 =	vld [tilespmem:s18+$0x20]  }
0x154: {  	s17 =	sadd.s32 $0x2, s17;
	v20 =	vld [tilespmem:s18+$0x30]  }
0x155: {  	p1 =	slt.u32 s17, $0x30;
	v10 =	vld [tilespmem:s18+$0x40]  }
.Ltmp4:
0x156: {  	v11 =	vld [tilespmem:s18+$0x50];
	(pc) =	sbr.rel @p1 .LBB2_11-.Ltmp4, $4  }
0x157: {  	v12 =	vld [tilespmem:s18+$0x60]  }
0x158: {  	v6 =	vadd.f32 v13, v6;
	v5 =	vadd.f32 v14, v5;
	v14 =	vld [tilespmem:s18+$0x70]  }
0x159: {  	v16 =	vadd.f32 v15, v16;
	v17 =	vadd.f32 v20, v17;
	v13 =	vld [tilespmem:s18+$0xE0]  }
0x15a: {  	v6 =	vadd.f32 v18, v6;
	v5 =	vadd.f32 v19, v5;
	v15 =	vld [tilespmem:s18+$0xF0];
	s18 =	sadd.s32 $0x100, s18  }
0x15b: {  	v2 =	vadd.f32 v2, v16;
	v3 =	vadd.f32 v3, v17  }
0x15c: {  	v4 =	vadd.f32 v10, v4;
	v9 =	vadd.f32 v12, v9  }
0x15d: {  	v7 =	vadd.f32 v11, v7;
	v8 =	vadd.f32 v14, v8  }
0x15e: {  	v0 =	vadd.f32 v0, v4;
	v4 =	vadd.f32 v13, v9  }
0x15f: {  	v1 =	vadd.f32 v1, v7;
	v7 =	vadd.f32 v15, v8  }
0x160: {  	v2 =	vadd.f32 v2, v6;
	v0 =	vadd.f32 v4, v0  }
0x161: {  	v3 =	vadd.f32 v3, v5;
	v1 =	vadd.f32 v7, v1  }
0x162: {  	v0 =	vadd.f32 v0, v2  }
0x163: {  	v1 =	vadd.f32 v1, v3  }
0x164: {  	[tilespmem:s16+$0x1A080] =	vst v0  }
0x165: {  	s18 =	simm.s32 $0x8D00;
	[tilespmem:s16+$0x1A090] =	vst v1  }
0x166: {  	v5 =	vld [tilespmem:s18+$0x80]  }
0x167: {  	v7 =	vld [tilespmem:s18+$0x90]  }
0x168: {  	v2 =	vld [tilespmem:s18+$0xA0]  }
0x169: {  	v3 =	vld [tilespmem:s18+$0xB0]  }
0x16a: {  	v0 =	vld [tilespmem:s18+$0xC0]  }
0x16b: {  	v6 =	vld [tilespmem:s18+$0x0]  }
0x16c: {  	v8 =	vld [tilespmem:s18+$0x10]  }
0x16d: {  	v9 =	vld [tilespmem:s18+$0x20]  }
0x16e: {  	v13 =	vld [tilespmem:s18+$0x30]  }
0x16f: {  	v1 =	vld [tilespmem:s18+$0xD0]  }
0x170: {  	v10 =	vld [tilespmem:s18+$0x40]  }
0x171: {  	v4 =	vimm.f32 $0.0e+00;
	v11 =	vld [tilespmem:s18+$0x50]  }
0x172: {  	v12 =	vld [tilespmem:s18+$0x60];
	v6 =	vadd.f32 v6, v4  }
0x173: {  	v14 =	vld [tilespmem:s18+$0x70];
	v8 =	vadd.f32 v8, v4;
	v16 =	vadd.f32 v9, v4  }
0x174: {  	v15 =	vld [tilespmem:s18+$0xF0];
	v17 =	vadd.f32 v13, v4;
	v9 =	vimm.f32 $0.0e+00;
	v6 =	vadd.f32 v5, v6  }
0x175: {  	s17 =	simm.s32 $0x0;
	v13 =	vld [tilespmem:s18+$0xE0];
	s18 =	simm.s32 $0x8E00;
	v5 =	vadd.f32 v7, v8;
	v7 =	vimm.f32 $0.0e+00;
	v8 =	vimm.f32 $0.0e+00  }
.LBB2_13:
0x176: {  	v18 =	vld [tilespmem:s18+$0x80];
	v16 =	vadd.f32 v2, v16;
	v17 =	vadd.f32 v3, v17  }
0x177: {  	v4 =	vadd.f32 v10, v4;
	v7 =	vadd.f32 v11, v7;
	v19 =	vld [tilespmem:s18+$0x90]  }
0x178: {  	v9 =	vadd.f32 v12, v9;
	v2 =	vld [tilespmem:s18+$0xA0];
	v8 =	vadd.f32 v14, v8  }
0x179: {  	v4 =	vadd.f32 v0, v4;
	v7 =	vadd.f32 v1, v7;
	v3 =	vld [tilespmem:s18+$0xB0]  }
0x17a: {  	v9 =	vadd.f32 v13, v9;
	v0 =	vld [tilespmem:s18+$0xC0];
	v8 =	vadd.f32 v15, v8  }
0x17b: {  	v1 =	vld [tilespmem:s18+$0xD0]  }
0x17c: {  	v13 =	vld [tilespmem:s18+$0x0]  }
0x17d: {  	v14 =	vld [tilespmem:s18+$0x10]  }
0x17e: {  	v15 =	vld [tilespmem:s18+$0x20]  }
0x17f: {  	s17 =	sadd.s32 $0x2, s17;
	v20 =	vld [tilespmem:s18+$0x30]  }
0x180: {  	p1 =	slt.u32 s17, $0x30;
	v10 =	vld [tilespmem:s18+$0x40]  }
.Ltmp5:
0x181: {  	v11 =	vld [tilespmem:s18+$0x50];
	(pc) =	sbr.rel @p1 .LBB2_13-.Ltmp5, $4  }
0x182: {  	v12 =	vld [tilespmem:s18+$0x60]  }
0x183: {  	v6 =	vadd.f32 v13, v6;
	v5 =	vadd.f32 v14, v5;
	v14 =	vld [tilespmem:s18+$0x70]  }
0x184: {  	v16 =	vadd.f32 v15, v16;
	v17 =	vadd.f32 v20, v17;
	v13 =	vld [tilespmem:s18+$0xE0]  }
0x185: {  	v6 =	vadd.f32 v18, v6;
	v5 =	vadd.f32 v19, v5;
	v15 =	vld [tilespmem:s18+$0xF0];
	s18 =	sadd.s32 $0x100, s18  }
0x186: {  	v2 =	vadd.f32 v2, v16;
	v3 =	vadd.f32 v3, v17  }
0x187: {  	v4 =	vadd.f32 v10, v4;
	v9 =	vadd.f32 v12, v9  }
0x188: {  	v7 =	vadd.f32 v11, v7;
	v8 =	vadd.f32 v14, v8  }
0x189: {  	v0 =	vadd.f32 v0, v4;
	v4 =	vadd.f32 v13, v9  }
0x18a: {  	v1 =	vadd.f32 v1, v7;
	v7 =	vadd.f32 v15, v8  }
0x18b: {  	v2 =	vadd.f32 v2, v6;
	v0 =	vadd.f32 v4, v0  }
0x18c: {  	v3 =	vadd.f32 v3, v5;
	v1 =	vadd.f32 v7, v1  }
0x18d: {  	v0 =	vadd.f32 v0, v2  }
0x18e: {  	v1 =	vadd.f32 v1, v3  }
0x18f: {  	[tilespmem:s16+$0x1A0A0] =	vst v0  }
0x190: {  	s18 =	simm.s32 $0xA600;
	[tilespmem:s16+$0x1A0B0] =	vst v1  }
0x191: {  	v5 =	vld [tilespmem:s18+$0x80]  }
0x192: {  	v7 =	vld [tilespmem:s18+$0x90]  }
0x193: {  	v2 =	vld [tilespmem:s18+$0xA0]  }
0x194: {  	v3 =	vld [tilespmem:s18+$0xB0]  }
0x195: {  	v0 =	vld [tilespmem:s18+$0xC0]  }
0x196: {  	v6 =	vld [tilespmem:s18+$0x0]  }
0x197: {  	v8 =	vld [tilespmem:s18+$0x10]  }
0x198: {  	v9 =	vld [tilespmem:s18+$0x20]  }
0x199: {  	v13 =	vld [tilespmem:s18+$0x30]  }
0x19a: {  	v1 =	vld [tilespmem:s18+$0xD0]  }
0x19b: {  	v10 =	vld [tilespmem:s18+$0x40]  }
0x19c: {  	v4 =	vimm.f32 $0.0e+00;
	v11 =	vld [tilespmem:s18+$0x50]  }
0x19d: {  	v12 =	vld [tilespmem:s18+$0x60];
	v6 =	vadd.f32 v6, v4  }
0x19e: {  	v14 =	vld [tilespmem:s18+$0x70];
	v8 =	vadd.f32 v8, v4;
	v16 =	vadd.f32 v9, v4  }
0x19f: {  	v15 =	vld [tilespmem:s18+$0xF0];
	v17 =	vadd.f32 v13, v4;
	v9 =	vimm.f32 $0.0e+00;
	v6 =	vadd.f32 v5, v6  }
0x1a0: {  	s17 =	simm.s32 $0x0;
	v13 =	vld [tilespmem:s18+$0xE0];
	s18 =	simm.s32 $0xA700;
	v5 =	vadd.f32 v7, v8;
	v7 =	vimm.f32 $0.0e+00;
	v8 =	vimm.f32 $0.0e+00  }
.LBB2_15:
0x1a1: {  	v18 =	vld [tilespmem:s18+$0x80];
	v16 =	vadd.f32 v2, v16;
	v17 =	vadd.f32 v3, v17  }
0x1a2: {  	v4 =	vadd.f32 v10, v4;
	v7 =	vadd.f32 v11, v7;
	v19 =	vld [tilespmem:s18+$0x90]  }
0x1a3: {  	v9 =	vadd.f32 v12, v9;
	v2 =	vld [tilespmem:s18+$0xA0];
	v8 =	vadd.f32 v14, v8  }
0x1a4: {  	v4 =	vadd.f32 v0, v4;
	v7 =	vadd.f32 v1, v7;
	v3 =	vld [tilespmem:s18+$0xB0]  }
0x1a5: {  	v9 =	vadd.f32 v13, v9;
	v0 =	vld [tilespmem:s18+$0xC0];
	v8 =	vadd.f32 v15, v8  }
0x1a6: {  	v1 =	vld [tilespmem:s18+$0xD0]  }
0x1a7: {  	v13 =	vld [tilespmem:s18+$0x0]  }
0x1a8: {  	v14 =	vld [tilespmem:s18+$0x10]  }
0x1a9: {  	v15 =	vld [tilespmem:s18+$0x20]  }
0x1aa: {  	s17 =	sadd.s32 $0x2, s17;
	v20 =	vld [tilespmem:s18+$0x30]  }
0x1ab: {  	p1 =	slt.u32 s17, $0x30;
	v10 =	vld [tilespmem:s18+$0x40]  }
.Ltmp6:
0x1ac: {  	v11 =	vld [tilespmem:s18+$0x50];
	(pc) =	sbr.rel @p1 .LBB2_15-.Ltmp6, $4  }
0x1ad: {  	v12 =	vld [tilespmem:s18+$0x60]  }
0x1ae: {  	v6 =	vadd.f32 v13, v6;
	v5 =	vadd.f32 v14, v5;
	v14 =	vld [tilespmem:s18+$0x70]  }
0x1af: {  	v16 =	vadd.f32 v15, v16;
	v17 =	vadd.f32 v20, v17;
	v13 =	vld [tilespmem:s18+$0xE0]  }
0x1b0: {  	v6 =	vadd.f32 v18, v6;
	v5 =	vadd.f32 v19, v5;
	v15 =	vld [tilespmem:s18+$0xF0];
	s18 =	sadd.s32 $0x100, s18  }
0x1b1: {  	v2 =	vadd.f32 v2, v16;
	v3 =	vadd.f32 v3, v17  }
0x1b2: {  	v4 =	vadd.f32 v10, v4;
	v9 =	vadd.f32 v12, v9  }
0x1b3: {  	v7 =	vadd.f32 v11, v7;
	v8 =	vadd.f32 v14, v8  }
0x1b4: {  	v0 =	vadd.f32 v0, v4;
	v4 =	vadd.f32 v13, v9  }
0x1b5: {  	v1 =	vadd.f32 v1, v7;
	v7 =	vadd.f32 v15, v8  }
0x1b6: {  	v2 =	vadd.f32 v2, v6;
	v0 =	vadd.f32 v4, v0  }
0x1b7: {  	v3 =	vadd.f32 v3, v5;
	v1 =	vadd.f32 v7, v1  }
0x1b8: {  	v0 =	vadd.f32 v0, v2  }
0x1b9: {  	v1 =	vadd.f32 v1, v3  }
0x1ba: {  	[tilespmem:s16+$0x1A0C0] =	vst v0  }
0x1bb: {  	s18 =	simm.s32 $0xBF00;
	[tilespmem:s16+$0x1A0D0] =	vst v1  }
0x1bc: {  	v5 =	vld [tilespmem:s18+$0x80]  }
0x1bd: {  	v7 =	vld [tilespmem:s18+$0x90]  }
0x1be: {  	v2 =	vld [tilespmem:s18+$0xA0]  }
0x1bf: {  	v3 =	vld [tilespmem:s18+$0xB0]  }
0x1c0: {  	v0 =	vld [tilespmem:s18+$0xC0]  }
0x1c1: {  	v6 =	vld [tilespmem:s18+$0x0]  }
0x1c2: {  	v8 =	vld [tilespmem:s18+$0x10]  }
0x1c3: {  	v9 =	vld [tilespmem:s18+$0x20]  }
0x1c4: {  	v13 =	vld [tilespmem:s18+$0x30]  }
0x1c5: {  	v1 =	vld [tilespmem:s18+$0xD0]  }
0x1c6: {  	v10 =	vld [tilespmem:s18+$0x40]  }
0x1c7: {  	v4 =	vimm.f32 $0.0e+00;
	v11 =	vld [tilespmem:s18+$0x50]  }
0x1c8: {  	v12 =	vld [tilespmem:s18+$0x60];
	v6 =	vadd.f32 v6, v4  }
0x1c9: {  	v14 =	vld [tilespmem:s18+$0x70];
	v8 =	vadd.f32 v8, v4;
	v16 =	vadd.f32 v9, v4  }
0x1ca: {  	v15 =	vld [tilespmem:s18+$0xF0];
	v17 =	vadd.f32 v13, v4;
	v9 =	vimm.f32 $0.0e+00;
	v6 =	vadd.f32 v5, v6  }
0x1cb: {  	s17 =	simm.s32 $0x0;
	v13 =	vld [tilespmem:s18+$0xE0];
	s18 =	simm.s32 $0xC000;
	v5 =	vadd.f32 v7, v8;
	v7 =	vimm.f32 $0.0e+00;
	v8 =	vimm.f32 $0.0e+00  }
.LBB2_17:
0x1cc: {  	v18 =	vld [tilespmem:s18+$0x80];
	v16 =	vadd.f32 v2, v16;
	v17 =	vadd.f32 v3, v17  }
0x1cd: {  	v4 =	vadd.f32 v10, v4;
	v7 =	vadd.f32 v11, v7;
	v19 =	vld [tilespmem:s18+$0x90]  }
0x1ce: {  	v9 =	vadd.f32 v12, v9;
	v2 =	vld [tilespmem:s18+$0xA0];
	v8 =	vadd.f32 v14, v8  }
0x1cf: {  	v4 =	vadd.f32 v0, v4;
	v7 =	vadd.f32 v1, v7;
	v3 =	vld [tilespmem:s18+$0xB0]  }
0x1d0: {  	v9 =	vadd.f32 v13, v9;
	v0 =	vld [tilespmem:s18+$0xC0];
	v8 =	vadd.f32 v15, v8  }
0x1d1: {  	v1 =	vld [tilespmem:s18+$0xD0]  }
0x1d2: {  	v13 =	vld [tilespmem:s18+$0x0]  }
0x1d3: {  	v14 =	vld [tilespmem:s18+$0x10]  }
0x1d4: {  	v15 =	vld [tilespmem:s18+$0x20]  }
0x1d5: {  	s17 =	sadd.s32 $0x2, s17;
	v20 =	vld [tilespmem:s18+$0x30]  }
0x1d6: {  	p1 =	slt.u32 s17, $0x30;
	v10 =	vld [tilespmem:s18+$0x40]  }
.Ltmp7:
0x1d7: {  	v11 =	vld [tilespmem:s18+$0x50];
	(pc) =	sbr.rel @p1 .LBB2_17-.Ltmp7, $4  }
0x1d8: {  	v12 =	vld [tilespmem:s18+$0x60]  }
0x1d9: {  	v6 =	vadd.f32 v13, v6;
	v5 =	vadd.f32 v14, v5;
	v14 =	vld [tilespmem:s18+$0x70]  }
0x1da: {  	v16 =	vadd.f32 v15, v16;
	v17 =	vadd.f32 v20, v17;
	v13 =	vld [tilespmem:s18+$0xE0]  }
0x1db: {  	v6 =	vadd.f32 v18, v6;
	v5 =	vadd.f32 v19, v5;
	v15 =	vld [tilespmem:s18+$0xF0];
	s18 =	sadd.s32 $0x100, s18  }
0x1dc: {  	v2 =	vadd.f32 v2, v16;
	v3 =	vadd.f32 v3, v17  }
0x1dd: {  	v4 =	vadd.f32 v10, v4;
	v9 =	vadd.f32 v12, v9  }
0x1de: {  	v7 =	vadd.f32 v11, v7;
	v8 =	vadd.f32 v14, v8  }
0x1df: {  	v0 =	vadd.f32 v0, v4;
	v4 =	vadd.f32 v13, v9  }
0x1e0: {  	v1 =	vadd.f32 v1, v7;
	v7 =	vadd.f32 v15, v8  }
0x1e1: {  	v2 =	vadd.f32 v2, v6;
	v0 =	vadd.f32 v4, v0  }
0x1e2: {  	v3 =	vadd.f32 v3, v5;
	v1 =	vadd.f32 v7, v1  }
0x1e3: {  	v0 =	vadd.f32 v0, v2  }
0x1e4: {  	v1 =	vadd.f32 v1, v3  }
0x1e5: {  	[tilespmem:s16+$0x1A0E0] =	vst v0  }
0x1e6: {  	[tilespmem:s16+$0x1A0F0] =	vst v1  }
0x1e7: {  	_ =	swait.ge [sflag:s14], $0x1000  }
0x1e8: {  	[sflag:s14] =	ssyncset.done $0x0  }
0x1e9: {  	[sflag:s14] =	ssyncadd.s32 $0xFFFFF000  }
0x1ea: {  	_ =	swait.ge [sflag:s14], $0x900  }
0x1eb: {  	[sflag:s14] =	ssyncset.done $0x0  }
0x1ec: {  	[sflag:s14] =	ssyncadd.s32 $0xFFFFF700  }
0x1ed: {  	_ =	swait.ge [sflag:s14], $0x1000  }
0x1ee: {  	[sflag:s14] =	ssyncset.done $0x0  }
0x1ef: {  	[sflag:s14] =	ssyncadd.s32 $0xFFFFF000  }
0x1f0: {  	_ =	swait.ge [sflag:s14], $0x900  }
0x1f1: {  	[sflag:s14] =	ssyncset.done $0x0  }
0x1f2: {  	[sflag:s14] =	ssyncadd.s32 $0xFFFFF700  }
0x1f3: {  	_ =	swait.ge [sflag:s14], $0x1000  }
0x1f4: {  	[sflag:s14] =	ssyncset.done $0x0  }
0x1f5: {  	[sflag:s14] =	ssyncadd.s32 $0xFFFFF000  }
0x1f6: {  	_ =	swait.ge [sflag:s14], $0x900  }
0x1f7: {  	[sflag:s14] =	ssyncset.done $0x0  }
0x1f8: {  	[sflag:s14] =	ssyncadd.s32 $0xFFFFF700  }
0x1f9: {  	_ =	swait.ge [sflag:s14], $0x1000  }
0x1fa: {  	[sflag:s14] =	ssyncset.done $0x0  }
0x1fb: {  	[sflag:s14] =	ssyncadd.s32 $0xFFFFF000  }
0x1fc: {  	_ =	swait.ge [sflag:s14], $0x900  }
0x1fd: {  	[sflag:s14] =	ssyncset.done $0x0  }
0x1fe: {  	[sflag:s14] =	ssyncadd.s32 $0xFFFFF700  }
0x1ff: {  	_ =	swait.ge [sflag:s14], $0x1000  }
0x200: {  	[sflag:s14] =	ssyncset.done $0x0  }
0x201: {  	[sflag:s14] =	ssyncadd.s32 $0xFFFFF000  }
0x202: {  	_ =	swait.ge [sflag:s14], $0x900  }
0x203: {  	[sflag:s14] =	ssyncset.done $0x0  }
0x204: {  	[sflag:s14] =	ssyncadd.s32 $0xFFFFF700  }
0x205: {  	_ =	swait.ge [sflag:s14], $0x1000  }
0x206: {  	[sflag:s14] =	ssyncset.done $0x0  }
0x207: {  	[sflag:s14] =	ssyncadd.s32 $0xFFFFF000  }
0x208: {  	_ =	swait.ge [sflag:s14], $0x900  }
0x209: {  	[sflag:s14] =	ssyncset.done $0x0  }
0x20a: {  	[sflag:s14] =	ssyncadd.s32 $0xFFFFF700  }
0x20b: {  	_ =	swait.ge [sflag:s14], $0x1000  }
0x20c: {  	[sflag:s14] =	ssyncset.done $0x0  }
0x20d: {  	[sflag:s14] =	ssyncadd.s32 $0xFFFFF000  }
0x20e: {  	_ =	swait.ge [sflag:s14], $0x900  }
0x20f: {  	[sflag:s14] =	ssyncset.done $0x0  }
0x210: {  	[sflag:s14] =	ssyncadd.s32 $0xFFFFF700  }
0x211: {  	_ =	swait.ge [sflag:s14], $0x1000  }
0x212: {  	[sflag:s14] =	ssyncset.done $0x0  }
0x213: {  	[sflag:s14] =	ssyncadd.s32 $0xFFFFF000  }
0x214: {  	_ =	swait.ge [sflag:s14], $0x900  }
0x215: {  	[sflag:s14] =	ssyncset.done $0x0  }
0x216: {  	s17 =	simm.s32 @!p0 $0x3;
	[sflag:s14] =	ssyncadd.s32 $0xFFFFF700  }
0x217: {  	_ =	swait.ge @!p0 [sflag:s17], $0x800  }
0x218: {  	s18 =	simm.s32 @!p0 $0x0;
	[sflag:s17] =	ssyncset.done @!p0 $0x0  }
0x219: {  	s19 =	simm.s32 @!p0 $0x1000;
	[sflag:s17] =	ssyncadd.s32 @!p0 $0xFFFFF800;
	s17 =	simm.s32 @!p0 $0x80  }
0x21a: {  	[tilespmem:s19], [sflag:$0x1] =	stream.indirect.gather @!p0 [hbm4b:s3+s17], $0x20, s18, s17, $0xb8;
	[tilespmem:$0x1E000] =	vst v63  }
0x21b: {  	s20 =	simm.s32 @!p0 $0x2000;
	s19 =	simm.s32 @!p0 $0x48  }
0x21c: {  	[tilespmem:s20], [sflag:$0x1] =	stream.indirect.gather @!p0 [hbm4b:s3+s19], $0x20, s17, s19, $0xb8;
	[tilespmem:$0x1E000] =	vst v63  }
0x21d: {  	s21 =	simm.s32 @!p0 $0x2900;
	s20 =	simm.s32 @!p0 $0x100  }
0x21e: {  	[tilespmem:s21], [sflag:$0x1] =	stream.indirect.gather @!p0 [hbm4b:s3+s17], $0x20, s20, s17, $0xb8;
	[tilespmem:$0x1E000] =	vst v63  }
0x21f: {  	s20 =	simm.s32 @!p0 $0x180;
	s21 =	simm.s32 @!p0 $0x3900  }
0x220: {  	[tilespmem:s21], [sflag:$0x1] =	stream.indirect.gather @!p0 [hbm4b:s3+s19], $0x20, s20, s19, $0xb8;
	[tilespmem:$0x1E000] =	vst v63  }
0x221: {  	s20 =	simm.s32 @!p0 $0x200;
	s21 =	simm.s32 @!p0 $0x4200  }
0x222: {  	[tilespmem:s21], [sflag:$0x1] =	stream.indirect.gather @!p0 [hbm4b:s3+s17], $0x20, s20, s17, $0xb8;
	[tilespmem:$0x1E000] =	vst v63  }
0x223: {  	s20 =	simm.s32 @!p0 $0x280;
	s21 =	simm.s32 @!p0 $0x5200  }
0x224: {  	[tilespmem:s21], [sflag:$0x1] =	stream.indirect.gather @!p0 [hbm4b:s3+s19], $0x20, s20, s19, $0xb8;
	[tilespmem:$0x1E000] =	vst v63  }
0x225: {  	s20 =	simm.s32 @!p0 $0x300;
	s21 =	simm.s32 @!p0 $0x5B00  }
0x226: {  	[tilespmem:s21], [sflag:$0x1] =	stream.indirect.gather @!p0 [hbm4b:s3+s17], $0x20, s20, s17, $0xb8;
	[tilespmem:$0x1E000] =	vst v63  }
0x227: {  	s20 =	simm.s32 @!p0 $0x380;
	s21 =	simm.s32 @!p0 $0x6B00  }
0x228: {  	[tilespmem:s21], [sflag:$0x1] =	stream.indirect.gather @!p0 [hbm4b:s3+s19], $0x20, s20, s19, $0xb8;
	[tilespmem:$0x1E000] =	vst v63  }
0x229: {  	s20 =	simm.s32 @!p0 $0x400;
	s21 =	simm.s32 @!p0 $0x7400  }
0x22a: {  	[tilespmem:s21], [sflag:$0x1] =	stream.indirect.gather @!p0 [hbm4b:s3+s17], $0x20, s20, s17, $0xb8;
	[tilespmem:$0x1E000] =	vst v63  }
0x22b: {  	s20 =	simm.s32 @!p0 $0x480;
	s21 =	simm.s32 @!p0 $0x8400  }
0x22c: {  	[tilespmem:s21], [sflag:$0x1] =	stream.indirect.gather @!p0 [hbm4b:s3+s19], $0x20, s20, s19, $0xb8;
	[tilespmem:$0x1E000] =	vst v63  }
0x22d: {  	s20 =	simm.s32 @!p0 $0x500;
	s21 =	simm.s32 @!p0 $0x8D00  }
0x22e: {  	[tilespmem:s21], [sflag:$0x1] =	stream.indirect.gather @!p0 [hbm4b:s3+s17], $0x20, s20, s17, $0xb8;
	[tilespmem:$0x1E000] =	vst v63  }
0x22f: {  	s20 =	simm.s32 @!p0 $0x580;
	s21 =	simm.s32 @!p0 $0x9D00  }
0x230: {  	[tilespmem:s21], [sflag:$0x1] =	stream.indirect.gather @!p0 [hbm4b:s3+s19], $0x20, s20, s19, $0xb8;
	[tilespmem:$0x1E000] =	vst v63  }
0x231: {  	s20 =	simm.s32 @!p0 $0x600;
	s21 =	simm.s32 @!p0 $0xA600  }
0x232: {  	[tilespmem:s21], [sflag:$0x1] =	stream.indirect.gather @!p0 [hbm4b:s3+s17], $0x20, s20, s17, $0xb8;
	[tilespmem:$0x1E000] =	vst v63  }
0x233: {  	s20 =	simm.s32 @!p0 $0x680;
	s21 =	simm.s32 @!p0 $0xB600  }
0x234: {  	[tilespmem:s21], [sflag:$0x1] =	stream.indirect.gather @!p0 [hbm4b:s3+s19], $0x20, s20, s19, $0xb8;
	[tilespmem:$0x1E000] =	vst v63  }
0x235: {  	s20 =	simm.s32 @!p0 $0x700;
	s21 =	simm.s32 @!p0 $0xBF00  }
0x236: {  	[tilespmem:s21], [sflag:$0x1] =	stream.indirect.gather @!p0 [hbm4b:s3+s17], $0x20, s20, s17, $0xb8;
	[tilespmem:$0x1E000] =	vst v63  }
0x237: {  	s17 =	simm.s32 @!p0 $0x780;
	s20 =	simm.s32 @!p0 $0xCF00  }
0x238: {  	[tilespmem:s20], [sflag:$0x1] =	stream.indirect.gather @!p0 [hbm4b:s3+s19], $0x20, s17, s19, $0xb8;
	[tilespmem:$0x1E000] =	vst v63  }
0x239: {  	s21 =	simm.s32 $0xD880;
	s17 =	sadd.s32 @!p0 s16, s7;
	s19 =	simm.s32 @!p0 $0x800  }
0x23a: {  	[tilespmem:s19], [sflag:$0x4] =	stream.linear.gather @!p0 [hbm4b:s17+s18], $0x800, $0x38;
	[tilespmem:$0x1E000] =	vst v63  }
0x23b: {  	v5 =	vld [tilespmem:s21+$0x0]  }
0x23c: {  	v7 =	vld [tilespmem:s21+$0x10]  }
0x23d: {  	v2 =	vld [tilespmem:s21+$0x20]  }
0x23e: {  	v3 =	vld [tilespmem:s21+$0x30]  }
0x23f: {  	v0 =	vld [tilespmem:s21+$0x40]  }
0x240: {  	v6 =	vld [tilespmem:s21+$0xFFFFFF80]  }
0x241: {  	v8 =	vld [tilespmem:s21+$0xFFFFFF90]  }
0x242: {  	v9 =	vld [tilespmem:s21+$0xFFFFFFA0]  }
0x243: {  	v13 =	vld [tilespmem:s21+$0xFFFFFFB0]  }
0x244: {  	v1 =	vld [tilespmem:s21+$0x50]  }
0x245: {  	v10 =	vld [tilespmem:s21+$0xFFFFFFC0]  }
0x246: {  	v4 =	vimm.f32 $0.0e+00;
	v11 =	vld [tilespmem:s21+$0xFFFFFFD0]  }
0x247: {  	v12 =	vld [tilespmem:s21+$0xFFFFFFE0];
	v6 =	vadd.f32 v6, v4  }
0x248: {  	v14 =	vld [tilespmem:s21+$0xFFFFFFF0];
	v8 =	vadd.f32 v8, v4;
	v16 =	vadd.f32 v9, v4  }
0x249: {  	v15 =	vld [tilespmem:s21+$0x70];
	v17 =	vadd.f32 v13, v4;
	v9 =	vimm.f32 $0.0e+00;
	v6 =	vadd.f32 v5, v6  }
0x24a: {  	s17 =	simm.s32 $0x0;
	s18 =	simm.s32 $0xD980;
	v13 =	vld [tilespmem:s21+$0x60];
	v5 =	vadd.f32 v7, v8;
	v7 =	vimm.f32 $0.0e+00;
	v8 =	vimm.f32 $0.0e+00  }
.LBB2_19:
0x24b: {  	v18 =	vld [tilespmem:s18+$0x0];
	v16 =	vadd.f32 v2, v16;
	v17 =	vadd.f32 v3, v17  }
0x24c: {  	v4 =	vadd.f32 v10, v4;
	v7 =	vadd.f32 v11, v7;
	v19 =	vld [tilespmem:s18+$0x10]  }
0x24d: {  	v9 =	vadd.f32 v12, v9;
	v2 =	vld [tilespmem:s18+$0x20];
	v8 =	vadd.f32 v14, v8  }
0x24e: {  	v4 =	vadd.f32 v0, v4;
	v7 =	vadd.f32 v1, v7;
	v3 =	vld [tilespmem:s18+$0x30]  }
0x24f: {  	v9 =	vadd.f32 v13, v9;
	v0 =	vld [tilespmem:s18+$0x40];
	v8 =	vadd.f32 v15, v8  }
0x250: {  	v1 =	vld [tilespmem:s18+$0x50]  }
0x251: {  	v13 =	vld [tilespmem:s18+$0xFFFFFF80]  }
0x252: {  	v14 =	vld [tilespmem:s18+$0xFFFFFF90]  }
0x253: {  	v15 =	vld [tilespmem:s18+$0xFFFFFFA0]  }
0x254: {  	s17 =	sadd.s32 $0x2, s17;
	v20 =	vld [tilespmem:s18+$0xFFFFFFB0]  }
0x255: {  	p0 =	slt.u32 s17, $0x30;
	v10 =	vld [tilespmem:s18+$0xFFFFFFC0]  }
.Ltmp8:
0x256: {  	v11 =	vld [tilespmem:s18+$0xFFFFFFD0];
	(pc) =	sbr.rel @p0 .LBB2_19-.Ltmp8, $4  }
0x257: {  	v12 =	vld [tilespmem:s18+$0xFFFFFFE0]  }
0x258: {  	v6 =	vadd.f32 v13, v6;
	v5 =	vadd.f32 v14, v5;
	v14 =	vld [tilespmem:s18+$0xFFFFFFF0]  }
0x259: {  	v16 =	vadd.f32 v15, v16;
	v17 =	vadd.f32 v20, v17;
	v13 =	vld [tilespmem:s18+$0x60]  }
0x25a: {  	v6 =	vadd.f32 v18, v6;
	v5 =	vadd.f32 v19, v5;
	v15 =	vld [tilespmem:s18+$0x70];
	s18 =	sadd.s32 $0x100, s18  }
0x25b: {  	v2 =	vadd.f32 v2, v16;
	v3 =	vadd.f32 v3, v17  }
0x25c: {  	v4 =	vadd.f32 v10, v4;
	v9 =	vadd.f32 v12, v9  }
0x25d: {  	v7 =	vadd.f32 v11, v7;
	v8 =	vadd.f32 v14, v8  }
0x25e: {  	v0 =	vadd.f32 v0, v4;
	v4 =	vadd.f32 v13, v9  }
0x25f: {  	v1 =	vadd.f32 v1, v7;
	v7 =	vadd.f32 v15, v8  }
0x260: {  	v2 =	vadd.f32 v2, v6;
	v0 =	vadd.f32 v4, v0  }
0x261: {  	v3 =	vadd.f32 v3, v5;
	v1 =	vadd.f32 v7, v1  }
0x262: {  	v0 =	vadd.f32 v0, v2  }
0x263: {  	s16 =	sand.u32 $0x3FFFFE00, s16;
	v1 =	vadd.f32 v1, v3  }
0x264: {  	[tilespmem:s16+$0x1A100] =	vst v0  }
0x265: {  	s18 =	simm.s32 $0xF1F0;
	[tilespmem:s16+$0x1A110] =	vst v1  }
0x266: {  	v5 =	vld [tilespmem:s18+$0xFFFFFF90]  }
0x267: {  	v7 =	vld [tilespmem:s18+$0xFFFFFFA0]  }
0x268: {  	v2 =	vld [tilespmem:s18+$0xFFFFFFB0]  }
0x269: {  	v3 =	vld [tilespmem:s18+$0xFFFFFFC0]  }
0x26a: {  	v0 =	vld [tilespmem:s18+$0xFFFFFFD0]  }
0x26b: {  	v6 =	vld [tilespmem:s18+$0xFFFFFF10]  }
0x26c: {  	v8 =	vld [tilespmem:s18+$0xFFFFFF20]  }
0x26d: {  	v9 =	vld [tilespmem:s18+$0xFFFFFF30]  }
0x26e: {  	v13 =	vld [tilespmem:s18+$0xFFFFFF40]  }
0x26f: {  	v1 =	vld [tilespmem:s18+$0xFFFFFFE0]  }
0x270: {  	v10 =	vld [tilespmem:s18+$0xFFFFFF50]  }
0x271: {  	v4 =	vimm.f32 $0.0e+00;
	v11 =	vld [tilespmem:s18+$0xFFFFFF60]  }
0x272: {  	v12 =	vld [tilespmem:s18+$0xFFFFFF70];
	v6 =	vadd.f32 v6, v4  }
0x273: {  	v14 =	vld [tilespmem:s18+$0xFFFFFF80];
	v8 =	vadd.f32 v8, v4;
	v16 =	vadd.f32 v9, v4  }
0x274: {  	v15 =	vld [tilespmem:s18+$0x0];
	v17 =	vadd.f32 v13, v4;
	v9 =	vimm.f32 $0.0e+00;
	v6 =	vadd.f32 v5, v6  }
0x275: {  	s17 =	simm.s32 $0x0;
	v13 =	vld [tilespmem:s18+$0xFFFFFFF0];
	s18 =	simm.s32 $0xF2F0;
	v5 =	vadd.f32 v7, v8;
	v7 =	vimm.f32 $0.0e+00;
	v8 =	vimm.f32 $0.0e+00  }
.LBB2_21:
0x276: {  	v18 =	vld [tilespmem:s18+$0xFFFFFF90];
	v16 =	vadd.f32 v2, v16;
	v17 =	vadd.f32 v3, v17  }
0x277: {  	v4 =	vadd.f32 v10, v4;
	v7 =	vadd.f32 v11, v7;
	v19 =	vld [tilespmem:s18+$0xFFFFFFA0]  }
0x278: {  	v9 =	vadd.f32 v12, v9;
	v2 =	vld [tilespmem:s18+$0xFFFFFFB0];
	v8 =	vadd.f32 v14, v8  }
0x279: {  	v4 =	vadd.f32 v0, v4;
	v7 =	vadd.f32 v1, v7;
	v3 =	vld [tilespmem:s18+$0xFFFFFFC0]  }
0x27a: {  	v9 =	vadd.f32 v13, v9;
	v0 =	vld [tilespmem:s18+$0xFFFFFFD0];
	v8 =	vadd.f32 v15, v8  }
0x27b: {  	v1 =	vld [tilespmem:s18+$0xFFFFFFE0]  }
0x27c: {  	v13 =	vld [tilespmem:s18+$0xFFFFFF10]  }
0x27d: {  	v14 =	vld [tilespmem:s18+$0xFFFFFF20]  }
0x27e: {  	v15 =	vld [tilespmem:s18+$0xFFFFFF30]  }
0x27f: {  	s17 =	sadd.s32 $0x2, s17;
	v20 =	vld [tilespmem:s18+$0xFFFFFF40]  }
0x280: {  	p0 =	slt.u32 s17, $0x30;
	v10 =	vld [tilespmem:s18+$0xFFFFFF50]  }
.Ltmp9:
0x281: {  	v11 =	vld [tilespmem:s18+$0xFFFFFF60];
	(pc) =	sbr.rel @p0 .LBB2_21-.Ltmp9, $4  }
0x282: {  	v12 =	vld [tilespmem:s18+$0xFFFFFF70]  }
0x283: {  	v6 =	vadd.f32 v13, v6;
	v5 =	vadd.f32 v14, v5;
	v14 =	vld [tilespmem:s18+$0xFFFFFF80]  }
0x284: {  	v16 =	vadd.f32 v15, v16;
	v17 =	vadd.f32 v20, v17;
	v13 =	vld [tilespmem:s18+$0xFFFFFFF0]  }
0x285: {  	v6 =	vadd.f32 v18, v6;
	v5 =	vadd.f32 v19, v5;
	v15 =	vld [tilespmem:s18+$0x0];
	s18 =	sadd.s32 $0x100, s18  }
0x286: {  	v2 =	vadd.f32 v2, v16;
	v3 =	vadd.f32 v3, v17  }
0x287: {  	v4 =	vadd.f32 v10, v4;
	v9 =	vadd.f32 v12, v9  }
0x288: {  	v7 =	vadd.f32 v11, v7;
	v8 =	vadd.f32 v14, v8  }
0x289: {  	v0 =	vadd.f32 v0, v4;
	v4 =	vadd.f32 v13, v9  }
0x28a: {  	v1 =	vadd.f32 v1, v7;
	v7 =	vadd.f32 v15, v8  }
0x28b: {  	v2 =	vadd.f32 v2, v6;
	v0 =	vadd.f32 v4, v0  }
0x28c: {  	v3 =	vadd.f32 v3, v5;
	v1 =	vadd.f32 v7, v1  }
0x28d: {  	v0 =	vadd.f32 v0, v2  }
0x28e: {  	v1 =	vadd.f32 v1, v3  }
0x28f: {  	[tilespmem:s16+$0x1A120] =	vst v0  }
0x290: {  	s18 =	simm.s32 $0x10AF0;
	[tilespmem:s16+$0x1A130] =	vst v1  }
0x291: {  	v5 =	vld [tilespmem:s18+$0xFFFFFF90]  }
0x292: {  	v7 =	vld [tilespmem:s18+$0xFFFFFFA0]  }
0x293: {  	v2 =	vld [tilespmem:s18+$0xFFFFFFB0]  }
0x294: {  	v3 =	vld [tilespmem:s18+$0xFFFFFFC0]  }
0x295: {  	v0 =	vld [tilespmem:s18+$0xFFFFFFD0]  }
0x296: {  	v6 =	vld [tilespmem:s18+$0xFFFFFF10]  }
0x297: {  	v8 =	vld [tilespmem:s18+$0xFFFFFF20]  }
0x298: {  	v9 =	vld [tilespmem:s18+$0xFFFFFF30]  }
0x299: {  	v13 =	vld [tilespmem:s18+$0xFFFFFF40]  }
0x29a: {  	v1 =	vld [tilespmem:s18+$0xFFFFFFE0]  }
0x29b: {  	v10 =	vld [tilespmem:s18+$0xFFFFFF50]  }
0x29c: {  	v4 =	vimm.f32 $0.0e+00;
	v11 =	vld [tilespmem:s18+$0xFFFFFF60]  }
0x29d: {  	v12 =	vld [tilespmem:s18+$0xFFFFFF70];
	v6 =	vadd.f32 v6, v4  }
0x29e: {  	v14 =	vld [tilespmem:s18+$0xFFFFFF80];
	v8 =	vadd.f32 v8, v4;
	v16 =	vadd.f32 v9, v4  }
0x29f: {  	v15 =	vld [tilespmem:s18+$0x0];
	v17 =	vadd.f32 v13, v4;
	v9 =	vimm.f32 $0.0e+00;
	v6 =	vadd.f32 v5, v6  }
0x2a0: {  	s17 =	simm.s32 $0x0;
	v13 =	vld [tilespmem:s18+$0xFFFFFFF0];
	s18 =	simm.s32 $0x10BF0;
	v5 =	vadd.f32 v7, v8;
	v7 =	vimm.f32 $0.0e+00;
	v8 =	vimm.f32 $0.0e+00  }
.LBB2_23:
0x2a1: {  	v18 =	vld [tilespmem:s18+$0xFFFFFF90];
	v16 =	vadd.f32 v2, v16;
	v17 =	vadd.f32 v3, v17  }
0x2a2: {  	v4 =	vadd.f32 v10, v4;
	v7 =	vadd.f32 v11, v7;
	v19 =	vld [tilespmem:s18+$0xFFFFFFA0]  }
0x2a3: {  	v9 =	vadd.f32 v12, v9;
	v2 =	vld [tilespmem:s18+$0xFFFFFFB0];
	v8 =	vadd.f32 v14, v8  }
0x2a4: {  	v4 =	vadd.f32 v0, v4;
	v7 =	vadd.f32 v1, v7;
	v3 =	vld [tilespmem:s18+$0xFFFFFFC0]  }
0x2a5: {  	v9 =	vadd.f32 v13, v9;
	v0 =	vld [tilespmem:s18+$0xFFFFFFD0];
	v8 =	vadd.f32 v15, v8  }
0x2a6: {  	v1 =	vld [tilespmem:s18+$0xFFFFFFE0]  }
0x2a7: {  	v13 =	vld [tilespmem:s18+$0xFFFFFF10]  }
0x2a8: {  	v14 =	vld [tilespmem:s18+$0xFFFFFF20]  }
0x2a9: {  	v15 =	vld [tilespmem:s18+$0xFFFFFF30]  }
0x2aa: {  	s17 =	sadd.s32 $0x2, s17;
	v20 =	vld [tilespmem:s18+$0xFFFFFF40]  }
0x2ab: {  	p0 =	slt.u32 s17, $0x30;
	v10 =	vld [tilespmem:s18+$0xFFFFFF50]  }
.Ltmp10:
0x2ac: {  	v11 =	vld [tilespmem:s18+$0xFFFFFF60];
	(pc) =	sbr.rel @p0 .LBB2_23-.Ltmp10, $4  }
0x2ad: {  	v12 =	vld [tilespmem:s18+$0xFFFFFF70]  }
0x2ae: {  	v6 =	vadd.f32 v13, v6;
	v5 =	vadd.f32 v14, v5;
	v14 =	vld [tilespmem:s18+$0xFFFFFF80]  }
0x2af: {  	v16 =	vadd.f32 v15, v16;
	v17 =	vadd.f32 v20, v17;
	v13 =	vld [tilespmem:s18+$0xFFFFFFF0]  }
0x2b0: {  	v6 =	vadd.f32 v18, v6;
	v5 =	vadd.f32 v19, v5;
	v15 =	vld [tilespmem:s18+$0x0];
	s18 =	sadd.s32 $0x100, s18  }
0x2b1: {  	v2 =	vadd.f32 v2, v16;
	v3 =	vadd.f32 v3, v17  }
0x2b2: {  	v4 =	vadd.f32 v10, v4;
	v9 =	vadd.f32 v12, v9  }
0x2b3: {  	v7 =	vadd.f32 v11, v7;
	v8 =	vadd.f32 v14, v8  }
0x2b4: {  	v0 =	vadd.f32 v0, v4;
	v4 =	vadd.f32 v13, v9  }
0x2b5: {  	v1 =	vadd.f32 v1, v7;
	v7 =	vadd.f32 v15, v8  }
0x2b6: {  	v2 =	vadd.f32 v2, v6;
	v0 =	vadd.f32 v4, v0  }
0x2b7: {  	v3 =	vadd.f32 v3, v5;
	v1 =	vadd.f32 v7, v1  }
0x2b8: {  	v0 =	vadd.f32 v0, v2  }
0x2b9: {  	v1 =	vadd.f32 v1, v3  }
0x2ba: {  	[tilespmem:s16+$0x1A140] =	vst v0  }
0x2bb: {  	s18 =	simm.s32 $0x12300;
	[tilespmem:s16+$0x1A150] =	vst v1  }
0x2bc: {  	v5 =	vld [tilespmem:s18+$0x80]  }
0x2bd: {  	v7 =	vld [tilespmem:s18+$0x90]  }
0x2be: {  	v2 =	vld [tilespmem:s18+$0xA0]  }
0x2bf: {  	v3 =	vld [tilespmem:s18+$0xB0]  }
0x2c0: {  	v0 =	vld [tilespmem:s18+$0xC0]  }
0x2c1: {  	v6 =	vld [tilespmem:s18+$0x0]  }
0x2c2: {  	v8 =	vld [tilespmem:s18+$0x10]  }
0x2c3: {  	v9 =	vld [tilespmem:s18+$0x20]  }
0x2c4: {  	v13 =	vld [tilespmem:s18+$0x30]  }
0x2c5: {  	v1 =	vld [tilespmem:s18+$0xD0]  }
0x2c6: {  	v10 =	vld [tilespmem:s18+$0x40]  }
0x2c7: {  	v4 =	vimm.f32 $0.0e+00;
	v11 =	vld [tilespmem:s18+$0x50]  }
0x2c8: {  	v12 =	vld [tilespmem:s18+$0x60];
	v6 =	vadd.f32 v6, v4  }
0x2c9: {  	v14 =	vld [tilespmem:s18+$0x70];
	v8 =	vadd.f32 v8, v4;
	v16 =	vadd.f32 v9, v4  }
0x2ca: {  	v15 =	vld [tilespmem:s18+$0xF0];
	v17 =	vadd.f32 v13, v4;
	v9 =	vimm.f32 $0.0e+00;
	v6 =	vadd.f32 v5, v6  }
0x2cb: {  	s17 =	simm.s32 $0x0;
	v13 =	vld [tilespmem:s18+$0xE0];
	s18 =	simm.s32 $0x12400;
	v5 =	vadd.f32 v7, v8;
	v7 =	vimm.f32 $0.0e+00;
	v8 =	vimm.f32 $0.0e+00  }
.LBB2_25:
0x2cc: {  	v18 =	vld [tilespmem:s18+$0x80];
	v16 =	vadd.f32 v2, v16;
	v17 =	vadd.f32 v3, v17  }
0x2cd: {  	v4 =	vadd.f32 v10, v4;
	v7 =	vadd.f32 v11, v7;
	v19 =	vld [tilespmem:s18+$0x90]  }
0x2ce: {  	v9 =	vadd.f32 v12, v9;
	v2 =	vld [tilespmem:s18+$0xA0];
	v8 =	vadd.f32 v14, v8  }
0x2cf: {  	v4 =	vadd.f32 v0, v4;
	v7 =	vadd.f32 v1, v7;
	v3 =	vld [tilespmem:s18+$0xB0]  }
0x2d0: {  	v9 =	vadd.f32 v13, v9;
	v0 =	vld [tilespmem:s18+$0xC0];
	v8 =	vadd.f32 v15, v8  }
0x2d1: {  	v1 =	vld [tilespmem:s18+$0xD0]  }
0x2d2: {  	v13 =	vld [tilespmem:s18+$0x0]  }
0x2d3: {  	v14 =	vld [tilespmem:s18+$0x10]  }
0x2d4: {  	v15 =	vld [tilespmem:s18+$0x20]  }
0x2d5: {  	s17 =	sadd.s32 $0x2, s17;
	v20 =	vld [tilespmem:s18+$0x30]  }
0x2d6: {  	p0 =	slt.u32 s17, $0x30;
	v10 =	vld [tilespmem:s18+$0x40]  }
.Ltmp11:
0x2d7: {  	v11 =	vld [tilespmem:s18+$0x50];
	(pc) =	sbr.rel @p0 .LBB2_25-.Ltmp11, $4  }
0x2d8: {  	v12 =	vld [tilespmem:s18+$0x60]  }
0x2d9: {  	v6 =	vadd.f32 v13, v6;
	v5 =	vadd.f32 v14, v5;
	v14 =	vld [tilespmem:s18+$0x70]  }
0x2da: {  	v16 =	vadd.f32 v15, v16;
	v17 =	vadd.f32 v20, v17;
	v13 =	vld [tilespmem:s18+$0xE0]  }
0x2db: {  	v6 =	vadd.f32 v18, v6;
	v5 =	vadd.f32 v19, v5;
	v15 =	vld [tilespmem:s18+$0xF0];
	s18 =	sadd.s32 $0x100, s18  }
0x2dc: {  	v2 =	vadd.f32 v2, v16;
	v3 =	vadd.f32 v3, v17  }
0x2dd: {  	v4 =	vadd.f32 v10, v4;
	v9 =	vadd.f32 v12, v9  }
0x2de: {  	v7 =	vadd.f32 v11, v7;
	v8 =	vadd.f32 v14, v8  }
0x2df: {  	v0 =	vadd.f32 v0, v4;
	v4 =	vadd.f32 v13, v9  }
0x2e0: {  	v1 =	vadd.f32 v1, v7;
	v7 =	vadd.f32 v15, v8  }
0x2e1: {  	v2 =	vadd.f32 v2, v6;
	v0 =	vadd.f32 v4, v0  }
0x2e2: {  	v3 =	vadd.f32 v3, v5;
	v1 =	vadd.f32 v7, v1  }
0x2e3: {  	v0 =	vadd.f32 v0, v2  }
0x2e4: {  	v1 =	vadd.f32 v1, v3  }
0x2e5: {  	[tilespmem:s16+$0x1A160] =	vst v0  }
0x2e6: {  	s18 =	simm.s32 $0x13C00;
	[tilespmem:s16+$0x1A170] =	vst v1  }
0x2e7: {  	v5 =	vld [tilespmem:s18+$0x80]  }
0x2e8: {  	v7 =	vld [tilespmem:s18+$0x90]  }
0x2e9: {  	v2 =	vld [tilespmem:s18+$0xA0]  }
0x2ea: {  	v3 =	vld [tilespmem:s18+$0xB0]  }
0x2eb: {  	v0 =	vld [tilespmem:s18+$0xC0]  }
0x2ec: {  	v6 =	vld [tilespmem:s18+$0x0]  }
0x2ed: {  	v8 =	vld [tilespmem:s18+$0x10]  }
0x2ee: {  	v9 =	vld [tilespmem:s18+$0x20]  }
0x2ef: {  	v13 =	vld [tilespmem:s18+$0x30]  }
0x2f0: {  	v1 =	vld [tilespmem:s18+$0xD0]  }
0x2f1: {  	v10 =	vld [tilespmem:s18+$0x40]  }
0x2f2: {  	v4 =	vimm.f32 $0.0e+00;
	v11 =	vld [tilespmem:s18+$0x50]  }
0x2f3: {  	v12 =	vld [tilespmem:s18+$0x60];
	v6 =	vadd.f32 v6, v4  }
0x2f4: {  	v14 =	vld [tilespmem:s18+$0x70];
	v8 =	vadd.f32 v8, v4;
	v16 =	vadd.f32 v9, v4  }
0x2f5: {  	v15 =	vld [tilespmem:s18+$0xF0];
	v17 =	vadd.f32 v13, v4;
	v9 =	vimm.f32 $0.0e+00;
	v6 =	vadd.f32 v5, v6  }
0x2f6: {  	s17 =	simm.s32 $0x0;
	v13 =	vld [tilespmem:s18+$0xE0];
	s18 =	simm.s32 $0x13D00;
	v5 =	vadd.f32 v7, v8;
	v7 =	vimm.f32 $0.0e+00;
	v8 =	vimm.f32 $0.0e+00  }
.LBB2_27:
0x2f7: {  	v18 =	vld [tilespmem:s18+$0x80];
	v16 =	vadd.f32 v2, v16;
	v17 =	vadd.f32 v3, v17  }
0x2f8: {  	v4 =	vadd.f32 v10, v4;
	v7 =	vadd.f32 v11, v7;
	v19 =	vld [tilespmem:s18+$0x90]  }
0x2f9: {  	v9 =	vadd.f32 v12, v9;
	v2 =	vld [tilespmem:s18+$0xA0];
	v8 =	vadd.f32 v14, v8  }
0x2fa: {  	v4 =	vadd.f32 v0, v4;
	v7 =	vadd.f32 v1, v7;
	v3 =	vld [tilespmem:s18+$0xB0]  }
0x2fb: {  	v9 =	vadd.f32 v13, v9;
	v0 =	vld [tilespmem:s18+$0xC0];
	v8 =	vadd.f32 v15, v8  }
0x2fc: {  	v1 =	vld [tilespmem:s18+$0xD0]  }
0x2fd: {  	v13 =	vld [tilespmem:s18+$0x0]  }
0x2fe: {  	v14 =	vld [tilespmem:s18+$0x10]  }
0x2ff: {  	v15 =	vld [tilespmem:s18+$0x20]  }
0x300: {  	s17 =	sadd.s32 $0x2, s17;
	v20 =	vld [tilespmem:s18+$0x30]  }
0x301: {  	p0 =	slt.u32 s17, $0x30;
	v10 =	vld [tilespmem:s18+$0x40]  }
.Ltmp12:
0x302: {  	v11 =	vld [tilespmem:s18+$0x50];
	(pc) =	sbr.rel @p0 .LBB2_27-.Ltmp12, $4  }
0x303: {  	v12 =	vld [tilespmem:s18+$0x60]  }
0x304: {  	v6 =	vadd.f32 v13, v6;
	v5 =	vadd.f32 v14, v5;
	v14 =	vld [tilespmem:s18+$0x70]  }
0x305: {  	v16 =	vadd.f32 v15, v16;
	v17 =	vadd.f32 v20, v17;
	v13 =	vld [tilespmem:s18+$0xE0]  }
0x306: {  	v6 =	vadd.f32 v18, v6;
	v5 =	vadd.f32 v19, v5;
	v15 =	vld [tilespmem:s18+$0xF0];
	s18 =	sadd.s32 $0x100, s18  }
0x307: {  	v2 =	vadd.f32 v2, v16;
	v3 =	vadd.f32 v3, v17  }
0x308: {  	v4 =	vadd.f32 v10, v4;
	v9 =	vadd.f32 v12, v9  }
0x309: {  	v7 =	vadd.f32 v11, v7;
	v8 =	vadd.f32 v14, v8  }
0x30a: {  	v0 =	vadd.f32 v0, v4;
	v4 =	vadd.f32 v13, v9  }
0x30b: {  	v1 =	vadd.f32 v1, v7;
	v7 =	vadd.f32 v15, v8  }
0x30c: {  	v2 =	vadd.f32 v2, v6;
	v0 =	vadd.f32 v4, v0  }
0x30d: {  	v3 =	vadd.f32 v3, v5;
	v1 =	vadd.f32 v7, v1  }
0x30e: {  	v0 =	vadd.f32 v0, v2  }
0x30f: {  	v1 =	vadd.f32 v1, v3  }
0x310: {  	[tilespmem:s16+$0x1A180] =	vst v0  }
0x311: {  	s18 =	simm.s32 $0x15500;
	[tilespmem:s16+$0x1A190] =	vst v1  }
0x312: {  	v5 =	vld [tilespmem:s18+$0x80]  }
0x313: {  	v7 =	vld [tilespmem:s18+$0x90]  }
0x314: {  	v2 =	vld [tilespmem:s18+$0xA0]  }
0x315: {  	v3 =	vld [tilespmem:s18+$0xB0]  }
0x316: {  	v0 =	vld [tilespmem:s18+$0xC0]  }
0x317: {  	v6 =	vld [tilespmem:s18+$0x0]  }
0x318: {  	v8 =	vld [tilespmem:s18+$0x10]  }
0x319: {  	v9 =	vld [tilespmem:s18+$0x20]  }
0x31a: {  	v13 =	vld [tilespmem:s18+$0x30]  }
0x31b: {  	v1 =	vld [tilespmem:s18+$0xD0]  }
0x31c: {  	v10 =	vld [tilespmem:s18+$0x40]  }
0x31d: {  	v4 =	vimm.f32 $0.0e+00;
	v11 =	vld [tilespmem:s18+$0x50]  }
0x31e: {  	v12 =	vld [tilespmem:s18+$0x60];
	v6 =	vadd.f32 v6, v4  }
0x31f: {  	v14 =	vld [tilespmem:s18+$0x70];
	v8 =	vadd.f32 v8, v4;
	v16 =	vadd.f32 v9, v4  }
0x320: {  	v15 =	vld [tilespmem:s18+$0xF0];
	v17 =	vadd.f32 v13, v4;
	v9 =	vimm.f32 $0.0e+00;
	v6 =	vadd.f32 v5, v6  }
0x321: {  	s17 =	simm.s32 $0x0;
	v13 =	vld [tilespmem:s18+$0xE0];
	s18 =	simm.s32 $0x15600;
	v5 =	vadd.f32 v7, v8;
	v7 =	vimm.f32 $0.0e+00;
	v8 =	vimm.f32 $0.0e+00  }
.LBB2_29:
0x322: {  	v18 =	vld [tilespmem:s18+$0x80];
	v16 =	vadd.f32 v2, v16;
	v17 =	vadd.f32 v3, v17  }
0x323: {  	v4 =	vadd.f32 v10, v4;
	v7 =	vadd.f32 v11, v7;
	v19 =	vld [tilespmem:s18+$0x90]  }
0x324: {  	v9 =	vadd.f32 v12, v9;
	v2 =	vld [tilespmem:s18+$0xA0];
	v8 =	vadd.f32 v14, v8  }
0x325: {  	v4 =	vadd.f32 v0, v4;
	v7 =	vadd.f32 v1, v7;
	v3 =	vld [tilespmem:s18+$0xB0]  }
0x326: {  	v9 =	vadd.f32 v13, v9;
	v0 =	vld [tilespmem:s18+$0xC0];
	v8 =	vadd.f32 v15, v8  }
0x327: {  	v1 =	vld [tilespmem:s18+$0xD0]  }
0x328: {  	v13 =	vld [tilespmem:s18+$0x0]  }
0x329: {  	v14 =	vld [tilespmem:s18+$0x10]  }
0x32a: {  	v15 =	vld [tilespmem:s18+$0x20]  }
0x32b: {  	s17 =	sadd.s32 $0x2, s17;
	v20 =	vld [tilespmem:s18+$0x30]  }
0x32c: {  	p0 =	slt.u32 s17, $0x30;
	v10 =	vld [tilespmem:s18+$0x40]  }
.Ltmp13:
0x32d: {  	v11 =	vld [tilespmem:s18+$0x50];
	(pc) =	sbr.rel @p0 .LBB2_29-.Ltmp13, $4  }
0x32e: {  	v12 =	vld [tilespmem:s18+$0x60]  }
0x32f: {  	v6 =	vadd.f32 v13, v6;
	v5 =	vadd.f32 v14, v5;
	v14 =	vld [tilespmem:s18+$0x70]  }
0x330: {  	v16 =	vadd.f32 v15, v16;
	v17 =	vadd.f32 v20, v17;
	v13 =	vld [tilespmem:s18+$0xE0]  }
0x331: {  	v6 =	vadd.f32 v18, v6;
	v5 =	vadd.f32 v19, v5;
	v15 =	vld [tilespmem:s18+$0xF0];
	s18 =	sadd.s32 $0x100, s18  }
0x332: {  	v2 =	vadd.f32 v2, v16;
	v3 =	vadd.f32 v3, v17  }
0x333: {  	v4 =	vadd.f32 v10, v4;
	v9 =	vadd.f32 v12, v9  }
0x334: {  	v7 =	vadd.f32 v11, v7;
	v8 =	vadd.f32 v14, v8  }
0x335: {  	v0 =	vadd.f32 v0, v4;
	v4 =	vadd.f32 v13, v9  }
0x336: {  	v1 =	vadd.f32 v1, v7;
	v7 =	vadd.f32 v15, v8  }
0x337: {  	v2 =	vadd.f32 v2, v6;
	v0 =	vadd.f32 v4, v0  }
0x338: {  	v3 =	vadd.f32 v3, v5;
	v1 =	vadd.f32 v7, v1  }
0x339: {  	v0 =	vadd.f32 v0, v2  }
0x33a: {  	v1 =	vadd.f32 v1, v3  }
0x33b: {  	[tilespmem:s16+$0x1A1A0] =	vst v0  }
0x33c: {  	s18 =	simm.s32 $0x16E00;
	[tilespmem:s16+$0x1A1B0] =	vst v1  }
0x33d: {  	v5 =	vld [tilespmem:s18+$0x80]  }
0x33e: {  	v7 =	vld [tilespmem:s18+$0x90]  }
0x33f: {  	v2 =	vld [tilespmem:s18+$0xA0]  }
0x340: {  	v3 =	vld [tilespmem:s18+$0xB0]  }
0x341: {  	v0 =	vld [tilespmem:s18+$0xC0]  }
0x342: {  	v6 =	vld [tilespmem:s18+$0x0]  }
0x343: {  	v8 =	vld [tilespmem:s18+$0x10]  }
0x344: {  	v9 =	vld [tilespmem:s18+$0x20]  }
0x345: {  	v13 =	vld [tilespmem:s18+$0x30]  }
0x346: {  	v1 =	vld [tilespmem:s18+$0xD0]  }
0x347: {  	v10 =	vld [tilespmem:s18+$0x40]  }
0x348: {  	v4 =	vimm.f32 $0.0e+00;
	v11 =	vld [tilespmem:s18+$0x50]  }
0x349: {  	v12 =	vld [tilespmem:s18+$0x60];
	v6 =	vadd.f32 v6, v4  }
0x34a: {  	v14 =	vld [tilespmem:s18+$0x70];
	v8 =	vadd.f32 v8, v4;
	v16 =	vadd.f32 v9, v4  }
0x34b: {  	v15 =	vld [tilespmem:s18+$0xF0];
	v17 =	vadd.f32 v13, v4;
	v9 =	vimm.f32 $0.0e+00;
	v6 =	vadd.f32 v5, v6  }
0x34c: {  	s17 =	simm.s32 $0x0;
	v13 =	vld [tilespmem:s18+$0xE0];
	s18 =	simm.s32 $0x16F00;
	v5 =	vadd.f32 v7, v8;
	v7 =	vimm.f32 $0.0e+00;
	v8 =	vimm.f32 $0.0e+00  }
.LBB2_31:
0x34d: {  	v18 =	vld [tilespmem:s18+$0x80];
	v16 =	vadd.f32 v2, v16;
	v17 =	vadd.f32 v3, v17  }
0x34e: {  	v4 =	vadd.f32 v10, v4;
	v7 =	vadd.f32 v11, v7;
	v19 =	vld [tilespmem:s18+$0x90]  }
0x34f: {  	v9 =	vadd.f32 v12, v9;
	v2 =	vld [tilespmem:s18+$0xA0];
	v8 =	vadd.f32 v14, v8  }
0x350: {  	v4 =	vadd.f32 v0, v4;
	v7 =	vadd.f32 v1, v7;
	v3 =	vld [tilespmem:s18+$0xB0]  }
0x351: {  	v9 =	vadd.f32 v13, v9;
	v0 =	vld [tilespmem:s18+$0xC0];
	v8 =	vadd.f32 v15, v8  }
0x352: {  	v1 =	vld [tilespmem:s18+$0xD0]  }
0x353: {  	v13 =	vld [tilespmem:s18+$0x0]  }
0x354: {  	v14 =	vld [tilespmem:s18+$0x10]  }
0x355: {  	v15 =	vld [tilespmem:s18+$0x20]  }
0x356: {  	s17 =	sadd.s32 $0x2, s17;
	v20 =	vld [tilespmem:s18+$0x30]  }
0x357: {  	p0 =	slt.u32 s17, $0x30;
	v10 =	vld [tilespmem:s18+$0x40]  }
.Ltmp14:
0x358: {  	v11 =	vld [tilespmem:s18+$0x50];
	(pc) =	sbr.rel @p0 .LBB2_31-.Ltmp14, $4  }
0x359: {  	v12 =	vld [tilespmem:s18+$0x60]  }
0x35a: {  	v6 =	vadd.f32 v13, v6;
	v5 =	vadd.f32 v14, v5;
	v14 =	vld [tilespmem:s18+$0x70]  }
0x35b: {  	v16 =	vadd.f32 v15, v16;
	v17 =	vadd.f32 v20, v17;
	v13 =	vld [tilespmem:s18+$0xE0]  }
0x35c: {  	v6 =	vadd.f32 v18, v6;
	v5 =	vadd.f32 v19, v5;
	v15 =	vld [tilespmem:s18+$0xF0];
	s18 =	sadd.s32 $0x100, s18  }
0x35d: {  	v2 =	vadd.f32 v2, v16;
	v3 =	vadd.f32 v3, v17  }
0x35e: {  	v4 =	vadd.f32 v10, v4;
	v9 =	vadd.f32 v12, v9  }
0x35f: {  	v7 =	vadd.f32 v11, v7;
	v8 =	vadd.f32 v14, v8  }
0x360: {  	v0 =	vadd.f32 v0, v4;
	v4 =	vadd.f32 v13, v9  }
0x361: {  	v1 =	vadd.f32 v1, v7;
	v7 =	vadd.f32 v15, v8  }
0x362: {  	v2 =	vadd.f32 v2, v6;
	v0 =	vadd.f32 v4, v0  }
0x363: {  	v3 =	vadd.f32 v3, v5;
	v1 =	vadd.f32 v7, v1  }
0x364: {  	v0 =	vadd.f32 v0, v2  }
0x365: {  	v1 =	vadd.f32 v1, v3  }
0x366: {  	[tilespmem:s16+$0x1A1C0] =	vst v0  }
0x367: {  	s18 =	simm.s32 $0x18700;
	[tilespmem:s16+$0x1A1D0] =	vst v1  }
0x368: {  	v5 =	vld [tilespmem:s18+$0x80]  }
0x369: {  	v7 =	vld [tilespmem:s18+$0x90]  }
0x36a: {  	v2 =	vld [tilespmem:s18+$0xA0]  }
0x36b: {  	v3 =	vld [tilespmem:s18+$0xB0]  }
0x36c: {  	v0 =	vld [tilespmem:s18+$0xC0]  }
0x36d: {  	v6 =	vld [tilespmem:s18+$0x0]  }
0x36e: {  	v8 =	vld [tilespmem:s18+$0x10]  }
0x36f: {  	v9 =	vld [tilespmem:s18+$0x20]  }
0x370: {  	v13 =	vld [tilespmem:s18+$0x30]  }
0x371: {  	v1 =	vld [tilespmem:s18+$0xD0]  }
0x372: {  	v10 =	vld [tilespmem:s18+$0x40]  }
0x373: {  	v4 =	vimm.f32 $0.0e+00;
	v11 =	vld [tilespmem:s18+$0x50]  }
0x374: {  	v12 =	vld [tilespmem:s18+$0x60];
	v6 =	vadd.f32 v6, v4  }
0x375: {  	v14 =	vld [tilespmem:s18+$0x70];
	v8 =	vadd.f32 v8, v4;
	v16 =	vadd.f32 v9, v4  }
0x376: {  	v15 =	vld [tilespmem:s18+$0xF0];
	v17 =	vadd.f32 v13, v4;
	v9 =	vimm.f32 $0.0e+00;
	v6 =	vadd.f32 v5, v6  }
0x377: {  	s17 =	simm.s32 $0x0;
	v13 =	vld [tilespmem:s18+$0xE0];
	s18 =	simm.s32 $0x18800;
	v5 =	vadd.f32 v7, v8;
	v7 =	vimm.f32 $0.0e+00;
	v8 =	vimm.f32 $0.0e+00  }
.LBB2_33:
0x378: {  	v18 =	vld [tilespmem:s18+$0x80];
	v16 =	vadd.f32 v2, v16;
	v17 =	vadd.f32 v3, v17  }
0x379: {  	v4 =	vadd.f32 v10, v4;
	v7 =	vadd.f32 v11, v7;
	v19 =	vld [tilespmem:s18+$0x90]  }
0x37a: {  	v9 =	vadd.f32 v12, v9;
	v2 =	vld [tilespmem:s18+$0xA0];
	v8 =	vadd.f32 v14, v8  }
0x37b: {  	v4 =	vadd.f32 v0, v4;
	v7 =	vadd.f32 v1, v7;
	v3 =	vld [tilespmem:s18+$0xB0]  }
0x37c: {  	v9 =	vadd.f32 v13, v9;
	v0 =	vld [tilespmem:s18+$0xC0];
	v8 =	vadd.f32 v15, v8  }
0x37d: {  	v1 =	vld [tilespmem:s18+$0xD0]  }
0x37e: {  	v13 =	vld [tilespmem:s18+$0x0]  }
0x37f: {  	v14 =	vld [tilespmem:s18+$0x10]  }
0x380: {  	v15 =	vld [tilespmem:s18+$0x20]  }
0x381: {  	s17 =	sadd.s32 $0x2, s17;
	v20 =	vld [tilespmem:s18+$0x30]  }
0x382: {  	p0 =	slt.u32 s17, $0x30;
	v10 =	vld [tilespmem:s18+$0x40]  }
.Ltmp15:
0x383: {  	v11 =	vld [tilespmem:s18+$0x50];
	(pc) =	sbr.rel @p0 .LBB2_33-.Ltmp15, $4  }
0x384: {  	v12 =	vld [tilespmem:s18+$0x60]  }
0x385: {  	v6 =	vadd.f32 v13, v6;
	v5 =	vadd.f32 v14, v5;
	v14 =	vld [tilespmem:s18+$0x70]  }
0x386: {  	v16 =	vadd.f32 v15, v16;
	v17 =	vadd.f32 v20, v17;
	v13 =	vld [tilespmem:s18+$0xE0]  }
0x387: {  	v6 =	vadd.f32 v18, v6;
	v5 =	vadd.f32 v19, v5;
	v15 =	vld [tilespmem:s18+$0xF0];
	s18 =	sadd.s32 $0x100, s18  }
0x388: {  	v2 =	vadd.f32 v2, v16;
	v3 =	vadd.f32 v3, v17  }
0x389: {  	v4 =	vadd.f32 v10, v4;
	v9 =	vadd.f32 v12, v9  }
0x38a: {  	v7 =	vadd.f32 v11, v7;
	v8 =	vadd.f32 v14, v8  }
0x38b: {  	v0 =	vadd.f32 v0, v4;
	v62 =	vadd.f32 v13, v9  }
0x38c: {  	s15 =	sadd.s32 $0x1, s15;
	v1 =	vadd.f32 v1, v7;
	v63 =	vadd.f32 v15, v8  }
0x38d: {  	p0 =	sne.s32 s15, $0x20;
	v2 =	vadd.f32 v2, v6;
	v0 =	vadd.f32 v62, v0  }
.Ltmp16:
0x38e: {  	v3 =	vadd.f32 v3, v5;
	v1 =	vadd.f32 v63, v1;
	(pc) =	sbr.rel @p0 .LBB2_2-.Ltmp16, $4  }
0x38f: {  	v0 =	vadd.f32 v0, v2  }
0x390: {  	v1 =	vadd.f32 v1, v3  }
0x391: {  	[tilespmem:s16+$0x1A1E0] =	vst v0  }
0x392: {  	[tilespmem:s16+$0x1A1F0] =	vst v1  }
0x393: {  	s15 =	simm.s32 $0x0;
	s16 =	rddreg [dreg:$0x5];
	s17 =	simm.s32 $0x1A000  }
0x394: {  	[hbm4b:s16+s15] =	stream.linear.scatter [tilespmem:s17], [sflag:$0x5], $0x4000, $0x38;
	[tilespmem:$0x1E000] =	vst v63  }
0x395: {  	s17 =	simm.s32 $0x5  }
0x396: {  	_ =	swait.ge [sflag:s17], $0x4000  }
0x397: {  	s18 =	rddreg [dreg:$0x7]  }
0x398: {  	s21 =	rddreg [dreg:$0x6];
	s18 =	sadd.s32 $0x1, s18  }
0x399: {  	p0 =	sne.s32 s18, s21  }
.Ltmp17:
0x39a: {  	_ = 	snop;
	(pc) =	sbr.rel @p0 .LBB2_1-.Ltmp17, $3  }
0x39b: {  	_ =	sdelay $0x1  }
0x39c: {  	[sflag:s17] =	ssyncset.done $0x0  }
0x39d: {  	[sflag:s17] =	ssyncadd.s32 $0xFFFFC000  }
0x39e: {  	_ =	sfence.sel $0x180000  }
0x39f: {  	[bflag:$0x0] =	sbarrier.arrive $0xFFFF  }
0x3a0: {  	_ =	strace $0x90000047  }
0x3a1: {  	s0 =	stileid.u32;
	[bflag:$0x2] =	sbarrier.arrive $0xFFFF  }
0x3a2: {  	p0 =	sne.s32 s0, $0x0;
	s0 =	rddreg [dreg:$0x2]  }
0x3a3: {  	s0 =	sadd.s32 @!p0 $0x100000, s0  }
0x3a4: {  	[sflag:s0] =	ssyncadd.tile.s32 @!p0 $0x1;
	_ =	shalt  }
.Lfunc_end2:
_tile_overlayer_lowered:
.L_overlay_start_2:
0x3a5: {  	(tag) =	ssettag $0x2  }
0x3a6: {  	s0 =	rddreg [dreg:$0x0];
	s2 =	stileid.u32  }
0x3a7: {  	s1 =	rddreg [dreg:$0x1];
	p0 =	sne.s32 s2, $0x0  }
0x3a8: {  	s3 =	rddreg [dreg:$0x2];
	[bflag:$0x3] =	sbarrier.arrive $0xFFFF;
	s2 =	simm.s32 @!p0 $0x1C05  }
0x3a9: {  	[timem:s3], [sflag:s2] =	dma.local @!p0 [hbm:s0], s1  }
0x3aa: {  	s0 =	simm.s32 @!p0 $0x5  }
0x3ab: {  	_ =	swait.ge @!p0 [sflag:s0], s1  }
0x3ac: {  	s1 =	ssub.s32 @!p0 $0x0, s1;
	[sflag:s0] =	ssyncset.done @!p0 $0x0  }
0x3ad: {  	[sflag:s0] =	ssyncadd.s32 @!p0 s1  }
0x3ae: {  	[bflag:$0x3] =	sbarrier.arrive $0xFFFF  }
0x3af: {  	_ =	shalt  }

</sc_bundles>
